<compile_context>
chip_gen: v7x
topology: tpu7x:2x2x1
jax: 0.10.2.dev20260603
libtpu: 0.0.44.dev20260713+nightly
codegen_flags: <defaults>
</compile_context>

<pallas_src>
import functools

import jax
import jax.numpy as jnp
from jax import lax
from jax.experimental import pallas as pl
from jax.experimental.pallas import tpu as pltpu
from jax.experimental.pallas import tpu_sc as plsc

N_NODES = 10000
H_DIM = 128

NUM_CORES = 2
NUM_SUBCORES = 16
NUM_WORKERS = NUM_CORES * NUM_SUBCORES

CHUNK = 128

N_PAD = 10368
N_CHUNKS = N_PAD // CHUNK


def _edge_padding(num_edges):
  per_round = NUM_SUBCORES * CHUNK
  rounds = -(-num_edges // per_round)
  if rounds % 2 == 1:
    rounds += 1
  return rounds * per_round, rounds


def _sc_mesh():
  return plsc.VectorSubcoreMesh(
      core_axis_name="c", subcore_axis_name="s",
      num_cores=NUM_CORES, num_subcores=NUM_SUBCORES)


def _make_sc_gather2(ea_pad, ch_tot):
  chunks = ch_tot // NUM_CORES
  per_worker = chunks * CHUNK
  assert chunks % 2 == 1

  @functools.partial(
      pl.kernel,
      mesh=_sc_mesh(),
      out_type=(
          jax.ShapeDtypeStruct((ea_pad, H_DIM), jnp.float32),
          jax.ShapeDtypeStruct((ea_pad, H_DIM), jnp.float32),
      ),
      scratch_types=[
          pltpu.VMEM((chunks, CHUNK), jnp.int32),
          pltpu.VMEM((chunks, CHUNK), jnp.int32),
          pltpu.VMEM((CHUNK, H_DIM), jnp.float32),
          pltpu.VMEM((CHUNK, H_DIM), jnp.float32),
          pltpu.VMEM((CHUNK, H_DIM), jnp.float32),
          pltpu.VMEM((CHUNK, H_DIM), jnp.float32),
          pltpu.SemaphoreType.DMA,
          pltpu.SemaphoreType.DMA,
          pltpu.SemaphoreType.DMA,
          pltpu.SemaphoreType.DMA,
      ],
  )
  def gather2(h_hbm, dst_hbm, src_hbm, out_d, out_s, idx_d, idx_s,
              rows_ad, rows_as, rows_bd, rows_bs,
              sem_ad, sem_as, sem_bd, sem_bs):
    wid = lax.axis_index("s") * NUM_CORES + lax.axis_index("c")
    pltpu.sync_copy(dst_hbm.at[wid], idx_d)
    pltpu.sync_copy(src_hbm.at[wid], idx_s)

    def fire(c, rows, sem, idx):
      pltpu.async_copy(h_hbm.at[idx.at[c]], rows, sem)

    def wait(c, rows, sem, idx):
      pltpu.make_async_copy(h_hbm.at[idx.at[c]], rows, sem).wait()

    def write(c, rows, out):
      pltpu.sync_copy(
          rows, out.at[pl.ds(wid * per_worker + c * CHUNK, CHUNK)])

    fire(0, rows_ad, sem_ad, idx_d)
    fire(0, rows_as, sem_as, idx_s)

    def body(t, _):
      c0 = 2 * t
      c1 = c0 + 1
      c2 = c0 + 2
      fire(c1, rows_bd, sem_bd, idx_d)
      fire(c1, rows_bs, sem_bs, idx_s)
      wait(c0, rows_ad, sem_ad, idx_d)
      wait(c0, rows_as, sem_as, idx_s)
      write(c0, rows_ad, out_d)
      write(c0, rows_as, out_s)
      fire(c2, rows_ad, sem_ad, idx_d)
      fire(c2, rows_as, sem_as, idx_s)
      wait(c1, rows_bd, sem_bd, idx_d)
      wait(c1, rows_bs, sem_bs, idx_s)
      write(c1, rows_bd, out_d)
      write(c1, rows_bs, out_s)
      return 0

    lax.fori_loop(0, (chunks - 1) // 2, body, 0)
    c_last = chunks - 1
    wait(c_last, rows_ad, sem_ad, idx_d)
    wait(c_last, rows_as, sem_as, idx_s)
    write(c_last, rows_ad, out_d)
    write(c_last, rows_as, out_s)

  return gather2


def _make_sc_scatter_add(ea_pad, chunks_per_worker):
  per_worker = chunks_per_worker * CHUNK

  @functools.partial(
      pl.kernel,
      mesh=_sc_mesh(),
      out_type=(
          jax.ShapeDtypeStruct((N_PAD, H_DIM), jnp.float32),
          jax.ShapeDtypeStruct((N_PAD, H_DIM), jnp.float32),
      ),
      scratch_types=[
          pltpu.VMEM((chunks_per_worker, CHUNK), jnp.int32),
          pltpu.VMEM((CHUNK, H_DIM), jnp.float32),
          pltpu.VMEM((CHUNK, H_DIM), jnp.float32),
          pltpu.VMEM_SHARED((N_PAD, H_DIM), jnp.float32),
          pltpu.SemaphoreType.DMA,
          pltpu.SemaphoreType.DMA,
      ],
  )
  def scatter_add(w_hbm, dst_hbm, out0, out1, idx_v, rows_a, rows_b, acc_sh,
                  sem_a, sem_b):
    cid = lax.axis_index("c")
    sid = lax.axis_index("s")
    wid = sid * NUM_CORES + cid

    zvec = jnp.zeros((16,), jnp.float32)

    def zero_body(i, _):
      rows_a[i // 8, pl.ds((i % 8) * 16, 16)] = zvec
      return 0

    lax.fori_loop(0, CHUNK * 8, zero_body, 0)

    def zero_acc(t, _):
      j = sid + t * NUM_SUBCORES

      @pl.when(j < N_CHUNKS)
      def _():
        pltpu.sync_copy(rows_a, acc_sh.at[pl.ds(j * CHUNK, CHUNK)])

      return 0

    lax.fori_loop(0, -(-N_CHUNKS // NUM_SUBCORES), zero_acc, 0)
    plsc.subcore_barrier()

    pltpu.sync_copy(dst_hbm.at[wid], idx_v)

    def fire(c, rows, sem):
      base = wid * per_worker + c * CHUNK
      pltpu.async_copy(w_hbm.at[pl.ds(base, CHUNK)], rows, sem)

    def wait(c, rows, sem):
      base = wid * per_worker + c * CHUNK
      pltpu.make_async_copy(w_hbm.at[pl.ds(base, CHUNK)], rows, sem).wait()

    def add(c, rows):
      pltpu.sync_copy(rows, acc_sh.at[idx_v.at[c]], add=True)

    fire(0, rows_a, sem_a)

    def body(t, _):
      c0 = 2 * t
      c1 = c0 + 1
      c2 = c0 + 2
      fire(c1, rows_b, sem_b)
      wait(c0, rows_a, sem_a)
      add(c0, rows_a)
      fire(c2, rows_a, sem_a)
      wait(c1, rows_b, sem_b)
      add(c1, rows_b)
      return 0

    lax.fori_loop(0, (chunks_per_worker - 1) // 2, body, 0)
    c_last = chunks_per_worker - 1
    wait(c_last, rows_a, sem_a)
    add(c_last, rows_a)
    plsc.subcore_barrier()

    def write_out(t, _):
      j = sid + t * NUM_SUBCORES

      @pl.when(j < N_CHUNKS)
      def _():
        pltpu.sync_copy(acc_sh.at[pl.ds(j * CHUNK, CHUNK)], rows_a)

        @pl.when(cid == 0)
        def _():
          pltpu.sync_copy(rows_a, out0.at[pl.ds(j * CHUNK, CHUNK)])

        @pl.when(cid == 1)
        def _():
          pltpu.sync_copy(rows_a, out1.at[pl.ds(j * CHUNK, CHUNK)])

      return 0

    lax.fori_loop(0, -(-N_CHUNKS // NUM_SUBCORES), write_out, 0)

  return scatter_add



def _ln_relu(u, g, b):
  mu = jnp.mean(u, axis=-1, keepdims=True)
  var = jnp.mean((u - mu) ** 2, axis=-1, keepdims=True)
  return jax.nn.relu((u - mu) * lax.rsqrt(var + 1e-5) * g + b)


def _tc_input_body(x_ref, w_ref, b_ref, g_ref, bb_ref, o_ref):
  u = jnp.dot(x_ref[...], w_ref[...], preferred_element_type=jnp.float32)
  o_ref[...] = _ln_relu(u + b_ref[...], g_ref[...], bb_ref[...])


def _tc_input(x, w_in, b_in, g, b):
  blk = 1000
  grid = (N_NODES // blk,)
  return pl.pallas_call(
      _tc_input_body,
      grid=grid,
      in_specs=[
          pl.BlockSpec((blk, H_DIM), lambda i: (i, 0)),
          pl.BlockSpec((H_DIM, H_DIM), lambda i: (0, 0)),
          pl.BlockSpec((1, H_DIM), lambda i: (0, 0)),
          pl.BlockSpec((1, H_DIM), lambda i: (0, 0)),
          pl.BlockSpec((1, H_DIM), lambda i: (0, 0)),
      ],
      out_specs=pl.BlockSpec((blk, H_DIM), lambda i: (i, 0)),
      out_shape=jax.ShapeDtypeStruct((N_NODES, H_DIM), jnp.float32),
  )(x, w_in, b_in.reshape(1, -1), g.reshape(1, -1), b.reshape(1, -1))


def _tc_edge_body(num_edges, blk, offset, hd_ref, hs_ref, w1d_ref, w1s_ref,
                  w1a_ref, b1_ref, w2_ref, b2_ref, wmsg_ref, o_ref):
  hd = hd_ref[...]
  hs = hs_ref[...]
  d = jnp.abs(hd - hs).astype(jnp.bfloat16)
  hd16 = hd.astype(jnp.bfloat16)
  hs16 = hs.astype(jnp.bfloat16)
  hidden = jnp.dot(hd16, w1d_ref[...], preferred_element_type=jnp.float32)
  hidden += jnp.dot(hs16, w1s_ref[...], preferred_element_type=jnp.float32)
  hidden += jnp.dot(d, w1a_ref[...], preferred_element_type=jnp.float32)
  hidden = jax.nn.relu(hidden + b1_ref[...])
  s = jnp.sum(hidden * w2_ref[...], axis=-1, keepdims=True) + b2_ref[0, :1]
  score = jax.nn.sigmoid(s)
  msg = jnp.dot(hs16, wmsg_ref[...], preferred_element_type=jnp.float32)
  rows = (offset + pl.program_id(0) * blk
          + lax.broadcasted_iota(jnp.int32, (blk, 1), 0))
  o_ref[...] = jnp.where(rows < num_edges, score * msg, 0.0)


def _tc_edge(hd, hs, w1, b1, w2, b2, wmsg, num_edges, offset):
  ea_pad = hd.shape[0]
  blk = 1024
  grid = (ea_pad // blk,)
  w1d = w1[:H_DIM].astype(jnp.bfloat16)
  w1s = w1[H_DIM:2 * H_DIM].astype(jnp.bfloat16)
  w1a = w1[2 * H_DIM:].astype(jnp.bfloat16)
  wmsg = wmsg.astype(jnp.bfloat16)
  return pl.pallas_call(
      functools.partial(_tc_edge_body, num_edges, blk, offset),
      grid=grid,
      in_specs=[
          pl.BlockSpec((blk, H_DIM), lambda i: (i, 0)),
          pl.BlockSpec((blk, H_DIM), lambda i: (i, 0)),
          pl.BlockSpec((H_DIM, H_DIM), lambda i: (0, 0)),
          pl.BlockSpec((H_DIM, H_DIM), lambda i: (0, 0)),
          pl.BlockSpec((H_DIM, H_DIM), lambda i: (0, 0)),
          pl.BlockSpec((1, H_DIM), lambda i: (0, 0)),
          pl.BlockSpec((1, H_DIM), lambda i: (0, 0)),
          pl.BlockSpec((1, H_DIM), lambda i: (0, 0)),
          pl.BlockSpec((H_DIM, H_DIM), lambda i: (0, 0)),
      ],
      out_specs=pl.BlockSpec((blk, H_DIM), lambda i: (i, 0)),
      out_shape=jax.ShapeDtypeStruct((ea_pad, H_DIM), jnp.float32),
  )(hd, hs, w1d, w1s, w1a, b1.reshape(1, -1), w2.reshape(1, -1),
    jnp.broadcast_to(b2.reshape(1, 1), (1, H_DIM)), wmsg)


def _tc_update_body(h_ref, p0_ref, p1_ref, wh_ref, wa_ref,
                    b_ref, g_ref, bb_ref, o_ref):
  h = h_ref[...]
  agg = p0_ref[...] + p1_ref[...]
  u = jnp.dot(h, wh_ref[...], preferred_element_type=jnp.float32)
  u += jnp.dot(agg, wa_ref[...], preferred_element_type=jnp.float32)
  u += b_ref[...] + h
  o_ref[...] = _ln_relu(u, g_ref[...], bb_ref[...])


def _tc_update(h, parts, w_upd, b_upd, g, b):
  blk = 1000
  grid = (N_NODES // blk,)
  return pl.pallas_call(
      _tc_update_body,
      grid=grid,
      in_specs=[
          pl.BlockSpec((blk, H_DIM), lambda i: (i, 0)),
          pl.BlockSpec((blk, H_DIM), lambda i: (i, 0)),
          pl.BlockSpec((blk, H_DIM), lambda i: (i, 0)),
          pl.BlockSpec((H_DIM, H_DIM), lambda i: (0, 0)),
          pl.BlockSpec((H_DIM, H_DIM), lambda i: (0, 0)),
          pl.BlockSpec((1, H_DIM), lambda i: (0, 0)),
          pl.BlockSpec((1, H_DIM), lambda i: (0, 0)),
          pl.BlockSpec((1, H_DIM), lambda i: (0, 0)),
      ],
      out_specs=pl.BlockSpec((blk, H_DIM), lambda i: (i, 0)),
      out_shape=jax.ShapeDtypeStruct((N_NODES, H_DIM), jnp.float32),
  )(h, parts[0], parts[1], w_upd[:H_DIM], w_upd[H_DIM:],
    b_upd.reshape(1, -1), g.reshape(1, -1), b.reshape(1, -1))


def _tc_head_body(h_ref, w1_ref, b1_ref, w2_ref, b2_ref, o_ref):
  u = jnp.dot(h_ref[...], w1_ref[...], preferred_element_type=jnp.float32)
  u = jax.nn.relu(u + b1_ref[...])
  o_ref[...] = jnp.dot(
      u, w2_ref[...], preferred_element_type=jnp.float32) + b2_ref[...]


def _tc_head(h, wc1, bc1, wc2, bc2):
  blk = 1000
  grid = (N_NODES // blk,)
  hh = wc1.shape[1]
  cc = wc2.shape[1]
  return pl.pallas_call(
      _tc_head_body,
      grid=grid,
      in_specs=[
          pl.BlockSpec((blk, H_DIM), lambda i: (i, 0)),
          pl.BlockSpec((H_DIM, hh), lambda i: (0, 0)),
          pl.BlockSpec((1, hh), lambda i: (0, 0)),
          pl.BlockSpec((hh, cc), lambda i: (0, 0)),
          pl.BlockSpec((1, cc), lambda i: (0, 0)),
      ],
      out_specs=pl.BlockSpec((blk, cc), lambda i: (i, 0)),
      out_shape=jax.ShapeDtypeStruct((N_NODES, cc), jnp.float32),
  )(h, wc1, bc1.reshape(1, -1), wc2, bc2.reshape(1, -1))


def kernel(x, edge_index, W_in, b_in, ln_in_g, ln_in_b, sim_W1, sim_b1,
           sim_W2, sim_b2, W_msg, W_upd, b_upd, conv_ln_g, conv_ln_b,
           Wc1, bc1, Wc2, bc2):
  n = x.shape[0]
  num_edges = edge_index.shape[1] + n
  ea_pad, ch_tot = _edge_padding(num_edges)
  total_chunks = ea_pad // CHUNK

  loops = jnp.arange(n, dtype=edge_index.dtype)
  src = jnp.concatenate([edge_index[0], loops])
  dst = jnp.concatenate([edge_index[1], loops])
  pad = ea_pad - num_edges
  src_flat = jnp.pad(src, (0, pad))
  dst_flat = jnp.pad(dst, (0, pad))
  chw = total_chunks // NUM_WORKERS
  src_g = src_flat.reshape(NUM_WORKERS, chw, CHUNK)
  dst_g = dst_flat.reshape(NUM_WORKERS, chw, CHUNK)
  dst_s = dst_g

  gather2 = _make_sc_gather2(ea_pad, ch_tot)
  scatter_add = _make_sc_scatter_add(ea_pad, chw)

  h = _tc_input(x, W_in, b_in, ln_in_g, ln_in_b)
  num_layers = sim_W1.shape[0]
  for l in range(num_layers):
    hd, hs = gather2(h, dst_g, src_g)
    weighted = _tc_edge(hd, hs, sim_W1[l], sim_b1[l], sim_W2[l], sim_b2[l],
                        W_msg[l], num_edges, 0)
    p0, p1 = scatter_add(weighted, dst_s)
    h = _tc_update(h, (p0[:n], p1[:n]), W_upd[l], b_upd[l], conv_ln_g[l],
                   conv_ln_b[l])
  return _tc_head(h, Wc1, bc1, Wc2, bc2)

# --- scband reference (transcript-rebuilt; emitter-appended) ---
"""Pipeline reference for scband-lsgnn-79164837200644 (READ-ONLY COPY).

The authoritative reference and input builder live on the scoring server;
editing this copy changes nothing except your own understanding.
"""

import jax, jax.numpy as jnp
import numpy as np

N = 10000
E = 320000
D_IN = 128
H = 128
L = 3
C = 40


def _ln(x, g, b):
    mu = jnp.mean(x, axis=-1, keepdims=True)
    var = jnp.mean((x - mu) ** 2, axis=-1, keepdims=True)
    return (x - mu) / jnp.sqrt(var + 1e-5) * g + b


def setup_inputs(seed: int = 0):
    key = jax.random.key(seed)
    ks = jax.random.split(key, 12)
    s = 0.05
    return {
        "x": jax.random.normal(ks[0], (N, D_IN), dtype=jnp.float32),
        "edge_index": jax.random.randint(ks[1], (2, E), 0, N, dtype=jnp.int32),
        "W_in": jax.random.normal(ks[2], (D_IN, H), dtype=jnp.float32) * s,
        "b_in": jnp.zeros((H,), jnp.float32),
        "ln_in_g": jnp.ones((H,), jnp.float32),
        "ln_in_b": jnp.zeros((H,), jnp.float32),
        "sim_W1": jax.random.normal(ks[3], (L, 3 * H, H), dtype=jnp.float32) * s,
        "sim_b1": jnp.zeros((L, H), jnp.float32),
        "sim_W2": jax.random.normal(ks[4], (L, H, 1), dtype=jnp.float32) * s,
        "sim_b2": jnp.zeros((L, 1), jnp.float32),
        "W_msg": jax.random.normal(ks[5], (L, H, H), dtype=jnp.float32) * s,
        "W_upd": jax.random.normal(ks[6], (L, 2 * H, H), dtype=jnp.float32) * s,
        "b_upd": jnp.zeros((L, H), jnp.float32),
        "conv_ln_g": jnp.ones((L, H), jnp.float32),
        "conv_ln_b": jnp.zeros((L, H), jnp.float32),
        "Wc1": jax.random.normal(ks[7], (H, H // 2), dtype=jnp.float32) * s,
        "bc1": jnp.zeros((H // 2,), jnp.float32),
        "Wc2": jax.random.normal(ks[8], (H // 2, C), dtype=jnp.float32) * s,
        "bc2": jnp.zeros((C,), jnp.float32),
    }


def reference(x, edge_index, W_in, b_in, ln_in_g, ln_in_b, sim_W1, sim_b1, sim_W2, sim_b2, W_msg, W_upd, b_upd, conv_ln_g, conv_ln_b, Wc1, bc1, Wc2, bc2):
    n = x.shape[0]
    # input projection + norm + relu (dropout p=0.0 -> identity)
    h = _ln(x @ W_in + b_in, ln_in_g, ln_in_b)
    h = jax.nn.relu(h)
    # add self loops once (same for every layer)
    loops = jnp.arange(n, dtype=edge_index.dtype)
    src = jnp.concatenate([edge_index[0], loops])
    dst = jnp.concatenate([edge_index[1], loops])
    for l in range(L):
        x_i = h[dst]
        x_j = h[src]
        sim_in = jnp.concatenate([x_i, x_j, jnp.abs(x_i - x_j)], axis=-1)
        hidden = jax.nn.relu(sim_in @ sim_W1[l] + sim_b1[l])
        sim_score = jax.nn.sigmoid(hidden @ sim_W2[l] + sim_b2[l])
        msg = x_j @ W_msg[l]
        weighted = sim_score * msg
        agg = jnp.zeros((n, H), dtype=h.dtype).at[dst].add(weighted)
        combined = jnp.concatenate([h, agg], axis=-1)
        upd = combined @ W_upd[l] + b_upd[l]
        upd = upd + h  # residual is Identity since in==out
        upd = _ln(upd, conv_ln_g[l], conv_ln_b[l])
        h = jax.nn.relu(upd)
    logits = jax.nn.relu(h @ Wc1 + bc1) @ Wc2 + bc2
    return logits

if __name__ == "__main__":
    import jax
    _d = setup_inputs()
    print(jax.jit(kernel)(*tuple(_d.values())))

</pallas_src>

<mosaic_0001>
#map = affine_map<(d0, d1) -> (0, 0)>
#map1 = affine_map<(d0, d1) -> (0, 0, 0)>
module attributes {stable_mosaic.version = 14 : i64} {
  func.func @gather2(%arg0: i32, %arg1: i32, %arg2: memref<10000x128xf32, #tpu.memory_space<hbm>>, %arg3: memref<32x81x128xi32, #tpu.memory_space<hbm>>, %arg4: memref<32x81x128xi32, #tpu.memory_space<hbm>>, %arg5: memref<331776x128xf32, #tpu.memory_space<hbm>>, %arg6: memref<331776x128xf32, #tpu.memory_space<hbm>>, %arg7: memref<81x128xi32, #tpu.memory_space<vmem>>, %arg8: memref<81x128xi32, #tpu.memory_space<vmem>>, %arg9: memref<128x128xf32, #tpu.memory_space<vmem>>, %arg10: memref<128x128xf32, #tpu.memory_space<vmem>>, %arg11: memref<128x128xf32, #tpu.memory_space<vmem>>, %arg12: memref<128x128xf32, #tpu.memory_space<vmem>>, %arg13: memref<!tpu.dma_semaphore, #tpu.memory_space<semaphore_mem>>, %arg14: memref<!tpu.dma_semaphore, #tpu.memory_space<semaphore_mem>>, %arg15: memref<!tpu.dma_semaphore, #tpu.memory_space<semaphore_mem>>, %arg16: memref<!tpu.dma_semaphore, #tpu.memory_space<semaphore_mem>>) attributes {dimension_semantics = [#tpu.dimension_semantics<core_parallel>, #tpu.dimension_semantics<subcore_parallel>], iteration_bounds = array<i64: 2, 16>, scalar_prefetch = 0 : i64, scratch_operands = 10 : i64, tpu.core_type = #tpu.core_type<sc_vector_subcore>, window_params = [{transform_indices = #map}, {transform_indices = #map1}, {transform_indices = #map1}, {transform_indices = #map}, {transform_indices = #map}]} {
    %mul3A = arith.constant 2 : i32
    %mul3A_0 = arith.muli %arg1, %mul3A : i32
    %add3A = arith.addi %mul3A_0, %arg0 : i32
    "tpu.region"() ({
      %run_scoped3A = tpu.sem_alloc : memref<!tpu.dma_semaphore, #tpu.memory_space<semaphore_mem>>
      %dma_start3A_41 = arith.constant 0 : i32
      %dma_start3A_42 = arith.constant 0 : i32
      %dma_start3A_43 = tpu.memref_slice %arg3[%add3A, %dma_start3A_41, %dma_start3A_42] : memref<32x81x128xi32, #tpu.memory_space<hbm>> -> memref<1x81x128xi32, #tpu.memory_space<hbm>>
      %dma_start3A_44 = tpu.memref_squeeze %dma_start3A_43 : memref<1x81x128xi32, #tpu.memory_space<hbm>> -> memref<81x128xi32, #tpu.memory_space<hbm>>
      %dma_start3A_45 = arith.constant 0 : i32
      %dma_start3A_46 = arith.constant 0 : i32
      %dma_start3A_47 = tpu.memref_slice %arg3[%add3A, %dma_start3A_45, %dma_start3A_46] : memref<32x81x128xi32, #tpu.memory_space<hbm>> -> memref<1x81x128xi32, #tpu.memory_space<hbm>>
      %dma_start3A_48 = tpu.memref_squeeze %dma_start3A_47 : memref<1x81x128xi32, #tpu.memory_space<hbm>> -> memref<81x128xi32, #tpu.memory_space<hbm>>
      tpu.enqueue_dma source(%dma_start3A_48 : memref<81x128xi32, #tpu.memory_space<hbm>>) target(%arg7 : memref<81x128xi32, #tpu.memory_space<vmem>>) target_semaphore(%run_scoped3A : memref<!tpu.dma_semaphore, #tpu.memory_space<semaphore_mem>>)
      %dma_wait3A_49 = arith.constant 0 : i32
      %dma_wait3A_50 = arith.constant 0 : i32
      %dma_wait3A_51 = tpu.memref_slice %arg3[%add3A, %dma_wait3A_49, %dma_wait3A_50] : memref<32x81x128xi32, #tpu.memory_space<hbm>> -> memref<1x81x128xi32, #tpu.memory_space<hbm>>
      %dma_wait3A_52 = tpu.memref_squeeze %dma_wait3A_51 : memref<1x81x128xi32, #tpu.memory_space<hbm>> -> memref<81x128xi32, #tpu.memory_space<hbm>>
      %dma_wait3A_53 = arith.constant 0 : i32
      %dma_wait3A_54 = arith.constant 0 : i32
      %dma_wait3A_55 = tpu.memref_slice %arg3[%add3A, %dma_wait3A_53, %dma_wait3A_54] : memref<32x81x128xi32, #tpu.memory_space<hbm>> -> memref<1x81x128xi32, #tpu.memory_space<hbm>>
      %dma_wait3A_56 = tpu.memref_squeeze %dma_wait3A_55 : memref<1x81x128xi32, #tpu.memory_space<hbm>> -> memref<81x128xi32, #tpu.memory_space<hbm>>
      tpu.wait_dma2 semaphore(%run_scoped3A : memref<!tpu.dma_semaphore, #tpu.memory_space<semaphore_mem>>) src(%dma_wait3A_56 : memref<81x128xi32, #tpu.memory_space<hbm>>) dst(%arg7 : memref<81x128xi32, #tpu.memory_space<vmem>>)
      tpu.yield
    }) : () -> ()
    "tpu.region"() ({
      %run_scoped3A = tpu.sem_alloc : memref<!tpu.dma_semaphore, #tpu.memory_space<semaphore_mem>>
      %dma_start3A_41 = arith.constant 0 : i32
      %dma_start3A_42 = arith.constant 0 : i32
      %dma_start3A_43 = tpu.memref_slice %arg4[%add3A, %dma_start3A_41, %dma_start3A_42] : memref<32x81x128xi32, #tpu.memory_space<hbm>> -> memref<1x81x128xi32, #tpu.memory_space<hbm>>
      %dma_start3A_44 = tpu.memref_squeeze %dma_start3A_43 : memref<1x81x128xi32, #tpu.memory_space<hbm>> -> memref<81x128xi32, #tpu.memory_space<hbm>>
      %dma_start3A_45 = arith.constant 0 : i32
      %dma_start3A_46 = arith.constant 0 : i32
      %dma_start3A_47 = tpu.memref_slice %arg4[%add3A, %dma_start3A_45, %dma_start3A_46] : memref<32x81x128xi32, #tpu.memory_space<hbm>> -> memref<1x81x128xi32, #tpu.memory_space<hbm>>
      %dma_start3A_48 = tpu.memref_squeeze %dma_start3A_47 : memref<1x81x128xi32, #tpu.memory_space<hbm>> -> memref<81x128xi32, #tpu.memory_space<hbm>>
      tpu.enqueue_dma source(%dma_start3A_48 : memref<81x128xi32, #tpu.memory_space<hbm>>) target(%arg8 : memref<81x128xi32, #tpu.memory_space<vmem>>) target_semaphore(%run_scoped3A : memref<!tpu.dma_semaphore, #tpu.memory_space<semaphore_mem>>)
      %dma_wait3A_49 = arith.constant 0 : i32
      %dma_wait3A_50 = arith.constant 0 : i32
      %dma_wait3A_51 = tpu.memref_slice %arg4[%add3A, %dma_wait3A_49, %dma_wait3A_50] : memref<32x81x128xi32, #tpu.memory_space<hbm>> -> memref<1x81x128xi32, #tpu.memory_space<hbm>>
      %dma_wait3A_52 = tpu.memref_squeeze %dma_wait3A_51 : memref<1x81x128xi32, #tpu.memory_space<hbm>> -> memref<81x128xi32, #tpu.memory_space<hbm>>
      %dma_wait3A_53 = arith.constant 0 : i32
      %dma_wait3A_54 = arith.constant 0 : i32
      %dma_wait3A_55 = tpu.memref_slice %arg4[%add3A, %dma_wait3A_53, %dma_wait3A_54] : memref<32x81x128xi32, #tpu.memory_space<hbm>> -> memref<1x81x128xi32, #tpu.memory_space<hbm>>
      %dma_wait3A_56 = tpu.memref_squeeze %dma_wait3A_55 : memref<1x81x128xi32, #tpu.memory_space<hbm>> -> memref<81x128xi32, #tpu.memory_space<hbm>>
      tpu.wait_dma2 semaphore(%run_scoped3A : memref<!tpu.dma_semaphore, #tpu.memory_space<semaphore_mem>>) src(%dma_wait3A_56 : memref<81x128xi32, #tpu.memory_space<hbm>>) dst(%arg8 : memref<81x128xi32, #tpu.memory_space<vmem>>)
      tpu.yield
    }) : () -> ()
    %dma_start3A = arith.constant 0 : i32
    %dma_start3A_1 = arith.constant 0 : i32
    %dma_start3A_2 = tpu.memref_slice %arg7[%dma_start3A, %dma_start3A_1] : memref<81x128xi32, #tpu.memory_space<vmem>> -> memref<1x128xi32, #tpu.memory_space<vmem>>
    %dma_start3A_3 = tpu.memref_squeeze %dma_start3A_2 : memref<1x128xi32, #tpu.memory_space<vmem>> -> memref<128xi32, #tpu.memory_space<vmem>>
    %dma_start3A_4 = arith.constant 0 : i32
    %dma_start3A_5 = arith.constant 0 : i32
    %dma_start3A_6 = tpu.memref_slice %arg2[%dma_start3A_4, %dma_start3A_5] : memref<10000x128xf32, #tpu.memory_space<hbm>> -> memref<10000x128xf32, #tpu.memory_space<hbm>>
    tpu.enqueue_indirect_dma source(%dma_start3A_6 : memref<10000x128xf32, #tpu.memory_space<hbm>>) target(%arg9 : memref<128x128xf32, #tpu.memory_space<vmem>>) offsets(%dma_start3A_3 : memref<128xi32, #tpu.memory_space<vmem>>) semaphore(%arg13 : memref<!tpu.dma_semaphore, #tpu.memory_space<semaphore_mem>>)
    %dma_start3A_7 = arith.constant 0 : i32
    %dma_start3A_8 = arith.constant 0 : i32
    %dma_start3A_9 = tpu.memref_slice %arg8[%dma_start3A_7, %dma_start3A_8] : memref<81x128xi32, #tpu.memory_space<vmem>> -> memref<1x128xi32, #tpu.memory_space<vmem>>
    %dma_start3A_10 = tpu.memref_squeeze %dma_start3A_9 : memref<1x128xi32, #tpu.memory_space<vmem>> -> memref<128xi32, #tpu.memory_space<vmem>>
    %dma_start3A_11 = arith.constant 0 : i32
    %dma_start3A_12 = arith.constant 0 : i32
    %dma_start3A_13 = tpu.memref_slice %arg2[%dma_start3A_11, %dma_start3A_12] : memref<10000x128xf32, #tpu.memory_space<hbm>> -> memref<10000x128xf32, #tpu.memory_space<hbm>>
    tpu.enqueue_indirect_dma source(%dma_start3A_13 : memref<10000x128xf32, #tpu.memory_space<hbm>>) target(%arg10 : memref<128x128xf32, #tpu.memory_space<vmem>>) offsets(%dma_start3A_10 : memref<128xi32, #tpu.memory_space<vmem>>) semaphore(%arg14 : memref<!tpu.dma_semaphore, #tpu.memory_space<semaphore_mem>>)
    %scan3A = arith.constant 0 : i32
    %scan3A_14 = arith.constant 0 : i32
    %scan3A_15 = arith.constant 40 : i32
    %scan3A_16 = arith.addi %scan3A_14, %scan3A_15 : i32
    %scan3A_17 = arith.constant 1 : i32
    %scan3A_18 = scf.for %scan3A_41 = %scan3A_14 to %scan3A_16 step %scan3A_17 iter_args(%scan3A_42 = %scan3A) -> (i32)  : i32 {
      %mul3A_43 = arith.constant 2 : i32
      %mul3A_44 = arith.muli %mul3A_43, %scan3A_41 : i32
      %add3A_45 = arith.constant 1 : i32
      %add3A_46 = arith.addi %mul3A_44, %add3A_45 : i32
      %add3A_47 = arith.constant 2 : i32
      %add3A_48 = arith.addi %mul3A_44, %add3A_47 : i32
      %dma_start3A_49 = arith.constant 0 : i32
      %dma_start3A_50 = tpu.memref_slice %arg7[%add3A_46, %dma_start3A_49] : memref<81x128xi32, #tpu.memory_space<vmem>> -> memref<1x128xi32, #tpu.memory_space<vmem>>
      %dma_start3A_51 = tpu.memref_squeeze %dma_start3A_50 : memref<1x128xi32, #tpu.memory_space<vmem>> -> memref<128xi32, #tpu.memory_space<vmem>>
      %dma_start3A_52 = arith.constant 0 : i32
      %dma_start3A_53 = arith.constant 0 : i32
      %dma_start3A_54 = tpu.memref_slice %arg2[%dma_start3A_52, %dma_start3A_53] : memref<10000x128xf32, #tpu.memory_space<hbm>> -> memref<10000x128xf32, #tpu.memory_space<hbm>>
      tpu.enqueue_indirect_dma source(%dma_start3A_54 : memref<10000x128xf32, #tpu.memory_space<hbm>>) target(%arg11 : memref<128x128xf32, #tpu.memory_space<vmem>>) offsets(%dma_start3A_51 : memref<128xi32, #tpu.memory_space<vmem>>) semaphore(%arg15 : memref<!tpu.dma_semaphore, #tpu.memory_space<semaphore_mem>>)
      %dma_start3A_55 = arith.constant 0 : i32
      %dma_start3A_56 = tpu.memref_slice %arg8[%add3A_46, %dma_start3A_55] : memref<81x128xi32, #tpu.memory_space<vmem>> -> memref<1x128xi32, #tpu.memory_space<vmem>>
      %dma_start3A_57 = tpu.memref_squeeze %dma_start3A_56 : memref<1x128xi32, #tpu.memory_space<vmem>> -> memref<128xi32, #tpu.memory_space<vmem>>
      %dma_start3A_58 = arith.constant 0 : i32
      %dma_start3A_59 = arith.constant 0 : i32
      %dma_start3A_60 = tpu.memref_slice %arg2[%dma_start3A_58, %dma_start3A_59] : memref<10000x128xf32, #tpu.memory_space<hbm>> -> memref<10000x128xf32, #tpu.memory_space<hbm>>
      tpu.enqueue_indirect_dma source(%dma_start3A_60 : memref<10000x128xf32, #tpu.memory_space<hbm>>) target(%arg12 : memref<128x128xf32, #tpu.memory_space<vmem>>) offsets(%dma_start3A_57 : memref<128xi32, #tpu.memory_space<vmem>>) semaphore(%arg16 : memref<!tpu.dma_semaphore, #tpu.memory_space<semaphore_mem>>)
      %dma_wait3A_61 = arith.constant 0 : i32
      %dma_wait3A_62 = tpu.memref_slice %arg7[%mul3A_44, %dma_wait3A_61] : memref<81x128xi32, #tpu.memory_space<vmem>> -> memref<1x128xi32, #tpu.memory_space<vmem>>
      %dma_wait3A_63 = tpu.memref_squeeze %dma_wait3A_62 : memref<1x128xi32, #tpu.memory_space<vmem>> -> memref<128xi32, #tpu.memory_space<vmem>>
      %dma_wait3A_64 = arith.constant 0 : i32
      %dma_wait3A_65 = arith.constant 0 : i32
      %dma_wait3A_66 = tpu.memref_slice %arg2[%dma_wait3A_64, %dma_wait3A_65] : memref<10000x128xf32, #tpu.memory_space<hbm>> -> memref<10000x128xf32, #tpu.memory_space<hbm>>
      tpu.wait_indirect_dma semaphore(%arg13 : memref<!tpu.dma_semaphore, #tpu.memory_space<semaphore_mem>>) src(%dma_wait3A_66 : memref<10000x128xf32, #tpu.memory_space<hbm>>) dst(%arg9 : memref<128x128xf32, #tpu.memory_space<vmem>>)
      %dma_wait3A_67 = arith.constant 0 : i32
      %dma_wait3A_68 = tpu.memref_slice %arg8[%mul3A_44, %dma_wait3A_67] : memref<81x128xi32, #tpu.memory_space<vmem>> -> memref<1x128xi32, #tpu.memory_space<vmem>>
      %dma_wait3A_69 = tpu.memref_squeeze %dma_wait3A_68 : memref<1x128xi32, #tpu.memory_space<vmem>> -> memref<128xi32, #tpu.memory_space<vmem>>
      %dma_wait3A_70 = arith.constant 0 : i32
      %dma_wait3A_71 = arith.constant 0 : i32
      %dma_wait3A_72 = tpu.memref_slice %arg2[%dma_wait3A_70, %dma_wait3A_71] : memref<10000x128xf32, #tpu.memory_space<hbm>> -> memref<10000x128xf32, #tpu.memory_space<hbm>>
      tpu.wait_indirect_dma semaphore(%arg14 : memref<!tpu.dma_semaphore, #tpu.memory_space<semaphore_mem>>) src(%dma_wait3A_72 : memref<10000x128xf32, #tpu.memory_space<hbm>>) dst(%arg10 : memref<128x128xf32, #tpu.memory_space<vmem>>)
      %mul3A_73 = arith.constant 10368 : i32
      %mul3A_74 = arith.muli %add3A, %mul3A_73 : i32
      %mul3A_75 = arith.constant 128 : i32
      %mul3A_76 = arith.muli %mul3A_44, %mul3A_75 : i32
      %add3A_77 = arith.addi %mul3A_74, %mul3A_76 : i32
      "tpu.region"() ({
        %run_scoped3A = tpu.sem_alloc : memref<!tpu.dma_semaphore, #tpu.memory_space<semaphore_mem>>
        %dma_start3A_118 = arith.constant 0 : i32
        %dma_start3A_119 = tpu.memref_slice %arg5[%add3A_77, %dma_start3A_118] : memref<331776x128xf32, #tpu.memory_space<hbm>> -> memref<128x128xf32, #tpu.memory_space<hbm>>
        %dma_start3A_120 = arith.constant 0 : i32
        %dma_start3A_121 = tpu.memref_slice %arg5[%add3A_77, %dma_start3A_120] : memref<331776x128xf32, #tpu.memory_space<hbm>> -> memref<128x128xf32, #tpu.memory_space<hbm>>
        tpu.enqueue_dma source(%arg9 : memref<128x128xf32, #tpu.memory_space<vmem>>) target(%dma_start3A_121 : memref<128x128xf32, #tpu.memory_space<hbm>>) target_semaphore(%run_scoped3A : memref<!tpu.dma_semaphore, #tpu.memory_space<semaphore_mem>>)
        %dma_wait3A_122 = arith.constant 0 : i32
        %dma_wait3A_123 = tpu.memref_slice %arg5[%add3A_77, %dma_wait3A_122] : memref<331776x128xf32, #tpu.memory_space<hbm>> -> memref<128x128xf32, #tpu.memory_space<hbm>>
        %dma_wait3A_124 = arith.constant 0 : i32
        %dma_wait3A_125 = tpu.memref_slice %arg5[%add3A_77, %dma_wait3A_124] : memref<331776x128xf32, #tpu.memory_space<hbm>> -> memref<128x128xf32, #tpu.memory_space<hbm>>
        tpu.wait_dma2 semaphore(%run_scoped3A : memref<!tpu.dma_semaphore, #tpu.memory_space<semaphore_mem>>) src(%arg9 : memref<128x128xf32, #tpu.memory_space<vmem>>) dst(%dma_wait3A_125 : memref<128x128xf32, #tpu.memory_space<hbm>>)
        tpu.yield
      }) : () -> ()
      %mul3A_78 = arith.constant 10368 : i32
      %mul3A_79 = arith.muli %add3A, %mul3A_78 : i32
      %mul3A_80 = arith.constant 128 : i32
      %mul3A_81 = arith.muli %mul3A_44, %mul3A_80 : i32
      %add3A_82 = arith.addi %mul3A_79, %mul3A_81 : i32
      "tpu.region"() ({
        %run_scoped3A = tpu.sem_alloc : memref<!tpu.dma_semaphore, #tpu.memory_space<semaphore_mem>>
        %dma_start3A_118 = arith.constant 0 : i32
        %dma_start3A_119 = tpu.memref_slice %arg6[%add3A_82, %dma_start3A_118] : memref<331776x128xf32, #tpu.memory_space<hbm>> -> memref<128x128xf32, #tpu.memory_space<hbm>>
        %dma_start3A_120 = arith.constant 0 : i32
        %dma_start3A_121 = tpu.memref_slice %arg6[%add3A_82, %dma_start3A_120] : memref<331776x128xf32, #tpu.memory_space<hbm>> -> memref<128x128xf32, #tpu.memory_space<hbm>>
        tpu.enqueue_dma source(%arg10 : memref<128x128xf32, #tpu.memory_space<vmem>>) target(%dma_start3A_121 : memref<128x128xf32, #tpu.memory_space<hbm>>) target_semaphore(%run_scoped3A : memref<!tpu.dma_semaphore, #tpu.memory_space<semaphore_mem>>)
        %dma_wait3A_122 = arith.constant 0 : i32
        %dma_wait3A_123 = tpu.memref_slice %arg6[%add3A_82, %dma_wait3A_122] : memref<331776x128xf32, #tpu.memory_space<hbm>> -> memref<128x128xf32, #tpu.memory_space<hbm>>
        %dma_wait3A_124 = arith.constant 0 : i32
        %dma_wait3A_125 = tpu.memref_slice %arg6[%add3A_82, %dma_wait3A_124] : memref<331776x128xf32, #tpu.memory_space<hbm>> -> memref<128x128xf32, #tpu.memory_space<hbm>>
        tpu.wait_dma2 semaphore(%run_scoped3A : memref<!tpu.dma_semaphore, #tpu.memory_space<semaphore_mem>>) src(%arg10 : memref<128x128xf32, #tpu.memory_space<vmem>>) dst(%dma_wait3A_125 : memref<128x128xf32, #tpu.memory_space<hbm>>)
        tpu.yield
      }) : () -> ()
      %dma_start3A_83 = arith.constant 0 : i32
      %dma_start3A_84 = tpu.memref_slice %arg7[%add3A_48, %dma_start3A_83] : memref<81x128xi32, #tpu.memory_space<vmem>> -> memref<1x128xi32, #tpu.memory_space<vmem>>
      %dma_start3A_85 = tpu.memref_squeeze %dma_start3A_84 : memref<1x128xi32, #tpu.memory_space<vmem>> -> memref<128xi32, #tpu.memory_space<vmem>>
      %dma_start3A_86 = arith.constant 0 : i32
      %dma_start3A_87 = arith.constant 0 : i32
      %dma_start3A_88 = tpu.memref_slice %arg2[%dma_start3A_86, %dma_start3A_87] : memref<10000x128xf32, #tpu.memory_space<hbm>> -> memref<10000x128xf32, #tpu.memory_space<hbm>>
      tpu.enqueue_indirect_dma source(%dma_start3A_88 : memref<10000x128xf32, #tpu.memory_space<hbm>>) target(%arg9 : memref<128x128xf32, #tpu.memory_space<vmem>>) offsets(%dma_start3A_85 : memref<128xi32, #tpu.memory_space<vmem>>) semaphore(%arg13 : memref<!tpu.dma_semaphore, #tpu.memory_space<semaphore_mem>>)
      %dma_start3A_89 = arith.constant 0 : i32
      %dma_start3A_90 = tpu.memref_slice %arg8[%add3A_48, %dma_start3A_89] : memref<81x128xi32, #tpu.memory_space<vmem>> -> memref<1x128xi32, #tpu.memory_space<vmem>>
      %dma_start3A_91 = tpu.memref_squeeze %dma_start3A_90 : memref<1x128xi32, #tpu.memory_space<vmem>> -> memref<128xi32, #tpu.memory_space<vmem>>
      %dma_start3A_92 = arith.constant 0 : i32
      %dma_start3A_93 = arith.constant 0 : i32
      %dma_start3A_94 = tpu.memref_slice %arg2[%dma_start3A_92, %dma_start3A_93] : memref<10000x128xf32, #tpu.memory_space<hbm>> -> memref<10000x128xf32, #tpu.memory_space<hbm>>
      tpu.enqueue_indirect_dma source(%dma_start3A_94 : memref<10000x128xf32, #tpu.memory_space<hbm>>) target(%arg10 : memref<128x128xf32, #tpu.memory_space<vmem>>) offsets(%dma_start3A_91 : memref<128xi32, #tpu.memory_space<vmem>>) semaphore(%arg14 : memref<!tpu.dma_semaphore, #tpu.memory_space<semaphore_mem>>)
      %dma_wait3A_95 = arith.constant 0 : i32
      %dma_wait3A_96 = tpu.memref_slice %arg7[%add3A_46, %dma_wait3A_95] : memref<81x128xi32, #tpu.memory_space<vmem>> -> memref<1x128xi32, #tpu.memory_space<vmem>>
      %dma_wait3A_97 = tpu.memref_squeeze %dma_wait3A_96 : memref<1x128xi32, #tpu.memory_space<vmem>> -> memref<128xi32, #tpu.memory_space<vmem>>
      %dma_wait3A_98 = arith.constant 0 : i32
      %dma_wait3A_99 = arith.constant 0 : i32
      %dma_wait3A_100 = tpu.memref_slice %arg2[%dma_wait3A_98, %dma_wait3A_99] : memref<10000x128xf32, #tpu.memory_space<hbm>> -> memref<10000x128xf32, #tpu.memory_space<hbm>>
      tpu.wait_indirect_dma semaphore(%arg15 : memref<!tpu.dma_semaphore, #tpu.memory_space<semaphore_mem>>) src(%dma_wait3A_100 : memref<10000x128xf32, #tpu.memory_space<hbm>>) dst(%arg11 : memref<128x128xf32, #tpu.memory_space<vmem>>)
      %dma_wait3A_101 = arith.constant 0 : i32
      %dma_wait3A_102 = tpu.memref_slice %arg8[%add3A_46, %dma_wait3A_101] : memref<81x128xi32, #tpu.memory_space<vmem>> -> memref<1x128xi32, #tpu.memory_space<vmem>>
      %dma_wait3A_103 = tpu.memref_squeeze %dma_wait3A_102 : memref<1x128xi32, #tpu.memory_space<vmem>> -> memref<128xi32, #tpu.memory_space<vmem>>
      %dma_wait3A_104 = arith.constant 0 : i32
      %dma_wait3A_105 = arith.constant 0 : i32
      %dma_wait3A_106 = tpu.memref_slice %arg2[%dma_wait3A_104, %dma_wait3A_105] : memref<10000x128xf32, #tpu.memory_space<hbm>> -> memref<10000x128xf32, #tpu.memory_space<hbm>>
      tpu.wait_indirect_dma semaphore(%arg16 : memref<!tpu.dma_semaphore, #tpu.memory_space<semaphore_mem>>) src(%dma_wait3A_106 : memref<10000x128xf32, #tpu.memory_space<hbm>>) dst(%arg12 : memref<128x128xf32, #tpu.memory_space<vmem>>)
      %mul3A_107 = arith.constant 10368 : i32
      %mul3A_108 = arith.muli %add3A, %mul3A_107 : i32
      %mul3A_109 = arith.constant 128 : i32
      %mul3A_110 = arith.muli %add3A_46, %mul3A_109 : i32
      %add3A_111 = arith.addi %mul3A_108, %mul3A_110 : i32
      "tpu.region"() ({
        %run_scoped3A = tpu.sem_alloc : memref<!tpu.dma_semaphore, #tpu.memory_space<semaphore_mem>>
        %dma_start3A_118 = arith.constant 0 : i32
        %dma_start3A_119 = tpu.memref_slice %arg5[%add3A_111, %dma_start3A_118] : memref<331776x128xf32, #tpu.memory_space<hbm>> -> memref<128x128xf32, #tpu.memory_space<hbm>>
        %dma_start3A_120 = arith.constant 0 : i32
        %dma_start3A_121 = tpu.memref_slice %arg5[%add3A_111, %dma_start3A_120] : memref<331776x128xf32, #tpu.memory_space<hbm>> -> memref<128x128xf32, #tpu.memory_space<hbm>>
        tpu.enqueue_dma source(%arg11 : memref<128x128xf32, #tpu.memory_space<vmem>>) target(%dma_start3A_121 : memref<128x128xf32, #tpu.memory_space<hbm>>) target_semaphore(%run_scoped3A : memref<!tpu.dma_semaphore, #tpu.memory_space<semaphore_mem>>)
        %dma_wait3A_122 = arith.constant 0 : i32
        %dma_wait3A_123 = tpu.memref_slice %arg5[%add3A_111, %dma_wait3A_122] : memref<331776x128xf32, #tpu.memory_space<hbm>> -> memref<128x128xf32, #tpu.memory_space<hbm>>
        %dma_wait3A_124 = arith.constant 0 : i32
        %dma_wait3A_125 = tpu.memref_slice %arg5[%add3A_111, %dma_wait3A_124] : memref<331776x128xf32, #tpu.memory_space<hbm>> -> memref<128x128xf32, #tpu.memory_space<hbm>>
        tpu.wait_dma2 semaphore(%run_scoped3A : memref<!tpu.dma_semaphore, #tpu.memory_space<semaphore_mem>>) src(%arg11 : memref<128x128xf32, #tpu.memory_space<vmem>>) dst(%dma_wait3A_125 : memref<128x128xf32, #tpu.memory_space<hbm>>)
        tpu.yield
      }) : () -> ()
      %mul3A_112 = arith.constant 10368 : i32
      %mul3A_113 = arith.muli %add3A, %mul3A_112 : i32
      %mul3A_114 = arith.constant 128 : i32
      %mul3A_115 = arith.muli %add3A_46, %mul3A_114 : i32
      %add3A_116 = arith.addi %mul3A_113, %mul3A_115 : i32
      "tpu.region"() ({
        %run_scoped3A = tpu.sem_alloc : memref<!tpu.dma_semaphore, #tpu.memory_space<semaphore_mem>>
        %dma_start3A_118 = arith.constant 0 : i32
        %dma_start3A_119 = tpu.memref_slice %arg6[%add3A_116, %dma_start3A_118] : memref<331776x128xf32, #tpu.memory_space<hbm>> -> memref<128x128xf32, #tpu.memory_space<hbm>>
        %dma_start3A_120 = arith.constant 0 : i32
        %dma_start3A_121 = tpu.memref_slice %arg6[%add3A_116, %dma_start3A_120] : memref<331776x128xf32, #tpu.memory_space<hbm>> -> memref<128x128xf32, #tpu.memory_space<hbm>>
        tpu.enqueue_dma source(%arg12 : memref<128x128xf32, #tpu.memory_space<vmem>>) target(%dma_start3A_121 : memref<128x128xf32, #tpu.memory_space<hbm>>) target_semaphore(%run_scoped3A : memref<!tpu.dma_semaphore, #tpu.memory_space<semaphore_mem>>)
        %dma_wait3A_122 = arith.constant 0 : i32
        %dma_wait3A_123 = tpu.memref_slice %arg6[%add3A_116, %dma_wait3A_122] : memref<331776x128xf32, #tpu.memory_space<hbm>> -> memref<128x128xf32, #tpu.memory_space<hbm>>
        %dma_wait3A_124 = arith.constant 0 : i32
        %dma_wait3A_125 = tpu.memref_slice %arg6[%add3A_116, %dma_wait3A_124] : memref<331776x128xf32, #tpu.memory_space<hbm>> -> memref<128x128xf32, #tpu.memory_space<hbm>>
        tpu.wait_dma2 semaphore(%run_scoped3A : memref<!tpu.dma_semaphore, #tpu.memory_space<semaphore_mem>>) src(%arg12 : memref<128x128xf32, #tpu.memory_space<vmem>>) dst(%dma_wait3A_125 : memref<128x128xf32, #tpu.memory_space<hbm>>)
        tpu.yield
      }) : () -> ()
      %scan3A_117 = arith.constant 0 : i32
      scf.yield %scan3A_117 : i32
    }
    %scan3A_19 = arith.constant 40 : i32
    %dma_wait3A = arith.constant 80 : i32
    %dma_wait3A_20 = arith.constant 0 : i32
    %dma_wait3A_21 = tpu.memref_slice %arg7[%dma_wait3A, %dma_wait3A_20] : memref<81x128xi32, #tpu.memory_space<vmem>> -> memref<1x128xi32, #tpu.memory_space<vmem>>
    %dma_wait3A_22 = tpu.memref_squeeze %dma_wait3A_21 : memref<1x128xi32, #tpu.memory_space<vmem>> -> memref<128xi32, #tpu.memory_space<vmem>>
    %dma_wait3A_23 = arith.constant 0 : i32
    %dma_wait3A_24 = arith.constant 0 : i32
    %dma_wait3A_25 = tpu.memref_slice %arg2[%dma_wait3A_23, %dma_wait3A_24] : memref<10000x128xf32, #tpu.memory_space<hbm>> -> memref<10000x128xf32, #tpu.memory_space<hbm>>
    tpu.wait_indirect_dma semaphore(%arg13 : memref<!tpu.dma_semaphore, #tpu.memory_space<semaphore_mem>>) src(%dma_wait3A_25 : memref<10000x128xf32, #tpu.memory_space<hbm>>) dst(%arg9 : memref<128x128xf32, #tpu.memory_space<vmem>>)
    %dma_wait3A_26 = arith.constant 80 : i32
    %dma_wait3A_27 = arith.constant 0 : i32
    %dma_wait3A_28 = tpu.memref_slice %arg8[%dma_wait3A_26, %dma_wait3A_27] : memref<81x128xi32, #tpu.memory_space<vmem>> -> memref<1x128xi32, #tpu.memory_space<vmem>>
    %dma_wait3A_29 = tpu.memref_squeeze %dma_wait3A_28 : memref<1x128xi32, #tpu.memory_space<vmem>> -> memref<128xi32, #tpu.memory_space<vmem>>
    %dma_wait3A_30 = arith.constant 0 : i32
    %dma_wait3A_31 = arith.constant 0 : i32
    %dma_wait3A_32 = tpu.memref_slice %arg2[%dma_wait3A_30, %dma_wait3A_31] : memref<10000x128xf32, #tpu.memory_space<hbm>> -> memref<10000x128xf32, #tpu.memory_space<hbm>>
    tpu.wait_indirect_dma semaphore(%arg14 : memref<!tpu.dma_semaphore, #tpu.memory_space<semaphore_mem>>) src(%dma_wait3A_32 : memref<10000x128xf32, #tpu.memory_space<hbm>>) dst(%arg10 : memref<128x128xf32, #tpu.memory_space<vmem>>)
    %mul3A_33 = arith.constant 10368 : i32
    %mul3A_34 = arith.muli %add3A, %mul3A_33 : i32
    %add3A_35 = arith.constant 10240 : i32
    %add3A_36 = arith.addi %mul3A_34, %add3A_35 : i32
    "tpu.region"() ({
      %run_scoped3A = tpu.sem_alloc : memref<!tpu.dma_semaphore, #tpu.memory_space<semaphore_mem>>
      %dma_start3A_41 = arith.constant 0 : i32
      %dma_start3A_42 = tpu.memref_slice %arg5[%add3A_36, %dma_start3A_41] : memref<331776x128xf32, #tpu.memory_space<hbm>> -> memref<128x128xf32, #tpu.memory_space<hbm>>
      %dma_start3A_43 = arith.constant 0 : i32
      %dma_start3A_44 = tpu.memref_slice %arg5[%add3A_36, %dma_start3A_43] : memref<331776x128xf32, #tpu.memory_space<hbm>> -> memref<128x128xf32, #tpu.memory_space<hbm>>
      tpu.enqueue_dma source(%arg9 : memref<128x128xf32, #tpu.memory_space<vmem>>) target(%dma_start3A_44 : memref<128x128xf32, #tpu.memory_space<hbm>>) target_semaphore(%run_scoped3A : memref<!tpu.dma_semaphore, #tpu.memory_space<semaphore_mem>>)
      %dma_wait3A_45 = arith.constant 0 : i32
      %dma_wait3A_46 = tpu.memref_slice %arg5[%add3A_36, %dma_wait3A_45] : memref<331776x128xf32, #tpu.memory_space<hbm>> -> memref<128x128xf32, #tpu.memory_space<hbm>>
      %dma_wait3A_47 = arith.constant 0 : i32
      %dma_wait3A_48 = tpu.memref_slice %arg5[%add3A_36, %dma_wait3A_47] : memref<331776x128xf32, #tpu.memory_space<hbm>> -> memref<128x128xf32, #tpu.memory_space<hbm>>
      tpu.wait_dma2 semaphore(%run_scoped3A : memref<!tpu.dma_semaphore, #tpu.memory_space<semaphore_mem>>) src(%arg9 : memref<128x128xf32, #tpu.memory_space<vmem>>) dst(%dma_wait3A_48 : memref<128x128xf32, #tpu.memory_space<hbm>>)
      tpu.yield
    }) : () -> ()
    %mul3A_37 = arith.constant 10368 : i32
    %mul3A_38 = arith.muli %add3A, %mul3A_37 : i32
    %add3A_39 = arith.constant 10240 : i32
    %add3A_40 = arith.addi %mul3A_38, %add3A_39 : i32
    "tpu.region"() ({
      %run_scoped3A = tpu.sem_alloc : memref<!tpu.dma_semaphore, #tpu.memory_space<semaphore_mem>>
      %dma_start3A_41 = arith.constant 0 : i32
      %dma_start3A_42 = tpu.memref_slice %arg6[%add3A_40, %dma_start3A_41] : memref<331776x128xf32, #tpu.memory_space<hbm>> -> memref<128x128xf32, #tpu.memory_space<hbm>>
      %dma_start3A_43 = arith.constant 0 : i32
      %dma_start3A_44 = tpu.memref_slice %arg6[%add3A_40, %dma_start3A_43] : memref<331776x128xf32, #tpu.memory_space<hbm>> -> memref<128x128xf32, #tpu.memory_space<hbm>>
      tpu.enqueue_dma source(%arg10 : memref<128x128xf32, #tpu.memory_space<vmem>>) target(%dma_start3A_44 : memref<128x128xf32, #tpu.memory_space<hbm>>) target_semaphore(%run_scoped3A : memref<!tpu.dma_semaphore, #tpu.memory_space<semaphore_mem>>)
      %dma_wait3A_45 = arith.constant 0 : i32
      %dma_wait3A_46 = tpu.memref_slice %arg6[%add3A_40, %dma_wait3A_45] : memref<331776x128xf32, #tpu.memory_space<hbm>> -> memref<128x128xf32, #tpu.memory_space<hbm>>
      %dma_wait3A_47 = arith.constant 0 : i32
      %dma_wait3A_48 = tpu.memref_slice %arg6[%add3A_40, %dma_wait3A_47] : memref<331776x128xf32, #tpu.memory_space<hbm>> -> memref<128x128xf32, #tpu.memory_space<hbm>>
      tpu.wait_dma2 semaphore(%run_scoped3A : memref<!tpu.dma_semaphore, #tpu.memory_space<semaphore_mem>>) src(%arg10 : memref<128x128xf32, #tpu.memory_space<vmem>>) dst(%dma_wait3A_48 : memref<128x128xf32, #tpu.memory_space<hbm>>)
      tpu.yield
    }) : () -> ()
    return
  }
}

#map = affine_map<(d0, d1) -> (0, 0)>
#map1 = affine_map<(d0, d1) -> (0, 0, 0)>
module attributes {stable_mosaic.version = 14 : i64} {
  func.func @gather2(%arg0: i32, %arg1: i32, %arg2: memref<10000x128xf32, #tpu.memory_space<hbm>>, %arg3: memref<32x81x128xi32, #tpu.memory_space<hbm>>, %arg4: memref<32x81x128xi32, #tpu.memory_space<hbm>>, %arg5: memref<331776x128xf32, #tpu.memory_space<hbm>>, %arg6: memref<331776x128xf32, #tpu.memory_space<hbm>>, %arg7: memref<81x128xi32, #tpu.memory_space<vmem>>, %arg8: memref<81x128xi32, #tpu.memory_space<vmem>>, %arg9: memref<128x128xf32, #tpu.memory_space<vmem>>, %arg10: memref<128x128xf32, #tpu.memory_space<vmem>>, %arg11: memref<128x128xf32, #tpu.memory_space<vmem>>, %arg12: memref<128x128xf32, #tpu.memory_space<vmem>>, %arg13: memref<!tpu.dma_semaphore, #tpu.memory_space<semaphore_mem>>, %arg14: memref<!tpu.dma_semaphore, #tpu.memory_space<semaphore_mem>>, %arg15: memref<!tpu.dma_semaphore, #tpu.memory_space<semaphore_mem>>, %arg16: memref<!tpu.dma_semaphore, #tpu.memory_space<semaphore_mem>>) attributes {dimension_semantics = [#tpu.dimension_semantics<core_parallel>, #tpu.dimension_semantics<subcore_parallel>], iteration_bounds = array<i64: 2, 16>, scalar_prefetch = 0 : i64, scratch_operands = 10 : i64, tpu.core_type = #tpu.core_type<sc_vector_subcore>, window_params = [{transform_indices = #map}, {transform_indices = #map1}, {transform_indices = #map1}, {transform_indices = #map}, {transform_indices = #map}]} {
    %mul3A = arith.constant 2 : i32
    %mul3A_0 = arith.muli %arg1, %mul3A : i32
    %add3A = arith.addi %mul3A_0, %arg0 : i32
    "tpu.region"() ({
      %run_scoped3A = tpu.sem_alloc : memref<!tpu.dma_semaphore, #tpu.memory_space<semaphore_mem>>
      %dma_start3A_41 = arith.constant 0 : i32
      %dma_start3A_42 = arith.constant 0 : i32
      %dma_start3A_43 = tpu.memref_slice %arg3[%add3A, %dma_start3A_41, %dma_start3A_42] : memref<32x81x128xi32, #tpu.memory_space<hbm>> -> memref<1x81x128xi32, #tpu.memory_space<hbm>>
      %dma_start3A_44 = tpu.memref_squeeze %dma_start3A_43 : memref<1x81x128xi32, #tpu.memory_space<hbm>> -> memref<81x128xi32, #tpu.memory_space<hbm>>
      %dma_start3A_45 = arith.constant 0 : i32
      %dma_start3A_46 = arith.constant 0 : i32
      %dma_start3A_47 = tpu.memref_slice %arg3[%add3A, %dma_start3A_45, %dma_start3A_46] : memref<32x81x128xi32, #tpu.memory_space<hbm>> -> memref<1x81x128xi32, #tpu.memory_space<hbm>>
      %dma_start3A_48 = tpu.memref_squeeze %dma_start3A_47 : memref<1x81x128xi32, #tpu.memory_space<hbm>> -> memref<81x128xi32, #tpu.memory_space<hbm>>
      tpu.enqueue_dma source(%dma_start3A_48 : memref<81x128xi32, #tpu.memory_space<hbm>>) target(%arg7 : memref<81x128xi32, #tpu.memory_space<vmem>>) target_semaphore(%run_scoped3A : memref<!tpu.dma_semaphore, #tpu.memory_space<semaphore_mem>>)
      %dma_wait3A_49 = arith.constant 0 : i32
      %dma_wait3A_50 = arith.constant 0 : i32
      %dma_wait3A_51 = tpu.memref_slice %arg3[%add3A, %dma_wait3A_49, %dma_wait3A_50] : memref<32x81x128xi32, #tpu.memory_space<hbm>> -> memref<1x81x128xi32, #tpu.memory_space<hbm>>
      %dma_wait3A_52 = tpu.memref_squeeze %dma_wait3A_51 : memref<1x81x128xi32, #tpu.memory_space<hbm>> -> memref<81x128xi32, #tpu.memory_space<hbm>>
      %dma_wait3A_53 = arith.constant 0 : i32
      %dma_wait3A_54 = arith.constant 0 : i32
      %dma_wait3A_55 = tpu.memref_slice %arg3[%add3A, %dma_wait3A_53, %dma_wait3A_54] : memref<32x81x128xi32, #tpu.memory_space<hbm>> -> memref<1x81x128xi32, #tpu.memory_space<hbm>>
      %dma_wait3A_56 = tpu.memref_squeeze %dma_wait3A_55 : memref<1x81x128xi32, #tpu.memory_space<hbm>> -> memref<81x128xi32, #tpu.memory_space<hbm>>
      tpu.wait_dma2 semaphore(%run_scoped3A : memref<!tpu.dma_semaphore, #tpu.memory_space<semaphore_mem>>) src(%dma_wait3A_56 : memref<81x128xi32, #tpu.memory_space<hbm>>) dst(%arg7 : memref<81x128xi32, #tpu.memory_space<vmem>>)
      tpu.yield
    }) : () -> ()
    "tpu.region"() ({
      %run_scoped3A = tpu.sem_alloc : memref<!tpu.dma_semaphore, #tpu.memory_space<semaphore_mem>>
      %dma_start3A_41 = arith.constant 0 : i32
      %dma_start3A_42 = arith.constant 0 : i32
      %dma_start3A_43 = tpu.memref_slice %arg4[%add3A, %dma_start3A_41, %dma_start3A_42] : memref<32x81x128xi32, #tpu.memory_space<hbm>> -> memref<1x81x128xi32, #tpu.memory_space<hbm>>
      %dma_start3A_44 = tpu.memref_squeeze %dma_start3A_43 : memref<1x81x128xi32, #tpu.memory_space<hbm>> -> memref<81x128xi32, #tpu.memory_space<hbm>>
      %dma_start3A_45 = arith.constant 0 : i32
      %dma_start3A_46 = arith.constant 0 : i32
      %dma_start3A_47 = tpu.memref_slice %arg4[%add3A, %dma_start3A_45, %dma_start3A_46] : memref<32x81x128xi32, #tpu.memory_space<hbm>> -> memref<1x81x128xi32, #tpu.memory_space<hbm>>
      %dma_start3A_48 = tpu.memref_squeeze %dma_start3A_47 : memref<1x81x128xi32, #tpu.memory_space<hbm>> -> memref<81x128xi32, #tpu.memory_space<hbm>>
      tpu.enqueue_dma source(%dma_start3A_48 : memref<81x128xi32, #tpu.memory_space<hbm>>) target(%arg8 : memref<81x128xi32, #tpu.memory_space<vmem>>) target_semaphore(%run_scoped3A : memref<!tpu.dma_semaphore, #tpu.memory_space<semaphore_mem>>)
      %dma_wait3A_49 = arith.constant 0 : i32
      %dma_wait3A_50 = arith.constant 0 : i32
      %dma_wait3A_51 = tpu.memref_slice %arg4[%add3A, %dma_wait3A_49, %dma_wait3A_50] : memref<32x81x128xi32, #tpu.memory_space<hbm>> -> memref<1x81x128xi32, #tpu.memory_space<hbm>>
      %dma_wait3A_52 = tpu.memref_squeeze %dma_wait3A_51 : memref<1x81x128xi32, #tpu.memory_space<hbm>> -> memref<81x128xi32, #tpu.memory_space<hbm>>
      %dma_wait3A_53 = arith.constant 0 : i32
      %dma_wait3A_54 = arith.constant 0 : i32
      %dma_wait3A_55 = tpu.memref_slice %arg4[%add3A, %dma_wait3A_53, %dma_wait3A_54] : memref<32x81x128xi32, #tpu.memory_space<hbm>> -> memref<1x81x128xi32, #tpu.memory_space<hbm>>
      %dma_wait3A_56 = tpu.memref_squeeze %dma_wait3A_55 : memref<1x81x128xi32, #tpu.memory_space<hbm>> -> memref<81x128xi32, #tpu.memory_space<hbm>>
      tpu.wait_dma2 semaphore(%run_scoped3A : memref<!tpu.dma_semaphore, #tpu.memory_space<semaphore_mem>>) src(%dma_wait3A_56 : memref<81x128xi32, #tpu.memory_space<hbm>>) dst(%arg8 : memref<81x128xi32, #tpu.memory_space<vmem>>)
      tpu.yield
    }) : () -> ()
    %dma_start3A = arith.constant 0 : i32
    %dma_start3A_1 = arith.constant 0 : i32
    %dma_start3A_2 = tpu.memref_slice %arg7[%dma_start3A, %dma_start3A_1] : memref<81x128xi32, #tpu.memory_space<vmem>> -> memref<1x128xi32, #tpu.memory_space<vmem>>
    %dma_start3A_3 = tpu.memref_squeeze %dma_start3A_2 : memref<1x128xi32, #tpu.memory_space<vmem>> -> memref<128xi32, #tpu.memory_space<vmem>>
    %dma_start3A_4 = arith.constant 0 : i32
    %dma_start3A_5 = arith.constant 0 : i32
    %dma_start3A_6 = tpu.memref_slice %arg2[%dma_start3A_4, %dma_start3A_5] : memref<10000x128xf32, #tpu.memory_space<hbm>> -> memref<10000x128xf32, #tpu.memory_space<hbm>>
    tpu.enqueue_indirect_dma source(%dma_start3A_6 : memref<10000x128xf32, #tpu.memory_space<hbm>>) target(%arg9 : memref<128x128xf32, #tpu.memory_space<vmem>>) offsets(%dma_start3A_3 : memref<128xi32, #tpu.memory_space<vmem>>) semaphore(%arg13 : memref<!tpu.dma_semaphore, #tpu.memory_space<semaphore_mem>>)
    %dma_start3A_7 = arith.constant 0 : i32
    %dma_start3A_8 = arith.constant 0 : i32
    %dma_start3A_9 = tpu.memref_slice %arg8[%dma_start3A_7, %dma_start3A_8] : memref<81x128xi32, #tpu.memory_space<vmem>> -> memref<1x128xi32, #tpu.memory_space<vmem>>
    %dma_start3A_10 = tpu.memref_squeeze %dma_start3A_9 : memref<1x128xi32, #tpu.memory_space<vmem>> -> memref<128xi32, #tpu.memory_space<vmem>>
    %dma_start3A_11 = arith.constant 0 : i32
    %dma_start3A_12 = arith.constant 0 : i32
    %dma_start3A_13 = tpu.memref_slice %arg2[%dma_start3A_11, %dma_start3A_12] : memref<10000x128xf32, #tpu.memory_space<hbm>> -> memref<10000x128xf32, #tpu.memory_space<hbm>>
    tpu.enqueue_indirect_dma source(%dma_start3A_13 : memref<10000x128xf32, #tpu.memory_space<hbm>>) target(%arg10 : memref<128x128xf32, #tpu.memory_space<vmem>>) offsets(%dma_start3A_10 : memref<128xi32, #tpu.memory_space<vmem>>) semaphore(%arg14 : memref<!tpu.dma_semaphore, #tpu.memory_space<semaphore_mem>>)
    %scan3A = arith.constant 0 : i32
    %scan3A_14 = arith.constant 0 : i32
    %scan3A_15 = arith.constant 40 : i32
    %scan3A_16 = arith.addi %scan3A_14, %scan3A_15 : i32
    %scan3A_17 = arith.constant 1 : i32
    %scan3A_18 = scf.for %scan3A_41 = %scan3A_14 to %scan3A_16 step %scan3A_17 iter_args(%scan3A_42 = %scan3A) -> (i32)  : i32 {
      %mul3A_43 = arith.constant 2 : i32
      %mul3A_44 = arith.muli %mul3A_43, %scan3A_41 : i32
      %add3A_45 = arith.constant 1 : i32
      %add3A_46 = arith.addi %mul3A_44, %add3A_45 : i32
      %add3A_47 = arith.constant 2 : i32
      %add3A_48 = arith.addi %mul3A_44, %add3A_47 : i32
      %dma_start3A_49 = arith.constant 0 : i32
      %dma_start3A_50 = tpu.memref_slice %arg7[%add3A_46, %dma_start3A_49] : memref<81x128xi32, #tpu.memory_space<vmem>> -> memref<1x128xi32, #tpu.memory_space<vmem>>
      %dma_start3A_51 = tpu.memref_squeeze %dma_start3A_50 : memref<1x128xi32, #tpu.memory_space<vmem>> -> memref<128xi32, #tpu.memory_space<vmem>>
      %dma_start3A_52 = arith.constant 0 : i32
      %dma_start3A_53 = arith.constant 0 : i32
      %dma_start3A_54 = tpu.memref_slice %arg2[%dma_start3A_52, %dma_start3A_53] : memref<10000x128xf32, #tpu.memory_space<hbm>> -> memref<10000x128xf32, #tpu.memory_space<hbm>>
      tpu.enqueue_indirect_dma source(%dma_start3A_54 : memref<10000x128xf32, #tpu.memory_space<hbm>>) target(%arg11 : memref<128x128xf32, #tpu.memory_space<vmem>>) offsets(%dma_start3A_51 : memref<128xi32, #tpu.memory_space<vmem>>) semaphore(%arg15 : memref<!tpu.dma_semaphore, #tpu.memory_space<semaphore_mem>>)
      %dma_start3A_55 = arith.constant 0 : i32
      %dma_start3A_56 = tpu.memref_slice %arg8[%add3A_46, %dma_start3A_55] : memref<81x128xi32, #tpu.memory_space<vmem>> -> memref<1x128xi32, #tpu.memory_space<vmem>>
      %dma_start3A_57 = tpu.memref_squeeze %dma_start3A_56 : memref<1x128xi32, #tpu.memory_space<vmem>> -> memref<128xi32, #tpu.memory_space<vmem>>
      %dma_start3A_58 = arith.constant 0 : i32
      %dma_start3A_59 = arith.constant 0 : i32
      %dma_start3A_60 = tpu.memref_slice %arg2[%dma_start3A_58, %dma_start3A_59] : memref<10000x128xf32, #tpu.memory_space<hbm>> -> memref<10000x128xf32, #tpu.memory_space<hbm>>
      tpu.enqueue_indirect_dma source(%dma_start3A_60 : memref<10000x128xf32, #tpu.memory_space<hbm>>) target(%arg12 : memref<128x128xf32, #tpu.memory_space<vmem>>) offsets(%dma_start3A_57 : memref<128xi32, #tpu.memory_space<vmem>>) semaphore(%arg16 : memref<!tpu.dma_semaphore, #tpu.memory_space<semaphore_mem>>)
      %dma_wait3A_61 = arith.constant 0 : i32
      %dma_wait3A_62 = tpu.memref_slice %arg7[%mul3A_44, %dma_wait3A_61] : memref<81x128xi32, #tpu.memory_space<vmem>> -> memref<1x128xi32, #tpu.memory_space<vmem>>
      %dma_wait3A_63 = tpu.memref_squeeze %dma_wait3A_62 : memref<1x128xi32, #tpu.memory_space<vmem>> -> memref<128xi32, #tpu.memory_space<vmem>>
      %dma_wait3A_64 = arith.constant 0 : i32
      %dma_wait3A_65 = arith.constant 0 : i32
      %dma_wait3A_66 = tpu.memref_slice %arg2[%dma_wait3A_64, %dma_wait3A_65] : memref<10000x128xf32, #tpu.memory_space<hbm>> -> memref<10000x128xf32, #tpu.memory_space<hbm>>
      tpu.wait_indirect_dma semaphore(%arg13 : memref<!tpu.dma_semaphore, #tpu.memory_space<semaphore_mem>>) src(%dma_wait3A_66 : memref<10000x128xf32, #tpu.memory_space<hbm>>) dst(%arg9 : memref<128x128xf32, #tpu.memory_space<vmem>>)
      %dma_wait3A_67 = arith.constant 0 : i32
      %dma_wait3A_68 = tpu.memref_slice %arg8[%mul3A_44, %dma_wait3A_67] : memref<81x128xi32, #tpu.memory_space<vmem>> -> memref<1x128xi32, #tpu.memory_space<vmem>>
      %dma_wait3A_69 = tpu.memref_squeeze %dma_wait3A_68 : memref<1x128xi32, #tpu.memory_space<vmem>> -> memref<128xi32, #tpu.memory_space<vmem>>
      %dma_wait3A_70 = arith.constant 0 : i32
      %dma_wait3A_71 = arith.constant 0 : i32
      %dma_wait3A_72 = tpu.memref_slice %arg2[%dma_wait3A_70, %dma_wait3A_71] : memref<10000x128xf32, #tpu.memory_space<hbm>> -> memref<10000x128xf32, #tpu.memory_space<hbm>>
      tpu.wait_indirect_dma semaphore(%arg14 : memref<!tpu.dma_semaphore, #tpu.memory_space<semaphore_mem>>) src(%dma_wait3A_72 : memref<10000x128xf32, #tpu.memory_space<hbm>>) dst(%arg10 : memref<128x128xf32, #tpu.memory_space<vmem>>)
      %mul3A_73 = arith.constant 10368 : i32
      %mul3A_74 = arith.muli %add3A, %mul3A_73 : i32
      %mul3A_75 = arith.constant 128 : i32
      %mul3A_76 = arith.muli %mul3A_44, %mul3A_75 : i32
      %add3A_77 = arith.addi %mul3A_74, %mul3A_76 : i32
      "tpu.region"() ({
        %run_scoped3A = tpu.sem_alloc : memref<!tpu.dma_semaphore, #tpu.memory_space<semaphore_mem>>
        %dma_start3A_118 = arith.constant 0 : i32
        %dma_start3A_119 = tpu.memref_slice %arg5[%add3A_77, %dma_start3A_118] : memref<331776x128xf32, #tpu.memory_space<hbm>> -> memref<128x128xf32, #tpu.memory_space<hbm>>
        %dma_start3A_120 = arith.constant 0 : i32
        %dma_start3A_121 = tpu.memref_slice %arg5[%add3A_77, %dma_start3A_120] : memref<331776x128xf32, #tpu.memory_space<hbm>> -> memref<128x128xf32, #tpu.memory_space<hbm>>
        tpu.enqueue_dma source(%arg9 : memref<128x128xf32, #tpu.memory_space<vmem>>) target(%dma_start3A_121 : memref<128x128xf32, #tpu.memory_space<hbm>>) target_semaphore(%run_scoped3A : memref<!tpu.dma_semaphore, #tpu.memory_space<semaphore_mem>>)
        %dma_wait3A_122 = arith.constant 0 : i32
        %dma_wait3A_123 = tpu.memref_slice %arg5[%add3A_77, %dma_wait3A_122] : memref<331776x128xf32, #tpu.memory_space<hbm>> -> memref<128x128xf32, #tpu.memory_space<hbm>>
        %dma_wait3A_124 = arith.constant 0 : i32
        %dma_wait3A_125 = tpu.memref_slice %arg5[%add3A_77, %dma_wait3A_124] : memref<331776x128xf32, #tpu.memory_space<hbm>> -> memref<128x128xf32, #tpu.memory_space<hbm>>
        tpu.wait_dma2 semaphore(%run_scoped3A : memref<!tpu.dma_semaphore, #tpu.memory_space<semaphore_mem>>) src(%arg9 : memref<128x128xf32, #tpu.memory_space<vmem>>) dst(%dma_wait3A_125 : memref<128x128xf32, #tpu.memory_space<hbm>>)
        tpu.yield
      }) : () -> ()
      %mul3A_78 = arith.constant 10368 : i32
      %mul3A_79 = arith.muli %add3A, %mul3A_78 : i32
      %mul3A_80 = arith.constant 128 : i32
      %mul3A_81 = arith.muli %mul3A_44, %mul3A_80 : i32
      %add3A_82 = arith.addi %mul3A_79, %mul3A_81 : i32
      "tpu.region"() ({
        %run_scoped3A = tpu.sem_alloc : memref<!tpu.dma_semaphore, #tpu.memory_space<semaphore_mem>>
        %dma_start3A_118 = arith.constant 0 : i32
        %dma_start3A_119 = tpu.memref_slice %arg6[%add3A_82, %dma_start3A_118] : memref<331776x128xf32, #tpu.memory_space<hbm>> -> memref<128x128xf32, #tpu.memory_space<hbm>>
        %dma_start3A_120 = arith.constant 0 : i32
        %dma_start3A_121 = tpu.memref_slice %arg6[%add3A_82, %dma_start3A_120] : memref<331776x128xf32, #tpu.memory_space<hbm>> -> memref<128x128xf32, #tpu.memory_space<hbm>>
        tpu.enqueue_dma source(%arg10 : memref<128x128xf32, #tpu.memory_space<vmem>>) target(%dma_start3A_121 : memref<128x128xf32, #tpu.memory_space<hbm>>) target_semaphore(%run_scoped3A : memref<!tpu.dma_semaphore, #tpu.memory_space<semaphore_mem>>)
        %dma_wait3A_122 = arith.constant 0 : i32
        %dma_wait3A_123 = tpu.memref_slice %arg6[%add3A_82, %dma_wait3A_122] : memref<331776x128xf32, #tpu.memory_space<hbm>> -> memref<128x128xf32, #tpu.memory_space<hbm>>
        %dma_wait3A_124 = arith.constant 0 : i32
        %dma_wait3A_125 = tpu.memref_slice %arg6[%add3A_82, %dma_wait3A_124] : memref<331776x128xf32, #tpu.memory_space<hbm>> -> memref<128x128xf32, #tpu.memory_space<hbm>>
        tpu.wait_dma2 semaphore(%run_scoped3A : memref<!tpu.dma_semaphore, #tpu.memory_space<semaphore_mem>>) src(%arg10 : memref<128x128xf32, #tpu.memory_space<vmem>>) dst(%dma_wait3A_125 : memref<128x128xf32, #tpu.memory_space<hbm>>)
        tpu.yield
      }) : () -> ()
      %dma_start3A_83 = arith.constant 0 : i32
      %dma_start3A_84 = tpu.memref_slice %arg7[%add3A_48, %dma_start3A_83] : memref<81x128xi32, #tpu.memory_space<vmem>> -> memref<1x128xi32, #tpu.memory_space<vmem>>
      %dma_start3A_85 = tpu.memref_squeeze %dma_start3A_84 : memref<1x128xi32, #tpu.memory_space<vmem>> -> memref<128xi32, #tpu.memory_space<vmem>>
      %dma_start3A_86 = arith.constant 0 : i32
      %dma_start3A_87 = arith.constant 0 : i32
      %dma_start3A_88 = tpu.memref_slice %arg2[%dma_start3A_86, %dma_start3A_87] : memref<10000x128xf32, #tpu.memory_space<hbm>> -> memref<10000x128xf32, #tpu.memory_space<hbm>>
      tpu.enqueue_indirect_dma source(%dma_start3A_88 : memref<10000x128xf32, #tpu.memory_space<hbm>>) target(%arg9 : memref<128x128xf32, #tpu.memory_space<vmem>>) offsets(%dma_start3A_85 : memref<128xi32, #tpu.memory_space<vmem>>) semaphore(%arg13 : memref<!tpu.dma_semaphore, #tpu.memory_space<semaphore_mem>>)
      %dma_start3A_89 = arith.constant 0 : i32
      %dma_start3A_90 = tpu.memref_slice %arg8[%add3A_48, %dma_start3A_89] : memref<81x128xi32, #tpu.memory_space<vmem>> -> memref<1x128xi32, #tpu.memory_space<vmem>>
      %dma_start3A_91 = tpu.memref_squeeze %dma_start3A_90 : memref<1x128xi32, #tpu.memory_space<vmem>> -> memref<128xi32, #tpu.memory_space<vmem>>
      %dma_start3A_92 = arith.constant 0 : i32
      %dma_start3A_93 = arith.constant 0 : i32
      %dma_start3A_94 = tpu.memref_slice %arg2[%dma_start3A_92, %dma_start3A_93] : memref<10000x128xf32, #tpu.memory_space<hbm>> -> memref<10000x128xf32, #tpu.memory_space<hbm>>
      tpu.enqueue_indirect_dma source(%dma_start3A_94 : memref<10000x128xf32, #tpu.memory_space<hbm>>) target(%arg10 : memref<128x128xf32, #tpu.memory_space<vmem>>) offsets(%dma_start3A_91 : memref<128xi32, #tpu.memory_space<vmem>>) semaphore(%arg14 : memref<!tpu.dma_semaphore, #tpu.memory_space<semaphore_mem>>)
      %dma_wait3A_95 = arith.constant 0 : i32
      %dma_wait3A_96 = tpu.memref_slice %arg7[%add3A_46, %dma_wait3A_95] : memref<81x128xi32, #tpu.memory_space<vmem>> -> memref<1x128xi32, #tpu.memory_space<vmem>>
      %dma_wait3A_97 = tpu.memref_squeeze %dma_wait3A_96 : memref<1x128xi32, #tpu.memory_space<vmem>> -> memref<128xi32, #tpu.memory_space<vmem>>
      %dma_wait3A_98 = arith.constant 0 : i32
      %dma_wait3A_99 = arith.constant 0 : i32
      %dma_wait3A_100 = tpu.memref_slice %arg2[%dma_wait3A_98, %dma_wait3A_99] : memref<10000x128xf32, #tpu.memory_space<hbm>> -> memref<10000x128xf32, #tpu.memory_space<hbm>>
      tpu.wait_indirect_dma semaphore(%arg15 : memref<!tpu.dma_semaphore, #tpu.memory_space<semaphore_mem>>) src(%dma_wait3A_100 : memref<10000x128xf32, #tpu.memory_space<hbm>>) dst(%arg11 : memref<128x128xf32, #tpu.memory_space<vmem>>)
      %dma_wait3A_101 = arith.constant 0 : i32
      %dma_wait3A_102 = tpu.memref_slice %arg8[%add3A_46, %dma_wait3A_101] : memref<81x128xi32, #tpu.memory_space<vmem>> -> memref<1x128xi32, #tpu.memory_space<vmem>>
      %dma_wait3A_103 = tpu.memref_squeeze %dma_wait3A_102 : memref<1x128xi32, #tpu.memory_space<vmem>> -> memref<128xi32, #tpu.memory_space<vmem>>
      %dma_wait3A_104 = arith.constant 0 : i32
      %dma_wait3A_105 = arith.constant 0 : i32
      %dma_wait3A_106 = tpu.memref_slice %arg2[%dma_wait3A_104, %dma_wait3A_105] : memref<10000x128xf32, #tpu.memory_space<hbm>> -> memref<10000x128xf32, #tpu.memory_space<hbm>>
      tpu.wait_indirect_dma semaphore(%arg16 : memref<!tpu.dma_semaphore, #tpu.memory_space<semaphore_mem>>) src(%dma_wait3A_106 : memref<10000x128xf32, #tpu.memory_space<hbm>>) dst(%arg12 : memref<128x128xf32, #tpu.memory_space<vmem>>)
      %mul3A_107 = arith.constant 10368 : i32
      %mul3A_108 = arith.muli %add3A, %mul3A_107 : i32
      %mul3A_109 = arith.constant 128 : i32
      %mul3A_110 = arith.muli %add3A_46, %mul3A_109 : i32
      %add3A_111 = arith.addi %mul3A_108, %mul3A_110 : i32
      "tpu.region"() ({
        %run_scoped3A = tpu.sem_alloc : memref<!tpu.dma_semaphore, #tpu.memory_space<semaphore_mem>>
        %dma_start3A_118 = arith.constant 0 : i32
        %dma_start3A_119 = tpu.memref_slice %arg5[%add3A_111, %dma_start3A_118] : memref<331776x128xf32, #tpu.memory_space<hbm>> -> memref<128x128xf32, #tpu.memory_space<hbm>>
        %dma_start3A_120 = arith.constant 0 : i32
        %dma_start3A_121 = tpu.memref_slice %arg5[%add3A_111, %dma_start3A_120] : memref<331776x128xf32, #tpu.memory_space<hbm>> -> memref<128x128xf32, #tpu.memory_space<hbm>>
        tpu.enqueue_dma source(%arg11 : memref<128x128xf32, #tpu.memory_space<vmem>>) target(%dma_start3A_121 : memref<128x128xf32, #tpu.memory_space<hbm>>) target_semaphore(%run_scoped3A : memref<!tpu.dma_semaphore, #tpu.memory_space<semaphore_mem>>)
        %dma_wait3A_122 = arith.constant 0 : i32
        %dma_wait3A_123 = tpu.memref_slice %arg5[%add3A_111, %dma_wait3A_122] : memref<331776x128xf32, #tpu.memory_space<hbm>> -> memref<128x128xf32, #tpu.memory_space<hbm>>
        %dma_wait3A_124 = arith.constant 0 : i32
        %dma_wait3A_125 = tpu.memref_slice %arg5[%add3A_111, %dma_wait3A_124] : memref<331776x128xf32, #tpu.memory_space<hbm>> -> memref<128x128xf32, #tpu.memory_space<hbm>>
        tpu.wait_dma2 semaphore(%run_scoped3A : memref<!tpu.dma_semaphore, #tpu.memory_space<semaphore_mem>>) src(%arg11 : memref<128x128xf32, #tpu.memory_space<vmem>>) dst(%dma_wait3A_125 : memref<128x128xf32, #tpu.memory_space<hbm>>)
        tpu.yield
      }) : () -> ()
      %mul3A_112 = arith.constant 10368 : i32
      %mul3A_113 = arith.muli %add3A, %mul3A_112 : i32
      %mul3A_114 = arith.constant 128 : i32
      %mul3A_115 = arith.muli %add3A_46, %mul3A_114 : i32
      %add3A_116 = arith.addi %mul3A_113, %mul3A_115 : i32
      "tpu.region"() ({
        %run_scoped3A = tpu.sem_alloc : memref<!tpu.dma_semaphore, #tpu.memory_space<semaphore_mem>>
        %dma_start3A_118 = arith.constant 0 : i32
        %dma_start3A_119 = tpu.memref_slice %arg6[%add3A_116, %dma_start3A_118] : memref<331776x128xf32, #tpu.memory_space<hbm>> -> memref<128x128xf32, #tpu.memory_space<hbm>>
        %dma_start3A_120 = arith.constant 0 : i32
        %dma_start3A_121 = tpu.memref_slice %arg6[%add3A_116, %dma_start3A_120] : memref<331776x128xf32, #tpu.memory_space<hbm>> -> memref<128x128xf32, #tpu.memory_space<hbm>>
        tpu.enqueue_dma source(%arg12 : memref<128x128xf32, #tpu.memory_space<vmem>>) target(%dma_start3A_121 : memref<128x128xf32, #tpu.memory_space<hbm>>) target_semaphore(%run_scoped3A : memref<!tpu.dma_semaphore, #tpu.memory_space<semaphore_mem>>)
        %dma_wait3A_122 = arith.constant 0 : i32
        %dma_wait3A_123 = tpu.memref_slice %arg6[%add3A_116, %dma_wait3A_122] : memref<331776x128xf32, #tpu.memory_space<hbm>> -> memref<128x128xf32, #tpu.memory_space<hbm>>
        %dma_wait3A_124 = arith.constant 0 : i32
        %dma_wait3A_125 = tpu.memref_slice %arg6[%add3A_116, %dma_wait3A_124] : memref<331776x128xf32, #tpu.memory_space<hbm>> -> memref<128x128xf32, #tpu.memory_space<hbm>>
        tpu.wait_dma2 semaphore(%run_scoped3A : memref<!tpu.dma_semaphore, #tpu.memory_space<semaphore_mem>>) src(%arg12 : memref<128x128xf32, #tpu.memory_space<vmem>>) dst(%dma_wait3A_125 : memref<128x128xf32, #tpu.memory_space<hbm>>)
        tpu.yield
      }) : () -> ()
      %scan3A_117 = arith.constant 0 : i32
      scf.yield %scan3A_117 : i32
    }
    %scan3A_19 = arith.constant 40 : i32
    %dma_wait3A = arith.constant 80 : i32
    %dma_wait3A_20 = arith.constant 0 : i32
    %dma_wait3A_21 = tpu.memref_slice %arg7[%dma_wait3A, %dma_wait3A_20] : memref<81x128xi32, #tpu.memory_space<vmem>> -> memref<1x128xi32, #tpu.memory_space<vmem>>
    %dma_wait3A_22 = tpu.memref_squeeze %dma_wait3A_21 : memref<1x128xi32, #tpu.memory_space<vmem>> -> memref<128xi32, #tpu.memory_space<vmem>>
    %dma_wait3A_23 = arith.constant 0 : i32
    %dma_wait3A_24 = arith.constant 0 : i32
    %dma_wait3A_25 = tpu.memref_slice %arg2[%dma_wait3A_23, %dma_wait3A_24] : memref<10000x128xf32, #tpu.memory_space<hbm>> -> memref<10000x128xf32, #tpu.memory_space<hbm>>
    tpu.wait_indirect_dma semaphore(%arg13 : memref<!tpu.dma_semaphore, #tpu.memory_space<semaphore_mem>>) src(%dma_wait3A_25 : memref<10000x128xf32, #tpu.memory_space<hbm>>) dst(%arg9 : memref<128x128xf32, #tpu.memory_space<vmem>>)
    %dma_wait3A_26 = arith.constant 80 : i32
    %dma_wait3A_27 = arith.constant 0 : i32
    %dma_wait3A_28 = tpu.memref_slice %arg8[%dma_wait3A_26, %dma_wait3A_27] : memref<81x128xi32, #tpu.memory_space<vmem>> -> memref<1x128xi32, #tpu.memory_space<vmem>>
    %dma_wait3A_29 = tpu.memref_squeeze %dma_wait3A_28 : memref<1x128xi32, #tpu.memory_space<vmem>> -> memref<128xi32, #tpu.memory_space<vmem>>
    %dma_wait3A_30 = arith.constant 0 : i32
    %dma_wait3A_31 = arith.constant 0 : i32
    %dma_wait3A_32 = tpu.memref_slice %arg2[%dma_wait3A_30, %dma_wait3A_31] : memref<10000x128xf32, #tpu.memory_space<hbm>> -> memref<10000x128xf32, #tpu.memory_space<hbm>>
    tpu.wait_indirect_dma semaphore(%arg14 : memref<!tpu.dma_semaphore, #tpu.memory_space<semaphore_mem>>) src(%dma_wait3A_32 : memref<10000x128xf32, #tpu.memory_space<hbm>>) dst(%arg10 : memref<128x128xf32, #tpu.memory_space<vmem>>)
    %mul3A_33 = arith.constant 10368 : i32
    %mul3A_34 = arith.muli %add3A, %mul3A_33 : i32
    %add3A_35 = arith.constant 10240 : i32
    %add3A_36 = arith.addi %mul3A_34, %add3A_35 : i32
    "tpu.region"() ({
      %run_scoped3A = tpu.sem_alloc : memref<!tpu.dma_semaphore, #tpu.memory_space<semaphore_mem>>
      %dma_start3A_41 = arith.constant 0 : i32
      %dma_start3A_42 = tpu.memref_slice %arg5[%add3A_36, %dma_start3A_41] : memref<331776x128xf32, #tpu.memory_space<hbm>> -> memref<128x128xf32, #tpu.memory_space<hbm>>
      %dma_start3A_43 = arith.constant 0 : i32
      %dma_start3A_44 = tpu.memref_slice %arg5[%add3A_36, %dma_start3A_43] : memref<331776x128xf32, #tpu.memory_space<hbm>> -> memref<128x128xf32, #tpu.memory_space<hbm>>
      tpu.enqueue_dma source(%arg9 : memref<128x128xf32, #tpu.memory_space<vmem>>) target(%dma_start3A_44 : memref<128x128xf32, #tpu.memory_space<hbm>>) target_semaphore(%run_scoped3A : memref<!tpu.dma_semaphore, #tpu.memory_space<semaphore_mem>>)
      %dma_wait3A_45 = arith.constant 0 : i32
      %dma_wait3A_46 = tpu.memref_slice %arg5[%add3A_36, %dma_wait3A_45] : memref<331776x128xf32, #tpu.memory_space<hbm>> -> memref<128x128xf32, #tpu.memory_space<hbm>>
      %dma_wait3A_47 = arith.constant 0 : i32
      %dma_wait3A_48 = tpu.memref_slice %arg5[%add3A_36, %dma_wait3A_47] : memref<331776x128xf32, #tpu.memory_space<hbm>> -> memref<128x128xf32, #tpu.memory_space<hbm>>
      tpu.wait_dma2 semaphore(%run_scoped3A : memref<!tpu.dma_semaphore, #tpu.memory_space<semaphore_mem>>) src(%arg9 : memref<128x128xf32, #tpu.memory_space<vmem>>) dst(%dma_wait3A_48 : memref<128x128xf32, #tpu.memory_space<hbm>>)
      tpu.yield
    }) : () -> ()
    %mul3A_37 = arith.constant 10368 : i32
    %mul3A_38 = arith.muli %add3A, %mul3A_37 : i32
    %add3A_39 = arith.constant 10240 : i32
    %add3A_40 = arith.addi %mul3A_38, %add3A_39 : i32
    "tpu.region"() ({
      %run_scoped3A = tpu.sem_alloc : memref<!tpu.dma_semaphore, #tpu.memory_space<semaphore_mem>>
      %dma_start3A_41 = arith.constant 0 : i32
      %dma_start3A_42 = tpu.memref_slice %arg6[%add3A_40, %dma_start3A_41] : memref<331776x128xf32, #tpu.memory_space<hbm>> -> memref<128x128xf32, #tpu.memory_space<hbm>>
      %dma_start3A_43 = arith.constant 0 : i32
      %dma_start3A_44 = tpu.memref_slice %arg6[%add3A_40, %dma_start3A_43] : memref<331776x128xf32, #tpu.memory_space<hbm>> -> memref<128x128xf32, #tpu.memory_space<hbm>>
      tpu.enqueue_dma source(%arg10 : memref<128x128xf32, #tpu.memory_space<vmem>>) target(%dma_start3A_44 : memref<128x128xf32, #tpu.memory_space<hbm>>) target_semaphore(%run_scoped3A : memref<!tpu.dma_semaphore, #tpu.memory_space<semaphore_mem>>)
      %dma_wait3A_45 = arith.constant 0 : i32
      %dma_wait3A_46 = tpu.memref_slice %arg6[%add3A_40, %dma_wait3A_45] : memref<331776x128xf32, #tpu.memory_space<hbm>> -> memref<128x128xf32, #tpu.memory_space<hbm>>
      %dma_wait3A_47 = arith.constant 0 : i32
      %dma_wait3A_48 = tpu.memref_slice %arg6[%add3A_40, %dma_wait3A_47] : memref<331776x128xf32, #tpu.memory_space<hbm>> -> memref<128x128xf32, #tpu.memory_space<hbm>>
      tpu.wait_dma2 semaphore(%run_scoped3A : memref<!tpu.dma_semaphore, #tpu.memory_space<semaphore_mem>>) src(%arg10 : memref<128x128xf32, #tpu.memory_space<vmem>>) dst(%dma_wait3A_48 : memref<128x128xf32, #tpu.memory_space<hbm>>)
      tpu.yield
    }) : () -> ()
    return
  }
}

#map = affine_map<(d0, d1) -> (0, 0)>
#map1 = affine_map<(d0, d1) -> (0, 0, 0)>
module attributes {stable_mosaic.version = 14 : i64} {
  func.func @scatter_add(%arg0: i32, %arg1: i32, %arg2: memref<331776x128xf32, #tpu.memory_space<hbm>>, %arg3: memref<32x81x128xi32, #tpu.memory_space<hbm>>, %arg4: memref<10368x128xf32, #tpu.memory_space<hbm>>, %arg5: memref<10368x128xf32, #tpu.memory_space<hbm>>, %arg6: memref<81x128xi32, #tpu.memory_space<vmem>>, %arg7: memref<128x128xf32, #tpu.memory_space<vmem>>, %arg8: memref<128x128xf32, #tpu.memory_space<vmem>>, %arg9: memref<10368x128xf32, #tpu.memory_space<vmem_shared>>, %arg10: memref<!tpu.dma_semaphore, #tpu.memory_space<semaphore_mem>>, %arg11: memref<!tpu.dma_semaphore, #tpu.memory_space<semaphore_mem>>) attributes {dimension_semantics = [#tpu.dimension_semantics<core_parallel>, #tpu.dimension_semantics<subcore_parallel>], iteration_bounds = array<i64: 2, 16>, scalar_prefetch = 0 : i64, scratch_operands = 6 : i64, tpu.core_type = #tpu.core_type<sc_vector_subcore>, window_params = [{transform_indices = #map}, {transform_indices = #map1}, {transform_indices = #map}, {transform_indices = #map}]} {
    %mul3A = arith.constant 2 : i32
    %mul3A_0 = arith.muli %arg1, %mul3A : i32
    %add3A = arith.addi %mul3A_0, %arg0 : i32
    %broadcast_in_dim3A = arith.constant 0.000000e+00 : f32
    %broadcast_in_dim3A_1 = vector.broadcast %broadcast_in_dim3A : f32 to vector<16xf32>
    %scan3A = arith.constant 0 : i32
    %scan3A_2 = arith.constant 0 : i32
    %scan3A_3 = arith.constant 1024 : i32
    %scan3A_4 = arith.addi %scan3A_2, %scan3A_3 : i32
    %scan3A_5 = arith.constant 1 : i32
    %scan3A_6 = scf.for %scan3A_44 = %scan3A_2 to %scan3A_4 step %scan3A_5 iter_args(%scan3A_45 = %scan3A) -> (i32)  : i32 {
      %jit3A = arith.constant 8 : i32
      %div3A = arith.divsi %scan3A_44, %jit3A : i32
      %sign3A = arith.constant 0 : i32
      %sign3A_46 = arith.cmpi sgt, %scan3A_44, %sign3A : i32
      %sign3A_47 = arith.extui %sign3A_46 : i1 to i32
      %sign3A_48 = arith.constant 0 : i32
      %sign3A_49 = arith.cmpi slt, %scan3A_44, %sign3A_48 : i32
      %sign3A_50 = arith.extui %sign3A_49 : i1 to i32
      %sign3A_51 = arith.subi %sign3A_47, %sign3A_50 : i32
      %sign3A_52 = arith.constant 0 : i32
      %sign3A_53 = arith.cmpi sgt, %jit3A, %sign3A_52 : i32
      %sign3A_54 = arith.extui %sign3A_53 : i1 to i32
      %sign3A_55 = arith.constant 0 : i32
      %sign3A_56 = arith.cmpi slt, %jit3A, %sign3A_55 : i32
      %sign3A_57 = arith.extui %sign3A_56 : i1 to i32
      %sign3A_58 = arith.subi %sign3A_54, %sign3A_57 : i32
      %ne3A = arith.cmpi ne, %sign3A_51, %sign3A_58 : i32
      %rem3A = arith.remsi %scan3A_44, %jit3A : i32
      %ne3A_59 = arith.constant 0 : i32
      %ne3A_60 = arith.cmpi ne, %rem3A, %ne3A_59 : i32
      %and3A = arith.andi %ne3A, %ne3A_60 : i1
      %sub3A = arith.constant 1 : i32
      %sub3A_61 = arith.subi %div3A, %sub3A : i32
      %select_n3A = arith.select %and3A, %sub3A_61, %div3A : i32
      %jit3A_62 = arith.constant 8 : i32
      %eq3A = arith.constant 0 : i32
      %eq3A_63 = arith.cmpi eq, %jit3A_62, %eq3A : i32
      %jit3A_64 = arith.constant 1 : i32
      %select_n3A_65 = arith.select %eq3A_63, %jit3A_64, %jit3A_62 : i32
      %rem3A_66 = arith.remsi %scan3A_44, %select_n3A_65 : i32
      %ne3A_67 = arith.constant 0 : i32
      %ne3A_68 = arith.cmpi ne, %rem3A_66, %ne3A_67 : i32
      %lt3A = arith.constant 0 : i32
      %lt3A_69 = arith.cmpi slt, %rem3A_66, %lt3A : i32
      %lt3A_70 = arith.constant 0 : i32
      %lt3A_71 = arith.cmpi slt, %select_n3A_65, %lt3A_70 : i32
      %ne3A_72 = arith.xori %lt3A_69, %lt3A_71 : i1
      %and3A_73 = arith.andi %ne3A_72, %ne3A_68 : i1
      %add3A_74 = arith.addi %rem3A_66, %select_n3A_65 : i32
      %select_n3A_75 = arith.select %and3A_73, %add3A_74, %rem3A_66 : i32
      %mul3A_76 = arith.constant 16 : i32
      %mul3A_77 = arith.muli %select_n3A_75, %mul3A_76 : i32
      %swap3A = arith.index_cast %select_n3A : i32 to index
      %swap3A_78 = arith.index_cast %mul3A_77 : i32 to index
      %swap3A_79 = tpu.vector_load %arg7[%swap3A, %swap3A_78] {strides = array<i32>} : memref<128x128xf32, #tpu.memory_space<vmem>>, vector<1x16xf32>,
      %swap3A_80 = vector.shape_cast %swap3A_79 : vector<1x16xf32> to vector<16xf32>
      %swap3A_81 = vector.shape_cast %broadcast_in_dim3A_1 : vector<16xf32> to vector<1x16xf32>
      tpu.vector_store %arg7[%swap3A, %swap3A_78], %swap3A_81 {strides = array<i32>} : memref<128x128xf32, #tpu.memory_space<vmem>>, vector<1x16xf32>,
      %scan3A_82 = arith.constant 0 : i32
      scf.yield %scan3A_82 : i32
    }
    %scan3A_7 = arith.constant 1024 : i32
    %scan3A_8 = arith.constant 0 : i32
    %scan3A_9 = arith.constant 0 : i32
    %scan3A_10 = arith.constant 6 : i32
    %scan3A_11 = arith.addi %scan3A_9, %scan3A_10 : i32
    %scan3A_12 = arith.constant 1 : i32
    %scan3A_13 = scf.for %scan3A_44 = %scan3A_9 to %scan3A_11 step %scan3A_12 iter_args(%scan3A_45 = %scan3A_8) -> (i32)  : i32 {
      %mul3A_46 = arith.constant 16 : i32
      %mul3A_47 = arith.muli %scan3A_44, %mul3A_46 : i32
      %add3A_48 = arith.addi %arg1, %mul3A_47 : i32
      %lt3A = arith.constant 81 : i32
      %lt3A_49 = arith.cmpi slt, %add3A_48, %lt3A : i32
      %convert_element_type3A = arith.extui %lt3A_49 : i1 to i32
      %cond3A = arith.constant 0 : i32
      %cond3A_50 = arith.cmpi ne, %convert_element_type3A, %cond3A : i32
      scf.if %cond3A_50 {
        %mul3A_52 = arith.constant 128 : i32
        %mul3A_53 = arith.muli %add3A_48, %mul3A_52 : i32
        "tpu.region"() ({
          %run_scoped3A_54 = tpu.sem_alloc : memref<!tpu.dma_semaphore, #tpu.memory_space<semaphore_mem>>
          %dma_start3A_55 = arith.constant 0 : i32
          %dma_start3A_56 = tpu.memref_slice %arg9[%mul3A_53, %dma_start3A_55] : memref<10368x128xf32, #tpu.memory_space<vmem_shared>> -> memref<128x128xf32, #tpu.memory_space<vmem_shared>>
          %dma_start3A_57 = arith.constant 0 : i32
          %dma_start3A_58 = tpu.memref_slice %arg9[%mul3A_53, %dma_start3A_57] : memref<10368x128xf32, #tpu.memory_space<vmem_shared>> -> memref<128x128xf32, #tpu.memory_space<vmem_shared>>
          tpu.enqueue_dma source(%arg7 : memref<128x128xf32, #tpu.memory_space<vmem>>) target(%dma_start3A_58 : memref<128x128xf32, #tpu.memory_space<vmem_shared>>) target_semaphore(%run_scoped3A_54 : memref<!tpu.dma_semaphore, #tpu.memory_space<semaphore_mem>>)
          %dma_wait3A_59 = arith.constant 0 : i32
          %dma_wait3A_60 = tpu.memref_slice %arg9[%mul3A_53, %dma_wait3A_59] : memref<10368x128xf32, #tpu.memory_space<vmem_shared>> -> memref<128x128xf32, #tpu.memory_space<vmem_shared>>
          %dma_wait3A_61 = arith.constant 0 : i32
          %dma_wait3A_62 = tpu.memref_slice %arg9[%mul3A_53, %dma_wait3A_61] : memref<10368x128xf32, #tpu.memory_space<vmem_shared>> -> memref<128x128xf32, #tpu.memory_space<vmem_shared>>
          tpu.wait_dma2 semaphore(%run_scoped3A_54 : memref<!tpu.dma_semaphore, #tpu.memory_space<semaphore_mem>>) src(%arg7 : memref<128x128xf32, #tpu.memory_space<vmem>>) dst(%dma_wait3A_62 : memref<128x128xf32, #tpu.memory_space<vmem_shared>>)
          tpu.yield
        }) : () -> ()
      } else {
      }
      %scan3A_51 = arith.constant 0 : i32
      scf.yield %scan3A_51 : i32
    }
    %scan3A_14 = arith.constant 6 : i32
    %barrier3A = arith.constant 0 : index
    tpu.barrier barrier_id(%barrier3A)
    "tpu.region"() ({
      %run_scoped3A_44 = tpu.sem_alloc : memref<!tpu.dma_semaphore, #tpu.memory_space<semaphore_mem>>
      %dma_start3A_45 = arith.constant 0 : i32
      %dma_start3A_46 = arith.constant 0 : i32
      %dma_start3A_47 = tpu.memref_slice %arg3[%add3A, %dma_start3A_45, %dma_start3A_46] : memref<32x81x128xi32, #tpu.memory_space<hbm>> -> memref<1x81x128xi32, #tpu.memory_space<hbm>>
      %dma_start3A_48 = tpu.memref_squeeze %dma_start3A_47 : memref<1x81x128xi32, #tpu.memory_space<hbm>> -> memref<81x128xi32, #tpu.memory_space<hbm>>
      %dma_start3A_49 = arith.constant 0 : i32
      %dma_start3A_50 = arith.constant 0 : i32
      %dma_start3A_51 = tpu.memref_slice %arg3[%add3A, %dma_start3A_49, %dma_start3A_50] : memref<32x81x128xi32, #tpu.memory_space<hbm>> -> memref<1x81x128xi32, #tpu.memory_space<hbm>>
      %dma_start3A_52 = tpu.memref_squeeze %dma_start3A_51 : memref<1x81x128xi32, #tpu.memory_space<hbm>> -> memref<81x128xi32, #tpu.memory_space<hbm>>
      tpu.enqueue_dma source(%dma_start3A_52 : memref<81x128xi32, #tpu.memory_space<hbm>>) target(%arg6 : memref<81x128xi32, #tpu.memory_space<vmem>>) target_semaphore(%run_scoped3A_44 : memref<!tpu.dma_semaphore, #tpu.memory_space<semaphore_mem>>)
      %dma_wait3A_53 = arith.constant 0 : i32
      %dma_wait3A_54 = arith.constant 0 : i32
      %dma_wait3A_55 = tpu.memref_slice %arg3[%add3A, %dma_wait3A_53, %dma_wait3A_54] : memref<32x81x128xi32, #tpu.memory_space<hbm>> -> memref<1x81x128xi32, #tpu.memory_space<hbm>>
      %dma_wait3A_56 = tpu.memref_squeeze %dma_wait3A_55 : memref<1x81x128xi32, #tpu.memory_space<hbm>> -> memref<81x128xi32, #tpu.memory_space<hbm>>
      %dma_wait3A_57 = arith.constant 0 : i32
      %dma_wait3A_58 = arith.constant 0 : i32
      %dma_wait3A_59 = tpu.memref_slice %arg3[%add3A, %dma_wait3A_57, %dma_wait3A_58] : memref<32x81x128xi32, #tpu.memory_space<hbm>> -> memref<1x81x128xi32, #tpu.memory_space<hbm>>
      %dma_wait3A_60 = tpu.memref_squeeze %dma_wait3A_59 : memref<1x81x128xi32, #tpu.memory_space<hbm>> -> memref<81x128xi32, #tpu.memory_space<hbm>>
      tpu.wait_dma2 semaphore(%run_scoped3A_44 : memref<!tpu.dma_semaphore, #tpu.memory_space<semaphore_mem>>) src(%dma_wait3A_60 : memref<81x128xi32, #tpu.memory_space<hbm>>) dst(%arg6 : memref<81x128xi32, #tpu.memory_space<vmem>>)
      tpu.yield
    }) : () -> ()
    %mul3A_15 = arith.constant 10368 : i32
    %mul3A_16 = arith.muli %add3A, %mul3A_15 : i32
    %add3A_17 = arith.constant 0 : i32
    %add3A_18 = arith.addi %mul3A_16, %add3A_17 : i32
    %dma_start3A = arith.constant 0 : i32
    %dma_start3A_19 = tpu.memref_slice %arg2[%add3A_18, %dma_start3A] : memref<331776x128xf32, #tpu.memory_space<hbm>> -> memref<128x128xf32, #tpu.memory_space<hbm>>
    %dma_start3A_20 = arith.constant 0 : i32
    %dma_start3A_21 = tpu.memref_slice %arg2[%add3A_18, %dma_start3A_20] : memref<331776x128xf32, #tpu.memory_space<hbm>> -> memref<128x128xf32, #tpu.memory_space<hbm>>
    tpu.enqueue_dma source(%dma_start3A_21 : memref<128x128xf32, #tpu.memory_space<hbm>>) target(%arg7 : memref<128x128xf32, #tpu.memory_space<vmem>>) target_semaphore(%arg10 : memref<!tpu.dma_semaphore, #tpu.memory_space<semaphore_mem>>)
    %scan3A_22 = arith.constant 0 : i32
    %scan3A_23 = arith.constant 0 : i32
    %scan3A_24 = arith.constant 40 : i32
    %scan3A_25 = arith.addi %scan3A_23, %scan3A_24 : i32
    %scan3A_26 = arith.constant 1 : i32
    %scan3A_27 = scf.for %scan3A_44 = %scan3A_23 to %scan3A_25 step %scan3A_26 iter_args(%scan3A_45 = %scan3A_22) -> (i32)  : i32 {
      %mul3A_46 = arith.constant 2 : i32
      %mul3A_47 = arith.muli %mul3A_46, %scan3A_44 : i32
      %add3A_48 = arith.constant 1 : i32
      %add3A_49 = arith.addi %mul3A_47, %add3A_48 : i32
      %add3A_50 = arith.constant 2 : i32
      %add3A_51 = arith.addi %mul3A_47, %add3A_50 : i32
      %mul3A_52 = arith.constant 10368 : i32
      %mul3A_53 = arith.muli %add3A, %mul3A_52 : i32
      %mul3A_54 = arith.constant 128 : i32
      %mul3A_55 = arith.muli %add3A_49, %mul3A_54 : i32
      %add3A_56 = arith.addi %mul3A_53, %mul3A_55 : i32
      %dma_start3A_57 = arith.constant 0 : i32
      %dma_start3A_58 = tpu.memref_slice %arg2[%add3A_56, %dma_start3A_57] : memref<331776x128xf32, #tpu.memory_space<hbm>> -> memref<128x128xf32, #tpu.memory_space<hbm>>
      %dma_start3A_59 = arith.constant 0 : i32
      %dma_start3A_60 = tpu.memref_slice %arg2[%add3A_56, %dma_start3A_59] : memref<331776x128xf32, #tpu.memory_space<hbm>> -> memref<128x128xf32, #tpu.memory_space<hbm>>
      tpu.enqueue_dma source(%dma_start3A_60 : memref<128x128xf32, #tpu.memory_space<hbm>>) target(%arg8 : memref<128x128xf32, #tpu.memory_space<vmem>>) target_semaphore(%arg11 : memref<!tpu.dma_semaphore, #tpu.memory_space<semaphore_mem>>)
      %mul3A_61 = arith.constant 10368 : i32
      %mul3A_62 = arith.muli %add3A, %mul3A_61 : i32
      %mul3A_63 = arith.constant 128 : i32
      %mul3A_64 = arith.muli %mul3A_47, %mul3A_63 : i32
      %add3A_65 = arith.addi %mul3A_62, %mul3A_64 : i32
      %dma_wait3A_66 = arith.constant 0 : i32
      %dma_wait3A_67 = tpu.memref_slice %arg2[%add3A_65, %dma_wait3A_66] : memref<331776x128xf32, #tpu.memory_space<hbm>> -> memref<128x128xf32, #tpu.memory_space<hbm>>
      %dma_wait3A_68 = arith.constant 0 : i32
      %dma_wait3A_69 = tpu.memref_slice %arg2[%add3A_65, %dma_wait3A_68] : memref<331776x128xf32, #tpu.memory_space<hbm>> -> memref<128x128xf32, #tpu.memory_space<hbm>>
      tpu.wait_dma2 semaphore(%arg10 : memref<!tpu.dma_semaphore, #tpu.memory_space<semaphore_mem>>) src(%dma_wait3A_69 : memref<128x128xf32, #tpu.memory_space<hbm>>) dst(%arg7 : memref<128x128xf32, #tpu.memory_space<vmem>>)
      "tpu.region"() ({
        %run_scoped3A_89 = tpu.sem_alloc : memref<!tpu.dma_semaphore, #tpu.memory_space<semaphore_mem>>
        %dma_start3A_90 = arith.constant 0 : i32
        %dma_start3A_91 = tpu.memref_slice %arg6[%mul3A_47, %dma_start3A_90] : memref<81x128xi32, #tpu.memory_space<vmem>> -> memref<1x128xi32, #tpu.memory_space<vmem>>
        %dma_start3A_92 = tpu.memref_squeeze %dma_start3A_91 : memref<1x128xi32, #tpu.memory_space<vmem>> -> memref<128xi32, #tpu.memory_space<vmem>>
        %dma_start3A_93 = arith.constant 0 : i32
        %dma_start3A_94 = arith.constant 0 : i32
        %dma_start3A_95 = tpu.memref_slice %arg9[%dma_start3A_93, %dma_start3A_94] : memref<10368x128xf32, #tpu.memory_space<vmem_shared>> -> memref<10368x128xf32, #tpu.memory_space<vmem_shared>>
        tpu.enqueue_indirect_dma source(%arg7 : memref<128x128xf32, #tpu.memory_space<vmem>>) target(%dma_start3A_95 : memref<10368x128xf32, #tpu.memory_space<vmem_shared>>) offsets(%dma_start3A_92 : memref<128xi32, #tpu.memory_space<vmem>>) semaphore(%run_scoped3A_89 : memref<!tpu.dma_semaphore, #tpu.memory_space<semaphore_mem>>) {add = true}
        %dma_wait3A_96 = arith.constant 0 : i32
        %dma_wait3A_97 = tpu.memref_slice %arg6[%mul3A_47, %dma_wait3A_96] : memref<81x128xi32, #tpu.memory_space<vmem>> -> memref<1x128xi32, #tpu.memory_space<vmem>>
        %dma_wait3A_98 = tpu.memref_squeeze %dma_wait3A_97 : memref<1x128xi32, #tpu.memory_space<vmem>> -> memref<128xi32, #tpu.memory_space<vmem>>
        %dma_wait3A_99 = arith.constant 0 : i32
        %dma_wait3A_100 = arith.constant 0 : i32
        %dma_wait3A_101 = tpu.memref_slice %arg9[%dma_wait3A_99, %dma_wait3A_100] : memref<10368x128xf32, #tpu.memory_space<vmem_shared>> -> memref<10368x128xf32, #tpu.memory_space<vmem_shared>>
        tpu.wait_indirect_dma semaphore(%run_scoped3A_89 : memref<!tpu.dma_semaphore, #tpu.memory_space<semaphore_mem>>) src(%arg7 : memref<128x128xf32, #tpu.memory_space<vmem>>) dst(%dma_wait3A_101 : memref<10368x128xf32, #tpu.memory_space<vmem_shared>>)
        tpu.yield
      }) : () -> ()
      %mul3A_70 = arith.constant 10368 : i32
      %mul3A_71 = arith.muli %add3A, %mul3A_70 : i32
      %mul3A_72 = arith.constant 128 : i32
      %mul3A_73 = arith.muli %add3A_51, %mul3A_72 : i32
      %add3A_74 = arith.addi %mul3A_71, %mul3A_73 : i32
      %dma_start3A_75 = arith.constant 0 : i32
      %dma_start3A_76 = tpu.memref_slice %arg2[%add3A_74, %dma_start3A_75] : memref<331776x128xf32, #tpu.memory_space<hbm>> -> memref<128x128xf32, #tpu.memory_space<hbm>>
      %dma_start3A_77 = arith.constant 0 : i32
      %dma_start3A_78 = tpu.memref_slice %arg2[%add3A_74, %dma_start3A_77] : memref<331776x128xf32, #tpu.memory_space<hbm>> -> memref<128x128xf32, #tpu.memory_space<hbm>>
      tpu.enqueue_dma source(%dma_start3A_78 : memref<128x128xf32, #tpu.memory_space<hbm>>) target(%arg7 : memref<128x128xf32, #tpu.memory_space<vmem>>) target_semaphore(%arg10 : memref<!tpu.dma_semaphore, #tpu.memory_space<semaphore_mem>>)
      %mul3A_79 = arith.constant 10368 : i32
      %mul3A_80 = arith.muli %add3A, %mul3A_79 : i32
      %mul3A_81 = arith.constant 128 : i32
      %mul3A_82 = arith.muli %add3A_49, %mul3A_81 : i32
      %add3A_83 = arith.addi %mul3A_80, %mul3A_82 : i32
      %dma_wait3A_84 = arith.constant 0 : i32
      %dma_wait3A_85 = tpu.memref_slice %arg2[%add3A_83, %dma_wait3A_84] : memref<331776x128xf32, #tpu.memory_space<hbm>> -> memref<128x128xf32, #tpu.memory_space<hbm>>
      %dma_wait3A_86 = arith.constant 0 : i32
      %dma_wait3A_87 = tpu.memref_slice %arg2[%add3A_83, %dma_wait3A_86] : memref<331776x128xf32, #tpu.memory_space<hbm>> -> memref<128x128xf32, #tpu.memory_space<hbm>>
      tpu.wait_dma2 semaphore(%arg11 : memref<!tpu.dma_semaphore, #tpu.memory_space<semaphore_mem>>) src(%dma_wait3A_87 : memref<128x128xf32, #tpu.memory_space<hbm>>) dst(%arg8 : memref<128x128xf32, #tpu.memory_space<vmem>>)
      "tpu.region"() ({
        %run_scoped3A_89 = tpu.sem_alloc : memref<!tpu.dma_semaphore, #tpu.memory_space<semaphore_mem>>
        %dma_start3A_90 = arith.constant 0 : i32
        %dma_start3A_91 = tpu.memref_slice %arg6[%add3A_49, %dma_start3A_90] : memref<81x128xi32, #tpu.memory_space<vmem>> -> memref<1x128xi32, #tpu.memory_space<vmem>>
        %dma_start3A_92 = tpu.memref_squeeze %dma_start3A_91 : memref<1x128xi32, #tpu.memory_space<vmem>> -> memref<128xi32, #tpu.memory_space<vmem>>
        %dma_start3A_93 = arith.constant 0 : i32
        %dma_start3A_94 = arith.constant 0 : i32
        %dma_start3A_95 = tpu.memref_slice %arg9[%dma_start3A_93, %dma_start3A_94] : memref<10368x128xf32, #tpu.memory_space<vmem_shared>> -> memref<10368x128xf32, #tpu.memory_space<vmem_shared>>
        tpu.enqueue_indirect_dma source(%arg8 : memref<128x128xf32, #tpu.memory_space<vmem>>) target(%dma_start3A_95 : memref<10368x128xf32, #tpu.memory_space<vmem_shared>>) offsets(%dma_start3A_92 : memref<128xi32, #tpu.memory_space<vmem>>) semaphore(%run_scoped3A_89 : memref<!tpu.dma_semaphore, #tpu.memory_space<semaphore_mem>>) {add = true}
        %dma_wait3A_96 = arith.constant 0 : i32
        %dma_wait3A_97 = tpu.memref_slice %arg6[%add3A_49, %dma_wait3A_96] : memref<81x128xi32, #tpu.memory_space<vmem>> -> memref<1x128xi32, #tpu.memory_space<vmem>>
        %dma_wait3A_98 = tpu.memref_squeeze %dma_wait3A_97 : memref<1x128xi32, #tpu.memory_space<vmem>> -> memref<128xi32, #tpu.memory_space<vmem>>
        %dma_wait3A_99 = arith.constant 0 : i32
        %dma_wait3A_100 = arith.constant 0 : i32
        %dma_wait3A_101 = tpu.memref_slice %arg9[%dma_wait3A_99, %dma_wait3A_100] : memref<10368x128xf32, #tpu.memory_space<vmem_shared>> -> memref<10368x128xf32, #tpu.memory_space<vmem_shared>>
        tpu.wait_indirect_dma semaphore(%run_scoped3A_89 : memref<!tpu.dma_semaphore, #tpu.memory_space<semaphore_mem>>) src(%arg8 : memref<128x128xf32, #tpu.memory_space<vmem>>) dst(%dma_wait3A_101 : memref<10368x128xf32, #tpu.memory_space<vmem_shared>>)
        tpu.yield
      }) : () -> ()
      %scan3A_88 = arith.constant 0 : i32
      scf.yield %scan3A_88 : i32
    }
    %scan3A_28 = arith.constant 40 : i32
    %mul3A_29 = arith.constant 10368 : i32
    %mul3A_30 = arith.muli %add3A, %mul3A_29 : i32
    %add3A_31 = arith.constant 10240 : i32
    %add3A_32 = arith.addi %mul3A_30, %add3A_31 : i32
    %dma_wait3A = arith.constant 0 : i32
    %dma_wait3A_33 = tpu.memref_slice %arg2[%add3A_32, %dma_wait3A] : memref<331776x128xf32, #tpu.memory_space<hbm>> -> memref<128x128xf32, #tpu.memory_space<hbm>>
    %dma_wait3A_34 = arith.constant 0 : i32
    %dma_wait3A_35 = tpu.memref_slice %arg2[%add3A_32, %dma_wait3A_34] : memref<331776x128xf32, #tpu.memory_space<hbm>> -> memref<128x128xf32, #tpu.memory_space<hbm>>
    tpu.wait_dma2 semaphore(%arg10 : memref<!tpu.dma_semaphore, #tpu.memory_space<semaphore_mem>>) src(%dma_wait3A_35 : memref<128x128xf32, #tpu.memory_space<hbm>>) dst(%arg7 : memref<128x128xf32, #tpu.memory_space<vmem>>)
    %run_scoped3A = arith.constant 80 : i32
    "tpu.region"() ({
      %run_scoped3A_44 = tpu.sem_alloc : memref<!tpu.dma_semaphore, #tpu.memory_space<semaphore_mem>>
      %dma_start3A_45 = arith.constant 0 : i32
      %dma_start3A_46 = tpu.memref_slice %arg6[%run_scoped3A, %dma_start3A_45] : memref<81x128xi32, #tpu.memory_space<vmem>> -> memref<1x128xi32, #tpu.memory_space<vmem>>
      %dma_start3A_47 = tpu.memref_squeeze %dma_start3A_46 : memref<1x128xi32, #tpu.memory_space<vmem>> -> memref<128xi32, #tpu.memory_space<vmem>>
      %dma_start3A_48 = arith.constant 0 : i32
      %dma_start3A_49 = arith.constant 0 : i32
      %dma_start3A_50 = tpu.memref_slice %arg9[%dma_start3A_48, %dma_start3A_49] : memref<10368x128xf32, #tpu.memory_space<vmem_shared>> -> memref<10368x128xf32, #tpu.memory_space<vmem_shared>>
      tpu.enqueue_indirect_dma source(%arg7 : memref<128x128xf32, #tpu.memory_space<vmem>>) target(%dma_start3A_50 : memref<10368x128xf32, #tpu.memory_space<vmem_shared>>) offsets(%dma_start3A_47 : memref<128xi32, #tpu.memory_space<vmem>>) semaphore(%run_scoped3A_44 : memref<!tpu.dma_semaphore, #tpu.memory_space<semaphore_mem>>) {add = true}
      %dma_wait3A_51 = arith.constant 0 : i32
      %dma_wait3A_52 = tpu.memref_slice %arg6[%run_scoped3A, %dma_wait3A_51] : memref<81x128xi32, #tpu.memory_space<vmem>> -> memref<1x128xi32, #tpu.memory_space<vmem>>
      %dma_wait3A_53 = tpu.memref_squeeze %dma_wait3A_52 : memref<1x128xi32, #tpu.memory_space<vmem>> -> memref<128xi32, #tpu.memory_space<vmem>>
      %dma_wait3A_54 = arith.constant 0 : i32
      %dma_wait3A_55 = arith.constant 0 : i32
      %dma_wait3A_56 = tpu.memref_slice %arg9[%dma_wait3A_54, %dma_wait3A_55] : memref<10368x128xf32, #tpu.memory_space<vmem_shared>> -> memref<10368x128xf32, #tpu.memory_space<vmem_shared>>
      tpu.wait_indirect_dma semaphore(%run_scoped3A_44 : memref<!tpu.dma_semaphore, #tpu.memory_space<semaphore_mem>>) src(%arg7 : memref<128x128xf32, #tpu.memory_space<vmem>>) dst(%dma_wait3A_56 : memref<10368x128xf32, #tpu.memory_space<vmem_shared>>)
      tpu.yield
    }) : () -> ()
    %barrier3A_36 = arith.constant 0 : index
    tpu.barrier barrier_id(%barrier3A_36)
    %scan3A_37 = arith.constant 0 : i32
    %scan3A_38 = arith.constant 0 : i32
    %scan3A_39 = arith.constant 6 : i32
    %scan3A_40 = arith.addi %scan3A_38, %scan3A_39 : i32
    %scan3A_41 = arith.constant 1 : i32
    %scan3A_42 = scf.for %scan3A_44 = %scan3A_38 to %scan3A_40 step %scan3A_41 iter_args(%scan3A_45 = %scan3A_37) -> (i32)  : i32 {
      %mul3A_46 = arith.constant 16 : i32
      %mul3A_47 = arith.muli %scan3A_44, %mul3A_46 : i32
      %add3A_48 = arith.addi %arg1, %mul3A_47 : i32
      %lt3A = arith.constant 81 : i32
      %lt3A_49 = arith.cmpi slt, %add3A_48, %lt3A : i32
      %convert_element_type3A = arith.extui %lt3A_49 : i1 to i32
      %cond3A = arith.constant 0 : i32
      %cond3A_50 = arith.cmpi ne, %convert_element_type3A, %cond3A : i32
      scf.if %cond3A_50 {
        %mul3A_52 = arith.constant 128 : i32
        %mul3A_53 = arith.muli %add3A_48, %mul3A_52 : i32
        "tpu.region"() ({
          %run_scoped3A_63 = tpu.sem_alloc : memref<!tpu.dma_semaphore, #tpu.memory_space<semaphore_mem>>
          %dma_start3A_64 = arith.constant 0 : i32
          %dma_start3A_65 = tpu.memref_slice %arg9[%mul3A_53, %dma_start3A_64] : memref<10368x128xf32, #tpu.memory_space<vmem_shared>> -> memref<128x128xf32, #tpu.memory_space<vmem_shared>>
          %dma_start3A_66 = arith.constant 0 : i32
          %dma_start3A_67 = tpu.memref_slice %arg9[%mul3A_53, %dma_start3A_66] : memref<10368x128xf32, #tpu.memory_space<vmem_shared>> -> memref<128x128xf32, #tpu.memory_space<vmem_shared>>
          tpu.enqueue_dma source(%dma_start3A_67 : memref<128x128xf32, #tpu.memory_space<vmem_shared>>) target(%arg7 : memref<128x128xf32, #tpu.memory_space<vmem>>) target_semaphore(%run_scoped3A_63 : memref<!tpu.dma_semaphore, #tpu.memory_space<semaphore_mem>>)
          %dma_wait3A_68 = arith.constant 0 : i32
          %dma_wait3A_69 = tpu.memref_slice %arg9[%mul3A_53, %dma_wait3A_68] : memref<10368x128xf32, #tpu.memory_space<vmem_shared>> -> memref<128x128xf32, #tpu.memory_space<vmem_shared>>
          %dma_wait3A_70 = arith.constant 0 : i32
          %dma_wait3A_71 = tpu.memref_slice %arg9[%mul3A_53, %dma_wait3A_70] : memref<10368x128xf32, #tpu.memory_space<vmem_shared>> -> memref<128x128xf32, #tpu.memory_space<vmem_shared>>
          tpu.wait_dma2 semaphore(%run_scoped3A_63 : memref<!tpu.dma_semaphore, #tpu.memory_space<semaphore_mem>>) src(%dma_wait3A_71 : memref<128x128xf32, #tpu.memory_space<vmem_shared>>) dst(%arg7 : memref<128x128xf32, #tpu.memory_space<vmem>>)
          tpu.yield
        }) : () -> ()
        %eq3A = arith.constant 0 : i32
        %eq3A_54 = arith.cmpi eq, %arg0, %eq3A : i32
        %convert_element_type3A_55 = arith.extui %eq3A_54 : i1 to i32
        %cond3A_56 = arith.constant 0 : i32
        %cond3A_57 = arith.cmpi ne, %convert_element_type3A_55, %cond3A_56 : i32
        scf.if %cond3A_57 {
          %mul3A_63 = arith.constant 128 : i32
          %mul3A_64 = arith.muli %add3A_48, %mul3A_63 : i32
          "tpu.region"() ({
            %run_scoped3A_65 = tpu.sem_alloc : memref<!tpu.dma_semaphore, #tpu.memory_space<semaphore_mem>>
            %dma_start3A_66 = arith.constant 0 : i32
            %dma_start3A_67 = tpu.memref_slice %arg4[%mul3A_64, %dma_start3A_66] : memref<10368x128xf32, #tpu.memory_space<hbm>> -> memref<128x128xf32, #tpu.memory_space<hbm>>
            %dma_start3A_68 = arith.constant 0 : i32
            %dma_start3A_69 = tpu.memref_slice %arg4[%mul3A_64, %dma_start3A_68] : memref<10368x128xf32, #tpu.memory_space<hbm>> -> memref<128x128xf32, #tpu.memory_space<hbm>>
            tpu.enqueue_dma source(%arg7 : memref<128x128xf32, #tpu.memory_space<vmem>>) target(%dma_start3A_69 : memref<128x128xf32, #tpu.memory_space<hbm>>) target_semaphore(%run_scoped3A_65 : memref<!tpu.dma_semaphore, #tpu.memory_space<semaphore_mem>>)
            %dma_wait3A_70 = arith.constant 0 : i32
            %dma_wait3A_71 = tpu.memref_slice %arg4[%mul3A_64, %dma_wait3A_70] : memref<10368x128xf32, #tpu.memory_space<hbm>> -> memref<128x128xf32, #tpu.memory_space<hbm>>
            %dma_wait3A_72 = arith.constant 0 : i32
            %dma_wait3A_73 = tpu.memref_slice %arg4[%mul3A_64, %dma_wait3A_72] : memref<10368x128xf32, #tpu.memory_space<hbm>> -> memref<128x128xf32, #tpu.memory_space<hbm>>
            tpu.wait_dma2 semaphore(%run_scoped3A_65 : memref<!tpu.dma_semaphore, #tpu.memory_space<semaphore_mem>>) src(%arg7 : memref<128x128xf32, #tpu.memory_space<vmem>>) dst(%dma_wait3A_73 : memref<128x128xf32, #tpu.memory_space<hbm>>)
            tpu.yield
          }) : () -> ()
        } else {
        }
        %eq3A_58 = arith.constant 1 : i32
        %eq3A_59 = arith.cmpi eq, %arg0, %eq3A_58 : i32
        %convert_element_type3A_60 = arith.extui %eq3A_59 : i1 to i32
        %cond3A_61 = arith.constant 0 : i32
        %cond3A_62 = arith.cmpi ne, %convert_element_type3A_60, %cond3A_61 : i32
        scf.if %cond3A_62 {
          %mul3A_63 = arith.constant 128 : i32
          %mul3A_64 = arith.muli %add3A_48, %mul3A_63 : i32
          "tpu.region"() ({
            %run_scoped3A_65 = tpu.sem_alloc : memref<!tpu.dma_semaphore, #tpu.memory_space<semaphore_mem>>
            %dma_start3A_66 = arith.constant 0 : i32
            %dma_start3A_67 = tpu.memref_slice %arg5[%mul3A_64, %dma_start3A_66] : memref<10368x128xf32, #tpu.memory_space<hbm>> -> memref<128x128xf32, #tpu.memory_space<hbm>>
            %dma_start3A_68 = arith.constant 0 : i32
            %dma_start3A_69 = tpu.memref_slice %arg5[%mul3A_64, %dma_start3A_68] : memref<10368x128xf32, #tpu.memory_space<hbm>> -> memref<128x128xf32, #tpu.memory_space<hbm>>
            tpu.enqueue_dma source(%arg7 : memref<128x128xf32, #tpu.memory_space<vmem>>) target(%dma_start3A_69 : memref<128x128xf32, #tpu.memory_space<hbm>>) target_semaphore(%run_scoped3A_65 : memref<!tpu.dma_semaphore, #tpu.memory_space<semaphore_mem>>)
            %dma_wait3A_70 = arith.constant 0 : i32
            %dma_wait3A_71 = tpu.memref_slice %arg5[%mul3A_64, %dma_wait3A_70] : memref<10368x128xf32, #tpu.memory_space<hbm>> -> memref<128x128xf32, #tpu.memory_space<hbm>>
            %dma_wait3A_72 = arith.constant 0 : i32
            %dma_wait3A_73 = tpu.memref_slice %arg5[%mul3A_64, %dma_wait3A_72] : memref<10368x128xf32, #tpu.memory_space<hbm>> -> memref<128x128xf32, #tpu.memory_space<hbm>>
            tpu.wait_dma2 semaphore(%run_scoped3A_65 : memref<!tpu.dma_semaphore, #tpu.memory_space<semaphore_mem>>) src(%arg7 : memref<128x128xf32, #tpu.memory_space<vmem>>) dst(%dma_wait3A_73 : memref<128x128xf32, #tpu.memory_space<hbm>>)
            tpu.yield
          }) : () -> ()
        } else {
        }
      } else {
      }
      %scan3A_51 = arith.constant 0 : i32
      scf.yield %scan3A_51 : i32
    }
    %scan3A_43 = arith.constant 6 : i32
    return
  }
}

#map = affine_map<(d0, d1) -> (0, 0)>
#map1 = affine_map<(d0, d1) -> (0, 0, 0)>
module attributes {stable_mosaic.version = 14 : i64} {
  func.func @scatter_add(%arg0: i32, %arg1: i32, %arg2: memref<331776x128xf32, #tpu.memory_space<hbm>>, %arg3: memref<32x81x128xi32, #tpu.memory_space<hbm>>, %arg4: memref<10368x128xf32, #tpu.memory_space<hbm>>, %arg5: memref<10368x128xf32, #tpu.memory_space<hbm>>, %arg6: memref<81x128xi32, #tpu.memory_space<vmem>>, %arg7: memref<128x128xf32, #tpu.memory_space<vmem>>, %arg8: memref<128x128xf32, #tpu.memory_space<vmem>>, %arg9: memref<10368x128xf32, #tpu.memory_space<vmem_shared>>, %arg10: memref<!tpu.dma_semaphore, #tpu.memory_space<semaphore_mem>>, %arg11: memref<!tpu.dma_semaphore, #tpu.memory_space<semaphore_mem>>) attributes {dimension_semantics = [#tpu.dimension_semantics<core_parallel>, #tpu.dimension_semantics<subcore_parallel>], iteration_bounds = array<i64: 2, 16>, scalar_prefetch = 0 : i64, scratch_operands = 6 : i64, tpu.core_type = #tpu.core_type<sc_vector_subcore>, window_params = [{transform_indices = #map}, {transform_indices = #map1}, {transform_indices = #map}, {transform_indices = #map}]} {
    %mul3A = arith.constant 2 : i32
    %mul3A_0 = arith.muli %arg1, %mul3A : i32
    %add3A = arith.addi %mul3A_0, %arg0 : i32
    %broadcast_in_dim3A = arith.constant 0.000000e+00 : f32
    %broadcast_in_dim3A_1 = vector.broadcast %broadcast_in_dim3A : f32 to vector<16xf32>
    %scan3A = arith.constant 0 : i32
    %scan3A_2 = arith.constant 0 : i32
    %scan3A_3 = arith.constant 1024 : i32
    %scan3A_4 = arith.addi %scan3A_2, %scan3A_3 : i32
    %scan3A_5 = arith.constant 1 : i32
    %scan3A_6 = scf.for %scan3A_44 = %scan3A_2 to %scan3A_4 step %scan3A_5 iter_args(%scan3A_45 = %scan3A) -> (i32)  : i32 {
      %jit3A = arith.constant 8 : i32
      %div3A = arith.divsi %scan3A_44, %jit3A : i32
      %sign3A = arith.constant 0 : i32
      %sign3A_46 = arith.cmpi sgt, %scan3A_44, %sign3A : i32
      %sign3A_47 = arith.extui %sign3A_46 : i1 to i32
      %sign3A_48 = arith.constant 0 : i32
      %sign3A_49 = arith.cmpi slt, %scan3A_44, %sign3A_48 : i32
      %sign3A_50 = arith.extui %sign3A_49 : i1 to i32
      %sign3A_51 = arith.subi %sign3A_47, %sign3A_50 : i32
      %sign3A_52 = arith.constant 0 : i32
      %sign3A_53 = arith.cmpi sgt, %jit3A, %sign3A_52 : i32
      %sign3A_54 = arith.extui %sign3A_53 : i1 to i32
      %sign3A_55 = arith.constant 0 : i32
      %sign3A_56 = arith.cmpi slt, %jit3A, %sign3A_55 : i32
      %sign3A_57 = arith.extui %sign3A_56 : i1 to i32
      %sign3A_58 = arith.subi %sign3A_54, %sign3A_57 : i32
      %ne3A = arith.cmpi ne, %sign3A_51, %sign3A_58 : i32
      %rem3A = arith.remsi %scan3A_44, %jit3A : i32
      %ne3A_59 = arith.constant 0 : i32
      %ne3A_60 = arith.cmpi ne, %rem3A, %ne3A_59 : i32
      %and3A = arith.andi %ne3A, %ne3A_60 : i1
      %sub3A = arith.constant 1 : i32
      %sub3A_61 = arith.subi %div3A, %sub3A : i32
      %select_n3A = arith.select %and3A, %sub3A_61, %div3A : i32
      %jit3A_62 = arith.constant 8 : i32
      %eq3A = arith.constant 0 : i32
      %eq3A_63 = arith.cmpi eq, %jit3A_62, %eq3A : i32
      %jit3A_64 = arith.constant 1 : i32
      %select_n3A_65 = arith.select %eq3A_63, %jit3A_64, %jit3A_62 : i32
      %rem3A_66 = arith.remsi %scan3A_44, %select_n3A_65 : i32
      %ne3A_67 = arith.constant 0 : i32
      %ne3A_68 = arith.cmpi ne, %rem3A_66, %ne3A_67 : i32
      %lt3A = arith.constant 0 : i32
      %lt3A_69 = arith.cmpi slt, %rem3A_66, %lt3A : i32
      %lt3A_70 = arith.constant 0 : i32
      %lt3A_71 = arith.cmpi slt, %select_n3A_65, %lt3A_70 : i32
      %ne3A_72 = arith.xori %lt3A_69, %lt3A_71 : i1
      %and3A_73 = arith.andi %ne3A_72, %ne3A_68 : i1
      %add3A_74 = arith.addi %rem3A_66, %select_n3A_65 : i32
      %select_n3A_75 = arith.select %and3A_73, %add3A_74, %rem3A_66 : i32
      %mul3A_76 = arith.constant 16 : i32
      %mul3A_77 = arith.muli %select_n3A_75, %mul3A_76 : i32
      %swap3A = arith.index_cast %select_n3A : i32 to index
      %swap3A_78 = arith.index_cast %mul3A_77 : i32 to index
      %swap3A_79 = tpu.vector_load %arg7[%swap3A, %swap3A_78] {strides = array<i32>} : memref<128x128xf32, #tpu.memory_space<vmem>>, vector<1x16xf32>,
      %swap3A_80 = vector.shape_cast %swap3A_79 : vector<1x16xf32> to vector<16xf32>
      %swap3A_81 = vector.shape_cast %broadcast_in_dim3A_1 : vector<16xf32> to vector<1x16xf32>
      tpu.vector_store %arg7[%swap3A, %swap3A_78], %swap3A_81 {strides = array<i32>} : memref<128x128xf32, #tpu.memory_space<vmem>>, vector<1x16xf32>,
      %scan3A_82 = arith.constant 0 : i32
      scf.yield %scan3A_82 : i32
    }
    %scan3A_7 = arith.constant 1024 : i32
    %scan3A_8 = arith.constant 0 : i32
    %scan3A_9 = arith.constant 0 : i32
    %scan3A_10 = arith.constant 6 : i32
    %scan3A_11 = arith.addi %scan3A_9, %scan3A_10 : i32
    %scan3A_12 = arith.constant 1 : i32
    %scan3A_13 = scf.for %scan3A_44 = %scan3A_9 to %scan3A_11 step %scan3A_12 iter_args(%scan3A_45 = %scan3A_8) -> (i32)  : i32 {
      %mul3A_46 = arith.constant 16 : i32
      %mul3A_47 = arith.muli %scan3A_44, %mul3A_46 : i32
      %add3A_48 = arith.addi %arg1, %mul3A_47 : i32
      %lt3A = arith.constant 81 : i32
      %lt3A_49 = arith.cmpi slt, %add3A_48, %lt3A : i32
      %convert_element_type3A = arith.extui %lt3A_49 : i1 to i32
      %cond3A = arith.constant 0 : i32
      %cond3A_50 = arith.cmpi ne, %convert_element_type3A, %cond3A : i32
      scf.if %cond3A_50 {
        %mul3A_52 = arith.constant 128 : i32
        %mul3A_53 = arith.muli %add3A_48, %mul3A_52 : i32
        "tpu.region"() ({
          %run_scoped3A_54 = tpu.sem_alloc : memref<!tpu.dma_semaphore, #tpu.memory_space<semaphore_mem>>
          %dma_start3A_55 = arith.constant 0 : i32
          %dma_start3A_56 = tpu.memref_slice %arg9[%mul3A_53, %dma_start3A_55] : memref<10368x128xf32, #tpu.memory_space<vmem_shared>> -> memref<128x128xf32, #tpu.memory_space<vmem_shared>>
          %dma_start3A_57 = arith.constant 0 : i32
          %dma_start3A_58 = tpu.memref_slice %arg9[%mul3A_53, %dma_start3A_57] : memref<10368x128xf32, #tpu.memory_space<vmem_shared>> -> memref<128x128xf32, #tpu.memory_space<vmem_shared>>
          tpu.enqueue_dma source(%arg7 : memref<128x128xf32, #tpu.memory_space<vmem>>) target(%dma_start3A_58 : memref<128x128xf32, #tpu.memory_space<vmem_shared>>) target_semaphore(%run_scoped3A_54 : memref<!tpu.dma_semaphore, #tpu.memory_space<semaphore_mem>>)
          %dma_wait3A_59 = arith.constant 0 : i32
          %dma_wait3A_60 = tpu.memref_slice %arg9[%mul3A_53, %dma_wait3A_59] : memref<10368x128xf32, #tpu.memory_space<vmem_shared>> -> memref<128x128xf32, #tpu.memory_space<vmem_shared>>
          %dma_wait3A_61 = arith.constant 0 : i32
          %dma_wait3A_62 = tpu.memref_slice %arg9[%mul3A_53, %dma_wait3A_61] : memref<10368x128xf32, #tpu.memory_space<vmem_shared>> -> memref<128x128xf32, #tpu.memory_space<vmem_shared>>
          tpu.wait_dma2 semaphore(%run_scoped3A_54 : memref<!tpu.dma_semaphore, #tpu.memory_space<semaphore_mem>>) src(%arg7 : memref<128x128xf32, #tpu.memory_space<vmem>>) dst(%dma_wait3A_62 : memref<128x128xf32, #tpu.memory_space<vmem_shared>>)
          tpu.yield
        }) : () -> ()
      } else {
      }
      %scan3A_51 = arith.constant 0 : i32
      scf.yield %scan3A_51 : i32
    }
    %scan3A_14 = arith.constant 6 : i32
    %barrier3A = arith.constant 0 : index
    tpu.barrier barrier_id(%barrier3A)
    "tpu.region"() ({
      %run_scoped3A_44 = tpu.sem_alloc : memref<!tpu.dma_semaphore, #tpu.memory_space<semaphore_mem>>
      %dma_start3A_45 = arith.constant 0 : i32
      %dma_start3A_46 = arith.constant 0 : i32
      %dma_start3A_47 = tpu.memref_slice %arg3[%add3A, %dma_start3A_45, %dma_start3A_46] : memref<32x81x128xi32, #tpu.memory_space<hbm>> -> memref<1x81x128xi32, #tpu.memory_space<hbm>>
      %dma_start3A_48 = tpu.memref_squeeze %dma_start3A_47 : memref<1x81x128xi32, #tpu.memory_space<hbm>> -> memref<81x128xi32, #tpu.memory_space<hbm>>
      %dma_start3A_49 = arith.constant 0 : i32
      %dma_start3A_50 = arith.constant 0 : i32
      %dma_start3A_51 = tpu.memref_slice %arg3[%add3A, %dma_start3A_49, %dma_start3A_50] : memref<32x81x128xi32, #tpu.memory_space<hbm>> -> memref<1x81x128xi32, #tpu.memory_space<hbm>>
      %dma_start3A_52 = tpu.memref_squeeze %dma_start3A_51 : memref<1x81x128xi32, #tpu.memory_space<hbm>> -> memref<81x128xi32, #tpu.memory_space<hbm>>
      tpu.enqueue_dma source(%dma_start3A_52 : memref<81x128xi32, #tpu.memory_space<hbm>>) target(%arg6 : memref<81x128xi32, #tpu.memory_space<vmem>>) target_semaphore(%run_scoped3A_44 : memref<!tpu.dma_semaphore, #tpu.memory_space<semaphore_mem>>)
      %dma_wait3A_53 = arith.constant 0 : i32
      %dma_wait3A_54 = arith.constant 0 : i32
      %dma_wait3A_55 = tpu.memref_slice %arg3[%add3A, %dma_wait3A_53, %dma_wait3A_54] : memref<32x81x128xi32, #tpu.memory_space<hbm>> -> memref<1x81x128xi32, #tpu.memory_space<hbm>>
      %dma_wait3A_56 = tpu.memref_squeeze %dma_wait3A_55 : memref<1x81x128xi32, #tpu.memory_space<hbm>> -> memref<81x128xi32, #tpu.memory_space<hbm>>
      %dma_wait3A_57 = arith.constant 0 : i32
      %dma_wait3A_58 = arith.constant 0 : i32
      %dma_wait3A_59 = tpu.memref_slice %arg3[%add3A, %dma_wait3A_57, %dma_wait3A_58] : memref<32x81x128xi32, #tpu.memory_space<hbm>> -> memref<1x81x128xi32, #tpu.memory_space<hbm>>
      %dma_wait3A_60 = tpu.memref_squeeze %dma_wait3A_59 : memref<1x81x128xi32, #tpu.memory_space<hbm>> -> memref<81x128xi32, #tpu.memory_space<hbm>>
      tpu.wait_dma2 semaphore(%run_scoped3A_44 : memref<!tpu.dma_semaphore, #tpu.memory_space<semaphore_mem>>) src(%dma_wait3A_60 : memref<81x128xi32, #tpu.memory_space<hbm>>) dst(%arg6 : memref<81x128xi32, #tpu.memory_space<vmem>>)
      tpu.yield
    }) : () -> ()
    %mul3A_15 = arith.constant 10368 : i32
    %mul3A_16 = arith.muli %add3A, %mul3A_15 : i32
    %add3A_17 = arith.constant 0 : i32
    %add3A_18 = arith.addi %mul3A_16, %add3A_17 : i32
    %dma_start3A = arith.constant 0 : i32
    %dma_start3A_19 = tpu.memref_slice %arg2[%add3A_18, %dma_start3A] : memref<331776x128xf32, #tpu.memory_space<hbm>> -> memref<128x128xf32, #tpu.memory_space<hbm>>
    %dma_start3A_20 = arith.constant 0 : i32
    %dma_start3A_21 = tpu.memref_slice %arg2[%add3A_18, %dma_start3A_20] : memref<331776x128xf32, #tpu.memory_space<hbm>> -> memref<128x128xf32, #tpu.memory_space<hbm>>
    tpu.enqueue_dma source(%dma_start3A_21 : memref<128x128xf32, #tpu.memory_space<hbm>>) target(%arg7 : memref<128x128xf32, #tpu.memory_space<vmem>>) target_semaphore(%arg10 : memref<!tpu.dma_semaphore, #tpu.memory_space<semaphore_mem>>)
    %scan3A_22 = arith.constant 0 : i32
    %scan3A_23 = arith.constant 0 : i32
    %scan3A_24 = arith.constant 40 : i32
    %scan3A_25 = arith.addi %scan3A_23, %scan3A_24 : i32
    %scan3A_26 = arith.constant 1 : i32
    %scan3A_27 = scf.for %scan3A_44 = %scan3A_23 to %scan3A_25 step %scan3A_26 iter_args(%scan3A_45 = %scan3A_22) -> (i32)  : i32 {
      %mul3A_46 = arith.constant 2 : i32
      %mul3A_47 = arith.muli %mul3A_46, %scan3A_44 : i32
      %add3A_48 = arith.constant 1 : i32
      %add3A_49 = arith.addi %mul3A_47, %add3A_48 : i32
      %add3A_50 = arith.constant 2 : i32
      %add3A_51 = arith.addi %mul3A_47, %add3A_50 : i32
      %mul3A_52 = arith.constant 10368 : i32
      %mul3A_53 = arith.muli %add3A, %mul3A_52 : i32
      %mul3A_54 = arith.constant 128 : i32
      %mul3A_55 = arith.muli %add3A_49, %mul3A_54 : i32
      %add3A_56 = arith.addi %mul3A_53, %mul3A_55 : i32
      %dma_start3A_57 = arith.constant 0 : i32
      %dma_start3A_58 = tpu.memref_slice %arg2[%add3A_56, %dma_start3A_57] : memref<331776x128xf32, #tpu.memory_space<hbm>> -> memref<128x128xf32, #tpu.memory_space<hbm>>
      %dma_start3A_59 = arith.constant 0 : i32
      %dma_start3A_60 = tpu.memref_slice %arg2[%add3A_56, %dma_start3A_59] : memref<331776x128xf32, #tpu.memory_space<hbm>> -> memref<128x128xf32, #tpu.memory_space<hbm>>
      tpu.enqueue_dma source(%dma_start3A_60 : memref<128x128xf32, #tpu.memory_space<hbm>>) target(%arg8 : memref<128x128xf32, #tpu.memory_space<vmem>>) target_semaphore(%arg11 : memref<!tpu.dma_semaphore, #tpu.memory_space<semaphore_mem>>)
      %mul3A_61 = arith.constant 10368 : i32
      %mul3A_62 = arith.muli %add3A, %mul3A_61 : i32
      %mul3A_63 = arith.constant 128 : i32
      %mul3A_64 = arith.muli %mul3A_47, %mul3A_63 : i32
      %add3A_65 = arith.addi %mul3A_62, %mul3A_64 : i32
      %dma_wait3A_66 = arith.constant 0 : i32
      %dma_wait3A_67 = tpu.memref_slice %arg2[%add3A_65, %dma_wait3A_66] : memref<331776x128xf32, #tpu.memory_space<hbm>> -> memref<128x128xf32, #tpu.memory_space<hbm>>
      %dma_wait3A_68 = arith.constant 0 : i32
      %dma_wait3A_69 = tpu.memref_slice %arg2[%add3A_65, %dma_wait3A_68] : memref<331776x128xf32, #tpu.memory_space<hbm>> -> memref<128x128xf32, #tpu.memory_space<hbm>>
      tpu.wait_dma2 semaphore(%arg10 : memref<!tpu.dma_semaphore, #tpu.memory_space<semaphore_mem>>) src(%dma_wait3A_69 : memref<128x128xf32, #tpu.memory_space<hbm>>) dst(%arg7 : memref<128x128xf32, #tpu.memory_space<vmem>>)
      "tpu.region"() ({
        %run_scoped3A_89 = tpu.sem_alloc : memref<!tpu.dma_semaphore, #tpu.memory_space<semaphore_mem>>
        %dma_start3A_90 = arith.constant 0 : i32
        %dma_start3A_91 = tpu.memref_slice %arg6[%mul3A_47, %dma_start3A_90] : memref<81x128xi32, #tpu.memory_space<vmem>> -> memref<1x128xi32, #tpu.memory_space<vmem>>
        %dma_start3A_92 = tpu.memref_squeeze %dma_start3A_91 : memref<1x128xi32, #tpu.memory_space<vmem>> -> memref<128xi32, #tpu.memory_space<vmem>>
        %dma_start3A_93 = arith.constant 0 : i32
        %dma_start3A_94 = arith.constant 0 : i32
        %dma_start3A_95 = tpu.memref_slice %arg9[%dma_start3A_93, %dma_start3A_94] : memref<10368x128xf32, #tpu.memory_space<vmem_shared>> -> memref<10368x128xf32, #tpu.memory_space<vmem_shared>>
        tpu.enqueue_indirect_dma source(%arg7 : memref<128x128xf32, #tpu.memory_space<vmem>>) target(%dma_start3A_95 : memref<10368x128xf32, #tpu.memory_space<vmem_shared>>) offsets(%dma_start3A_92 : memref<128xi32, #tpu.memory_space<vmem>>) semaphore(%run_scoped3A_89 : memref<!tpu.dma_semaphore, #tpu.memory_space<semaphore_mem>>) {add = true}
        %dma_wait3A_96 = arith.constant 0 : i32
        %dma_wait3A_97 = tpu.memref_slice %arg6[%mul3A_47, %dma_wait3A_96] : memref<81x128xi32, #tpu.memory_space<vmem>> -> memref<1x128xi32, #tpu.memory_space<vmem>>
        %dma_wait3A_98 = tpu.memref_squeeze %dma_wait3A_97 : memref<1x128xi32, #tpu.memory_space<vmem>> -> memref<128xi32, #tpu.memory_space<vmem>>
        %dma_wait3A_99 = arith.constant 0 : i32
        %dma_wait3A_100 = arith.constant 0 : i32
        %dma_wait3A_101 = tpu.memref_slice %arg9[%dma_wait3A_99, %dma_wait3A_100] : memref<10368x128xf32, #tpu.memory_space<vmem_shared>> -> memref<10368x128xf32, #tpu.memory_space<vmem_shared>>
        tpu.wait_indirect_dma semaphore(%run_scoped3A_89 : memref<!tpu.dma_semaphore, #tpu.memory_space<semaphore_mem>>) src(%arg7 : memref<128x128xf32, #tpu.memory_space<vmem>>) dst(%dma_wait3A_101 : memref<10368x128xf32, #tpu.memory_space<vmem_shared>>)
        tpu.yield
      }) : () -> ()
      %mul3A_70 = arith.constant 10368 : i32
      %mul3A_71 = arith.muli %add3A, %mul3A_70 : i32
      %mul3A_72 = arith.constant 128 : i32
      %mul3A_73 = arith.muli %add3A_51, %mul3A_72 : i32
      %add3A_74 = arith.addi %mul3A_71, %mul3A_73 : i32
      %dma_start3A_75 = arith.constant 0 : i32
      %dma_start3A_76 = tpu.memref_slice %arg2[%add3A_74, %dma_start3A_75] : memref<331776x128xf32, #tpu.memory_space<hbm>> -> memref<128x128xf32, #tpu.memory_space<hbm>>
      %dma_start3A_77 = arith.constant 0 : i32
      %dma_start3A_78 = tpu.memref_slice %arg2[%add3A_74, %dma_start3A_77] : memref<331776x128xf32, #tpu.memory_space<hbm>> -> memref<128x128xf32, #tpu.memory_space<hbm>>
      tpu.enqueue_dma source(%dma_start3A_78 : memref<128x128xf32, #tpu.memory_space<hbm>>) target(%arg7 : memref<128x128xf32, #tpu.memory_space<vmem>>) target_semaphore(%arg10 : memref<!tpu.dma_semaphore, #tpu.memory_space<semaphore_mem>>)
      %mul3A_79 = arith.constant 10368 : i32
      %mul3A_80 = arith.muli %add3A, %mul3A_79 : i32
      %mul3A_81 = arith.constant 128 : i32
      %mul3A_82 = arith.muli %add3A_49, %mul3A_81 : i32
      %add3A_83 = arith.addi %mul3A_80, %mul3A_82 : i32
      %dma_wait3A_84 = arith.constant 0 : i32
      %dma_wait3A_85 = tpu.memref_slice %arg2[%add3A_83, %dma_wait3A_84] : memref<331776x128xf32, #tpu.memory_space<hbm>> -> memref<128x128xf32, #tpu.memory_space<hbm>>
      %dma_wait3A_86 = arith.constant 0 : i32
      %dma_wait3A_87 = tpu.memref_slice %arg2[%add3A_83, %dma_wait3A_86] : memref<331776x128xf32, #tpu.memory_space<hbm>> -> memref<128x128xf32, #tpu.memory_space<hbm>>
      tpu.wait_dma2 semaphore(%arg11 : memref<!tpu.dma_semaphore, #tpu.memory_space<semaphore_mem>>) src(%dma_wait3A_87 : memref<128x128xf32, #tpu.memory_space<hbm>>) dst(%arg8 : memref<128x128xf32, #tpu.memory_space<vmem>>)
      "tpu.region"() ({
        %run_scoped3A_89 = tpu.sem_alloc : memref<!tpu.dma_semaphore, #tpu.memory_space<semaphore_mem>>
        %dma_start3A_90 = arith.constant 0 : i32
        %dma_start3A_91 = tpu.memref_slice %arg6[%add3A_49, %dma_start3A_90] : memref<81x128xi32, #tpu.memory_space<vmem>> -> memref<1x128xi32, #tpu.memory_space<vmem>>
        %dma_start3A_92 = tpu.memref_squeeze %dma_start3A_91 : memref<1x128xi32, #tpu.memory_space<vmem>> -> memref<128xi32, #tpu.memory_space<vmem>>
        %dma_start3A_93 = arith.constant 0 : i32
        %dma_start3A_94 = arith.constant 0 : i32
        %dma_start3A_95 = tpu.memref_slice %arg9[%dma_start3A_93, %dma_start3A_94] : memref<10368x128xf32, #tpu.memory_space<vmem_shared>> -> memref<10368x128xf32, #tpu.memory_space<vmem_shared>>
        tpu.enqueue_indirect_dma source(%arg8 : memref<128x128xf32, #tpu.memory_space<vmem>>) target(%dma_start3A_95 : memref<10368x128xf32, #tpu.memory_space<vmem_shared>>) offsets(%dma_start3A_92 : memref<128xi32, #tpu.memory_space<vmem>>) semaphore(%run_scoped3A_89 : memref<!tpu.dma_semaphore, #tpu.memory_space<semaphore_mem>>) {add = true}
        %dma_wait3A_96 = arith.constant 0 : i32
        %dma_wait3A_97 = tpu.memref_slice %arg6[%add3A_49, %dma_wait3A_96] : memref<81x128xi32, #tpu.memory_space<vmem>> -> memref<1x128xi32, #tpu.memory_space<vmem>>
        %dma_wait3A_98 = tpu.memref_squeeze %dma_wait3A_97 : memref<1x128xi32, #tpu.memory_space<vmem>> -> memref<128xi32, #tpu.memory_space<vmem>>
        %dma_wait3A_99 = arith.constant 0 : i32
        %dma_wait3A_100 = arith.constant 0 : i32
        %dma_wait3A_101 = tpu.memref_slice %arg9[%dma_wait3A_99, %dma_wait3A_100] : memref<10368x128xf32, #tpu.memory_space<vmem_shared>> -> memref<10368x128xf32, #tpu.memory_space<vmem_shared>>
        tpu.wait_indirect_dma semaphore(%run_scoped3A_89 : memref<!tpu.dma_semaphore, #tpu.memory_space<semaphore_mem>>) src(%arg8 : memref<128x128xf32, #tpu.memory_space<vmem>>) dst(%dma_wait3A_101 : memref<10368x128xf32, #tpu.memory_space<vmem_shared>>)
        tpu.yield
      }) : () -> ()
      %scan3A_88 = arith.constant 0 : i32
      scf.yield %scan3A_88 : i32
    }
    %scan3A_28 = arith.constant 40 : i32
    %mul3A_29 = arith.constant 10368 : i32
    %mul3A_30 = arith.muli %add3A, %mul3A_29 : i32
    %add3A_31 = arith.constant 10240 : i32
    %add3A_32 = arith.addi %mul3A_30, %add3A_31 : i32
    %dma_wait3A = arith.constant 0 : i32
    %dma_wait3A_33 = tpu.memref_slice %arg2[%add3A_32, %dma_wait3A] : memref<331776x128xf32, #tpu.memory_space<hbm>> -> memref<128x128xf32, #tpu.memory_space<hbm>>
    %dma_wait3A_34 = arith.constant 0 : i32
    %dma_wait3A_35 = tpu.memref_slice %arg2[%add3A_32, %dma_wait3A_34] : memref<331776x128xf32, #tpu.memory_space<hbm>> -> memref<128x128xf32, #tpu.memory_space<hbm>>
    tpu.wait_dma2 semaphore(%arg10 : memref<!tpu.dma_semaphore, #tpu.memory_space<semaphore_mem>>) src(%dma_wait3A_35 : memref<128x128xf32, #tpu.memory_space<hbm>>) dst(%arg7 : memref<128x128xf32, #tpu.memory_space<vmem>>)
    %run_scoped3A = arith.constant 80 : i32
    "tpu.region"() ({
      %run_scoped3A_44 = tpu.sem_alloc : memref<!tpu.dma_semaphore, #tpu.memory_space<semaphore_mem>>
      %dma_start3A_45 = arith.constant 0 : i32
      %dma_start3A_46 = tpu.memref_slice %arg6[%run_scoped3A, %dma_start3A_45] : memref<81x128xi32, #tpu.memory_space<vmem>> -> memref<1x128xi32, #tpu.memory_space<vmem>>
      %dma_start3A_47 = tpu.memref_squeeze %dma_start3A_46 : memref<1x128xi32, #tpu.memory_space<vmem>> -> memref<128xi32, #tpu.memory_space<vmem>>
      %dma_start3A_48 = arith.constant 0 : i32
      %dma_start3A_49 = arith.constant 0 : i32
      %dma_start3A_50 = tpu.memref_slice %arg9[%dma_start3A_48, %dma_start3A_49] : memref<10368x128xf32, #tpu.memory_space<vmem_shared>> -> memref<10368x128xf32, #tpu.memory_space<vmem_shared>>
      tpu.enqueue_indirect_dma source(%arg7 : memref<128x128xf32, #tpu.memory_space<vmem>>) target(%dma_start3A_50 : memref<10368x128xf32, #tpu.memory_space<vmem_shared>>) offsets(%dma_start3A_47 : memref<128xi32, #tpu.memory_space<vmem>>) semaphore(%run_scoped3A_44 : memref<!tpu.dma_semaphore, #tpu.memory_space<semaphore_mem>>) {add = true}
      %dma_wait3A_51 = arith.constant 0 : i32
      %dma_wait3A_52 = tpu.memref_slice %arg6[%run_scoped3A, %dma_wait3A_51] : memref<81x128xi32, #tpu.memory_space<vmem>> -> memref<1x128xi32, #tpu.memory_space<vmem>>
      %dma_wait3A_53 = tpu.memref_squeeze %dma_wait3A_52 : memref<1x128xi32, #tpu.memory_space<vmem>> -> memref<128xi32, #tpu.memory_space<vmem>>
      %dma_wait3A_54 = arith.constant 0 : i32
      %dma_wait3A_55 = arith.constant 0 : i32
      %dma_wait3A_56 = tpu.memref_slice %arg9[%dma_wait3A_54, %dma_wait3A_55] : memref<10368x128xf32, #tpu.memory_space<vmem_shared>> -> memref<10368x128xf32, #tpu.memory_space<vmem_shared>>
      tpu.wait_indirect_dma semaphore(%run_scoped3A_44 : memref<!tpu.dma_semaphore, #tpu.memory_space<semaphore_mem>>) src(%arg7 : memref<128x128xf32, #tpu.memory_space<vmem>>) dst(%dma_wait3A_56 : memref<10368x128xf32, #tpu.memory_space<vmem_shared>>)
      tpu.yield
    }) : () -> ()
    %barrier3A_36 = arith.constant 0 : index
    tpu.barrier barrier_id(%barrier3A_36)
    %scan3A_37 = arith.constant 0 : i32
    %scan3A_38 = arith.constant 0 : i32
    %scan3A_39 = arith.constant 6 : i32
    %scan3A_40 = arith.addi %scan3A_38, %scan3A_39 : i32
    %scan3A_41 = arith.constant 1 : i32
    %scan3A_42 = scf.for %scan3A_44 = %scan3A_38 to %scan3A_40 step %scan3A_41 iter_args(%scan3A_45 = %scan3A_37) -> (i32)  : i32 {
      %mul3A_46 = arith.constant 16 : i32
      %mul3A_47 = arith.muli %scan3A_44, %mul3A_46 : i32
      %add3A_48 = arith.addi %arg1, %mul3A_47 : i32
      %lt3A = arith.constant 81 : i32
      %lt3A_49 = arith.cmpi slt, %add3A_48, %lt3A : i32
      %convert_element_type3A = arith.extui %lt3A_49 : i1 to i32
      %cond3A = arith.constant 0 : i32
      %cond3A_50 = arith.cmpi ne, %convert_element_type3A, %cond3A : i32
      scf.if %cond3A_50 {
        %mul3A_52 = arith.constant 128 : i32
        %mul3A_53 = arith.muli %add3A_48, %mul3A_52 : i32
        "tpu.region"() ({
          %run_scoped3A_63 = tpu.sem_alloc : memref<!tpu.dma_semaphore, #tpu.memory_space<semaphore_mem>>
          %dma_start3A_64 = arith.constant 0 : i32
          %dma_start3A_65 = tpu.memref_slice %arg9[%mul3A_53, %dma_start3A_64] : memref<10368x128xf32, #tpu.memory_space<vmem_shared>> -> memref<128x128xf32, #tpu.memory_space<vmem_shared>>
          %dma_start3A_66 = arith.constant 0 : i32
          %dma_start3A_67 = tpu.memref_slice %arg9[%mul3A_53, %dma_start3A_66] : memref<10368x128xf32, #tpu.memory_space<vmem_shared>> -> memref<128x128xf32, #tpu.memory_space<vmem_shared>>
          tpu.enqueue_dma source(%dma_start3A_67 : memref<128x128xf32, #tpu.memory_space<vmem_shared>>) target(%arg7 : memref<128x128xf32, #tpu.memory_space<vmem>>) target_semaphore(%run_scoped3A_63 : memref<!tpu.dma_semaphore, #tpu.memory_space<semaphore_mem>>)
          %dma_wait3A_68 = arith.constant 0 : i32
          %dma_wait3A_69 = tpu.memref_slice %arg9[%mul3A_53, %dma_wait3A_68] : memref<10368x128xf32, #tpu.memory_space<vmem_shared>> -> memref<128x128xf32, #tpu.memory_space<vmem_shared>>
          %dma_wait3A_70 = arith.constant 0 : i32
          %dma_wait3A_71 = tpu.memref_slice %arg9[%mul3A_53, %dma_wait3A_70] : memref<10368x128xf32, #tpu.memory_space<vmem_shared>> -> memref<128x128xf32, #tpu.memory_space<vmem_shared>>
          tpu.wait_dma2 semaphore(%run_scoped3A_63 : memref<!tpu.dma_semaphore, #tpu.memory_space<semaphore_mem>>) src(%dma_wait3A_71 : memref<128x128xf32, #tpu.memory_space<vmem_shared>>) dst(%arg7 : memref<128x128xf32, #tpu.memory_space<vmem>>)
          tpu.yield
        }) : () -> ()
        %eq3A = arith.constant 0 : i32
        %eq3A_54 = arith.cmpi eq, %arg0, %eq3A : i32
        %convert_element_type3A_55 = arith.extui %eq3A_54 : i1 to i32
        %cond3A_56 = arith.constant 0 : i32
        %cond3A_57 = arith.cmpi ne, %convert_element_type3A_55, %cond3A_56 : i32
        scf.if %cond3A_57 {
          %mul3A_63 = arith.constant 128 : i32
          %mul3A_64 = arith.muli %add3A_48, %mul3A_63 : i32
          "tpu.region"() ({
            %run_scoped3A_65 = tpu.sem_alloc : memref<!tpu.dma_semaphore, #tpu.memory_space<semaphore_mem>>
            %dma_start3A_66 = arith.constant 0 : i32
            %dma_start3A_67 = tpu.memref_slice %arg4[%mul3A_64, %dma_start3A_66] : memref<10368x128xf32, #tpu.memory_space<hbm>> -> memref<128x128xf32, #tpu.memory_space<hbm>>
            %dma_start3A_68 = arith.constant 0 : i32
            %dma_start3A_69 = tpu.memref_slice %arg4[%mul3A_64, %dma_start3A_68] : memref<10368x128xf32, #tpu.memory_space<hbm>> -> memref<128x128xf32, #tpu.memory_space<hbm>>
            tpu.enqueue_dma source(%arg7 : memref<128x128xf32, #tpu.memory_space<vmem>>) target(%dma_start3A_69 : memref<128x128xf32, #tpu.memory_space<hbm>>) target_semaphore(%run_scoped3A_65 : memref<!tpu.dma_semaphore, #tpu.memory_space<semaphore_mem>>)
            %dma_wait3A_70 = arith.constant 0 : i32
            %dma_wait3A_71 = tpu.memref_slice %arg4[%mul3A_64, %dma_wait3A_70] : memref<10368x128xf32, #tpu.memory_space<hbm>> -> memref<128x128xf32, #tpu.memory_space<hbm>>
            %dma_wait3A_72 = arith.constant 0 : i32
            %dma_wait3A_73 = tpu.memref_slice %arg4[%mul3A_64, %dma_wait3A_72] : memref<10368x128xf32, #tpu.memory_space<hbm>> -> memref<128x128xf32, #tpu.memory_space<hbm>>
            tpu.wait_dma2 semaphore(%run_scoped3A_65 : memref<!tpu.dma_semaphore, #tpu.memory_space<semaphore_mem>>) src(%arg7 : memref<128x128xf32, #tpu.memory_space<vmem>>) dst(%dma_wait3A_73 : memref<128x128xf32, #tpu.memory_space<hbm>>)
            tpu.yield
          }) : () -> ()
        } else {
        }
        %eq3A_58 = arith.constant 1 : i32
        %eq3A_59 = arith.cmpi eq, %arg0, %eq3A_58 : i32
        %convert_element_type3A_60 = arith.extui %eq3A_59 : i1 to i32
        %cond3A_61 = arith.constant 0 : i32
        %cond3A_62 = arith.cmpi ne, %convert_element_type3A_60, %cond3A_61 : i32
        scf.if %cond3A_62 {
          %mul3A_63 = arith.constant 128 : i32
          %mul3A_64 = arith.muli %add3A_48, %mul3A_63 : i32
          "tpu.region"() ({
            %run_scoped3A_65 = tpu.sem_alloc : memref<!tpu.dma_semaphore, #tpu.memory_space<semaphore_mem>>
            %dma_start3A_66 = arith.constant 0 : i32
            %dma_start3A_67 = tpu.memref_slice %arg5[%mul3A_64, %dma_start3A_66] : memref<10368x128xf32, #tpu.memory_space<hbm>> -> memref<128x128xf32, #tpu.memory_space<hbm>>
            %dma_start3A_68 = arith.constant 0 : i32
            %dma_start3A_69 = tpu.memref_slice %arg5[%mul3A_64, %dma_start3A_68] : memref<10368x128xf32, #tpu.memory_space<hbm>> -> memref<128x128xf32, #tpu.memory_space<hbm>>
            tpu.enqueue_dma source(%arg7 : memref<128x128xf32, #tpu.memory_space<vmem>>) target(%dma_start3A_69 : memref<128x128xf32, #tpu.memory_space<hbm>>) target_semaphore(%run_scoped3A_65 : memref<!tpu.dma_semaphore, #tpu.memory_space<semaphore_mem>>)
            %dma_wait3A_70 = arith.constant 0 : i32
            %dma_wait3A_71 = tpu.memref_slice %arg5[%mul3A_64, %dma_wait3A_70] : memref<10368x128xf32, #tpu.memory_space<hbm>> -> memref<128x128xf32, #tpu.memory_space<hbm>>
            %dma_wait3A_72 = arith.constant 0 : i32
            %dma_wait3A_73 = tpu.memref_slice %arg5[%mul3A_64, %dma_wait3A_72] : memref<10368x128xf32, #tpu.memory_space<hbm>> -> memref<128x128xf32, #tpu.memory_space<hbm>>
            tpu.wait_dma2 semaphore(%run_scoped3A_65 : memref<!tpu.dma_semaphore, #tpu.memory_space<semaphore_mem>>) src(%arg7 : memref<128x128xf32, #tpu.memory_space<vmem>>) dst(%dma_wait3A_73 : memref<128x128xf32, #tpu.memory_space<hbm>>)
            tpu.yield
          }) : () -> ()
        } else {
        }
      } else {
      }
      %scan3A_51 = arith.constant 0 : i32
      scf.yield %scan3A_51 : i32
    }
    %scan3A_43 = arith.constant 6 : i32
    return
  }
}

#map = affine_map<(d0, d1) -> (0, 0)>
#map1 = affine_map<(d0, d1) -> (0, 0, 0)>
module attributes {stable_mosaic.version = 14 : i64} {
  func.func @gather2(%arg0: i32, %arg1: i32, %arg2: memref<10000x128xf32, #tpu.memory_space<hbm>>, %arg3: memref<32x81x128xi32, #tpu.memory_space<hbm>>, %arg4: memref<32x81x128xi32, #tpu.memory_space<hbm>>, %arg5: memref<331776x128xf32, #tpu.memory_space<hbm>>, %arg6: memref<331776x128xf32, #tpu.memory_space<hbm>>, %arg7: memref<81x128xi32, #tpu.memory_space<vmem>>, %arg8: memref<81x128xi32, #tpu.memory_space<vmem>>, %arg9: memref<128x128xf32, #tpu.memory_space<vmem>>, %arg10: memref<128x128xf32, #tpu.memory_space<vmem>>, %arg11: memref<128x128xf32, #tpu.memory_space<vmem>>, %arg12: memref<128x128xf32, #tpu.memory_space<vmem>>, %arg13: memref<!tpu.dma_semaphore, #tpu.memory_space<semaphore_mem>>, %arg14: memref<!tpu.dma_semaphore, #tpu.memory_space<semaphore_mem>>, %arg15: memref<!tpu.dma_semaphore, #tpu.memory_space<semaphore_mem>>, %arg16: memref<!tpu.dma_semaphore, #tpu.memory_space<semaphore_mem>>) attributes {dimension_semantics = [#tpu.dimension_semantics<core_parallel>, #tpu.dimension_semantics<subcore_parallel>], iteration_bounds = array<i64: 2, 16>, scalar_prefetch = 0 : i64, scratch_operands = 10 : i64, tpu.core_type = #tpu.core_type<sc_vector_subcore>, window_params = [{transform_indices = #map}, {transform_indices = #map1}, {transform_indices = #map1}, {transform_indices = #map}, {transform_indices = #map}]} {
    %mul3A = arith.constant 2 : i32
    %mul3A_0 = arith.muli %arg1, %mul3A : i32
    %add3A = arith.addi %mul3A_0, %arg0 : i32
    "tpu.region"() ({
      %run_scoped3A = tpu.sem_alloc : memref<!tpu.dma_semaphore, #tpu.memory_space<semaphore_mem>>
      %dma_start3A_41 = arith.constant 0 : i32
      %dma_start3A_42 = arith.constant 0 : i32
      %dma_start3A_43 = tpu.memref_slice %arg3[%add3A, %dma_start3A_41, %dma_start3A_42] : memref<32x81x128xi32, #tpu.memory_space<hbm>> -> memref<1x81x128xi32, #tpu.memory_space<hbm>>
      %dma_start3A_44 = tpu.memref_squeeze %dma_start3A_43 : memref<1x81x128xi32, #tpu.memory_space<hbm>> -> memref<81x128xi32, #tpu.memory_space<hbm>>
      %dma_start3A_45 = arith.constant 0 : i32
      %dma_start3A_46 = arith.constant 0 : i32
      %dma_start3A_47 = tpu.memref_slice %arg3[%add3A, %dma_start3A_45, %dma_start3A_46] : memref<32x81x128xi32, #tpu.memory_space<hbm>> -> memref<1x81x128xi32, #tpu.memory_space<hbm>>
      %dma_start3A_48 = tpu.memref_squeeze %dma_start3A_47 : memref<1x81x128xi32, #tpu.memory_space<hbm>> -> memref<81x128xi32, #tpu.memory_space<hbm>>
      tpu.enqueue_dma source(%dma_start3A_48 : memref<81x128xi32, #tpu.memory_space<hbm>>) target(%arg7 : memref<81x128xi32, #tpu.memory_space<vmem>>) target_semaphore(%run_scoped3A : memref<!tpu.dma_semaphore, #tpu.memory_space<semaphore_mem>>)
      %dma_wait3A_49 = arith.constant 0 : i32
      %dma_wait3A_50 = arith.constant 0 : i32
      %dma_wait3A_51 = tpu.memref_slice %arg3[%add3A, %dma_wait3A_49, %dma_wait3A_50] : memref<32x81x128xi32, #tpu.memory_space<hbm>> -> memref<1x81x128xi32, #tpu.memory_space<hbm>>
      %dma_wait3A_52 = tpu.memref_squeeze %dma_wait3A_51 : memref<1x81x128xi32, #tpu.memory_space<hbm>> -> memref<81x128xi32, #tpu.memory_space<hbm>>
      %dma_wait3A_53 = arith.constant 0 : i32
      %dma_wait3A_54 = arith.constant 0 : i32
      %dma_wait3A_55 = tpu.memref_slice %arg3[%add3A, %dma_wait3A_53, %dma_wait3A_54] : memref<32x81x128xi32, #tpu.memory_space<hbm>> -> memref<1x81x128xi32, #tpu.memory_space<hbm>>
      %dma_wait3A_56 = tpu.memref_squeeze %dma_wait3A_55 : memref<1x81x128xi32, #tpu.memory_space<hbm>> -> memref<81x128xi32, #tpu.memory_space<hbm>>
      tpu.wait_dma2 semaphore(%run_scoped3A : memref<!tpu.dma_semaphore, #tpu.memory_space<semaphore_mem>>) src(%dma_wait3A_56 : memref<81x128xi32, #tpu.memory_space<hbm>>) dst(%arg7 : memref<81x128xi32, #tpu.memory_space<vmem>>)
      tpu.yield
    }) : () -> ()
    "tpu.region"() ({
      %run_scoped3A = tpu.sem_alloc : memref<!tpu.dma_semaphore, #tpu.memory_space<semaphore_mem>>
      %dma_start3A_41 = arith.constant 0 : i32
      %dma_start3A_42 = arith.constant 0 : i32
      %dma_start3A_43 = tpu.memref_slice %arg4[%add3A, %dma_start3A_41, %dma_start3A_42] : memref<32x81x128xi32, #tpu.memory_space<hbm>> -> memref<1x81x128xi32, #tpu.memory_space<hbm>>
      %dma_start3A_44 = tpu.memref_squeeze %dma_start3A_43 : memref<1x81x128xi32, #tpu.memory_space<hbm>> -> memref<81x128xi32, #tpu.memory_space<hbm>>
      %dma_start3A_45 = arith.constant 0 : i32
      %dma_start3A_46 = arith.constant 0 : i32
      %dma_start3A_47 = tpu.memref_slice %arg4[%add3A, %dma_start3A_45, %dma_start3A_46] : memref<32x81x128xi32, #tpu.memory_space<hbm>> -> memref<1x81x128xi32, #tpu.memory_space<hbm>>
      %dma_start3A_48 = tpu.memref_squeeze %dma_start3A_47 : memref<1x81x128xi32, #tpu.memory_space<hbm>> -> memref<81x128xi32, #tpu.memory_space<hbm>>
      tpu.enqueue_dma source(%dma_start3A_48 : memref<81x128xi32, #tpu.memory_space<hbm>>) target(%arg8 : memref<81x128xi32, #tpu.memory_space<vmem>>) target_semaphore(%run_scoped3A : memref<!tpu.dma_semaphore, #tpu.memory_space<semaphore_mem>>)
      %dma_wait3A_49 = arith.constant 0 : i32
      %dma_wait3A_50 = arith.constant 0 : i32
      %dma_wait3A_51 = tpu.memref_slice %arg4[%add3A, %dma_wait3A_49, %dma_wait3A_50] : memref<32x81x128xi32, #tpu.memory_space<hbm>> -> memref<1x81x128xi32, #tpu.memory_space<hbm>>
      %dma_wait3A_52 = tpu.memref_squeeze %dma_wait3A_51 : memref<1x81x128xi32, #tpu.memory_space<hbm>> -> memref<81x128xi32, #tpu.memory_space<hbm>>
      %dma_wait3A_53 = arith.constant 0 : i32
      %dma_wait3A_54 = arith.constant 0 : i32
      %dma_wait3A_55 = tpu.memref_slice %arg4[%add3A, %dma_wait3A_53, %dma_wait3A_54] : memref<32x81x128xi32, #tpu.memory_space<hbm>> -> memref<1x81x128xi32, #tpu.memory_space<hbm>>
      %dma_wait3A_56 = tpu.memref_squeeze %dma_wait3A_55 : memref<1x81x128xi32, #tpu.memory_space<hbm>> -> memref<81x128xi32, #tpu.memory_space<hbm>>
      tpu.wait_dma2 semaphore(%run_scoped3A : memref<!tpu.dma_semaphore, #tpu.memory_space<semaphore_mem>>) src(%dma_wait3A_56 : memref<81x128xi32, #tpu.memory_space<hbm>>) dst(%arg8 : memref<81x128xi32, #tpu.memory_space<vmem>>)
      tpu.yield
    }) : () -> ()
    %dma_start3A = arith.constant 0 : i32
    %dma_start3A_1 = arith.constant 0 : i32
    %dma_start3A_2 = tpu.memref_slice %arg7[%dma_start3A, %dma_start3A_1] : memref<81x128xi32, #tpu.memory_space<vmem>> -> memref<1x128xi32, #tpu.memory_space<vmem>>
    %dma_start3A_3 = tpu.memref_squeeze %dma_start3A_2 : memref<1x128xi32, #tpu.memory_space<vmem>> -> memref<128xi32, #tpu.memory_space<vmem>>
    %dma_start3A_4 = arith.constant 0 : i32
    %dma_start3A_5 = arith.constant 0 : i32
    %dma_start3A_6 = tpu.memref_slice %arg2[%dma_start3A_4, %dma_start3A_5] : memref<10000x128xf32, #tpu.memory_space<hbm>> -> memref<10000x128xf32, #tpu.memory_space<hbm>>
    tpu.enqueue_indirect_dma source(%dma_start3A_6 : memref<10000x128xf32, #tpu.memory_space<hbm>>) target(%arg9 : memref<128x128xf32, #tpu.memory_space<vmem>>) offsets(%dma_start3A_3 : memref<128xi32, #tpu.memory_space<vmem>>) semaphore(%arg13 : memref<!tpu.dma_semaphore, #tpu.memory_space<semaphore_mem>>)
    %dma_start3A_7 = arith.constant 0 : i32
    %dma_start3A_8 = arith.constant 0 : i32
    %dma_start3A_9 = tpu.memref_slice %arg8[%dma_start3A_7, %dma_start3A_8] : memref<81x128xi32, #tpu.memory_space<vmem>> -> memref<1x128xi32, #tpu.memory_space<vmem>>
    %dma_start3A_10 = tpu.memref_squeeze %dma_start3A_9 : memref<1x128xi32, #tpu.memory_space<vmem>> -> memref<128xi32, #tpu.memory_space<vmem>>
    %dma_start3A_11 = arith.constant 0 : i32
    %dma_start3A_12 = arith.constant 0 : i32
    %dma_start3A_13 = tpu.memref_slice %arg2[%dma_start3A_11, %dma_start3A_12] : memref<10000x128xf32, #tpu.memory_space<hbm>> -> memref<10000x128xf32, #tpu.memory_space<hbm>>
    tpu.enqueue_indirect_dma source(%dma_start3A_13 : memref<10000x128xf32, #tpu.memory_space<hbm>>) target(%arg10 : memref<128x128xf32, #tpu.memory_space<vmem>>) offsets(%dma_start3A_10 : memref<128xi32, #tpu.memory_space<vmem>>) semaphore(%arg14 : memref<!tpu.dma_semaphore, #tpu.memory_space<semaphore_mem>>)
    %scan3A = arith.constant 0 : i32
    %scan3A_14 = arith.constant 0 : i32
    %scan3A_15 = arith.constant 40 : i32
    %scan3A_16 = arith.addi %scan3A_14, %scan3A_15 : i32
    %scan3A_17 = arith.constant 1 : i32
    %scan3A_18 = scf.for %scan3A_41 = %scan3A_14 to %scan3A_16 step %scan3A_17 iter_args(%scan3A_42 = %scan3A) -> (i32)  : i32 {
      %mul3A_43 = arith.constant 2 : i32
      %mul3A_44 = arith.muli %mul3A_43, %scan3A_41 : i32
      %add3A_45 = arith.constant 1 : i32
      %add3A_46 = arith.addi %mul3A_44, %add3A_45 : i32
      %add3A_47 = arith.constant 2 : i32
      %add3A_48 = arith.addi %mul3A_44, %add3A_47 : i32
      %dma_start3A_49 = arith.constant 0 : i32
      %dma_start3A_50 = tpu.memref_slice %arg7[%add3A_46, %dma_start3A_49] : memref<81x128xi32, #tpu.memory_space<vmem>> -> memref<1x128xi32, #tpu.memory_space<vmem>>
      %dma_start3A_51 = tpu.memref_squeeze %dma_start3A_50 : memref<1x128xi32, #tpu.memory_space<vmem>> -> memref<128xi32, #tpu.memory_space<vmem>>
      %dma_start3A_52 = arith.constant 0 : i32
      %dma_start3A_53 = arith.constant 0 : i32
      %dma_start3A_54 = tpu.memref_slice %arg2[%dma_start3A_52, %dma_start3A_53] : memref<10000x128xf32, #tpu.memory_space<hbm>> -> memref<10000x128xf32, #tpu.memory_space<hbm>>
      tpu.enqueue_indirect_dma source(%dma_start3A_54 : memref<10000x128xf32, #tpu.memory_space<hbm>>) target(%arg11 : memref<128x128xf32, #tpu.memory_space<vmem>>) offsets(%dma_start3A_51 : memref<128xi32, #tpu.memory_space<vmem>>) semaphore(%arg15 : memref<!tpu.dma_semaphore, #tpu.memory_space<semaphore_mem>>)
      %dma_start3A_55 = arith.constant 0 : i32
      %dma_start3A_56 = tpu.memref_slice %arg8[%add3A_46, %dma_start3A_55] : memref<81x128xi32, #tpu.memory_space<vmem>> -> memref<1x128xi32, #tpu.memory_space<vmem>>
      %dma_start3A_57 = tpu.memref_squeeze %dma_start3A_56 : memref<1x128xi32, #tpu.memory_space<vmem>> -> memref<128xi32, #tpu.memory_space<vmem>>
      %dma_start3A_58 = arith.constant 0 : i32
      %dma_start3A_59 = arith.constant 0 : i32
      %dma_start3A_60 = tpu.memref_slice %arg2[%dma_start3A_58, %dma_start3A_59] : memref<10000x128xf32, #tpu.memory_space<hbm>> -> memref<10000x128xf32, #tpu.memory_space<hbm>>
      tpu.enqueue_indirect_dma source(%dma_start3A_60 : memref<10000x128xf32, #tpu.memory_space<hbm>>) target(%arg12 : memref<128x128xf32, #tpu.memory_space<vmem>>) offsets(%dma_start3A_57 : memref<128xi32, #tpu.memory_space<vmem>>) semaphore(%arg16 : memref<!tpu.dma_semaphore, #tpu.memory_space<semaphore_mem>>)
      %dma_wait3A_61 = arith.constant 0 : i32
      %dma_wait3A_62 = tpu.memref_slice %arg7[%mul3A_44, %dma_wait3A_61] : memref<81x128xi32, #tpu.memory_space<vmem>> -> memref<1x128xi32, #tpu.memory_space<vmem>>
      %dma_wait3A_63 = tpu.memref_squeeze %dma_wait3A_62 : memref<1x128xi32, #tpu.memory_space<vmem>> -> memref<128xi32, #tpu.memory_space<vmem>>
      %dma_wait3A_64 = arith.constant 0 : i32
      %dma_wait3A_65 = arith.constant 0 : i32
      %dma_wait3A_66 = tpu.memref_slice %arg2[%dma_wait3A_64, %dma_wait3A_65] : memref<10000x128xf32, #tpu.memory_space<hbm>> -> memref<10000x128xf32, #tpu.memory_space<hbm>>
      tpu.wait_indirect_dma semaphore(%arg13 : memref<!tpu.dma_semaphore, #tpu.memory_space<semaphore_mem>>) src(%dma_wait3A_66 : memref<10000x128xf32, #tpu.memory_space<hbm>>) dst(%arg9 : memref<128x128xf32, #tpu.memory_space<vmem>>)
      %dma_wait3A_67 = arith.constant 0 : i32
      %dma_wait3A_68 = tpu.memref_slice %arg8[%mul3A_44, %dma_wait3A_67] : memref<81x128xi32, #tpu.memory_space<vmem>> -> memref<1x128xi32, #tpu.memory_space<vmem>>
      %dma_wait3A_69 = tpu.memref_squeeze %dma_wait3A_68 : memref<1x128xi32, #tpu.memory_space<vmem>> -> memref<128xi32, #tpu.memory_space<vmem>>
      %dma_wait3A_70 = arith.constant 0 : i32
      %dma_wait3A_71 = arith.constant 0 : i32
      %dma_wait3A_72 = tpu.memref_slice %arg2[%dma_wait3A_70, %dma_wait3A_71] : memref<10000x128xf32, #tpu.memory_space<hbm>> -> memref<10000x128xf32, #tpu.memory_space<hbm>>
      tpu.wait_indirect_dma semaphore(%arg14 : memref<!tpu.dma_semaphore, #tpu.memory_space<semaphore_mem>>) src(%dma_wait3A_72 : memref<10000x128xf32, #tpu.memory_space<hbm>>) dst(%arg10 : memref<128x128xf32, #tpu.memory_space<vmem>>)
      %mul3A_73 = arith.constant 10368 : i32
      %mul3A_74 = arith.muli %add3A, %mul3A_73 : i32
      %mul3A_75 = arith.constant 128 : i32
      %mul3A_76 = arith.muli %mul3A_44, %mul3A_75 : i32
      %add3A_77 = arith.addi %mul3A_74, %mul3A_76 : i32
      "tpu.region"() ({
        %run_scoped3A = tpu.sem_alloc : memref<!tpu.dma_semaphore, #tpu.memory_space<semaphore_mem>>
        %dma_start3A_118 = arith.constant 0 : i32
        %dma_start3A_119 = tpu.memref_slice %arg5[%add3A_77, %dma_start3A_118] : memref<331776x128xf32, #tpu.memory_space<hbm>> -> memref<128x128xf32, #tpu.memory_space<hbm>>
        %dma_start3A_120 = arith.constant 0 : i32
        %dma_start3A_121 = tpu.memref_slice %arg5[%add3A_77, %dma_start3A_120] : memref<331776x128xf32, #tpu.memory_space<hbm>> -> memref<128x128xf32, #tpu.memory_space<hbm>>
        tpu.enqueue_dma source(%arg9 : memref<128x128xf32, #tpu.memory_space<vmem>>) target(%dma_start3A_121 : memref<128x128xf32, #tpu.memory_space<hbm>>) target_semaphore(%run_scoped3A : memref<!tpu.dma_semaphore, #tpu.memory_space<semaphore_mem>>)
        %dma_wait3A_122 = arith.constant 0 : i32
        %dma_wait3A_123 = tpu.memref_slice %arg5[%add3A_77, %dma_wait3A_122] : memref<331776x128xf32, #tpu.memory_space<hbm>> -> memref<128x128xf32, #tpu.memory_space<hbm>>
        %dma_wait3A_124 = arith.constant 0 : i32
        %dma_wait3A_125 = tpu.memref_slice %arg5[%add3A_77, %dma_wait3A_124] : memref<331776x128xf32, #tpu.memory_space<hbm>> -> memref<128x128xf32, #tpu.memory_space<hbm>>
        tpu.wait_dma2 semaphore(%run_scoped3A : memref<!tpu.dma_semaphore, #tpu.memory_space<semaphore_mem>>) src(%arg9 : memref<128x128xf32, #tpu.memory_space<vmem>>) dst(%dma_wait3A_125 : memref<128x128xf32, #tpu.memory_space<hbm>>)
        tpu.yield
      }) : () -> ()
      %mul3A_78 = arith.constant 10368 : i32
      %mul3A_79 = arith.muli %add3A, %mul3A_78 : i32
      %mul3A_80 = arith.constant 128 : i32
      %mul3A_81 = arith.muli %mul3A_44, %mul3A_80 : i32
      %add3A_82 = arith.addi %mul3A_79, %mul3A_81 : i32
      "tpu.region"() ({
        %run_scoped3A = tpu.sem_alloc : memref<!tpu.dma_semaphore, #tpu.memory_space<semaphore_mem>>
        %dma_start3A_118 = arith.constant 0 : i32
        %dma_start3A_119 = tpu.memref_slice %arg6[%add3A_82, %dma_start3A_118] : memref<331776x128xf32, #tpu.memory_space<hbm>> -> memref<128x128xf32, #tpu.memory_space<hbm>>
        %dma_start3A_120 = arith.constant 0 : i32
        %dma_start3A_121 = tpu.memref_slice %arg6[%add3A_82, %dma_start3A_120] : memref<331776x128xf32, #tpu.memory_space<hbm>> -> memref<128x128xf32, #tpu.memory_space<hbm>>
        tpu.enqueue_dma source(%arg10 : memref<128x128xf32, #tpu.memory_space<vmem>>) target(%dma_start3A_121 : memref<128x128xf32, #tpu.memory_space<hbm>>) target_semaphore(%run_scoped3A : memref<!tpu.dma_semaphore, #tpu.memory_space<semaphore_mem>>)
        %dma_wait3A_122 = arith.constant 0 : i32
        %dma_wait3A_123 = tpu.memref_slice %arg6[%add3A_82, %dma_wait3A_122] : memref<331776x128xf32, #tpu.memory_space<hbm>> -> memref<128x128xf32, #tpu.memory_space<hbm>>
        %dma_wait3A_124 = arith.constant 0 : i32
        %dma_wait3A_125 = tpu.memref_slice %arg6[%add3A_82, %dma_wait3A_124] : memref<331776x128xf32, #tpu.memory_space<hbm>> -> memref<128x128xf32, #tpu.memory_space<hbm>>
        tpu.wait_dma2 semaphore(%run_scoped3A : memref<!tpu.dma_semaphore, #tpu.memory_space<semaphore_mem>>) src(%arg10 : memref<128x128xf32, #tpu.memory_space<vmem>>) dst(%dma_wait3A_125 : memref<128x128xf32, #tpu.memory_space<hbm>>)
        tpu.yield
      }) : () -> ()
      %dma_start3A_83 = arith.constant 0 : i32
      %dma_start3A_84 = tpu.memref_slice %arg7[%add3A_48, %dma_start3A_83] : memref<81x128xi32, #tpu.memory_space<vmem>> -> memref<1x128xi32, #tpu.memory_space<vmem>>
      %dma_start3A_85 = tpu.memref_squeeze %dma_start3A_84 : memref<1x128xi32, #tpu.memory_space<vmem>> -> memref<128xi32, #tpu.memory_space<vmem>>
      %dma_start3A_86 = arith.constant 0 : i32
      %dma_start3A_87 = arith.constant 0 : i32
      %dma_start3A_88 = tpu.memref_slice %arg2[%dma_start3A_86, %dma_start3A_87] : memref<10000x128xf32, #tpu.memory_space<hbm>> -> memref<10000x128xf32, #tpu.memory_space<hbm>>
      tpu.enqueue_indirect_dma source(%dma_start3A_88 : memref<10000x128xf32, #tpu.memory_space<hbm>>) target(%arg9 : memref<128x128xf32, #tpu.memory_space<vmem>>) offsets(%dma_start3A_85 : memref<128xi32, #tpu.memory_space<vmem>>) semaphore(%arg13 : memref<!tpu.dma_semaphore, #tpu.memory_space<semaphore_mem>>)
      %dma_start3A_89 = arith.constant 0 : i32
      %dma_start3A_90 = tpu.memref_slice %arg8[%add3A_48, %dma_start3A_89] : memref<81x128xi32, #tpu.memory_space<vmem>> -> memref<1x128xi32, #tpu.memory_space<vmem>>
      %dma_start3A_91 = tpu.memref_squeeze %dma_start3A_90 : memref<1x128xi32, #tpu.memory_space<vmem>> -> memref<128xi32, #tpu.memory_space<vmem>>
      %dma_start3A_92 = arith.constant 0 : i32
      %dma_start3A_93 = arith.constant 0 : i32
      %dma_start3A_94 = tpu.memref_slice %arg2[%dma_start3A_92, %dma_start3A_93] : memref<10000x128xf32, #tpu.memory_space<hbm>> -> memref<10000x128xf32, #tpu.memory_space<hbm>>
      tpu.enqueue_indirect_dma source(%dma_start3A_94 : memref<10000x128xf32, #tpu.memory_space<hbm>>) target(%arg10 : memref<128x128xf32, #tpu.memory_space<vmem>>) offsets(%dma_start3A_91 : memref<128xi32, #tpu.memory_space<vmem>>) semaphore(%arg14 : memref<!tpu.dma_semaphore, #tpu.memory_space<semaphore_mem>>)
      %dma_wait3A_95 = arith.constant 0 : i32
      %dma_wait3A_96 = tpu.memref_slice %arg7[%add3A_46, %dma_wait3A_95] : memref<81x128xi32, #tpu.memory_space<vmem>> -> memref<1x128xi32, #tpu.memory_space<vmem>>
      %dma_wait3A_97 = tpu.memref_squeeze %dma_wait3A_96 : memref<1x128xi32, #tpu.memory_space<vmem>> -> memref<128xi32, #tpu.memory_space<vmem>>
      %dma_wait3A_98 = arith.constant 0 : i32
      %dma_wait3A_99 = arith.constant 0 : i32
      %dma_wait3A_100 = tpu.memref_slice %arg2[%dma_wait3A_98, %dma_wait3A_99] : memref<10000x128xf32, #tpu.memory_space<hbm>> -> memref<10000x128xf32, #tpu.memory_space<hbm>>
      tpu.wait_indirect_dma semaphore(%arg15 : memref<!tpu.dma_semaphore, #tpu.memory_space<semaphore_mem>>) src(%dma_wait3A_100 : memref<10000x128xf32, #tpu.memory_space<hbm>>) dst(%arg11 : memref<128x128xf32, #tpu.memory_space<vmem>>)
      %dma_wait3A_101 = arith.constant 0 : i32
      %dma_wait3A_102 = tpu.memref_slice %arg8[%add3A_46, %dma_wait3A_101] : memref<81x128xi32, #tpu.memory_space<vmem>> -> memref<1x128xi32, #tpu.memory_space<vmem>>
      %dma_wait3A_103 = tpu.memref_squeeze %dma_wait3A_102 : memref<1x128xi32, #tpu.memory_space<vmem>> -> memref<128xi32, #tpu.memory_space<vmem>>
      %dma_wait3A_104 = arith.constant 0 : i32
      %dma_wait3A_105 = arith.constant 0 : i32
      %dma_wait3A_106 = tpu.memref_slice %arg2[%dma_wait3A_104, %dma_wait3A_105] : memref<10000x128xf32, #tpu.memory_space<hbm>> -> memref<10000x128xf32, #tpu.memory_space<hbm>>
      tpu.wait_indirect_dma semaphore(%arg16 : memref<!tpu.dma_semaphore, #tpu.memory_space<semaphore_mem>>) src(%dma_wait3A_106 : memref<10000x128xf32, #tpu.memory_space<hbm>>) dst(%arg12 : memref<128x128xf32, #tpu.memory_space<vmem>>)
      %mul3A_107 = arith.constant 10368 : i32
      %mul3A_108 = arith.muli %add3A, %mul3A_107 : i32
      %mul3A_109 = arith.constant 128 : i32
      %mul3A_110 = arith.muli %add3A_46, %mul3A_109 : i32
      %add3A_111 = arith.addi %mul3A_108, %mul3A_110 : i32
      "tpu.region"() ({
        %run_scoped3A = tpu.sem_alloc : memref<!tpu.dma_semaphore, #tpu.memory_space<semaphore_mem>>
        %dma_start3A_118 = arith.constant 0 : i32
        %dma_start3A_119 = tpu.memref_slice %arg5[%add3A_111, %dma_start3A_118] : memref<331776x128xf32, #tpu.memory_space<hbm>> -> memref<128x128xf32, #tpu.memory_space<hbm>>
        %dma_start3A_120 = arith.constant 0 : i32
        %dma_start3A_121 = tpu.memref_slice %arg5[%add3A_111, %dma_start3A_120] : memref<331776x128xf32, #tpu.memory_space<hbm>> -> memref<128x128xf32, #tpu.memory_space<hbm>>
        tpu.enqueue_dma source(%arg11 : memref<128x128xf32, #tpu.memory_space<vmem>>) target(%dma_start3A_121 : memref<128x128xf32, #tpu.memory_space<hbm>>) target_semaphore(%run_scoped3A : memref<!tpu.dma_semaphore, #tpu.memory_space<semaphore_mem>>)
        %dma_wait3A_122 = arith.constant 0 : i32
        %dma_wait3A_123 = tpu.memref_slice %arg5[%add3A_111, %dma_wait3A_122] : memref<331776x128xf32, #tpu.memory_space<hbm>> -> memref<128x128xf32, #tpu.memory_space<hbm>>
        %dma_wait3A_124 = arith.constant 0 : i32
        %dma_wait3A_125 = tpu.memref_slice %arg5[%add3A_111, %dma_wait3A_124] : memref<331776x128xf32, #tpu.memory_space<hbm>> -> memref<128x128xf32, #tpu.memory_space<hbm>>
        tpu.wait_dma2 semaphore(%run_scoped3A : memref<!tpu.dma_semaphore, #tpu.memory_space<semaphore_mem>>) src(%arg11 : memref<128x128xf32, #tpu.memory_space<vmem>>) dst(%dma_wait3A_125 : memref<128x128xf32, #tpu.memory_space<hbm>>)
        tpu.yield
      }) : () -> ()
      %mul3A_112 = arith.constant 10368 : i32
      %mul3A_113 = arith.muli %add3A, %mul3A_112 : i32
      %mul3A_114 = arith.constant 128 : i32
      %mul3A_115 = arith.muli %add3A_46, %mul3A_114 : i32
      %add3A_116 = arith.addi %mul3A_113, %mul3A_115 : i32
      "tpu.region"() ({
        %run_scoped3A = tpu.sem_alloc : memref<!tpu.dma_semaphore, #tpu.memory_space<semaphore_mem>>
        %dma_start3A_118 = arith.constant 0 : i32
        %dma_start3A_119 = tpu.memref_slice %arg6[%add3A_116, %dma_start3A_118] : memref<331776x128xf32, #tpu.memory_space<hbm>> -> memref<128x128xf32, #tpu.memory_space<hbm>>
        %dma_start3A_120 = arith.constant 0 : i32
        %dma_start3A_121 = tpu.memref_slice %arg6[%add3A_116, %dma_start3A_120] : memref<331776x128xf32, #tpu.memory_space<hbm>> -> memref<128x128xf32, #tpu.memory_space<hbm>>
        tpu.enqueue_dma source(%arg12 : memref<128x128xf32, #tpu.memory_space<vmem>>) target(%dma_start3A_121 : memref<128x128xf32, #tpu.memory_space<hbm>>) target_semaphore(%run_scoped3A : memref<!tpu.dma_semaphore, #tpu.memory_space<semaphore_mem>>)
        %dma_wait3A_122 = arith.constant 0 : i32
        %dma_wait3A_123 = tpu.memref_slice %arg6[%add3A_116, %dma_wait3A_122] : memref<331776x128xf32, #tpu.memory_space<hbm>> -> memref<128x128xf32, #tpu.memory_space<hbm>>
        %dma_wait3A_124 = arith.constant 0 : i32
        %dma_wait3A_125 = tpu.memref_slice %arg6[%add3A_116, %dma_wait3A_124] : memref<331776x128xf32, #tpu.memory_space<hbm>> -> memref<128x128xf32, #tpu.memory_space<hbm>>
        tpu.wait_dma2 semaphore(%run_scoped3A : memref<!tpu.dma_semaphore, #tpu.memory_space<semaphore_mem>>) src(%arg12 : memref<128x128xf32, #tpu.memory_space<vmem>>) dst(%dma_wait3A_125 : memref<128x128xf32, #tpu.memory_space<hbm>>)
        tpu.yield
      }) : () -> ()
      %scan3A_117 = arith.constant 0 : i32
      scf.yield %scan3A_117 : i32
    }
    %scan3A_19 = arith.constant 40 : i32
    %dma_wait3A = arith.constant 80 : i32
    %dma_wait3A_20 = arith.constant 0 : i32
    %dma_wait3A_21 = tpu.memref_slice %arg7[%dma_wait3A, %dma_wait3A_20] : memref<81x128xi32, #tpu.memory_space<vmem>> -> memref<1x128xi32, #tpu.memory_space<vmem>>
    %dma_wait3A_22 = tpu.memref_squeeze %dma_wait3A_21 : memref<1x128xi32, #tpu.memory_space<vmem>> -> memref<128xi32, #tpu.memory_space<vmem>>
    %dma_wait3A_23 = arith.constant 0 : i32
    %dma_wait3A_24 = arith.constant 0 : i32
    %dma_wait3A_25 = tpu.memref_slice %arg2[%dma_wait3A_23, %dma_wait3A_24] : memref<10000x128xf32, #tpu.memory_space<hbm>> -> memref<10000x128xf32, #tpu.memory_space<hbm>>
    tpu.wait_indirect_dma semaphore(%arg13 : memref<!tpu.dma_semaphore, #tpu.memory_space<semaphore_mem>>) src(%dma_wait3A_25 : memref<10000x128xf32, #tpu.memory_space<hbm>>) dst(%arg9 : memref<128x128xf32, #tpu.memory_space<vmem>>)
    %dma_wait3A_26 = arith.constant 80 : i32
    %dma_wait3A_27 = arith.constant 0 : i32
    %dma_wait3A_28 = tpu.memref_slice %arg8[%dma_wait3A_26, %dma_wait3A_27] : memref<81x128xi32, #tpu.memory_space<vmem>> -> memref<1x128xi32, #tpu.memory_space<vmem>>
    %dma_wait3A_29 = tpu.memref_squeeze %dma_wait3A_28 : memref<1x128xi32, #tpu.memory_space<vmem>> -> memref<128xi32, #tpu.memory_space<vmem>>
    %dma_wait3A_30 = arith.constant 0 : i32
    %dma_wait3A_31 = arith.constant 0 : i32
    %dma_wait3A_32 = tpu.memref_slice %arg2[%dma_wait3A_30, %dma_wait3A_31] : memref<10000x128xf32, #tpu.memory_space<hbm>> -> memref<10000x128xf32, #tpu.memory_space<hbm>>
    tpu.wait_indirect_dma semaphore(%arg14 : memref<!tpu.dma_semaphore, #tpu.memory_space<semaphore_mem>>) src(%dma_wait3A_32 : memref<10000x128xf32, #tpu.memory_space<hbm>>) dst(%arg10 : memref<128x128xf32, #tpu.memory_space<vmem>>)
    %mul3A_33 = arith.constant 10368 : i32
    %mul3A_34 = arith.muli %add3A, %mul3A_33 : i32
    %add3A_35 = arith.constant 10240 : i32
    %add3A_36 = arith.addi %mul3A_34, %add3A_35 : i32
    "tpu.region"() ({
      %run_scoped3A = tpu.sem_alloc : memref<!tpu.dma_semaphore, #tpu.memory_space<semaphore_mem>>
      %dma_start3A_41 = arith.constant 0 : i32
      %dma_start3A_42 = tpu.memref_slice %arg5[%add3A_36, %dma_start3A_41] : memref<331776x128xf32, #tpu.memory_space<hbm>> -> memref<128x128xf32, #tpu.memory_space<hbm>>
      %dma_start3A_43 = arith.constant 0 : i32
      %dma_start3A_44 = tpu.memref_slice %arg5[%add3A_36, %dma_start3A_43] : memref<331776x128xf32, #tpu.memory_space<hbm>> -> memref<128x128xf32, #tpu.memory_space<hbm>>
      tpu.enqueue_dma source(%arg9 : memref<128x128xf32, #tpu.memory_space<vmem>>) target(%dma_start3A_44 : memref<128x128xf32, #tpu.memory_space<hbm>>) target_semaphore(%run_scoped3A : memref<!tpu.dma_semaphore, #tpu.memory_space<semaphore_mem>>)
      %dma_wait3A_45 = arith.constant 0 : i32
      %dma_wait3A_46 = tpu.memref_slice %arg5[%add3A_36, %dma_wait3A_45] : memref<331776x128xf32, #tpu.memory_space<hbm>> -> memref<128x128xf32, #tpu.memory_space<hbm>>
      %dma_wait3A_47 = arith.constant 0 : i32
      %dma_wait3A_48 = tpu.memref_slice %arg5[%add3A_36, %dma_wait3A_47] : memref<331776x128xf32, #tpu.memory_space<hbm>> -> memref<128x128xf32, #tpu.memory_space<hbm>>
      tpu.wait_dma2 semaphore(%run_scoped3A : memref<!tpu.dma_semaphore, #tpu.memory_space<semaphore_mem>>) src(%arg9 : memref<128x128xf32, #tpu.memory_space<vmem>>) dst(%dma_wait3A_48 : memref<128x128xf32, #tpu.memory_space<hbm>>)
      tpu.yield
    }) : () -> ()
    %mul3A_37 = arith.constant 10368 : i32
    %mul3A_38 = arith.muli %add3A, %mul3A_37 : i32
    %add3A_39 = arith.constant 10240 : i32
    %add3A_40 = arith.addi %mul3A_38, %add3A_39 : i32
    "tpu.region"() ({
      %run_scoped3A = tpu.sem_alloc : memref<!tpu.dma_semaphore, #tpu.memory_space<semaphore_mem>>
      %dma_start3A_41 = arith.constant 0 : i32
      %dma_start3A_42 = tpu.memref_slice %arg6[%add3A_40, %dma_start3A_41] : memref<331776x128xf32, #tpu.memory_space<hbm>> -> memref<128x128xf32, #tpu.memory_space<hbm>>
      %dma_start3A_43 = arith.constant 0 : i32
      %dma_start3A_44 = tpu.memref_slice %arg6[%add3A_40, %dma_start3A_43] : memref<331776x128xf32, #tpu.memory_space<hbm>> -> memref<128x128xf32, #tpu.memory_space<hbm>>
      tpu.enqueue_dma source(%arg10 : memref<128x128xf32, #tpu.memory_space<vmem>>) target(%dma_start3A_44 : memref<128x128xf32, #tpu.memory_space<hbm>>) target_semaphore(%run_scoped3A : memref<!tpu.dma_semaphore, #tpu.memory_space<semaphore_mem>>)
      %dma_wait3A_45 = arith.constant 0 : i32
      %dma_wait3A_46 = tpu.memref_slice %arg6[%add3A_40, %dma_wait3A_45] : memref<331776x128xf32, #tpu.memory_space<hbm>> -> memref<128x128xf32, #tpu.memory_space<hbm>>
      %dma_wait3A_47 = arith.constant 0 : i32
      %dma_wait3A_48 = tpu.memref_slice %arg6[%add3A_40, %dma_wait3A_47] : memref<331776x128xf32, #tpu.memory_space<hbm>> -> memref<128x128xf32, #tpu.memory_space<hbm>>
      tpu.wait_dma2 semaphore(%run_scoped3A : memref<!tpu.dma_semaphore, #tpu.memory_space<semaphore_mem>>) src(%arg10 : memref<128x128xf32, #tpu.memory_space<vmem>>) dst(%dma_wait3A_48 : memref<128x128xf32, #tpu.memory_space<hbm>>)
      tpu.yield
    }) : () -> ()
    return
  }
}

#map = affine_map<(d0, d1) -> (0, 0)>
#map1 = affine_map<(d0, d1) -> (0, 0, 0)>
module attributes {stable_mosaic.version = 14 : i64} {
  func.func @scatter_add(%arg0: i32, %arg1: i32, %arg2: memref<331776x128xf32, #tpu.memory_space<hbm>>, %arg3: memref<32x81x128xi32, #tpu.memory_space<hbm>>, %arg4: memref<10368x128xf32, #tpu.memory_space<hbm>>, %arg5: memref<10368x128xf32, #tpu.memory_space<hbm>>, %arg6: memref<81x128xi32, #tpu.memory_space<vmem>>, %arg7: memref<128x128xf32, #tpu.memory_space<vmem>>, %arg8: memref<128x128xf32, #tpu.memory_space<vmem>>, %arg9: memref<10368x128xf32, #tpu.memory_space<vmem_shared>>, %arg10: memref<!tpu.dma_semaphore, #tpu.memory_space<semaphore_mem>>, %arg11: memref<!tpu.dma_semaphore, #tpu.memory_space<semaphore_mem>>) attributes {dimension_semantics = [#tpu.dimension_semantics<core_parallel>, #tpu.dimension_semantics<subcore_parallel>], iteration_bounds = array<i64: 2, 16>, scalar_prefetch = 0 : i64, scratch_operands = 6 : i64, tpu.core_type = #tpu.core_type<sc_vector_subcore>, window_params = [{transform_indices = #map}, {transform_indices = #map1}, {transform_indices = #map}, {transform_indices = #map}]} {
    %mul3A = arith.constant 2 : i32
    %mul3A_0 = arith.muli %arg1, %mul3A : i32
    %add3A = arith.addi %mul3A_0, %arg0 : i32
    %broadcast_in_dim3A = arith.constant 0.000000e+00 : f32
    %broadcast_in_dim3A_1 = vector.broadcast %broadcast_in_dim3A : f32 to vector<16xf32>
    %scan3A = arith.constant 0 : i32
    %scan3A_2 = arith.constant 0 : i32
    %scan3A_3 = arith.constant 1024 : i32
    %scan3A_4 = arith.addi %scan3A_2, %scan3A_3 : i32
    %scan3A_5 = arith.constant 1 : i32
    %scan3A_6 = scf.for %scan3A_44 = %scan3A_2 to %scan3A_4 step %scan3A_5 iter_args(%scan3A_45 = %scan3A) -> (i32)  : i32 {
      %jit3A = arith.constant 8 : i32
      %div3A = arith.divsi %scan3A_44, %jit3A : i32
      %sign3A = arith.constant 0 : i32
      %sign3A_46 = arith.cmpi sgt, %scan3A_44, %sign3A : i32
      %sign3A_47 = arith.extui %sign3A_46 : i1 to i32
      %sign3A_48 = arith.constant 0 : i32
      %sign3A_49 = arith.cmpi slt, %scan3A_44, %sign3A_48 : i32
      %sign3A_50 = arith.extui %sign3A_49 : i1 to i32
      %sign3A_51 = arith.subi %sign3A_47, %sign3A_50 : i32
      %sign3A_52 = arith.constant 0 : i32
      %sign3A_53 = arith.cmpi sgt, %jit3A, %sign3A_52 : i32
      %sign3A_54 = arith.extui %sign3A_53 : i1 to i32
      %sign3A_55 = arith.constant 0 : i32
      %sign3A_56 = arith.cmpi slt, %jit3A, %sign3A_55 : i32
      %sign3A_57 = arith.extui %sign3A_56 : i1 to i32
      %sign3A_58 = arith.subi %sign3A_54, %sign3A_57 : i32
      %ne3A = arith.cmpi ne, %sign3A_51, %sign3A_58 : i32
      %rem3A = arith.remsi %scan3A_44, %jit3A : i32
      %ne3A_59 = arith.constant 0 : i32
      %ne3A_60 = arith.cmpi ne, %rem3A, %ne3A_59 : i32
      %and3A = arith.andi %ne3A, %ne3A_60 : i1
      %sub3A = arith.constant 1 : i32
      %sub3A_61 = arith.subi %div3A, %sub3A : i32
      %select_n3A = arith.select %and3A, %sub3A_61, %div3A : i32
      %jit3A_62 = arith.constant 8 : i32
      %eq3A = arith.constant 0 : i32
      %eq3A_63 = arith.cmpi eq, %jit3A_62, %eq3A : i32
      %jit3A_64 = arith.constant 1 : i32
      %select_n3A_65 = arith.select %eq3A_63, %jit3A_64, %jit3A_62 : i32
      %rem3A_66 = arith.remsi %scan3A_44, %select_n3A_65 : i32
      %ne3A_67 = arith.constant 0 : i32
      %ne3A_68 = arith.cmpi ne, %rem3A_66, %ne3A_67 : i32
      %lt3A = arith.constant 0 : i32
      %lt3A_69 = arith.cmpi slt, %rem3A_66, %lt3A : i32
      %lt3A_70 = arith.constant 0 : i32
      %lt3A_71 = arith.cmpi slt, %select_n3A_65, %lt3A_70 : i32
      %ne3A_72 = arith.xori %lt3A_69, %lt3A_71 : i1
      %and3A_73 = arith.andi %ne3A_72, %ne3A_68 : i1
      %add3A_74 = arith.addi %rem3A_66, %select_n3A_65 : i32
      %select_n3A_75 = arith.select %and3A_73, %add3A_74, %rem3A_66 : i32
      %mul3A_76 = arith.constant 16 : i32
      %mul3A_77 = arith.muli %select_n3A_75, %mul3A_76 : i32
      %swap3A = arith.index_cast %select_n3A : i32 to index
      %swap3A_78 = arith.index_cast %mul3A_77 : i32 to index
      %swap3A_79 = tpu.vector_load %arg7[%swap3A, %swap3A_78] {strides = array<i32>} : memref<128x128xf32, #tpu.memory_space<vmem>>, vector<1x16xf32>,
      %swap3A_80 = vector.shape_cast %swap3A_79 : vector<1x16xf32> to vector<16xf32>
      %swap3A_81 = vector.shape_cast %broadcast_in_dim3A_1 : vector<16xf32> to vector<1x16xf32>
      tpu.vector_store %arg7[%swap3A, %swap3A_78], %swap3A_81 {strides = array<i32>} : memref<128x128xf32, #tpu.memory_space<vmem>>, vector<1x16xf32>,
      %scan3A_82 = arith.constant 0 : i32
      scf.yield %scan3A_82 : i32
    }
    %scan3A_7 = arith.constant 1024 : i32
    %scan3A_8 = arith.constant 0 : i32
    %scan3A_9 = arith.constant 0 : i32
    %scan3A_10 = arith.constant 6 : i32
    %scan3A_11 = arith.addi %scan3A_9, %scan3A_10 : i32
    %scan3A_12 = arith.constant 1 : i32
    %scan3A_13 = scf.for %scan3A_44 = %scan3A_9 to %scan3A_11 step %scan3A_12 iter_args(%scan3A_45 = %scan3A_8) -> (i32)  : i32 {
      %mul3A_46 = arith.constant 16 : i32
      %mul3A_47 = arith.muli %scan3A_44, %mul3A_46 : i32
      %add3A_48 = arith.addi %arg1, %mul3A_47 : i32
      %lt3A = arith.constant 81 : i32
      %lt3A_49 = arith.cmpi slt, %add3A_48, %lt3A : i32
      %convert_element_type3A = arith.extui %lt3A_49 : i1 to i32
      %cond3A = arith.constant 0 : i32
      %cond3A_50 = arith.cmpi ne, %convert_element_type3A, %cond3A : i32
      scf.if %cond3A_50 {
        %mul3A_52 = arith.constant 128 : i32
        %mul3A_53 = arith.muli %add3A_48, %mul3A_52 : i32
        "tpu.region"() ({
          %run_scoped3A_54 = tpu.sem_alloc : memref<!tpu.dma_semaphore, #tpu.memory_space<semaphore_mem>>
          %dma_start3A_55 = arith.constant 0 : i32
          %dma_start3A_56 = tpu.memref_slice %arg9[%mul3A_53, %dma_start3A_55] : memref<10368x128xf32, #tpu.memory_space<vmem_shared>> -> memref<128x128xf32, #tpu.memory_space<vmem_shared>>
          %dma_start3A_57 = arith.constant 0 : i32
          %dma_start3A_58 = tpu.memref_slice %arg9[%mul3A_53, %dma_start3A_57] : memref<10368x128xf32, #tpu.memory_space<vmem_shared>> -> memref<128x128xf32, #tpu.memory_space<vmem_shared>>
          tpu.enqueue_dma source(%arg7 : memref<128x128xf32, #tpu.memory_space<vmem>>) target(%dma_start3A_58 : memref<128x128xf32, #tpu.memory_space<vmem_shared>>) target_semaphore(%run_scoped3A_54 : memref<!tpu.dma_semaphore, #tpu.memory_space<semaphore_mem>>)
          %dma_wait3A_59 = arith.constant 0 : i32
          %dma_wait3A_60 = tpu.memref_slice %arg9[%mul3A_53, %dma_wait3A_59] : memref<10368x128xf32, #tpu.memory_space<vmem_shared>> -> memref<128x128xf32, #tpu.memory_space<vmem_shared>>
          %dma_wait3A_61 = arith.constant 0 : i32
          %dma_wait3A_62 = tpu.memref_slice %arg9[%mul3A_53, %dma_wait3A_61] : memref<10368x128xf32, #tpu.memory_space<vmem_shared>> -> memref<128x128xf32, #tpu.memory_space<vmem_shared>>
          tpu.wait_dma2 semaphore(%run_scoped3A_54 : memref<!tpu.dma_semaphore, #tpu.memory_space<semaphore_mem>>) src(%arg7 : memref<128x128xf32, #tpu.memory_space<vmem>>) dst(%dma_wait3A_62 : memref<128x128xf32, #tpu.memory_space<vmem_shared>>)
          tpu.yield
        }) : () -> ()
      } else {
      }
      %scan3A_51 = arith.constant 0 : i32
      scf.yield %scan3A_51 : i32
    }
    %scan3A_14 = arith.constant 6 : i32
    %barrier3A = arith.constant 0 : index
    tpu.barrier barrier_id(%barrier3A)
    "tpu.region"() ({
      %run_scoped3A_44 = tpu.sem_alloc : memref<!tpu.dma_semaphore, #tpu.memory_space<semaphore_mem>>
      %dma_start3A_45 = arith.constant 0 : i32
      %dma_start3A_46 = arith.constant 0 : i32
      %dma_start3A_47 = tpu.memref_slice %arg3[%add3A, %dma_start3A_45, %dma_start3A_46] : memref<32x81x128xi32, #tpu.memory_space<hbm>> -> memref<1x81x128xi32, #tpu.memory_space<hbm>>
      %dma_start3A_48 = tpu.memref_squeeze %dma_start3A_47 : memref<1x81x128xi32, #tpu.memory_space<hbm>> -> memref<81x128xi32, #tpu.memory_space<hbm>>
      %dma_start3A_49 = arith.constant 0 : i32
      %dma_start3A_50 = arith.constant 0 : i32
      %dma_start3A_51 = tpu.memref_slice %arg3[%add3A, %dma_start3A_49, %dma_start3A_50] : memref<32x81x128xi32, #tpu.memory_space<hbm>> -> memref<1x81x128xi32, #tpu.memory_space<hbm>>
      %dma_start3A_52 = tpu.memref_squeeze %dma_start3A_51 : memref<1x81x128xi32, #tpu.memory_space<hbm>> -> memref<81x128xi32, #tpu.memory_space<hbm>>
      tpu.enqueue_dma source(%dma_start3A_52 : memref<81x128xi32, #tpu.memory_space<hbm>>) target(%arg6 : memref<81x128xi32, #tpu.memory_space<vmem>>) target_semaphore(%run_scoped3A_44 : memref<!tpu.dma_semaphore, #tpu.memory_space<semaphore_mem>>)
      %dma_wait3A_53 = arith.constant 0 : i32
      %dma_wait3A_54 = arith.constant 0 : i32
      %dma_wait3A_55 = tpu.memref_slice %arg3[%add3A, %dma_wait3A_53, %dma_wait3A_54] : memref<32x81x128xi32, #tpu.memory_space<hbm>> -> memref<1x81x128xi32, #tpu.memory_space<hbm>>
      %dma_wait3A_56 = tpu.memref_squeeze %dma_wait3A_55 : memref<1x81x128xi32, #tpu.memory_space<hbm>> -> memref<81x128xi32, #tpu.memory_space<hbm>>
      %dma_wait3A_57 = arith.constant 0 : i32
      %dma_wait3A_58 = arith.constant 0 : i32
      %dma_wait3A_59 = tpu.memref_slice %arg3[%add3A, %dma_wait3A_57, %dma_wait3A_58] : memref<32x81x128xi32, #tpu.memory_space<hbm>> -> memref<1x81x128xi32, #tpu.memory_space<hbm>>
      %dma_wait3A_60 = tpu.memref_squeeze %dma_wait3A_59 : memref<1x81x128xi32, #tpu.memory_space<hbm>> -> memref<81x128xi32, #tpu.memory_space<hbm>>
      tpu.wait_dma2 semaphore(%run_scoped3A_44 : memref<!tpu.dma_semaphore, #tpu.memory_space<semaphore_mem>>) src(%dma_wait3A_60 : memref<81x128xi32, #tpu.memory_space<hbm>>) dst(%arg6 : memref<81x128xi32, #tpu.memory_space<vmem>>)
      tpu.yield
    }) : () -> ()
    %mul3A_15 = arith.constant 10368 : i32
    %mul3A_16 = arith.muli %add3A, %mul3A_15 : i32
    %add3A_17 = arith.constant 0 : i32
    %add3A_18 = arith.addi %mul3A_16, %add3A_17 : i32
    %dma_start3A = arith.constant 0 : i32
    %dma_start3A_19 = tpu.memref_slice %arg2[%add3A_18, %dma_start3A] : memref<331776x128xf32, #tpu.memory_space<hbm>> -> memref<128x128xf32, #tpu.memory_space<hbm>>
    %dma_start3A_20 = arith.constant 0 : i32
    %dma_start3A_21 = tpu.memref_slice %arg2[%add3A_18, %dma_start3A_20] : memref<331776x128xf32, #tpu.memory_space<hbm>> -> memref<128x128xf32, #tpu.memory_space<hbm>>
    tpu.enqueue_dma source(%dma_start3A_21 : memref<128x128xf32, #tpu.memory_space<hbm>>) target(%arg7 : memref<128x128xf32, #tpu.memory_space<vmem>>) target_semaphore(%arg10 : memref<!tpu.dma_semaphore, #tpu.memory_space<semaphore_mem>>)
    %scan3A_22 = arith.constant 0 : i32
    %scan3A_23 = arith.constant 0 : i32
    %scan3A_24 = arith.constant 40 : i32
    %scan3A_25 = arith.addi %scan3A_23, %scan3A_24 : i32
    %scan3A_26 = arith.constant 1 : i32
    %scan3A_27 = scf.for %scan3A_44 = %scan3A_23 to %scan3A_25 step %scan3A_26 iter_args(%scan3A_45 = %scan3A_22) -> (i32)  : i32 {
      %mul3A_46 = arith.constant 2 : i32
      %mul3A_47 = arith.muli %mul3A_46, %scan3A_44 : i32
      %add3A_48 = arith.constant 1 : i32
      %add3A_49 = arith.addi %mul3A_47, %add3A_48 : i32
      %add3A_50 = arith.constant 2 : i32
      %add3A_51 = arith.addi %mul3A_47, %add3A_50 : i32
      %mul3A_52 = arith.constant 10368 : i32
      %mul3A_53 = arith.muli %add3A, %mul3A_52 : i32
      %mul3A_54 = arith.constant 128 : i32
      %mul3A_55 = arith.muli %add3A_49, %mul3A_54 : i32
      %add3A_56 = arith.addi %mul3A_53, %mul3A_55 : i32
      %dma_start3A_57 = arith.constant 0 : i32
      %dma_start3A_58 = tpu.memref_slice %arg2[%add3A_56, %dma_start3A_57] : memref<331776x128xf32, #tpu.memory_space<hbm>> -> memref<128x128xf32, #tpu.memory_space<hbm>>
      %dma_start3A_59 = arith.constant 0 : i32
      %dma_start3A_60 = tpu.memref_slice %arg2[%add3A_56, %dma_start3A_59] : memref<331776x128xf32, #tpu.memory_space<hbm>> -> memref<128x128xf32, #tpu.memory_space<hbm>>
      tpu.enqueue_dma source(%dma_start3A_60 : memref<128x128xf32, #tpu.memory_space<hbm>>) target(%arg8 : memref<128x128xf32, #tpu.memory_space<vmem>>) target_semaphore(%arg11 : memref<!tpu.dma_semaphore, #tpu.memory_space<semaphore_mem>>)
      %mul3A_61 = arith.constant 10368 : i32
      %mul3A_62 = arith.muli %add3A, %mul3A_61 : i32
      %mul3A_63 = arith.constant 128 : i32
      %mul3A_64 = arith.muli %mul3A_47, %mul3A_63 : i32
      %add3A_65 = arith.addi %mul3A_62, %mul3A_64 : i32
      %dma_wait3A_66 = arith.constant 0 : i32
      %dma_wait3A_67 = tpu.memref_slice %arg2[%add3A_65, %dma_wait3A_66] : memref<331776x128xf32, #tpu.memory_space<hbm>> -> memref<128x128xf32, #tpu.memory_space<hbm>>
      %dma_wait3A_68 = arith.constant 0 : i32
      %dma_wait3A_69 = tpu.memref_slice %arg2[%add3A_65, %dma_wait3A_68] : memref<331776x128xf32, #tpu.memory_space<hbm>> -> memref<128x128xf32, #tpu.memory_space<hbm>>
      tpu.wait_dma2 semaphore(%arg10 : memref<!tpu.dma_semaphore, #tpu.memory_space<semaphore_mem>>) src(%dma_wait3A_69 : memref<128x128xf32, #tpu.memory_space<hbm>>) dst(%arg7 : memref<128x128xf32, #tpu.memory_space<vmem>>)
      "tpu.region"() ({
        %run_scoped3A_89 = tpu.sem_alloc : memref<!tpu.dma_semaphore, #tpu.memory_space<semaphore_mem>>
        %dma_start3A_90 = arith.constant 0 : i32
        %dma_start3A_91 = tpu.memref_slice %arg6[%mul3A_47, %dma_start3A_90] : memref<81x128xi32, #tpu.memory_space<vmem>> -> memref<1x128xi32, #tpu.memory_space<vmem>>
        %dma_start3A_92 = tpu.memref_squeeze %dma_start3A_91 : memref<1x128xi32, #tpu.memory_space<vmem>> -> memref<128xi32, #tpu.memory_space<vmem>>
        %dma_start3A_93 = arith.constant 0 : i32
        %dma_start3A_94 = arith.constant 0 : i32
        %dma_start3A_95 = tpu.memref_slice %arg9[%dma_start3A_93, %dma_start3A_94] : memref<10368x128xf32, #tpu.memory_space<vmem_shared>> -> memref<10368x128xf32, #tpu.memory_space<vmem_shared>>
        tpu.enqueue_indirect_dma source(%arg7 : memref<128x128xf32, #tpu.memory_space<vmem>>) target(%dma_start3A_95 : memref<10368x128xf32, #tpu.memory_space<vmem_shared>>) offsets(%dma_start3A_92 : memref<128xi32, #tpu.memory_space<vmem>>) semaphore(%run_scoped3A_89 : memref<!tpu.dma_semaphore, #tpu.memory_space<semaphore_mem>>) {add = true}
        %dma_wait3A_96 = arith.constant 0 : i32
        %dma_wait3A_97 = tpu.memref_slice %arg6[%mul3A_47, %dma_wait3A_96] : memref<81x128xi32, #tpu.memory_space<vmem>> -> memref<1x128xi32, #tpu.memory_space<vmem>>
        %dma_wait3A_98 = tpu.memref_squeeze %dma_wait3A_97 : memref<1x128xi32, #tpu.memory_space<vmem>> -> memref<128xi32, #tpu.memory_space<vmem>>
        %dma_wait3A_99 = arith.constant 0 : i32
        %dma_wait3A_100 = arith.constant 0 : i32
        %dma_wait3A_101 = tpu.memref_slice %arg9[%dma_wait3A_99, %dma_wait3A_100] : memref<10368x128xf32, #tpu.memory_space<vmem_shared>> -> memref<10368x128xf32, #tpu.memory_space<vmem_shared>>
        tpu.wait_indirect_dma semaphore(%run_scoped3A_89 : memref<!tpu.dma_semaphore, #tpu.memory_space<semaphore_mem>>) src(%arg7 : memref<128x128xf32, #tpu.memory_space<vmem>>) dst(%dma_wait3A_101 : memref<10368x128xf32, #tpu.memory_space<vmem_shared>>)
        tpu.yield
      }) : () -> ()
      %mul3A_70 = arith.constant 10368 : i32
      %mul3A_71 = arith.muli %add3A, %mul3A_70 : i32
      %mul3A_72 = arith.constant 128 : i32
      %mul3A_73 = arith.muli %add3A_51, %mul3A_72 : i32
      %add3A_74 = arith.addi %mul3A_71, %mul3A_73 : i32
      %dma_start3A_75 = arith.constant 0 : i32
      %dma_start3A_76 = tpu.memref_slice %arg2[%add3A_74, %dma_start3A_75] : memref<331776x128xf32, #tpu.memory_space<hbm>> -> memref<128x128xf32, #tpu.memory_space<hbm>>
      %dma_start3A_77 = arith.constant 0 : i32
      %dma_start3A_78 = tpu.memref_slice %arg2[%add3A_74, %dma_start3A_77] : memref<331776x128xf32, #tpu.memory_space<hbm>> -> memref<128x128xf32, #tpu.memory_space<hbm>>
      tpu.enqueue_dma source(%dma_start3A_78 : memref<128x128xf32, #tpu.memory_space<hbm>>) target(%arg7 : memref<128x128xf32, #tpu.memory_space<vmem>>) target_semaphore(%arg10 : memref<!tpu.dma_semaphore, #tpu.memory_space<semaphore_mem>>)
      %mul3A_79 = arith.constant 10368 : i32
      %mul3A_80 = arith.muli %add3A, %mul3A_79 : i32
      %mul3A_81 = arith.constant 128 : i32
      %mul3A_82 = arith.muli %add3A_49, %mul3A_81 : i32
      %add3A_83 = arith.addi %mul3A_80, %mul3A_82 : i32
      %dma_wait3A_84 = arith.constant 0 : i32
      %dma_wait3A_85 = tpu.memref_slice %arg2[%add3A_83, %dma_wait3A_84] : memref<331776x128xf32, #tpu.memory_space<hbm>> -> memref<128x128xf32, #tpu.memory_space<hbm>>
      %dma_wait3A_86 = arith.constant 0 : i32
      %dma_wait3A_87 = tpu.memref_slice %arg2[%add3A_83, %dma_wait3A_86] : memref<331776x128xf32, #tpu.memory_space<hbm>> -> memref<128x128xf32, #tpu.memory_space<hbm>>
      tpu.wait_dma2 semaphore(%arg11 : memref<!tpu.dma_semaphore, #tpu.memory_space<semaphore_mem>>) src(%dma_wait3A_87 : memref<128x128xf32, #tpu.memory_space<hbm>>) dst(%arg8 : memref<128x128xf32, #tpu.memory_space<vmem>>)
      "tpu.region"() ({
        %run_scoped3A_89 = tpu.sem_alloc : memref<!tpu.dma_semaphore, #tpu.memory_space<semaphore_mem>>
        %dma_start3A_90 = arith.constant 0 : i32
        %dma_start3A_91 = tpu.memref_slice %arg6[%add3A_49, %dma_start3A_90] : memref<81x128xi32, #tpu.memory_space<vmem>> -> memref<1x128xi32, #tpu.memory_space<vmem>>
        %dma_start3A_92 = tpu.memref_squeeze %dma_start3A_91 : memref<1x128xi32, #tpu.memory_space<vmem>> -> memref<128xi32, #tpu.memory_space<vmem>>
        %dma_start3A_93 = arith.constant 0 : i32
        %dma_start3A_94 = arith.constant 0 : i32
        %dma_start3A_95 = tpu.memref_slice %arg9[%dma_start3A_93, %dma_start3A_94] : memref<10368x128xf32, #tpu.memory_space<vmem_shared>> -> memref<10368x128xf32, #tpu.memory_space<vmem_shared>>
        tpu.enqueue_indirect_dma source(%arg8 : memref<128x128xf32, #tpu.memory_space<vmem>>) target(%dma_start3A_95 : memref<10368x128xf32, #tpu.memory_space<vmem_shared>>) offsets(%dma_start3A_92 : memref<128xi32, #tpu.memory_space<vmem>>) semaphore(%run_scoped3A_89 : memref<!tpu.dma_semaphore, #tpu.memory_space<semaphore_mem>>) {add = true}
        %dma_wait3A_96 = arith.constant 0 : i32
        %dma_wait3A_97 = tpu.memref_slice %arg6[%add3A_49, %dma_wait3A_96] : memref<81x128xi32, #tpu.memory_space<vmem>> -> memref<1x128xi32, #tpu.memory_space<vmem>>
        %dma_wait3A_98 = tpu.memref_squeeze %dma_wait3A_97 : memref<1x128xi32, #tpu.memory_space<vmem>> -> memref<128xi32, #tpu.memory_space<vmem>>
        %dma_wait3A_99 = arith.constant 0 : i32
        %dma_wait3A_100 = arith.constant 0 : i32
        %dma_wait3A_101 = tpu.memref_slice %arg9[%dma_wait3A_99, %dma_wait3A_100] : memref<10368x128xf32, #tpu.memory_space<vmem_shared>> -> memref<10368x128xf32, #tpu.memory_space<vmem_shared>>
        tpu.wait_indirect_dma semaphore(%run_scoped3A_89 : memref<!tpu.dma_semaphore, #tpu.memory_space<semaphore_mem>>) src(%arg8 : memref<128x128xf32, #tpu.memory_space<vmem>>) dst(%dma_wait3A_101 : memref<10368x128xf32, #tpu.memory_space<vmem_shared>>)
        tpu.yield
      }) : () -> ()
      %scan3A_88 = arith.constant 0 : i32
      scf.yield %scan3A_88 : i32
    }
    %scan3A_28 = arith.constant 40 : i32
    %mul3A_29 = arith.constant 10368 : i32
    %mul3A_30 = arith.muli %add3A, %mul3A_29 : i32
    %add3A_31 = arith.constant 10240 : i32
    %add3A_32 = arith.addi %mul3A_30, %add3A_31 : i32
    %dma_wait3A = arith.constant 0 : i32
    %dma_wait3A_33 = tpu.memref_slice %arg2[%add3A_32, %dma_wait3A] : memref<331776x128xf32, #tpu.memory_space<hbm>> -> memref<128x128xf32, #tpu.memory_space<hbm>>
    %dma_wait3A_34 = arith.constant 0 : i32
    %dma_wait3A_35 = tpu.memref_slice %arg2[%add3A_32, %dma_wait3A_34] : memref<331776x128xf32, #tpu.memory_space<hbm>> -> memref<128x128xf32, #tpu.memory_space<hbm>>
    tpu.wait_dma2 semaphore(%arg10 : memref<!tpu.dma_semaphore, #tpu.memory_space<semaphore_mem>>) src(%dma_wait3A_35 : memref<128x128xf32, #tpu.memory_space<hbm>>) dst(%arg7 : memref<128x128xf32, #tpu.memory_space<vmem>>)
    %run_scoped3A = arith.constant 80 : i32
    "tpu.region"() ({
      %run_scoped3A_44 = tpu.sem_alloc : memref<!tpu.dma_semaphore, #tpu.memory_space<semaphore_mem>>
      %dma_start3A_45 = arith.constant 0 : i32
      %dma_start3A_46 = tpu.memref_slice %arg6[%run_scoped3A, %dma_start3A_45] : memref<81x128xi32, #tpu.memory_space<vmem>> -> memref<1x128xi32, #tpu.memory_space<vmem>>
      %dma_start3A_47 = tpu.memref_squeeze %dma_start3A_46 : memref<1x128xi32, #tpu.memory_space<vmem>> -> memref<128xi32, #tpu.memory_space<vmem>>
      %dma_start3A_48 = arith.constant 0 : i32
      %dma_start3A_49 = arith.constant 0 : i32
      %dma_start3A_50 = tpu.memref_slice %arg9[%dma_start3A_48, %dma_start3A_49] : memref<10368x128xf32, #tpu.memory_space<vmem_shared>> -> memref<10368x128xf32, #tpu.memory_space<vmem_shared>>
      tpu.enqueue_indirect_dma source(%arg7 : memref<128x128xf32, #tpu.memory_space<vmem>>) target(%dma_start3A_50 : memref<10368x128xf32, #tpu.memory_space<vmem_shared>>) offsets(%dma_start3A_47 : memref<128xi32, #tpu.memory_space<vmem>>) semaphore(%run_scoped3A_44 : memref<!tpu.dma_semaphore, #tpu.memory_space<semaphore_mem>>) {add = true}
      %dma_wait3A_51 = arith.constant 0 : i32
      %dma_wait3A_52 = tpu.memref_slice %arg6[%run_scoped3A, %dma_wait3A_51] : memref<81x128xi32, #tpu.memory_space<vmem>> -> memref<1x128xi32, #tpu.memory_space<vmem>>
      %dma_wait3A_53 = tpu.memref_squeeze %dma_wait3A_52 : memref<1x128xi32, #tpu.memory_space<vmem>> -> memref<128xi32, #tpu.memory_space<vmem>>
      %dma_wait3A_54 = arith.constant 0 : i32
      %dma_wait3A_55 = arith.constant 0 : i32
      %dma_wait3A_56 = tpu.memref_slice %arg9[%dma_wait3A_54, %dma_wait3A_55] : memref<10368x128xf32, #tpu.memory_space<vmem_shared>> -> memref<10368x128xf32, #tpu.memory_space<vmem_shared>>
      tpu.wait_indirect_dma semaphore(%run_scoped3A_44 : memref<!tpu.dma_semaphore, #tpu.memory_space<semaphore_mem>>) src(%arg7 : memref<128x128xf32, #tpu.memory_space<vmem>>) dst(%dma_wait3A_56 : memref<10368x128xf32, #tpu.memory_space<vmem_shared>>)
      tpu.yield
    }) : () -> ()
    %barrier3A_36 = arith.constant 0 : index
    tpu.barrier barrier_id(%barrier3A_36)
    %scan3A_37 = arith.constant 0 : i32
    %scan3A_38 = arith.constant 0 : i32
    %scan3A_39 = arith.constant 6 : i32
    %scan3A_40 = arith.addi %scan3A_38, %scan3A_39 : i32
    %scan3A_41 = arith.constant 1 : i32
    %scan3A_42 = scf.for %scan3A_44 = %scan3A_38 to %scan3A_40 step %scan3A_41 iter_args(%scan3A_45 = %scan3A_37) -> (i32)  : i32 {
      %mul3A_46 = arith.constant 16 : i32
      %mul3A_47 = arith.muli %scan3A_44, %mul3A_46 : i32
      %add3A_48 = arith.addi %arg1, %mul3A_47 : i32
      %lt3A = arith.constant 81 : i32
      %lt3A_49 = arith.cmpi slt, %add3A_48, %lt3A : i32
      %convert_element_type3A = arith.extui %lt3A_49 : i1 to i32
      %cond3A = arith.constant 0 : i32
      %cond3A_50 = arith.cmpi ne, %convert_element_type3A, %cond3A : i32
      scf.if %cond3A_50 {
        %mul3A_52 = arith.constant 128 : i32
        %mul3A_53 = arith.muli %add3A_48, %mul3A_52 : i32
        "tpu.region"() ({
          %run_scoped3A_63 = tpu.sem_alloc : memref<!tpu.dma_semaphore, #tpu.memory_space<semaphore_mem>>
          %dma_start3A_64 = arith.constant 0 : i32
          %dma_start3A_65 = tpu.memref_slice %arg9[%mul3A_53, %dma_start3A_64] : memref<10368x128xf32, #tpu.memory_space<vmem_shared>> -> memref<128x128xf32, #tpu.memory_space<vmem_shared>>
          %dma_start3A_66 = arith.constant 0 : i32
          %dma_start3A_67 = tpu.memref_slice %arg9[%mul3A_53, %dma_start3A_66] : memref<10368x128xf32, #tpu.memory_space<vmem_shared>> -> memref<128x128xf32, #tpu.memory_space<vmem_shared>>
          tpu.enqueue_dma source(%dma_start3A_67 : memref<128x128xf32, #tpu.memory_space<vmem_shared>>) target(%arg7 : memref<128x128xf32, #tpu.memory_space<vmem>>) target_semaphore(%run_scoped3A_63 : memref<!tpu.dma_semaphore, #tpu.memory_space<semaphore_mem>>)
          %dma_wait3A_68 = arith.constant 0 : i32
          %dma_wait3A_69 = tpu.memref_slice %arg9[%mul3A_53, %dma_wait3A_68] : memref<10368x128xf32, #tpu.memory_space<vmem_shared>> -> memref<128x128xf32, #tpu.memory_space<vmem_shared>>
          %dma_wait3A_70 = arith.constant 0 : i32
          %dma_wait3A_71 = tpu.memref_slice %arg9[%mul3A_53, %dma_wait3A_70] : memref<10368x128xf32, #tpu.memory_space<vmem_shared>> -> memref<128x128xf32, #tpu.memory_space<vmem_shared>>
          tpu.wait_dma2 semaphore(%run_scoped3A_63 : memref<!tpu.dma_semaphore, #tpu.memory_space<semaphore_mem>>) src(%dma_wait3A_71 : memref<128x128xf32, #tpu.memory_space<vmem_shared>>) dst(%arg7 : memref<128x128xf32, #tpu.memory_space<vmem>>)
          tpu.yield
        }) : () -> ()
        %eq3A = arith.constant 0 : i32
        %eq3A_54 = arith.cmpi eq, %arg0, %eq3A : i32
        %convert_element_type3A_55 = arith.extui %eq3A_54 : i1 to i32
        %cond3A_56 = arith.constant 0 : i32
        %cond3A_57 = arith.cmpi ne, %convert_element_type3A_55, %cond3A_56 : i32
        scf.if %cond3A_57 {
          %mul3A_63 = arith.constant 128 : i32
          %mul3A_64 = arith.muli %add3A_48, %mul3A_63 : i32
          "tpu.region"() ({
            %run_scoped3A_65 = tpu.sem_alloc : memref<!tpu.dma_semaphore, #tpu.memory_space<semaphore_mem>>
            %dma_start3A_66 = arith.constant 0 : i32
            %dma_start3A_67 = tpu.memref_slice %arg4[%mul3A_64, %dma_start3A_66] : memref<10368x128xf32, #tpu.memory_space<hbm>> -> memref<128x128xf32, #tpu.memory_space<hbm>>
            %dma_start3A_68 = arith.constant 0 : i32
            %dma_start3A_69 = tpu.memref_slice %arg4[%mul3A_64, %dma_start3A_68] : memref<10368x128xf32, #tpu.memory_space<hbm>> -> memref<128x128xf32, #tpu.memory_space<hbm>>
            tpu.enqueue_dma source(%arg7 : memref<128x128xf32, #tpu.memory_space<vmem>>) target(%dma_start3A_69 : memref<128x128xf32, #tpu.memory_space<hbm>>) target_semaphore(%run_scoped3A_65 : memref<!tpu.dma_semaphore, #tpu.memory_space<semaphore_mem>>)
            %dma_wait3A_70 = arith.constant 0 : i32
            %dma_wait3A_71 = tpu.memref_slice %arg4[%mul3A_64, %dma_wait3A_70] : memref<10368x128xf32, #tpu.memory_space<hbm>> -> memref<128x128xf32, #tpu.memory_space<hbm>>
            %dma_wait3A_72 = arith.constant 0 : i32
            %dma_wait3A_73 = tpu.memref_slice %arg4[%mul3A_64, %dma_wait3A_72] : memref<10368x128xf32, #tpu.memory_space<hbm>> -> memref<128x128xf32, #tpu.memory_space<hbm>>
            tpu.wait_dma2 semaphore(%run_scoped3A_65 : memref<!tpu.dma_semaphore, #tpu.memory_space<semaphore_mem>>) src(%arg7 : memref<128x128xf32, #tpu.memory_space<vmem>>) dst(%dma_wait3A_73 : memref<128x128xf32, #tpu.memory_space<hbm>>)
            tpu.yield
          }) : () -> ()
        } else {
        }
        %eq3A_58 = arith.constant 1 : i32
        %eq3A_59 = arith.cmpi eq, %arg0, %eq3A_58 : i32
        %convert_element_type3A_60 = arith.extui %eq3A_59 : i1 to i32
        %cond3A_61 = arith.constant 0 : i32
        %cond3A_62 = arith.cmpi ne, %convert_element_type3A_60, %cond3A_61 : i32
        scf.if %cond3A_62 {
          %mul3A_63 = arith.constant 128 : i32
          %mul3A_64 = arith.muli %add3A_48, %mul3A_63 : i32
          "tpu.region"() ({
            %run_scoped3A_65 = tpu.sem_alloc : memref<!tpu.dma_semaphore, #tpu.memory_space<semaphore_mem>>
            %dma_start3A_66 = arith.constant 0 : i32
            %dma_start3A_67 = tpu.memref_slice %arg5[%mul3A_64, %dma_start3A_66] : memref<10368x128xf32, #tpu.memory_space<hbm>> -> memref<128x128xf32, #tpu.memory_space<hbm>>
            %dma_start3A_68 = arith.constant 0 : i32
            %dma_start3A_69 = tpu.memref_slice %arg5[%mul3A_64, %dma_start3A_68] : memref<10368x128xf32, #tpu.memory_space<hbm>> -> memref<128x128xf32, #tpu.memory_space<hbm>>
            tpu.enqueue_dma source(%arg7 : memref<128x128xf32, #tpu.memory_space<vmem>>) target(%dma_start3A_69 : memref<128x128xf32, #tpu.memory_space<hbm>>) target_semaphore(%run_scoped3A_65 : memref<!tpu.dma_semaphore, #tpu.memory_space<semaphore_mem>>)
            %dma_wait3A_70 = arith.constant 0 : i32
            %dma_wait3A_71 = tpu.memref_slice %arg5[%mul3A_64, %dma_wait3A_70] : memref<10368x128xf32, #tpu.memory_space<hbm>> -> memref<128x128xf32, #tpu.memory_space<hbm>>
            %dma_wait3A_72 = arith.constant 0 : i32
            %dma_wait3A_73 = tpu.memref_slice %arg5[%mul3A_64, %dma_wait3A_72] : memref<10368x128xf32, #tpu.memory_space<hbm>> -> memref<128x128xf32, #tpu.memory_space<hbm>>
            tpu.wait_dma2 semaphore(%run_scoped3A_65 : memref<!tpu.dma_semaphore, #tpu.memory_space<semaphore_mem>>) src(%arg7 : memref<128x128xf32, #tpu.memory_space<vmem>>) dst(%dma_wait3A_73 : memref<128x128xf32, #tpu.memory_space<hbm>>)
            tpu.yield
          }) : () -> ()
        } else {
        }
      } else {
      }
      %scan3A_51 = arith.constant 0 : i32
      scf.yield %scan3A_51 : i32
    }
    %scan3A_43 = arith.constant 6 : i32
    return
  }
}

module attributes {stable_mosaic.version = 14 : i64} {
  func.func @_tc_input_body(%arg0: i32, %arg1: memref<1000x128xf32, #tpu.memory_space<vmem>>, %arg2: memref<128x128xf32, #tpu.memory_space<vmem>>, %arg3: memref<1x128xf32, #tpu.memory_space<vmem>>, %arg4: memref<1x128xf32, #tpu.memory_space<vmem>>, %arg5: memref<1x128xf32, #tpu.memory_space<vmem>>, %arg6: memref<1000x128xf32, #tpu.memory_space<vmem>>) attributes {dimension_semantics = [#tpu.dimension_semantics<arbitrary>], iteration_bounds = array<i64: 10>, scalar_prefetch = 0 : i64, scratch_operands = 0 : i64, tpu.core_type = #tpu.core_type<tc>, window_params = [{transform_indices = @transform_0, window_bounds = array<i64: 1000, 128>}, {pipeline_mode = #tpu.pipeline_mode<synchronous>, transform_indices = @transform_1, window_bounds = array<i64: 128, 128>}, {pipeline_mode = #tpu.pipeline_mode<synchronous>, transform_indices = @transform_2, window_bounds = array<i64: 1, 128>}, {pipeline_mode = #tpu.pipeline_mode<synchronous>, transform_indices = @transform_3, window_bounds = array<i64: 1, 128>}, {pipeline_mode = #tpu.pipeline_mode<synchronous>, transform_indices = @transform_4, window_bounds = array<i64: 1, 128>}, {transform_indices = @transform_5, window_bounds = array<i64: 1000, 128>}]} {
    %get3A = arith.constant 0 : index
    %get3A_0 = arith.constant 0 : index
    %get3A_1 = vector.load %arg1[%get3A, %get3A_0] : memref<1000x128xf32, #tpu.memory_space<vmem>>, vector<1000x128xf32>
    %get3A_2 = arith.constant 0 : index
    %get3A_3 = arith.constant 0 : index
    %get3A_4 = vector.load %arg2[%get3A_2, %get3A_3] : memref<128x128xf32, #tpu.memory_space<vmem>>, vector<128x128xf32>
    %dot_general3A = arith.constant dense<0.000000e+00> : vector<1000x128xf32>
    %dot_general3A_5 = tpu.matmul %get3A_1, %get3A_4, %dot_general3A {dimension_numbers = #tpu.dot_dimension_numbers<[1], [0], [0], [1], [0, 0, 1, 1], [], []>, transpose_lhs_hint = false} : vector<1000x128xf32>, vector<128x128xf32>, vector<1000x128xf32> -> vector<1000x128xf32>
    %get3A_6 = arith.constant 0 : index
    %get3A_7 = arith.constant 0 : index
    %get3A_8 = vector.load %arg3[%get3A_6, %get3A_7] : memref<1x128xf32, #tpu.memory_space<vmem>>, vector<1x128xf32>
    %add3A = vector.broadcast %get3A_8 : vector<1x128xf32> to vector<1000x128xf32>
    %add3A_9 = arith.addf %dot_general3A_5, %add3A : vector<1000x128xf32>
    %get3A_10 = arith.constant 0 : index
    %get3A_11 = arith.constant 0 : index
    %get3A_12 = vector.load %arg4[%get3A_10, %get3A_11] : memref<1x128xf32, #tpu.memory_space<vmem>>, vector<1x128xf32>
    %get3A_13 = arith.constant 0 : index
    %get3A_14 = arith.constant 0 : index
    %get3A_15 = vector.load %arg5[%get3A_13, %get3A_14] : memref<1x128xf32, #tpu.memory_space<vmem>>, vector<1x128xf32>
    %reduce_sum3A = arith.constant dense<0.000000e+00> : vector<1000xf32>
    %reduce_sum3A_16 = vector.multi_reduction <add>, %add3A_9, %reduce_sum3A [1] : vector<1000x128xf32> to vector<1000xf32>
    %broadcast_in_dim3A = vector.shape_cast %reduce_sum3A_16 : vector<1000xf32> to vector<1000x1xf32>
    %div3A = arith.constant 1.280000e+02 : f32
    %div3A_17 = vector.broadcast %div3A : f32 to vector<1000x1xf32>
    %div3A_18 = arith.divf %broadcast_in_dim3A, %div3A_17 : vector<1000x1xf32>
    %sub3A = vector.broadcast %div3A_18 : vector<1000x1xf32> to vector<1000x128xf32>
    %sub3A_19 = arith.subf %add3A_9, %sub3A : vector<1000x128xf32>
    %integer_pow3A = arith.mulf %sub3A_19, %sub3A_19 : vector<1000x128xf32>
    %reduce_sum3A_20 = arith.constant dense<0.000000e+00> : vector<1000xf32>
    %reduce_sum3A_21 = vector.multi_reduction <add>, %integer_pow3A, %reduce_sum3A_20 [1] : vector<1000x128xf32> to vector<1000xf32>
    %broadcast_in_dim3A_22 = vector.shape_cast %reduce_sum3A_21 : vector<1000xf32> to vector<1000x1xf32>
    %div3A_23 = arith.constant 1.280000e+02 : f32
    %div3A_24 = vector.broadcast %div3A_23 : f32 to vector<1000x1xf32>
    %div3A_25 = arith.divf %broadcast_in_dim3A_22, %div3A_24 : vector<1000x1xf32>
    %sub3A_26 = vector.broadcast %div3A_18 : vector<1000x1xf32> to vector<1000x128xf32>
    %sub3A_27 = arith.subf %add3A_9, %sub3A_26 : vector<1000x128xf32>
    %add3A_28 = arith.constant 9.99999974E-6 : f32
    %add3A_29 = vector.broadcast %add3A_28 : f32 to vector<1000x1xf32>
    %add3A_30 = arith.addf %div3A_25, %add3A_29 : vector<1000x1xf32>
    %rsqrt3A = math.rsqrt %add3A_30 : vector<1000x1xf32>
    %mul3A = vector.broadcast %rsqrt3A : vector<1000x1xf32> to vector<1000x128xf32>
    %mul3A_31 = arith.mulf %sub3A_27, %mul3A : vector<1000x128xf32>
    %mul3A_32 = vector.broadcast %get3A_12 : vector<1x128xf32> to vector<1000x128xf32>
    %mul3A_33 = arith.mulf %mul3A_31, %mul3A_32 : vector<1000x128xf32>
    %add3A_34 = vector.broadcast %get3A_15 : vector<1x128xf32> to vector<1000x128xf32>
    %add3A_35 = arith.addf %mul3A_33, %add3A_34 : vector<1000x128xf32>
    %max3A = arith.constant 0.000000e+00 : f32
    %max3A_36 = vector.broadcast %max3A : f32 to vector<1000x128xf32>
    %max3A_37 = arith.maximumf %add3A_35, %max3A_36 : vector<1000x128xf32>
    %swap3A = arith.constant 0 : index
    %swap3A_38 = arith.constant 0 : index
    %swap3A_39 = vector.load %arg6[%swap3A, %swap3A_38] : memref<1000x128xf32, #tpu.memory_space<vmem>>, vector<1000x128xf32>
    tpu.vector_store %arg6[%swap3A, %swap3A_38], %max3A_37 {strides = array<i32>} : memref<1000x128xf32, #tpu.memory_space<vmem>>, vector<1000x128xf32>,
    return
  }
  func.func @transform_0(%arg0: i32) -> (i32, i32) {
    %c0_i32 = arith.constant 0 : i32
    %c0_i32_0 = arith.constant 0 : i32
    return %arg0, %c0_i32 : i32, i32
  }
  func.func @transform_1(%arg0: i32) -> (i32, i32) {
    %c0_i32 = arith.constant 0 : i32
    %c0_i32_0 = arith.constant 0 : i32
    %c0_i32_1 = arith.constant 0 : i32
    return %c0_i32, %c0_i32_0 : i32, i32
  }
  func.func @transform_2(%arg0: i32) -> (i32, i32) {
    %c0_i32 = arith.constant 0 : i32
    %c0_i32_0 = arith.constant 0 : i32
    %c0_i32_1 = arith.constant 0 : i32
    return %c0_i32, %c0_i32_0 : i32, i32
  }
  func.func @transform_3(%arg0: i32) -> (i32, i32) {
    %c0_i32 = arith.constant 0 : i32
    %c0_i32_0 = arith.constant 0 : i32
    %c0_i32_1 = arith.constant 0 : i32
    return %c0_i32, %c0_i32_0 : i32, i32
  }
  func.func @transform_4(%arg0: i32) -> (i32, i32) {
    %c0_i32 = arith.constant 0 : i32
    %c0_i32_0 = arith.constant 0 : i32
    %c0_i32_1 = arith.constant 0 : i32
    return %c0_i32, %c0_i32_0 : i32, i32
  }
  func.func @transform_5(%arg0: i32) -> (i32, i32) {
    %c0_i32 = arith.constant 0 : i32
    %c0_i32_0 = arith.constant 0 : i32
    return %arg0, %c0_i32 : i32, i32
  }
}

module attributes {stable_mosaic.version = 14 : i64} {
  func.func @_tc_edge_body(%arg0: i32, %arg1: memref<1024x128xf32, #tpu.memory_space<vmem>>, %arg2: memref<1024x128xf32, #tpu.memory_space<vmem>>, %arg3: memref<128x128xbf16, #tpu.memory_space<vmem>>, %arg4: memref<128x128xbf16, #tpu.memory_space<vmem>>, %arg5: memref<128x128xbf16, #tpu.memory_space<vmem>>, %arg6: memref<1x128xf32, #tpu.memory_space<vmem>>, %arg7: memref<1x128xf32, #tpu.memory_space<vmem>>, %arg8: memref<1x128xf32, #tpu.memory_space<vmem>>, %arg9: memref<128x128xbf16, #tpu.memory_space<vmem>>, %arg10: memref<1024x128xf32, #tpu.memory_space<vmem>>) attributes {dimension_semantics = [#tpu.dimension_semantics<arbitrary>], iteration_bounds = array<i64: 324>, scalar_prefetch = 0 : i64, scratch_operands = 0 : i64, tpu.core_type = #tpu.core_type<tc>, window_params = [{transform_indices = @transform_0, window_bounds = array<i64: 1024, 128>}, {transform_indices = @transform_1, window_bounds = array<i64: 1024, 128>}, {pipeline_mode = #tpu.pipeline_mode<synchronous>, transform_indices = @transform_2, window_bounds = array<i64: 128, 128>}, {pipeline_mode = #tpu.pipeline_mode<synchronous>, transform_indices = @transform_3, window_bounds = array<i64: 128, 128>}, {pipeline_mode = #tpu.pipeline_mode<synchronous>, transform_indices = @transform_4, window_bounds = array<i64: 128, 128>}, {pipeline_mode = #tpu.pipeline_mode<synchronous>, transform_indices = @transform_5, window_bounds = array<i64: 1, 128>}, {pipeline_mode = #tpu.pipeline_mode<synchronous>, transform_indices = @transform_6, window_bounds = array<i64: 1, 128>}, {pipeline_mode = #tpu.pipeline_mode<synchronous>, transform_indices = @transform_7, window_bounds = array<i64: 1, 128>}, {pipeline_mode = #tpu.pipeline_mode<synchronous>, transform_indices = @transform_8, window_bounds = array<i64: 128, 128>}, {transform_indices = @transform_9, window_bounds = array<i64: 1024, 128>}]} {
    %get3A = arith.constant 0 : index
    %get3A_0 = arith.constant 0 : index
    %get3A_1 = vector.load %arg1[%get3A, %get3A_0] : memref<1024x128xf32, #tpu.memory_space<vmem>>, vector<1024x128xf32>
    %get3A_2 = arith.constant 0 : index
    %get3A_3 = arith.constant 0 : index
    %get3A_4 = vector.load %arg2[%get3A_2, %get3A_3] : memref<1024x128xf32, #tpu.memory_space<vmem>>, vector<1024x128xf32>
    %sub3A = arith.subf %get3A_1, %get3A_4 : vector<1024x128xf32>
    %abs3A = math.absf %sub3A : vector<1024x128xf32>
    %convert_element_type3A = arith.truncf %abs3A : vector<1024x128xf32> to vector<1024x128xbf16>
    %convert_element_type3A_5 = arith.truncf %get3A_1 : vector<1024x128xf32> to vector<1024x128xbf16>
    %convert_element_type3A_6 = arith.truncf %get3A_4 : vector<1024x128xf32> to vector<1024x128xbf16>
    %get3A_7 = arith.constant 0 : index
    %get3A_8 = arith.constant 0 : index
    %get3A_9 = vector.load %arg3[%get3A_7, %get3A_8] : memref<128x128xbf16, #tpu.memory_space<vmem>>, vector<128x128xbf16>
    %dot_general3A = arith.constant dense<0.000000e+00> : vector<1024x128xf32>
    %dot_general3A_10 = tpu.matmul %convert_element_type3A_5, %get3A_9, %dot_general3A {dimension_numbers = #tpu.dot_dimension_numbers<[1], [0], [0], [1], [0, 0, 1, 1], [], []>, transpose_lhs_hint = false} : vector<1024x128xbf16>, vector<128x128xbf16>, vector<1024x128xf32> -> vector<1024x128xf32>
    %get3A_11 = arith.constant 0 : index
    %get3A_12 = arith.constant 0 : index
    %get3A_13 = vector.load %arg4[%get3A_11, %get3A_12] : memref<128x128xbf16, #tpu.memory_space<vmem>>, vector<128x128xbf16>
    %dot_general3A_14 = arith.constant dense<0.000000e+00> : vector<1024x128xf32>
    %dot_general3A_15 = tpu.matmul %convert_element_type3A_6, %get3A_13, %dot_general3A_14 {dimension_numbers = #tpu.dot_dimension_numbers<[1], [0], [0], [1], [0, 0, 1, 1], [], []>, transpose_lhs_hint = false} : vector<1024x128xbf16>, vector<128x128xbf16>, vector<1024x128xf32> -> vector<1024x128xf32>
    %add3A = arith.addf %dot_general3A_10, %dot_general3A_15 : vector<1024x128xf32>
    %get3A_16 = arith.constant 0 : index
    %get3A_17 = arith.constant 0 : index
    %get3A_18 = vector.load %arg5[%get3A_16, %get3A_17] : memref<128x128xbf16, #tpu.memory_space<vmem>>, vector<128x128xbf16>
    %dot_general3A_19 = arith.constant dense<0.000000e+00> : vector<1024x128xf32>
    %dot_general3A_20 = tpu.matmul %convert_element_type3A, %get3A_18, %dot_general3A_19 {dimension_numbers = #tpu.dot_dimension_numbers<[1], [0], [0], [1], [0, 0, 1, 1], [], []>, transpose_lhs_hint = false} : vector<1024x128xbf16>, vector<128x128xbf16>, vector<1024x128xf32> -> vector<1024x128xf32>
    %add3A_21 = arith.addf %add3A, %dot_general3A_20 : vector<1024x128xf32>
    %get3A_22 = arith.constant 0 : index
    %get3A_23 = arith.constant 0 : index
    %get3A_24 = vector.load %arg6[%get3A_22, %get3A_23] : memref<1x128xf32, #tpu.memory_space<vmem>>, vector<1x128xf32>
    %add3A_25 = vector.broadcast %get3A_24 : vector<1x128xf32> to vector<1024x128xf32>
    %add3A_26 = arith.addf %add3A_21, %add3A_25 : vector<1024x128xf32>
    %max3A = arith.constant 0.000000e+00 : f32
    %max3A_27 = vector.broadcast %max3A : f32 to vector<1024x128xf32>
    %max3A_28 = arith.maximumf %add3A_26, %max3A_27 : vector<1024x128xf32>
    %get3A_29 = arith.constant 0 : index
    %get3A_30 = arith.constant 0 : index
    %get3A_31 = vector.load %arg7[%get3A_29, %get3A_30] : memref<1x128xf32, #tpu.memory_space<vmem>>, vector<1x128xf32>
    %mul3A = vector.broadcast %get3A_31 : vector<1x128xf32> to vector<1024x128xf32>
    %mul3A_32 = arith.mulf %max3A_28, %mul3A : vector<1024x128xf32>
    %reduce_sum3A = arith.constant dense<0.000000e+00> : vector<1024xf32>
    %reduce_sum3A_33 = vector.multi_reduction <add>, %mul3A_32, %reduce_sum3A [1] : vector<1024x128xf32> to vector<1024xf32>
    %broadcast_in_dim3A = vector.shape_cast %reduce_sum3A_33 : vector<1024xf32> to vector<1024x1xf32>
    %get3A_34 = arith.constant 0 : index
    %get3A_35 = arith.constant 0 : index
    %get3A_36 = vector.load %arg8[%get3A_34, %get3A_35] : memref<1x128xf32, #tpu.memory_space<vmem>>, vector<1x1xf32>
    %get3A_37 = vector.shape_cast %get3A_36 : vector<1x1xf32> to vector<1xf32>
    %broadcast_in_dim3A_38 = vector.shape_cast %get3A_37 : vector<1xf32> to vector<1x1xf32>
    %add3A_39 = vector.broadcast %broadcast_in_dim3A_38 : vector<1x1xf32> to vector<1024x1xf32>
    %add3A_40 = arith.addf %broadcast_in_dim3A, %add3A_39 : vector<1024x1xf32>
    %logistic3A = arith.negf %add3A_40 : vector<1024x1xf32>
    %logistic3A_41 = math.exp %logistic3A : vector<1024x1xf32>
    %logistic3A_42 = arith.constant 1.000000e+00 : f32
    %logistic3A_43 = vector.broadcast %logistic3A_42 : f32 to vector<1024x1xf32>
    %logistic3A_44 = arith.addf %logistic3A_43, %logistic3A_41 : vector<1024x1xf32>
    %logistic3A_45 = arith.divf %logistic3A_43, %logistic3A_44 : vector<1024x1xf32>
    %get3A_46 = arith.constant 0 : index
    %get3A_47 = arith.constant 0 : index
    %get3A_48 = vector.load %arg9[%get3A_46, %get3A_47] : memref<128x128xbf16, #tpu.memory_space<vmem>>, vector<128x128xbf16>
    %dot_general3A_49 = arith.constant dense<0.000000e+00> : vector<1024x128xf32>
    %dot_general3A_50 = tpu.matmul %convert_element_type3A_6, %get3A_48, %dot_general3A_49 {dimension_numbers = #tpu.dot_dimension_numbers<[1], [0], [0], [1], [0, 0, 1, 1], [], []>, transpose_lhs_hint = false} : vector<1024x128xbf16>, vector<128x128xbf16>, vector<1024x128xf32> -> vector<1024x128xf32>
    %mul3A_51 = arith.constant 1024 : i32
    %mul3A_52 = arith.muli %arg0, %mul3A_51 : i32
    %add3A_53 = arith.constant 0 : i32
    %add3A_54 = arith.addi %add3A_53, %mul3A_52 : i32
    %iota3A = tpu.iota {dimensions = array<i32: 0>} : vector<1024x1xi32>
    %add3A_55 = vector.broadcast %add3A_54 : i32 to vector<1024x1xi32>
    %add3A_56 = arith.addi %add3A_55, %iota3A : vector<1024x1xi32>
    %lt3A = arith.constant 330000 : i32
    %lt3A_57 = vector.broadcast %lt3A : i32 to vector<1024x1xi32>
    %lt3A_58 = arith.cmpi slt, %add3A_56, %lt3A_57 : vector<1024x1xi32>
    %mul3A_59 = vector.broadcast %logistic3A_45 : vector<1024x1xf32> to vector<1024x128xf32>
    %mul3A_60 = arith.mulf %mul3A_59, %dot_general3A_50 : vector<1024x128xf32>
    %jit3A = arith.constant 0.000000e+00 : f32
    %broadcast_in_dim3A_61 = vector.shape_cast %lt3A_58 : vector<1024x1xi1> to vector<1024x1xi1>
    %broadcast_in_dim3A_62 = vector.broadcast %broadcast_in_dim3A_61 : vector<1024x1xi1> to vector<1024x128xi1>
    %broadcast_in_dim3A_63 = vector.broadcast %jit3A : f32 to vector<1024x128xf32>
    %select_n3A = arith.select %broadcast_in_dim3A_62, %mul3A_60, %broadcast_in_dim3A_63 : vector<1024x128xi1>, vector<1024x128xf32>
    %swap3A = arith.constant 0 : index
    %swap3A_64 = arith.constant 0 : index
    %swap3A_65 = vector.load %arg10[%swap3A, %swap3A_64] : memref<1024x128xf32, #tpu.memory_space<vmem>>, vector<1024x128xf32>
    tpu.vector_store %arg10[%swap3A, %swap3A_64], %select_n3A {strides = array<i32>} : memref<1024x128xf32, #tpu.memory_space<vmem>>, vector<1024x128xf32>,
    return
  }
  func.func @transform_0(%arg0: i32) -> (i32, i32) {
    %c0_i32 = arith.constant 0 : i32
    %c0_i32_0 = arith.constant 0 : i32
    return %arg0, %c0_i32 : i32, i32
  }
  func.func @transform_1(%arg0: i32) -> (i32, i32) {
    %c0_i32 = arith.constant 0 : i32
    %c0_i32_0 = arith.constant 0 : i32
    return %arg0, %c0_i32 : i32, i32
  }
  func.func @transform_2(%arg0: i32) -> (i32, i32) {
    %c0_i32 = arith.constant 0 : i32
    %c0_i32_0 = arith.constant 0 : i32
    %c0_i32_1 = arith.constant 0 : i32
    return %c0_i32, %c0_i32_0 : i32, i32
  }
  func.func @transform_3(%arg0: i32) -> (i32, i32) {
    %c0_i32 = arith.constant 0 : i32
    %c0_i32_0 = arith.constant 0 : i32
    %c0_i32_1 = arith.constant 0 : i32
    return %c0_i32, %c0_i32_0 : i32, i32
  }
  func.func @transform_4(%arg0: i32) -> (i32, i32) {
    %c0_i32 = arith.constant 0 : i32
    %c0_i32_0 = arith.constant 0 : i32
    %c0_i32_1 = arith.constant 0 : i32
    return %c0_i32, %c0_i32_0 : i32, i32
  }
  func.func @transform_5(%arg0: i32) -> (i32, i32) {
    %c0_i32 = arith.constant 0 : i32
    %c0_i32_0 = arith.constant 0 : i32
    %c0_i32_1 = arith.constant 0 : i32
    return %c0_i32, %c0_i32_0 : i32, i32
  }
  func.func @transform_6(%arg0: i32) -> (i32, i32) {
    %c0_i32 = arith.constant 0 : i32
    %c0_i32_0 = arith.constant 0 : i32
    %c0_i32_1 = arith.constant 0 : i32
    return %c0_i32, %c0_i32_0 : i32, i32
  }
  func.func @transform_7(%arg0: i32) -> (i32, i32) {
    %c0_i32 = arith.constant 0 : i32
    %c0_i32_0 = arith.constant 0 : i32
    %c0_i32_1 = arith.constant 0 : i32
    return %c0_i32, %c0_i32_0 : i32, i32
  }
  func.func @transform_8(%arg0: i32) -> (i32, i32) {
    %c0_i32 = arith.constant 0 : i32
    %c0_i32_0 = arith.constant 0 : i32
    %c0_i32_1 = arith.constant 0 : i32
    return %c0_i32, %c0_i32_0 : i32, i32
  }
  func.func @transform_9(%arg0: i32) -> (i32, i32) {
    %c0_i32 = arith.constant 0 : i32
    %c0_i32_0 = arith.constant 0 : i32
    return %arg0, %c0_i32 : i32, i32
  }
}

module attributes {stable_mosaic.version = 14 : i64} {
  func.func @_tc_update_body(%arg0: i32, %arg1: memref<1000x128xf32, #tpu.memory_space<vmem>>, %arg2: memref<1000x128xf32, #tpu.memory_space<vmem>>, %arg3: memref<1000x128xf32, #tpu.memory_space<vmem>>, %arg4: memref<128x128xf32, #tpu.memory_space<vmem>>, %arg5: memref<128x128xf32, #tpu.memory_space<vmem>>, %arg6: memref<1x128xf32, #tpu.memory_space<vmem>>, %arg7: memref<1x128xf32, #tpu.memory_space<vmem>>, %arg8: memref<1x128xf32, #tpu.memory_space<vmem>>, %arg9: memref<1000x128xf32, #tpu.memory_space<vmem>>) attributes {dimension_semantics = [#tpu.dimension_semantics<arbitrary>], iteration_bounds = array<i64: 10>, scalar_prefetch = 0 : i64, scratch_operands = 0 : i64, tpu.core_type = #tpu.core_type<tc>, window_params = [{transform_indices = @transform_0, window_bounds = array<i64: 1000, 128>}, {transform_indices = @transform_1, window_bounds = array<i64: 1000, 128>}, {transform_indices = @transform_2, window_bounds = array<i64: 1000, 128>}, {pipeline_mode = #tpu.pipeline_mode<synchronous>, transform_indices = @transform_3, window_bounds = array<i64: 128, 128>}, {pipeline_mode = #tpu.pipeline_mode<synchronous>, transform_indices = @transform_4, window_bounds = array<i64: 128, 128>}, {pipeline_mode = #tpu.pipeline_mode<synchronous>, transform_indices = @transform_5, window_bounds = array<i64: 1, 128>}, {pipeline_mode = #tpu.pipeline_mode<synchronous>, transform_indices = @transform_6, window_bounds = array<i64: 1, 128>}, {pipeline_mode = #tpu.pipeline_mode<synchronous>, transform_indices = @transform_7, window_bounds = array<i64: 1, 128>}, {transform_indices = @transform_8, window_bounds = array<i64: 1000, 128>}]} {
    %get3A = arith.constant 0 : index
    %get3A_0 = arith.constant 0 : index
    %get3A_1 = vector.load %arg1[%get3A, %get3A_0] : memref<1000x128xf32, #tpu.memory_space<vmem>>, vector<1000x128xf32>
    %get3A_2 = arith.constant 0 : index
    %get3A_3 = arith.constant 0 : index
    %get3A_4 = vector.load %arg2[%get3A_2, %get3A_3] : memref<1000x128xf32, #tpu.memory_space<vmem>>, vector<1000x128xf32>
    %get3A_5 = arith.constant 0 : index
    %get3A_6 = arith.constant 0 : index
    %get3A_7 = vector.load %arg3[%get3A_5, %get3A_6] : memref<1000x128xf32, #tpu.memory_space<vmem>>, vector<1000x128xf32>
    %add3A = arith.addf %get3A_4, %get3A_7 : vector<1000x128xf32>
    %get3A_8 = arith.constant 0 : index
    %get3A_9 = arith.constant 0 : index
    %get3A_10 = vector.load %arg4[%get3A_8, %get3A_9] : memref<128x128xf32, #tpu.memory_space<vmem>>, vector<128x128xf32>
    %dot_general3A = arith.constant dense<0.000000e+00> : vector<1000x128xf32>
    %dot_general3A_11 = tpu.matmul %get3A_1, %get3A_10, %dot_general3A {dimension_numbers = #tpu.dot_dimension_numbers<[1], [0], [0], [1], [0, 0, 1, 1], [], []>, transpose_lhs_hint = false} : vector<1000x128xf32>, vector<128x128xf32>, vector<1000x128xf32> -> vector<1000x128xf32>
    %get3A_12 = arith.constant 0 : index
    %get3A_13 = arith.constant 0 : index
    %get3A_14 = vector.load %arg5[%get3A_12, %get3A_13] : memref<128x128xf32, #tpu.memory_space<vmem>>, vector<128x128xf32>
    %dot_general3A_15 = arith.constant dense<0.000000e+00> : vector<1000x128xf32>
    %dot_general3A_16 = tpu.matmul %add3A, %get3A_14, %dot_general3A_15 {dimension_numbers = #tpu.dot_dimension_numbers<[1], [0], [0], [1], [0, 0, 1, 1], [], []>, transpose_lhs_hint = false} : vector<1000x128xf32>, vector<128x128xf32>, vector<1000x128xf32> -> vector<1000x128xf32>
    %add3A_17 = arith.addf %dot_general3A_11, %dot_general3A_16 : vector<1000x128xf32>
    %get3A_18 = arith.constant 0 : index
    %get3A_19 = arith.constant 0 : index
    %get3A_20 = vector.load %arg6[%get3A_18, %get3A_19] : memref<1x128xf32, #tpu.memory_space<vmem>>, vector<1x128xf32>
    %add3A_21 = vector.broadcast %get3A_20 : vector<1x128xf32> to vector<1000x128xf32>
    %add3A_22 = arith.addf %add3A_21, %get3A_1 : vector<1000x128xf32>
    %add3A_23 = arith.addf %add3A_17, %add3A_22 : vector<1000x128xf32>
    %get3A_24 = arith.constant 0 : index
    %get3A_25 = arith.constant 0 : index
    %get3A_26 = vector.load %arg7[%get3A_24, %get3A_25] : memref<1x128xf32, #tpu.memory_space<vmem>>, vector<1x128xf32>
    %get3A_27 = arith.constant 0 : index
    %get3A_28 = arith.constant 0 : index
    %get3A_29 = vector.load %arg8[%get3A_27, %get3A_28] : memref<1x128xf32, #tpu.memory_space<vmem>>, vector<1x128xf32>
    %reduce_sum3A = arith.constant dense<0.000000e+00> : vector<1000xf32>
    %reduce_sum3A_30 = vector.multi_reduction <add>, %add3A_23, %reduce_sum3A [1] : vector<1000x128xf32> to vector<1000xf32>
    %broadcast_in_dim3A = vector.shape_cast %reduce_sum3A_30 : vector<1000xf32> to vector<1000x1xf32>
    %div3A = arith.constant 1.280000e+02 : f32
    %div3A_31 = vector.broadcast %div3A : f32 to vector<1000x1xf32>
    %div3A_32 = arith.divf %broadcast_in_dim3A, %div3A_31 : vector<1000x1xf32>
    %sub3A = vector.broadcast %div3A_32 : vector<1000x1xf32> to vector<1000x128xf32>
    %sub3A_33 = arith.subf %add3A_23, %sub3A : vector<1000x128xf32>
    %integer_pow3A = arith.mulf %sub3A_33, %sub3A_33 : vector<1000x128xf32>
    %reduce_sum3A_34 = arith.constant dense<0.000000e+00> : vector<1000xf32>
    %reduce_sum3A_35 = vector.multi_reduction <add>, %integer_pow3A, %reduce_sum3A_34 [1] : vector<1000x128xf32> to vector<1000xf32>
    %broadcast_in_dim3A_36 = vector.shape_cast %reduce_sum3A_35 : vector<1000xf32> to vector<1000x1xf32>
    %div3A_37 = arith.constant 1.280000e+02 : f32
    %div3A_38 = vector.broadcast %div3A_37 : f32 to vector<1000x1xf32>
    %div3A_39 = arith.divf %broadcast_in_dim3A_36, %div3A_38 : vector<1000x1xf32>
    %sub3A_40 = vector.broadcast %div3A_32 : vector<1000x1xf32> to vector<1000x128xf32>
    %sub3A_41 = arith.subf %add3A_23, %sub3A_40 : vector<1000x128xf32>
    %add3A_42 = arith.constant 9.99999974E-6 : f32
    %add3A_43 = vector.broadcast %add3A_42 : f32 to vector<1000x1xf32>
    %add3A_44 = arith.addf %div3A_39, %add3A_43 : vector<1000x1xf32>
    %rsqrt3A = math.rsqrt %add3A_44 : vector<1000x1xf32>
    %mul3A = vector.broadcast %rsqrt3A : vector<1000x1xf32> to vector<1000x128xf32>
    %mul3A_45 = arith.mulf %sub3A_41, %mul3A : vector<1000x128xf32>
    %mul3A_46 = vector.broadcast %get3A_26 : vector<1x128xf32> to vector<1000x128xf32>
    %mul3A_47 = arith.mulf %mul3A_45, %mul3A_46 : vector<1000x128xf32>
    %add3A_48 = vector.broadcast %get3A_29 : vector<1x128xf32> to vector<1000x128xf32>
    %add3A_49 = arith.addf %mul3A_47, %add3A_48 : vector<1000x128xf32>
    %max3A = arith.constant 0.000000e+00 : f32
    %max3A_50 = vector.broadcast %max3A : f32 to vector<1000x128xf32>
    %max3A_51 = arith.maximumf %add3A_49, %max3A_50 : vector<1000x128xf32>
    %swap3A = arith.constant 0 : index
    %swap3A_52 = arith.constant 0 : index
    %swap3A_53 = vector.load %arg9[%swap3A, %swap3A_52] : memref<1000x128xf32, #tpu.memory_space<vmem>>, vector<1000x128xf32>
    tpu.vector_store %arg9[%swap3A, %swap3A_52], %max3A_51 {strides = array<i32>} : memref<1000x128xf32, #tpu.memory_space<vmem>>, vector<1000x128xf32>,
    return
  }
  func.func @transform_0(%arg0: i32) -> (i32, i32) {
    %c0_i32 = arith.constant 0 : i32
    %c0_i32_0 = arith.constant 0 : i32
    return %arg0, %c0_i32 : i32, i32
  }
  func.func @transform_1(%arg0: i32) -> (i32, i32) {
    %c0_i32 = arith.constant 0 : i32
    %c0_i32_0 = arith.constant 0 : i32
    return %arg0, %c0_i32 : i32, i32
  }
  func.func @transform_2(%arg0: i32) -> (i32, i32) {
    %c0_i32 = arith.constant 0 : i32
    %c0_i32_0 = arith.constant 0 : i32
    return %arg0, %c0_i32 : i32, i32
  }
  func.func @transform_3(%arg0: i32) -> (i32, i32) {
    %c0_i32 = arith.constant 0 : i32
    %c0_i32_0 = arith.constant 0 : i32
    %c0_i32_1 = arith.constant 0 : i32
    return %c0_i32, %c0_i32_0 : i32, i32
  }
  func.func @transform_4(%arg0: i32) -> (i32, i32) {
    %c0_i32 = arith.constant 0 : i32
    %c0_i32_0 = arith.constant 0 : i32
    %c0_i32_1 = arith.constant 0 : i32
    return %c0_i32, %c0_i32_0 : i32, i32
  }
  func.func @transform_5(%arg0: i32) -> (i32, i32) {
    %c0_i32 = arith.constant 0 : i32
    %c0_i32_0 = arith.constant 0 : i32
    %c0_i32_1 = arith.constant 0 : i32
    return %c0_i32, %c0_i32_0 : i32, i32
  }
  func.func @transform_6(%arg0: i32) -> (i32, i32) {
    %c0_i32 = arith.constant 0 : i32
    %c0_i32_0 = arith.constant 0 : i32
    %c0_i32_1 = arith.constant 0 : i32
    return %c0_i32, %c0_i32_0 : i32, i32
  }
  func.func @transform_7(%arg0: i32) -> (i32, i32) {
    %c0_i32 = arith.constant 0 : i32
    %c0_i32_0 = arith.constant 0 : i32
    %c0_i32_1 = arith.constant 0 : i32
    return %c0_i32, %c0_i32_0 : i32, i32
  }
  func.func @transform_8(%arg0: i32) -> (i32, i32) {
    %c0_i32 = arith.constant 0 : i32
    %c0_i32_0 = arith.constant 0 : i32
    return %arg0, %c0_i32 : i32, i32
  }
}

module attributes {stable_mosaic.version = 14 : i64} {
  func.func @_tc_head_body(%arg0: i32, %arg1: memref<1000x128xf32, #tpu.memory_space<vmem>>, %arg2: memref<128x64xf32, #tpu.memory_space<vmem>>, %arg3: memref<1x64xf32, #tpu.memory_space<vmem>>, %arg4: memref<64x40xf32, #tpu.memory_space<vmem>>, %arg5: memref<1x40xf32, #tpu.memory_space<vmem>>, %arg6: memref<1000x40xf32, #tpu.memory_space<vmem>>) attributes {dimension_semantics = [#tpu.dimension_semantics<arbitrary>], iteration_bounds = array<i64: 10>, scalar_prefetch = 0 : i64, scratch_operands = 0 : i64, tpu.core_type = #tpu.core_type<tc>, window_params = [{transform_indices = @transform_0, window_bounds = array<i64: 1000, 128>}, {pipeline_mode = #tpu.pipeline_mode<synchronous>, transform_indices = @transform_1, window_bounds = array<i64: 128, 64>}, {pipeline_mode = #tpu.pipeline_mode<synchronous>, transform_indices = @transform_2, window_bounds = array<i64: 1, 64>}, {pipeline_mode = #tpu.pipeline_mode<synchronous>, transform_indices = @transform_3, window_bounds = array<i64: 64, 40>}, {pipeline_mode = #tpu.pipeline_mode<synchronous>, transform_indices = @transform_4, window_bounds = array<i64: 1, 40>}, {transform_indices = @transform_5, window_bounds = array<i64: 1000, 40>}]} {
    %get3A = arith.constant 0 : index
    %get3A_0 = arith.constant 0 : index
    %get3A_1 = vector.load %arg1[%get3A, %get3A_0] : memref<1000x128xf32, #tpu.memory_space<vmem>>, vector<1000x128xf32>
    %get3A_2 = arith.constant 0 : index
    %get3A_3 = arith.constant 0 : index
    %get3A_4 = vector.load %arg2[%get3A_2, %get3A_3] : memref<128x64xf32, #tpu.memory_space<vmem>>, vector<128x64xf32>
    %dot_general3A = arith.constant dense<0.000000e+00> : vector<1000x64xf32>
    %dot_general3A_5 = tpu.matmul %get3A_1, %get3A_4, %dot_general3A {dimension_numbers = #tpu.dot_dimension_numbers<[1], [0], [0], [1], [0, 0, 1, 1], [], []>, transpose_lhs_hint = false} : vector<1000x128xf32>, vector<128x64xf32>, vector<1000x64xf32> -> vector<1000x64xf32>
    %get3A_6 = arith.constant 0 : index
    %get3A_7 = arith.constant 0 : index
    %get3A_8 = vector.load %arg3[%get3A_6, %get3A_7] : memref<1x64xf32, #tpu.memory_space<vmem>>, vector<1x64xf32>
    %add3A = vector.broadcast %get3A_8 : vector<1x64xf32> to vector<1000x64xf32>
    %add3A_9 = arith.addf %dot_general3A_5, %add3A : vector<1000x64xf32>
    %max3A = arith.constant 0.000000e+00 : f32
    %max3A_10 = vector.broadcast %max3A : f32 to vector<1000x64xf32>
    %max3A_11 = arith.maximumf %add3A_9, %max3A_10 : vector<1000x64xf32>
    %get3A_12 = arith.constant 0 : index
    %get3A_13 = arith.constant 0 : index
    %get3A_14 = vector.load %arg4[%get3A_12, %get3A_13] : memref<64x40xf32, #tpu.memory_space<vmem>>, vector<64x40xf32>
    %dot_general3A_15 = arith.constant dense<0.000000e+00> : vector<1000x40xf32>
    %dot_general3A_16 = tpu.matmul %max3A_11, %get3A_14, %dot_general3A_15 {dimension_numbers = #tpu.dot_dimension_numbers<[1], [0], [0], [1], [0, 0, 1, 1], [], []>, transpose_lhs_hint = false} : vector<1000x64xf32>, vector<64x40xf32>, vector<1000x40xf32> -> vector<1000x40xf32>
    %get3A_17 = arith.constant 0 : index
    %get3A_18 = arith.constant 0 : index
    %get3A_19 = vector.load %arg5[%get3A_17, %get3A_18] : memref<1x40xf32, #tpu.memory_space<vmem>>, vector<1x40xf32>
    %add3A_20 = vector.broadcast %get3A_19 : vector<1x40xf32> to vector<1000x40xf32>
    %add3A_21 = arith.addf %dot_general3A_16, %add3A_20 : vector<1000x40xf32>
    %swap3A = arith.constant 0 : index
    %swap3A_22 = arith.constant 0 : index
    %swap3A_23 = vector.load %arg6[%swap3A, %swap3A_22] : memref<1000x40xf32, #tpu.memory_space<vmem>>, vector<1000x40xf32>
    tpu.vector_store %arg6[%swap3A, %swap3A_22], %add3A_21 {strides = array<i32>} : memref<1000x40xf32, #tpu.memory_space<vmem>>, vector<1000x40xf32>,
    return
  }
  func.func @transform_0(%arg0: i32) -> (i32, i32) {
    %c0_i32 = arith.constant 0 : i32
    %c0_i32_0 = arith.constant 0 : i32
    return %arg0, %c0_i32 : i32, i32
  }
  func.func @transform_1(%arg0: i32) -> (i32, i32) {
    %c0_i32 = arith.constant 0 : i32
    %c0_i32_0 = arith.constant 0 : i32
    %c0_i32_1 = arith.constant 0 : i32
    return %c0_i32, %c0_i32_0 : i32, i32
  }
  func.func @transform_2(%arg0: i32) -> (i32, i32) {
    %c0_i32 = arith.constant 0 : i32
    %c0_i32_0 = arith.constant 0 : i32
    %c0_i32_1 = arith.constant 0 : i32
    return %c0_i32, %c0_i32_0 : i32, i32
  }
  func.func @transform_3(%arg0: i32) -> (i32, i32) {
    %c0_i32 = arith.constant 0 : i32
    %c0_i32_0 = arith.constant 0 : i32
    %c0_i32_1 = arith.constant 0 : i32
    return %c0_i32, %c0_i32_0 : i32, i32
  }
  func.func @transform_4(%arg0: i32) -> (i32, i32) {
    %c0_i32 = arith.constant 0 : i32
    %c0_i32_0 = arith.constant 0 : i32
    %c0_i32_1 = arith.constant 0 : i32
    return %c0_i32, %c0_i32_0 : i32, i32
  }
  func.func @transform_5(%arg0: i32) -> (i32, i32) {
    %c0_i32 = arith.constant 0 : i32
    %c0_i32_0 = arith.constant 0 : i32
    return %arg0, %c0_i32 : i32, i32
  }
}

</mosaic_0001>

<sc_bundles>
// kernel: kernel.16.cloned.1.call-start
scs
__scs_entry_jumppad:
0x0: {  	(pc) =	sbr.rel $0x88, $3  }
0x1: {  	(tag) =	ssettag $0x0;
	lr =	simm.s32 $0x1  }
0x2: {  	[smem:$0x3F8E] =	sst lr;
	_ =	strace $0xD0000000  }
0x3: {  	_ = 	snop  }
0x4: {  	_ = 	snop  }
0x5: {  	_ = 	snop  }
0x6: {  	_ = 	snop  }
0x7: {  	_ = 	snop  }
__scs_overlays_trampoline_lowered:
0x8: {  	[smem:$0x3F9D] =	sst s0  }
0x9: {  	[smem:$0x3F9E] =	sst s1  }
0xa: {  	[smem:$0x3F9F] =	sst s2  }
0xb: {  	[smem:$0x3FA0] =	sst s3  }
0xc: {  	[smem:$0x3FA1] =	sst s4  }
0xd: {  	[smem:$0x3FA2] =	sst s5  }
0xe: {  	[smem:$0x3FA3] =	sst s6  }
0xf: {  	[smem:$0x3FA4] =	sst s7  }
0x10: {  	[smem:$0x3FA5] =	sst s8  }
0x11: {  	[smem:$0x3FA6] =	sst s9;
	s0 =	simm.s32 @!p0 $0x0  }
0x12: {  	s1 =	sld [smem:$0x3F8C];
	s0 =	simm.s32 @p0 $0x1  }
0x13: {  	[smem:$0x3FA7] =	sst s0;
	s0 =	simm.s32 @!p1 $0x0  }
0x14: {  	s2 =	sld [smem:$0x3F8B];
	s0 =	simm.s32 @p1 $0x1  }
0x15: {  	[smem:$0x3FA8] =	sst s0;
	s0 =	simm.s32 @!p2 $0x0  }
0x16: {  	s3 =	sld [smem:$0x3FDB];
	s0 =	simm.s32 @p2 $0x1  }
0x17: {  	s4 =	simm.s32 $0x1BF5;
	[smem:$0x3FAA] =	sst s0  }
0x18: {  	s0 =	sld [smem:$0x3F8D];
	_ =	swait.ge [sflag:s4], $0x0  }
0x19: {  	s7 =	sld [smem:$0x3F8E]  }
0x1a: {  	s8 =	sadd.s32 $0xFFFFE003, lr  }
0x1b: {  	s9 =	sadd.s32 $0xFFFFFEF7, lr;
	s5 =	simm.s32 $0xFFFFFFFF;
	p2 =	slt.u32 s8, $0xFFFFF086  }
0x1c: {  	p1 =	slt.u32 s9, $0xF7A;
	s5 =	simm.s32 @!p2 $0x0  }
0x1d: {  	s5 =	simm.s32 @p1 $0x1;
	p0 =	seq.s32 s7, s2  }
0x1e: {  	s7 =	smul.u32 @!p0 $0xF7A, s2;
	p2 =	seq.s32 @!p0 s5, $0x0  }
0x1f: {  	s9 =	smul.u32 $0xF7A, s1;
	s8 =	simm.s32 @!p0 $0x1BF5;
	p2 =	por !p2, p0  }
0x20: {  	[sflag:s8] =	ssyncset.s32 @!p0 $0xFFFFF086;
	s6 =	sadd.s32 @!p0 s3, s7;
	s7 =	simm.s32 @!p0 $0x108  }
0x21: {  	s3 =	sadd.s32 s3, s9;
	s6 =	sadd.s32 @!p0 $0x88, s6;
	s7 =	simm.s32 @p2 $0x1082  }
0x22: {  	[simem:s7], [sflag:s8] =	dma.local @!p0 [hbm:s6], $0xF7A  }
0x23: {  	s9 =	sor.u32 $0xD0000000, s2;
	s6 =	simm.s32 $0x108;
	_ =	swait.ge @!p0 [sflag:s8], $0x0  }
0x24: {  	s3 =	sadd.s32 $0x88, s3;
	s6 =	simm.s32 @!p1 $0x1082;
	[sflag:s4] =	ssyncset.s32 $0xFFFFF086  }
0x25: {  	[simem:s6], [sflag:s4] =	dma.local [hbm:s3], $0xF7A  }
0x26: {  	[smem:$0x3F8E] =	sst s1;
	(tag) =	ssettag s2;
	_ =	strace s9  }
0x27: {  	s1 =	sld [smem:$0x3F9E]  }
0x28: {  	s2 =	sld [smem:$0x3F9F]  }
0x29: {  	s4 =	sld [smem:$0x3FA1]  }
0x2a: {  	p0 =	seq.s32 s5, $0x0;
	s5 =	sld [smem:$0x3FA2]  }
0x2b: {  	s6 =	sld [smem:$0x3FA3]  }
0x2c: {  	s7 =	sld [smem:$0x3FA4]  }
0x2d: {  	s3 =	simm.s32 $0x108;
	s8 =	sld [smem:$0x3FA5]  }
0x2e: {  	s3 =	simm.s32 @!p0 $0x1082;
	s9 =	sld [smem:$0x3FA6]  }
0x2f: {  	lr =	sadd.s32 s0, s3;
	s0 =	sld [smem:$0x3F9D]  }
0x30: {  	s3 =	sld [smem:$0x3FA0]  }
0x31: {  	[smem:$0x3FA9] =	sst s10  }
0x32: {  	s10 =	sld [smem:$0x3FA7];
	_ =	sdelay $0x3  }
0x33: {  	p0 =	seq.s32 s10, $0x1;
	s10 =	sld [smem:$0x3FA9];
	_ =	sdelay $0x3  }
0x34: {  	[smem:$0x3FA9] =	sst s10  }
0x35: {  	s10 =	sld [smem:$0x3FA8];
	_ =	sdelay $0x3  }
0x36: {  	p1 =	seq.s32 s10, $0x1;
	s10 =	sld [smem:$0x3FA9];
	_ =	sdelay $0x3  }
0x37: {  	[smem:$0x3FA9] =	sst s10  }
0x38: {  	s10 =	sld [smem:$0x3FAA]  }
0x39: {  	_ = 	snop;
	(pc) =	sbr.ind lr, $3  }
0x3a: {  	_ = 	snop  }
0x3b: {  	_ = 	snop  }
0x3c: {  	p2 =	seq.s32 s10, $0x1;
	s10 =	sld [smem:$0x3FA9]  }
0x3d: {  	_ =	shalt  }
0x3e: {  	_ =	shalt  }
0x3f: {  	_ =	shalt  }
0x40: {  	_ =	shalt  }
0x41: {  	_ =	shalt  }
0x42: {  	_ =	shalt  }
0x43: {  	_ =	shalt  }
0x44: {  	_ =	shalt  }
0x45: {  	_ =	shalt  }
0x46: {  	_ =	shalt  }
0x47: {  	_ =	shalt  }
0x48: {  	_ =	shalt  }
0x49: {  	_ =	shalt  }
0x4a: {  	_ =	shalt  }
0x4b: {  	_ =	shalt  }
0x4c: {  	_ =	shalt  }
0x4d: {  	_ =	shalt  }
0x4e: {  	_ =	shalt  }
0x4f: {  	_ =	shalt  }
0x50: {  	_ =	shalt  }
0x51: {  	_ =	shalt  }
0x52: {  	_ =	shalt  }
0x53: {  	_ =	shalt  }
0x54: {  	_ =	shalt  }
0x55: {  	_ =	shalt  }
0x56: {  	_ =	shalt  }
0x57: {  	_ =	shalt  }
0x58: {  	_ =	shalt  }
0x59: {  	_ =	shalt  }
0x5a: {  	_ =	shalt  }
0x5b: {  	_ =	shalt  }
0x5c: {  	_ =	shalt  }
0x5d: {  	_ =	shalt  }
0x5e: {  	_ =	shalt  }
0x5f: {  	_ =	shalt  }
0x60: {  	_ =	shalt  }
0x61: {  	_ =	shalt  }
0x62: {  	_ =	shalt  }
0x63: {  	_ =	shalt  }
0x64: {  	_ =	shalt  }
0x65: {  	_ =	shalt  }
0x66: {  	_ =	shalt  }
0x67: {  	_ =	shalt  }
0x68: {  	_ =	shalt  }
0x69: {  	_ =	shalt  }
0x6a: {  	_ =	shalt  }
0x6b: {  	_ =	shalt  }
0x6c: {  	_ =	shalt  }
0x6d: {  	_ =	shalt  }
0x6e: {  	_ =	shalt  }
0x6f: {  	_ =	shalt  }
0x70: {  	_ =	shalt  }
0x71: {  	_ =	shalt  }
0x72: {  	_ =	shalt  }
0x73: {  	_ =	shalt  }
0x74: {  	_ =	shalt  }
0x75: {  	_ =	shalt  }
0x76: {  	_ =	shalt  }
0x77: {  	_ =	shalt  }
0x78: {  	_ =	shalt  }
0x79: {  	_ =	shalt  }
0x7a: {  	_ =	shalt  }
0x7b: {  	_ =	shalt  }
0x7c: {  	_ =	shalt  }
0x7d: {  	_ =	shalt  }
0x7e: {  	_ =	shalt  }
0x7f: {  	_ =	shalt  }
0x80: {  	_ =	shalt  }
0x81: {  	_ =	shalt  }
0x82: {  	_ =	shalt  }
0x83: {  	_ =	shalt  }
0x84: {  	_ =	shalt  }
0x85: {  	_ =	shalt  }
0x86: {  	_ =	shalt  }
0x87: {  	_ =	shalt  }
.Lfunc_end0:
.L_simem_size_0:
called_computation_lowered:
.L_overlay_start_0:
0x88: {  	s2 =	sld [smem:$0x3FD9]  }
0x89: {  	s3 =	sld [smem:$0x3FFE];
	_ =	sdelay $0x1  }
0x8a: {  	s1 =	srdreg.scid  }
0x8b: {  	s0 =	sand.u32 $0x1, s1  }
0x8c: {  	s17 =	sshll.u32 s0, $0xA;
	s2 =	sadd.s32 s3, s2  }
0x8d: {  	s2 =	sadd.s32 s2, s17  }
0x8e: {  	[smem:$0x3FB5] =	sst s2  }
0x8f: {  	_ = 	snop  }
0x90: {  	s2 =	sld [smem:$0x3FD0];
	(tm) =	ssettm $0x1  }
0x91: {  	s18 =	sld [smem:$0x3FFB];
	_ =	sdelay $0x3  }
0x92: {  	_ =	strace s18  }
0x93: {  	s3 =	sld [smem:$0x3FFC];
	_ =	sdelay $0x3  }
0x94: {  	_ =	strace s3  }
0x95: {  	s3 =	sld [smem:$0x3FFD];
	_ =	sdelay $0x3  }
0x96: {  	_ =	strace s3  }
0x97: {  	_ =	strace $0x8FFFFFFF  }
0x98: {  	s19 =	sld [smem:$0x3FDB];
	_ =	sdelay $0x1  }
0x99: {  	s4 =	simm.s32 $_scs_section_size  }
0x9a: {  	s5 =	simm.s32 $_size__tile_overlayer_lowered;
	s6 =	simm.s32 $_tile_overlayer_lowered  }
0x9b: {  	s22 =	simm.s32 $0x1BFF;
	s21 =	sshll.u32 s6, $0x1;
	s3 =	sadd.s32 s4, s19  }
0x9c: {  	s7 =	simm.s32 $0x0;
	s20 =	sshll.u32 s5, $0x1;
	s5 =	sadd.s32 s21, s3  }
0x9d: {  	[timem:s7], [sflag:s22] =	dma.local [hbm:s5], s20  }
0x9e: {  	_ =	swait.ge [sflag:s22], s20  }
0x9f: {  	s4 =	ssub.s32 $0x0, s20;
	[sflag:s22] =	ssyncset.done $0x0  }
0xa0: {  	[sflag:s22] =	ssyncadd.s32 s4;
	_ =	sdelay $0x1  }
0xa1: {  	s23 =	simm.s32 $0x1B8B  }
0xa2: {  	_ =	swait.ge [sflag:s23], $0x1  }
0xa3: {  	[sflag:s23] =	ssyncset.done $0x0  }
0xa4: {  	s25 =	simm.s32 $0x1B8E;
	s24 =	sld [smem:$0x3FFE];
	[sflag:s23] =	ssyncadd.s32 $0xFFFFFFFF  }
0xa5: {  	s26 =	simm.s32 $execute0_lowered;
	[smem:$0x3FD2] =	sst s25  }
0xa6: {  	s5 =	sshll.u32 s26, $0x1;
	_ =	strace $0x80000046;
	[dreg:$0x1] =	wrdreg $0xFFFFFFFF  }
0xa7: {  	s28 =	simm.s32 $_size_execute0_lowered;
	s3 =	sadd.s32 s3, s5;
	[dreg:$0x0] =	wrdreg $0x0  }
0xa8: {  	s5 =	sshll.u32 s28, $0x1;
	[dreg:$0x2] =	wrdreg s3  }
0xa9: {  	[dreg:$0x3] =	wrdreg s5  }
0xaa: {  	[dreg:$0x4] =	wrdreg $0xC0  }
0xab: {  	_ =	task [dreg:s7], $0x5FFFF  }
0xac: {  	[dreg:$0x1] =	wrdreg $0xFFFFFFFF  }
0xad: {  	[dreg:$0x0] =	wrdreg $0x60  }
0xae: {  	[dreg:$0x2] =	wrdreg s24  }
0xaf: {  	[dreg:$0x3] =	wrdreg s2  }
0xb0: {  	[dreg:$0x4] =	wrdreg $0x9  }
0xb1: {  	_ =	task.clear_ibuf [dreg:s7], $0x5FFFF;
	_ =	strace $0x90000046  }
0xb2: {  	s29 =	simm.s32 $0x9;
	_ =	strace $0x80000048  }
0xb3: {  	_ =	swait.ge [sflag:s29], $0x1  }
0xb4: {  	[sflag:s29] =	ssyncadd.s32 $0xFFFFFFFF  }
0xb5: {  	_ =	strace $0x90000048  }
0xb6: {  	_ =	sfence  }
0xb7: {  	s30 =	sld [smem:$0x0];
	_ =	sdelay $0x2  }
0xb8: {  	s31 =	sshll.u32 s1, $0xD;
	s1 =	sshrl.u32 s1, $0x2  }
0xb9: {  	s3 =	sand.u32 $0x4000, s31;
	s1 =	sadd.s32 s1, s30  }
0xba: {  	s0 =	sor.u32 s3, s0;
	s1 =	sshll.u32 s1, $0x11  }
0xbb: {  	s0 =	sor.u32 s1, s0  }
0xbc: {  	s0 =	sadd.s32 $0x8F2B, s0  }
0xbd: {  	[sflag:s0] =	ssyncadd.remote.s32 $0x1  }
0xbe: {  	_ =	sfence.sel $0xFFFF  }
0xbf: {  	[dreg:$0x0] =	wrdreg $0xFFFFFFFF;
	(pc) =	sbr.abs _section_cstart, $3  }
0xc0: {  	[dreg:$0x1] =	wrdreg $0xFFFFFFFF  }
0xc1: {  	_ =	task.clear_ibuf [dreg:s7], $0x2FFFF;
	_ =	strace $0x9FFFFFFF  }
0xc2: {  	(tm) =	ssettm $0x7FFFFFFF  }
0xc3: {  	_ =	shalt  }
tec
execute0_lowered:
.L_overlay_start_1:
0x0: {  	(tag) =	ssettag $0x1  }
0x1: {  	s4 =	rddreg [dreg:$0x0];
	s1 =	srdreg.scid  }
0x2: {  	s0 =	stileid.u32;
	s5 =	rddreg [dreg:$0x1];
	s2 =	simm.s32 $0x0  }
0x3: {  	s16 =	simm.s32 $0x9800;
	s17 =	simm.s32 $0x80;
	s18 =	simm.s32 $0xD800  }
0x4: {  	s19 =	simm.s32 $0x11800;
	s20 =	simm.s32 $0x1;
	s21 =	simm.s32 $0x2  }
0x5: {  	s22 =	simm.s32 $0x3;
	s23 =	simm.s32 $0x4;
	s24 =	simm.s32 $0x0  }
0x6: {  	s9 =	sand.u32 $0x1, s1;
	s1 =	rddreg [dreg:$0x2];
	s26 =	smul.u32 $0x288000, s0  }
0x7: {  	s3 =	sshll.u32 s0, $0x1;
	[smem:$0x7FF] =	sst s2;
	s14 =	smul.u32 $0x51000, s0  }
0x8: {  	s12 =	sadd.s32 $0x3DC00, s4;
	s13 =	sadd.s32 $0x54DC00, s4;
	s29 =	smul.u32 $0x144000, s9  }
0x9: {  	s6 =	sor.u32 s9, s3;
	_ =	strace $0x80000047;
	s30 =	smul.u32 $0x28800, s9  }
0xa: {  	s3 =	sadd.s32 $0x16A00, s4;
	s8 =	ssub.s32 $0x2, s9;
	s7 =	smul.u32 $0x580, s6  }
0xb: {  	s11 =	sshrl.u32 s8, $0x1;
	s6 =	smul.u32 $0x144000, s6;
	s15 =	sadd.s32 s14, s12  }
0xc: {  	s14 =	sadd.s32 s14, s13;
	s8 =	ssub.s32 s8, s11;
	s31 =	sadd.s32 s30, s15  }
0xd: {  	s14 =	sadd.s32 s30, s14;
	s15 =	simm.s32 $0x5800;
	s10 =	sadd.s32 s7, s4  }
0xe: {  	s4 =	sadd.s32 s5, s7;
	s6 =	sshrl.u32 s6, $0x3;
	s8 =	smax.u32 s8, $0x1  }
0xf: {  	s5 =	sadd.s32 $0xBA00, s10;
	s28 =	sadd.s32 $0x28000, s6;
	s10 =	sadd.s32 s29, s26  }
0x10: {  	s11 =	sadd.s32 $0x800, s31;
	s6 =	sadd.s32 s12, s28;
	s10 =	sshrl.u32 s10, $0x3  }
0x11: {  	s7 =	sadd.s32 s13, s28;
	s9 =	sadd.s32 s10, s13;
	s10 =	sadd.s32 s10, s12  }
0x12: {  	s12 =	sadd.s32 $0x800, s14;
	s13 =	simm.s32 $0x5;
	s14 =	simm.s32 $0x2C00  }
.LBB2_1:
0x13: {  	[tilespmem:s2], [sflag:$0x5] =	stream.linear.gather [hbm4b:s4+s2], $0x2880, $0x38;
	[tilespmem:$0x15800] =	vst v63  }
0x14: {  	_ =	swait.ge [sflag:s13], $0x2880  }
0x15: {  	[sflag:s13] =	ssyncset.done $0x0  }
0x16: {  	[sflag:s13] =	ssyncadd.s32 $0xFFFFD780  }
0x17: {  	[tilespmem:s14], [sflag:$0x5] =	stream.linear.gather [hbm4b:s5+s2], $0x2880, $0x38;
	[tilespmem:$0x15800] =	vst v63  }
0x18: {  	_ =	swait.ge [sflag:s13], $0x2880  }
0x19: {  	[sflag:s13] =	ssyncset.done $0x0  }
0x1a: {  	[sflag:s13] =	ssyncadd.s32 $0xFFFFD780  }
0x1b: {  	[tilespmem:s15], [sflag:$0x1] =	stream.indirect.gather [hbm4b:s3+s17], $0x80, s2, s17, $0xb8;
	[tilespmem:$0x15800] =	vst v63  }
0x1c: {  	_ = 	snop  }
0x1d: {  	[tilespmem:s16], [sflag:$0x2] =	stream.indirect.gather [hbm4b:s3+s17], $0x80, s14, s17, $0xb8;
	[tilespmem:$0x15800] =	vst v63  }
0x1e: {  	_ = 	snop  }
0x1f: {  	[tilespmem:s18], [sflag:$0x3] =	stream.indirect.gather [hbm4b:s3+s17], $0x80, s17, s17, $0xb8;
	[tilespmem:$0x15800] =	vst v63  }
0x20: {  	s25 =	simm.s32 $0x2C80  }
0x21: {  	[tilespmem:s19], [sflag:$0x4] =	stream.indirect.gather [hbm4b:s3+s17], $0x80, s25, s17, $0xb8;
	[tilespmem:$0x15800] =	vst v63  }
0x22: {  	_ =	swait.ge [sflag:s20], $0x4000  }
0x23: {  	[sflag:s20] =	ssyncset.done $0x0  }
0x24: {  	[sflag:s20] =	ssyncadd.s32 $0xFFFFC000  }
0x25: {  	_ =	swait.ge [sflag:s21], $0x4000  }
0x26: {  	[sflag:s21] =	ssyncset.done $0x0  }
0x27: {  	s26 =	sadd.s32 $0x0, s10;
	[sflag:s21] =	ssyncadd.s32 $0xFFFFC000  }
0x28: {  	[hbm4b:s26+s2] =	stream.linear.scatter [tilespmem:s15], [sflag:$0x5], $0x4000, $0x38;
	[tilespmem:$0x15800] =	vst v63  }
0x29: {  	_ =	swait.ge [sflag:s13], $0x4000  }
0x2a: {  	[sflag:s13] =	ssyncset.done $0x0  }
0x2b: {  	s30 =	sadd.s32 $0x0, s9;
	[sflag:s13] =	ssyncadd.s32 $0xFFFFC000  }
0x2c: {  	[hbm4b:s30+s2] =	stream.linear.scatter [tilespmem:s16], [sflag:$0x5], $0x4000, $0x38;
	[tilespmem:$0x15800] =	vst v63  }
0x2d: {  	_ =	swait.ge [sflag:s13], $0x4000  }
0x2e: {  	[sflag:s13] =	ssyncset.done $0x0  }
0x2f: {  	s31 =	simm.s32 $0x100;
	[sflag:s13] =	ssyncadd.s32 $0xFFFFC000  }
0x30: {  	[tilespmem:s15], [sflag:$0x1] =	stream.indirect.gather [hbm4b:s3+s17], $0x80, s31, s17, $0xb8;
	[tilespmem:$0x15800] =	vst v63  }
0x31: {  	s29 =	simm.s32 $0x2D00  }
0x32: {  	[tilespmem:s16], [sflag:$0x2] =	stream.indirect.gather [hbm4b:s3+s17], $0x80, s29, s17, $0xb8;
	[tilespmem:$0x15800] =	vst v63  }
0x33: {  	_ =	swait.ge [sflag:s22], $0x4000  }
0x34: {  	[sflag:s22] =	ssyncset.done $0x0  }
0x35: {  	[sflag:s22] =	ssyncadd.s32 $0xFFFFC000  }
0x36: {  	_ =	swait.ge [sflag:s23], $0x4000  }
0x37: {  	[sflag:s23] =	ssyncset.done $0x0  }
0x38: {  	s30 =	sadd.s32 $0x0, s11;
	[sflag:s23] =	ssyncadd.s32 $0xFFFFC000  }
0x39: {  	[hbm4b:s30+s2] =	stream.linear.scatter [tilespmem:s18], [sflag:$0x5], $0x4000, $0x38;
	[tilespmem:$0x15800] =	vst v63  }
0x3a: {  	_ =	swait.ge [sflag:s13], $0x4000  }
0x3b: {  	[sflag:s13] =	ssyncset.done $0x0  }
0x3c: {  	s31 =	sadd.s32 $0x0, s12;
	[sflag:s13] =	ssyncadd.s32 $0xFFFFC000  }
0x3d: {  	[hbm4b:s31+s2] =	stream.linear.scatter [tilespmem:s19], [sflag:$0x5], $0x4000, $0x38;
	[tilespmem:$0x15800] =	vst v63  }
0x3e: {  	_ =	swait.ge [sflag:s13], $0x4000  }
0x3f: {  	s28 =	simm.s32 $0x80;
	s26 =	simm.s32 $0x1000;
	[sflag:s13] =	ssyncset.done $0x0  }
.LBB2_2:
0x40: {  	[sflag:s13] =	ssyncadd.s32 $0xFFFFC000;
	s25 =	sadd.s32 $0x100, s25;
	s28 =	sadd.s32 $0x100, s28  }
0x41: {  	[tilespmem:s18], [sflag:$0x3] =	stream.indirect.gather [hbm4b:s3+s17], $0x80, s28, s17, $0xb8;
	[tilespmem:$0x15800] =	vst v63  }
0x42: {  	p0 =	sne.s32 s26, $0x27000;
	s29 =	smov.u32 s26;
	s26 =	sadd.s32 $0x1000, s26  }
0x43: {  	[tilespmem:s19], [sflag:$0x4] =	stream.indirect.gather [hbm4b:s3+s17], $0x80, s25, s17, $0xb8;
	[tilespmem:$0x15800] =	vst v63  }
0x44: {  	_ =	swait.ge [sflag:s20], $0x4000  }
0x45: {  	[sflag:s20] =	ssyncset.done $0x0  }
0x46: {  	[sflag:s20] =	ssyncadd.s32 $0xFFFFC000  }
0x47: {  	_ =	swait.ge [sflag:s21], $0x4000  }
0x48: {  	[sflag:s21] =	ssyncset.done $0x0  }
0x49: {  	s30 =	sadd.s32 s29, s10;
	[sflag:s21] =	ssyncadd.s32 $0xFFFFC000  }
0x4a: {  	[hbm4b:s30+s2] =	stream.linear.scatter [tilespmem:s15], [sflag:$0x5], $0x4000, $0x38;
	[tilespmem:$0x15800] =	vst v63  }
0x4b: {  	_ =	swait.ge [sflag:s13], $0x4000  }
0x4c: {  	[sflag:s13] =	ssyncset.done $0x0  }
0x4d: {  	s30 =	sadd.s32 s29, s9;
	[sflag:s13] =	ssyncadd.s32 $0xFFFFC000  }
0x4e: {  	[hbm4b:s30+s2] =	stream.linear.scatter [tilespmem:s16], [sflag:$0x5], $0x4000, $0x38;
	[tilespmem:$0x15800] =	vst v63  }
0x4f: {  	_ =	swait.ge [sflag:s13], $0x4000  }
0x50: {  	[sflag:s13] =	ssyncset.done $0x0  }
0x51: {  	s30 =	sadd.s32 $0x80, s28;
	[sflag:s13] =	ssyncadd.s32 $0xFFFFC000  }
0x52: {  	[tilespmem:s15], [sflag:$0x1] =	stream.indirect.gather [hbm4b:s3+s17], $0x80, s30, s17, $0xb8;
	[tilespmem:$0x15800] =	vst v63  }
0x53: {  	s30 =	sadd.s32 $0x80, s25  }
0x54: {  	[tilespmem:s16], [sflag:$0x2] =	stream.indirect.gather [hbm4b:s3+s17], $0x80, s30, s17, $0xb8;
	[tilespmem:$0x15800] =	vst v63  }
0x55: {  	_ =	swait.ge [sflag:s22], $0x4000  }
0x56: {  	[sflag:s22] =	ssyncset.done $0x0  }
0x57: {  	[sflag:s22] =	ssyncadd.s32 $0xFFFFC000  }
0x58: {  	_ =	swait.ge [sflag:s23], $0x4000  }
0x59: {  	[sflag:s23] =	ssyncset.done $0x0  }
0x5a: {  	s30 =	sadd.s32 s29, s11;
	[sflag:s23] =	ssyncadd.s32 $0xFFFFC000  }
0x5b: {  	[hbm4b:s30+s2] =	stream.linear.scatter [tilespmem:s18], [sflag:$0x5], $0x4000, $0x38;
	[tilespmem:$0x15800] =	vst v63  }
0x5c: {  	_ =	swait.ge [sflag:s13], $0x4000  }
.Ltmp0:
0x5d: {  	[sflag:s13] =	ssyncset.done $0x0;
	(pc) =	sbr.rel @p0 .LBB2_2-.Ltmp0, $4  }
0x5e: {  	s29 =	sadd.s32 s29, s12;
	[sflag:s13] =	ssyncadd.s32 $0xFFFFC000  }
0x5f: {  	[hbm4b:s29+s2] =	stream.linear.scatter [tilespmem:s19], [sflag:$0x5], $0x4000, $0x38;
	[tilespmem:$0x15800] =	vst v63  }
0x60: {  	_ =	swait.ge [sflag:s13], $0x4000  }
0x61: {  	[sflag:s13] =	ssyncset.done $0x0  }
0x62: {  	[sflag:s13] =	ssyncadd.s32 $0xFFFFC000  }
0x63: {  	_ =	swait.ge [sflag:s20], $0x4000  }
0x64: {  	[sflag:s20] =	ssyncset.done $0x0  }
0x65: {  	[sflag:s20] =	ssyncadd.s32 $0xFFFFC000  }
0x66: {  	_ =	swait.ge [sflag:s21], $0x4000  }
0x67: {  	[sflag:s21] =	ssyncset.done $0x0  }
0x68: {  	[sflag:s21] =	ssyncadd.s32 $0xFFFFC000  }
0x69: {  	[hbm4b:s6+s2] =	stream.linear.scatter [tilespmem:s15], [sflag:$0x5], $0x4000, $0x38;
	[tilespmem:$0x15800] =	vst v63  }
0x6a: {  	s24 =	sadd.s32 $0x1, s24;
	_ =	swait.ge [sflag:s13], $0x4000  }
0x6b: {  	p0 =	sne.s32 s24, s8;
	[sflag:s13] =	ssyncset.done $0x0  }
.Ltmp1:
0x6c: {  	[sflag:s13] =	ssyncadd.s32 $0xFFFFC000;
	(pc) =	sbr.rel @p0 .LBB2_1-.Ltmp1, $4  }
0x6d: {  	[hbm4b:s7+s2] =	stream.linear.scatter [tilespmem:s16], [sflag:$0x5], $0x4000, $0x38;
	[tilespmem:$0x15800] =	vst v63  }
0x6e: {  	_ =	swait.ge [sflag:s13], $0x4000  }
0x6f: {  	[sflag:s13] =	ssyncset.done $0x0  }
0x70: {  	[sflag:s13] =	ssyncadd.s32 $0xFFFFC000  }
0x71: {  	_ =	sfence.sel $0x180000  }
0x72: {  	[bflag:$0x0] =	sbarrier.arrive $0xFFFF  }
0x73: {  	p0 =	sne.s32 s0, $0x0;
	_ =	strace $0x90000047  }
0x74: {  	s0 =	sadd.s32 @!p0 $0x100000, s1;
	[bflag:$0x2] =	sbarrier.arrive $0xFFFF  }
0x75: {  	[sflag:s0] =	ssyncadd.tile.s32 @!p0 $0x1;
	_ =	shalt  }
.Lfunc_end2:
_tile_overlayer_lowered:
.L_overlay_start_2:
0x76: {  	(tag) =	ssettag $0x2  }
0x77: {  	s0 =	rddreg [dreg:$0x0];
	s2 =	stileid.u32  }
0x78: {  	s1 =	rddreg [dreg:$0x1];
	p0 =	sne.s32 s2, $0x0  }
0x79: {  	s3 =	rddreg [dreg:$0x2];
	[bflag:$0x3] =	sbarrier.arrive $0xFFFF;
	s2 =	simm.s32 @!p0 $0x1C05  }
0x7a: {  	[timem:s3], [sflag:s2] =	dma.local @!p0 [hbm:s0], s1  }
0x7b: {  	s0 =	simm.s32 @!p0 $0x5  }
0x7c: {  	_ =	swait.ge @!p0 [sflag:s0], s1  }
0x7d: {  	s1 =	ssub.s32 @!p0 $0x0, s1;
	[sflag:s0] =	ssyncset.done @!p0 $0x0  }
0x7e: {  	[sflag:s0] =	ssyncadd.s32 @!p0 s1  }
0x7f: {  	[bflag:$0x3] =	sbarrier.arrive $0xFFFF  }
0x80: {  	_ =	shalt  }

// kernel: kernel.19.cloned.1.call-start
scs
__scs_entry_jumppad:
0x0: {  	(pc) =	sbr.rel $0x88, $3  }
0x1: {  	(tag) =	ssettag $0x0;
	lr =	simm.s32 $0x1  }
0x2: {  	[smem:$0x3F8E] =	sst lr;
	_ =	strace $0xD0000000  }
0x3: {  	_ = 	snop  }
0x4: {  	_ = 	snop  }
0x5: {  	_ = 	snop  }
0x6: {  	_ = 	snop  }
0x7: {  	_ = 	snop  }
__scs_overlays_trampoline_lowered:
0x8: {  	[smem:$0x3F9D] =	sst s0  }
0x9: {  	[smem:$0x3F9E] =	sst s1  }
0xa: {  	[smem:$0x3F9F] =	sst s2  }
0xb: {  	[smem:$0x3FA0] =	sst s3  }
0xc: {  	[smem:$0x3FA1] =	sst s4  }
0xd: {  	[smem:$0x3FA2] =	sst s5  }
0xe: {  	[smem:$0x3FA3] =	sst s6  }
0xf: {  	[smem:$0x3FA4] =	sst s7  }
0x10: {  	[smem:$0x3FA5] =	sst s8  }
0x11: {  	[smem:$0x3FA6] =	sst s9;
	s0 =	simm.s32 @!p0 $0x0  }
0x12: {  	s1 =	sld [smem:$0x3F8C];
	s0 =	simm.s32 @p0 $0x1  }
0x13: {  	[smem:$0x3FA7] =	sst s0;
	s0 =	simm.s32 @!p1 $0x0  }
0x14: {  	s2 =	sld [smem:$0x3F8B];
	s0 =	simm.s32 @p1 $0x1  }
0x15: {  	[smem:$0x3FA8] =	sst s0;
	s0 =	simm.s32 @!p2 $0x0  }
0x16: {  	s3 =	sld [smem:$0x3FDB];
	s0 =	simm.s32 @p2 $0x1  }
0x17: {  	s4 =	simm.s32 $0x1BF5;
	[smem:$0x3FAA] =	sst s0  }
0x18: {  	s0 =	sld [smem:$0x3F8D];
	_ =	swait.ge [sflag:s4], $0x0  }
0x19: {  	s7 =	sld [smem:$0x3F8E]  }
0x1a: {  	s8 =	sadd.s32 $0xFFFFE003, lr  }
0x1b: {  	s9 =	sadd.s32 $0xFFFFFEF7, lr;
	s5 =	simm.s32 $0xFFFFFFFF;
	p2 =	slt.u32 s8, $0xFFFFF086  }
0x1c: {  	p1 =	slt.u32 s9, $0xF7A;
	s5 =	simm.s32 @!p2 $0x0  }
0x1d: {  	s5 =	simm.s32 @p1 $0x1;
	p0 =	seq.s32 s7, s2  }
0x1e: {  	s7 =	smul.u32 @!p0 $0xF7A, s2;
	p2 =	seq.s32 @!p0 s5, $0x0  }
0x1f: {  	s9 =	smul.u32 $0xF7A, s1;
	s8 =	simm.s32 @!p0 $0x1BF5;
	p2 =	por !p2, p0  }
0x20: {  	[sflag:s8] =	ssyncset.s32 @!p0 $0xFFFFF086;
	s6 =	sadd.s32 @!p0 s3, s7;
	s7 =	simm.s32 @!p0 $0x108  }
0x21: {  	s3 =	sadd.s32 s3, s9;
	s6 =	sadd.s32 @!p0 $0x88, s6;
	s7 =	simm.s32 @p2 $0x1082  }
0x22: {  	[simem:s7], [sflag:s8] =	dma.local @!p0 [hbm:s6], $0xF7A  }
0x23: {  	s9 =	sor.u32 $0xD0000000, s2;
	s6 =	simm.s32 $0x108;
	_ =	swait.ge @!p0 [sflag:s8], $0x0  }
0x24: {  	s3 =	sadd.s32 $0x88, s3;
	s6 =	simm.s32 @!p1 $0x1082;
	[sflag:s4] =	ssyncset.s32 $0xFFFFF086  }
0x25: {  	[simem:s6], [sflag:s4] =	dma.local [hbm:s3], $0xF7A  }
0x26: {  	[smem:$0x3F8E] =	sst s1;
	(tag) =	ssettag s2;
	_ =	strace s9  }
0x27: {  	s1 =	sld [smem:$0x3F9E]  }
0x28: {  	s2 =	sld [smem:$0x3F9F]  }
0x29: {  	s4 =	sld [smem:$0x3FA1]  }
0x2a: {  	p0 =	seq.s32 s5, $0x0;
	s5 =	sld [smem:$0x3FA2]  }
0x2b: {  	s6 =	sld [smem:$0x3FA3]  }
0x2c: {  	s7 =	sld [smem:$0x3FA4]  }
0x2d: {  	s3 =	simm.s32 $0x108;
	s8 =	sld [smem:$0x3FA5]  }
0x2e: {  	s3 =	simm.s32 @!p0 $0x1082;
	s9 =	sld [smem:$0x3FA6]  }
0x2f: {  	lr =	sadd.s32 s0, s3;
	s0 =	sld [smem:$0x3F9D]  }
0x30: {  	s3 =	sld [smem:$0x3FA0]  }
0x31: {  	[smem:$0x3FA9] =	sst s10  }
0x32: {  	s10 =	sld [smem:$0x3FA7];
	_ =	sdelay $0x3  }
0x33: {  	p0 =	seq.s32 s10, $0x1;
	s10 =	sld [smem:$0x3FA9];
	_ =	sdelay $0x3  }
0x34: {  	[smem:$0x3FA9] =	sst s10  }
0x35: {  	s10 =	sld [smem:$0x3FA8];
	_ =	sdelay $0x3  }
0x36: {  	p1 =	seq.s32 s10, $0x1;
	s10 =	sld [smem:$0x3FA9];
	_ =	sdelay $0x3  }
0x37: {  	[smem:$0x3FA9] =	sst s10  }
0x38: {  	s10 =	sld [smem:$0x3FAA]  }
0x39: {  	_ = 	snop;
	(pc) =	sbr.ind lr, $3  }
0x3a: {  	_ = 	snop  }
0x3b: {  	_ = 	snop  }
0x3c: {  	p2 =	seq.s32 s10, $0x1;
	s10 =	sld [smem:$0x3FA9]  }
0x3d: {  	_ =	shalt  }
0x3e: {  	_ =	shalt  }
0x3f: {  	_ =	shalt  }
0x40: {  	_ =	shalt  }
0x41: {  	_ =	shalt  }
0x42: {  	_ =	shalt  }
0x43: {  	_ =	shalt  }
0x44: {  	_ =	shalt  }
0x45: {  	_ =	shalt  }
0x46: {  	_ =	shalt  }
0x47: {  	_ =	shalt  }
0x48: {  	_ =	shalt  }
0x49: {  	_ =	shalt  }
0x4a: {  	_ =	shalt  }
0x4b: {  	_ =	shalt  }
0x4c: {  	_ =	shalt  }
0x4d: {  	_ =	shalt  }
0x4e: {  	_ =	shalt  }
0x4f: {  	_ =	shalt  }
0x50: {  	_ =	shalt  }
0x51: {  	_ =	shalt  }
0x52: {  	_ =	shalt  }
0x53: {  	_ =	shalt  }
0x54: {  	_ =	shalt  }
0x55: {  	_ =	shalt  }
0x56: {  	_ =	shalt  }
0x57: {  	_ =	shalt  }
0x58: {  	_ =	shalt  }
0x59: {  	_ =	shalt  }
0x5a: {  	_ =	shalt  }
0x5b: {  	_ =	shalt  }
0x5c: {  	_ =	shalt  }
0x5d: {  	_ =	shalt  }
0x5e: {  	_ =	shalt  }
0x5f: {  	_ =	shalt  }
0x60: {  	_ =	shalt  }
0x61: {  	_ =	shalt  }
0x62: {  	_ =	shalt  }
0x63: {  	_ =	shalt  }
0x64: {  	_ =	shalt  }
0x65: {  	_ =	shalt  }
0x66: {  	_ =	shalt  }
0x67: {  	_ =	shalt  }
0x68: {  	_ =	shalt  }
0x69: {  	_ =	shalt  }
0x6a: {  	_ =	shalt  }
0x6b: {  	_ =	shalt  }
0x6c: {  	_ =	shalt  }
0x6d: {  	_ =	shalt  }
0x6e: {  	_ =	shalt  }
0x6f: {  	_ =	shalt  }
0x70: {  	_ =	shalt  }
0x71: {  	_ =	shalt  }
0x72: {  	_ =	shalt  }
0x73: {  	_ =	shalt  }
0x74: {  	_ =	shalt  }
0x75: {  	_ =	shalt  }
0x76: {  	_ =	shalt  }
0x77: {  	_ =	shalt  }
0x78: {  	_ =	shalt  }
0x79: {  	_ =	shalt  }
0x7a: {  	_ =	shalt  }
0x7b: {  	_ =	shalt  }
0x7c: {  	_ =	shalt  }
0x7d: {  	_ =	shalt  }
0x7e: {  	_ =	shalt  }
0x7f: {  	_ =	shalt  }
0x80: {  	_ =	shalt  }
0x81: {  	_ =	shalt  }
0x82: {  	_ =	shalt  }
0x83: {  	_ =	shalt  }
0x84: {  	_ =	shalt  }
0x85: {  	_ =	shalt  }
0x86: {  	_ =	shalt  }
0x87: {  	_ =	shalt  }
.Lfunc_end0:
.L_simem_size_0:
called_computation.1_lowered:
.L_overlay_start_0:
0x88: {  	s2 =	sld [smem:$0x3FD9]  }
0x89: {  	s3 =	sld [smem:$0x3FFE];
	_ =	sdelay $0x1  }
0x8a: {  	s1 =	srdreg.scid  }
0x8b: {  	s0 =	sand.u32 $0x1, s1  }
0x8c: {  	s17 =	sshll.u32 s0, $0xA;
	s2 =	sadd.s32 s3, s2  }
0x8d: {  	s2 =	sadd.s32 s2, s17  }
0x8e: {  	[smem:$0x3FB5] =	sst s2  }
0x8f: {  	_ = 	snop  }
0x90: {  	s2 =	sld [smem:$0x3FD0];
	(tm) =	ssettm $0x1  }
0x91: {  	s18 =	sld [smem:$0x3FFB];
	_ =	sdelay $0x3  }
0x92: {  	_ =	strace s18  }
0x93: {  	s3 =	sld [smem:$0x3FFC];
	_ =	sdelay $0x3  }
0x94: {  	_ =	strace s3  }
0x95: {  	s3 =	sld [smem:$0x3FFD];
	_ =	sdelay $0x3  }
0x96: {  	_ =	strace s3  }
0x97: {  	_ =	strace $0x8FFFFFFF  }
0x98: {  	s19 =	sld [smem:$0x3FDB];
	_ =	sdelay $0x1  }
0x99: {  	s4 =	simm.s32 $_scs_section_size  }
0x9a: {  	s5 =	simm.s32 $_size__tile_overlayer_lowered;
	s6 =	simm.s32 $_tile_overlayer_lowered  }
0x9b: {  	s22 =	simm.s32 $0x1BFF;
	s21 =	sshll.u32 s6, $0x1;
	s3 =	sadd.s32 s4, s19  }
0x9c: {  	s7 =	simm.s32 $0x0;
	s20 =	sshll.u32 s5, $0x1;
	s5 =	sadd.s32 s21, s3  }
0x9d: {  	[timem:s7], [sflag:s22] =	dma.local [hbm:s5], s20  }
0x9e: {  	_ =	swait.ge [sflag:s22], s20  }
0x9f: {  	s4 =	ssub.s32 $0x0, s20;
	[sflag:s22] =	ssyncset.done $0x0  }
0xa0: {  	[sflag:s22] =	ssyncadd.s32 s4;
	_ =	sdelay $0x1  }
0xa1: {  	s23 =	simm.s32 $0x1B8B  }
0xa2: {  	_ =	swait.ge [sflag:s23], $0x1  }
0xa3: {  	[sflag:s23] =	ssyncset.done $0x0  }
0xa4: {  	s25 =	simm.s32 $0x1B8E;
	s24 =	sld [smem:$0x3FFE];
	[sflag:s23] =	ssyncadd.s32 $0xFFFFFFFF  }
0xa5: {  	s26 =	simm.s32 $execute0_lowered;
	[smem:$0x3FD2] =	sst s25  }
0xa6: {  	s5 =	sshll.u32 s26, $0x1;
	_ =	strace $0x80000049;
	[dreg:$0x1] =	wrdreg $0xFFFFFFFF  }
0xa7: {  	s28 =	simm.s32 $_size_execute0_lowered;
	s3 =	sadd.s32 s3, s5;
	[dreg:$0x0] =	wrdreg $0x0  }
0xa8: {  	s5 =	sshll.u32 s28, $0x1;
	[dreg:$0x2] =	wrdreg s3  }
0xa9: {  	[dreg:$0x3] =	wrdreg s5  }
0xaa: {  	[dreg:$0x4] =	wrdreg $0xC0  }
0xab: {  	_ =	task [dreg:s7], $0x5FFFF  }
0xac: {  	[dreg:$0x1] =	wrdreg $0xFFFFFFFF  }
0xad: {  	[dreg:$0x0] =	wrdreg $0x60  }
0xae: {  	[dreg:$0x2] =	wrdreg s24  }
0xaf: {  	[dreg:$0x3] =	wrdreg s2  }
0xb0: {  	[dreg:$0x4] =	wrdreg $0xAC000  }
0xb1: {  	[dreg:$0x5] =	wrdreg $0x9  }
0xb2: {  	_ =	task.clear_ibuf [dreg:s7], $0x6FFFF;
	_ =	strace $0x90000049  }
0xb3: {  	s29 =	simm.s32 $0x9;
	_ =	strace $0x8000004B  }
0xb4: {  	_ =	swait.ge [sflag:s29], $0x1  }
0xb5: {  	[sflag:s29] =	ssyncadd.s32 $0xFFFFFFFF  }
0xb6: {  	_ =	strace $0x9000004B  }
0xb7: {  	_ =	sfence  }
0xb8: {  	s30 =	sld [smem:$0x0];
	_ =	sdelay $0x2  }
0xb9: {  	s31 =	sshll.u32 s1, $0xD;
	s1 =	sshrl.u32 s1, $0x2  }
0xba: {  	s3 =	sand.u32 $0x4000, s31;
	s1 =	sadd.s32 s1, s30  }
0xbb: {  	s0 =	sor.u32 s3, s0;
	s1 =	sshll.u32 s1, $0x11  }
0xbc: {  	s0 =	sor.u32 s1, s0  }
0xbd: {  	s0 =	sadd.s32 $0x8F2B, s0  }
0xbe: {  	[sflag:s0] =	ssyncadd.remote.s32 $0x1  }
0xbf: {  	_ =	sfence.sel $0xFFFF  }
0xc0: {  	[dreg:$0x0] =	wrdreg $0xFFFFFFFF;
	(pc) =	sbr.abs _section_cstart, $3  }
0xc1: {  	[dreg:$0x1] =	wrdreg $0xFFFFFFFF  }
0xc2: {  	_ =	task.clear_ibuf [dreg:s7], $0x2FFFF;
	_ =	strace $0x9FFFFFFF  }
0xc3: {  	(tm) =	ssettm $0x7FFFFFFF  }
tec
execute0_lowered:
.L_overlay_start_1:
0x0: {  	(tag) =	ssettag $0x1  }
0x1: {  	s0 =	rddreg [dreg:$0x0]  }
0x2: {  	s3 =	rddreg [dreg:$0x1]  }
0x3: {  	s1 =	rddreg [dreg:$0x2]  }
0x4: {  	s2 =	simm.s32 $0x0;
	s4 =	srdreg.scid;
	s23 =	stileid.u32  }
0x5: {  	s28 =	simm.s32 $0x80;
	s29 =	simm.s32 $0x2;
	s31 =	simm.s32 $0x4  }
0x6: {  	[smem:$0x7FF] =	sst s2;
	s4 =	sand.u32 $0x1, s4;
	s5 =	sshll.u32 s23, $0x1  }
0x7: {  	s19 =	sadd.s32 $0xA61200, s0;
	s21 =	sadd.s32 $0x3DC00, s0;
	s0 =	sadd.s32 $0x66400, s0  }
0x8: {  	s12 =	sshll.u32 s23, $0xE;
	s11 =	sadd.s32 $0x140000, s1;
	s15 =	sshll.u32 s23, $0xB  }
0x9: {  	s16 =	sor.u32 $0x10, s23;
	s18 =	sor.u32 $0x20, s23;
	s25 =	smul.u32 $0x51000, s23  }
0xa: {  	s26 =	sor.u32 $0x40, s23;
	p1 =	sne.s32 s23, $0x0;
	s5 =	sor.u32 s4, s5  }
0xb: {  	s6 =	ssub.s32 $0x2, s4;
	p0 =	seq.s32 s4, $0x1;
	s4 =	smul.u32 $0x28800, s4  }
0xc: {  	_ =	strace $0x8000004A;
	s17 =	sshll.u32 s16, $0xE;
	s7 =	smul.u32 $0x580, s5  }
0xd: {  	s20 =	sshll.u32 s18, $0xE;
	s8 =	sshrl.u32 s6, $0x1;
	s5 =	smul.u32 $0x28800, s5  }
0xe: {  	s21 =	smov.u32 @p0 s0;
	s0 =	sshll.u32 s16, $0xB;
	s3 =	sadd.s32 s3, s7  }
0xf: {  	s6 =	ssub.s32 s6, s8;
	s5 =	sadd.s32 s19, s5;
	[dreg:$0x4] =	wrdreg s3  }
0x10: {  	s13 =	smax.u32 s6, $0x1;
	[dreg:$0x5] =	wrdreg s5;
	s5 =	sadd.s32 s12, s1  }
0x11: {  	[dreg:$0x6] =	wrdreg s13;
	s12 =	sadd.s32 s21, s15;
	s13 =	sadd.s32 s17, s1  }
0x12: {  	s15 =	sadd.s32 s20, s1;
	s20 =	sshll.u32 s26, $0xE;
	s3 =	sadd.s32 s25, s19  }
0x13: {  	s25 =	simm.s32 $0x6C00;
	s14 =	sadd.s32 $0x40000, s5;
	s8 =	sadd.s32 $0x80000, s5  }
0x14: {  	s9 =	sadd.s32 $0xC0000, s5;
	s10 =	sadd.s32 $0x100000, s5;
	s19 =	sadd.s32 s20, s1  }
0x15: {  	s30 =	sadd.s32 s4, s3;
	[dreg:$0x7] =	wrdreg s14;
	s14 =	sadd.s32 s21, s0  }
0x16: {  	s0 =	sshll.u32 s18, $0xB;
	s18 =	sor.u32 $0x30, s23;
	s23 =	simm.s32 $0x2C00  }
0x17: {  	s16 =	sadd.s32 s21, s0;
	s22 =	sshll.u32 s18, $0xE;
	s24 =	sshll.u32 s18, $0xB  }
0x18: {  	s0 =	sshll.u32 s26, $0xB;
	s26 =	simm.s32 $0x1;
	s17 =	sadd.s32 s22, s1  }
0x19: {  	s18 =	sadd.s32 s21, s24;
	s20 =	sadd.s32 s21, s0;
	s21 =	sadd.s32 $0x28000, s21  }
0x1a: {  	v0 =	vimm.f32 $0.0e+00;
	s22 =	sadd.s32 $0x1000, s30;
	s24 =	simm.s32 $0x3;
	s0 =	simm.s32 $0x0  }
.LBB2_1:
0x1b: {  	s3 =	sand.u32 $0xFE00, s2  }
0x1c: {  	s4 =	sand.u32 $0x70, s2;
	s30 =	sshrl.u32 s3, $0x2  }
0x1d: {  	s3 =	simm.s32 $0x40;
	s30 =	sor.u32 s4, s30;
	s4 =	simm.s32 $0x0  }
.LBB2_2:
0x1e: {  	p2 =	sne.s32 s3, $0xFFC0  }
0x1f: {  	[tilespmem:s30+$0x2C00] =	vst v0;
	s4 =	sadd.s32 $0x10, s4;
	s30 =	smov.u32 s3;
	s3 =	sadd.s32 $0x40, s3  }
.Ltmp0:
0x20: {  	(pc) =	sbr.rel @p2 .LBB2_2-.Ltmp0, $4  }
0x21: {  	_ = 	snop  }
0x22: {  	s30 =	sand.u32 $0xFE00, s30  }
0x23: {  	s6 =	sand.u32 $0x70, s4;
	s30 =	sshrl.u32 s30, $0x2  }
0x24: {  	s30 =	sor.u32 s6, s30  }
0x25: {  	[tilespmem:s30+$0x2C00] =	vst v0  }
0x26: {  	[spmem:s5] =	stream.linear.scatter [tilespmem:s23], [sflag:$0x3], $0x4000, $0x38;
	[tilespmem:$0x1F000] =	vst v63  }
0x27: {  	_ =	swait.ge [sflag:s24], $0x4000  }
0x28: {  	[sflag:s24] =	ssyncset.done $0x0  }
0x29: {  	s3 =	rddreg [dreg:$0x7];
	[sflag:s24] =	ssyncadd.s32 $0xFFFFC000  }
0x2a: {  	[spmem:s3] =	stream.linear.scatter [tilespmem:s23], [sflag:$0x3], $0x4000, $0x38;
	[tilespmem:$0x1F000] =	vst v63  }
0x2b: {  	_ =	swait.ge [sflag:s24], $0x4000  }
0x2c: {  	[sflag:s24] =	ssyncset.done $0x0  }
0x2d: {  	[sflag:s24] =	ssyncadd.s32 $0xFFFFC000  }
0x2e: {  	[spmem:s8] =	stream.linear.scatter [tilespmem:s23], [sflag:$0x3], $0x4000, $0x38;
	[tilespmem:$0x1F000] =	vst v63  }
0x2f: {  	_ =	swait.ge [sflag:s24], $0x4000  }
0x30: {  	[sflag:s24] =	ssyncset.done $0x0  }
0x31: {  	[sflag:s24] =	ssyncadd.s32 $0xFFFFC000  }
0x32: {  	[spmem:s9] =	stream.linear.scatter [tilespmem:s23], [sflag:$0x3], $0x4000, $0x38;
	[tilespmem:$0x1F000] =	vst v63  }
0x33: {  	_ =	swait.ge [sflag:s24], $0x4000  }
0x34: {  	[sflag:s24] =	ssyncset.done $0x0  }
0x35: {  	[sflag:s24] =	ssyncadd.s32 $0xFFFFC000  }
0x36: {  	[spmem:s10] =	stream.linear.scatter [tilespmem:s23], [sflag:$0x3], $0x4000, $0x38;
	[tilespmem:$0x1F000] =	vst v63  }
0x37: {  	_ =	swait.ge [sflag:s24], $0x4000  }
0x38: {  	[sflag:s24] =	ssyncset.done $0x0  }
0x39: {  	s3 =	simm.s32 @!p1 $0x2C00;
	[sflag:s24] =	ssyncadd.s32 $0xFFFFC000  }
0x3a: {  	[spmem:s11] =	stream.linear.scatter @!p1 [tilespmem:s3], [sflag:$0x3], $0x4000, $0x38;
	[tilespmem:$0x1F000] =	vst v63  }
0x3b: {  	s3 =	simm.s32 @!p1 $0x3  }
0x3c: {  	_ =	swait.ge @!p1 [sflag:s3], $0x4000  }
0x3d: {  	[sflag:s3] =	ssyncset.done @!p1 $0x0  }
0x3e: {  	[sflag:s3] =	ssyncadd.s32 @!p1 $0xFFFFC000  }
0x3f: {  	[bflag:$0x0] =	sbarrier.arrive $0xFFFF  }
0x40: {  	s6 =	simm.s32 $0x0;
	s4 =	rddreg [dreg:$0x4]  }
0x41: {  	[tilespmem:s6], [sflag:$0x3] =	stream.linear.gather [hbm4b:s4+s6], $0x2880, $0x38;
	[tilespmem:$0x1F000] =	vst v63  }
0x42: {  	_ =	swait.ge [sflag:s24], $0x2880  }
0x43: {  	[sflag:s24] =	ssyncset.done $0x0  }
0x44: {  	s7 =	rddreg [dreg:$0x5];
	[sflag:s24] =	ssyncadd.s32 $0xFFFFD780  }
0x45: {  	[tilespmem:s23], [sflag:$0x1] =	stream.linear.gather [hbm4b:s7+s6], $0x4000, $0x38;
	[tilespmem:$0x1F000] =	vst v63  }
0x46: {  	s4 =	sadd.s32 $0xFFFFF800, s22  }
0x47: {  	[tilespmem:s25], [sflag:$0x2] =	stream.linear.gather [hbm4b:s4+s2], $0x4000, $0x38;
	[tilespmem:$0x1F000] =	vst v63  }
0x48: {  	_ =	swait.ge [sflag:s26], $0x4000  }
0x49: {  	[sflag:s26] =	ssyncset.done $0x0  }
0x4a: {  	s6 =	simm.s32 $0x0;
	[sflag:s26] =	ssyncadd.s32 $0xFFFFC000  }
0x4b: {  	[spmem:s1] =	stream.indirect.scatter.add.f32 [tilespmem:s23], [sflag:$0x3], $0x80, s6, s28, $0xb8;
	[tilespmem:$0x1F000] =	vst v63  }
0x4c: {  	_ =	swait.ge [sflag:s24], $0x4000  }
0x4d: {  	[sflag:s24] =	ssyncset.done $0x0  }
0x4e: {  	[sflag:s24] =	ssyncadd.s32 $0xFFFFC000  }
0x4f: {  	[tilespmem:s23], [sflag:$0x1] =	stream.linear.gather [hbm4b:s22+s2], $0x4000, $0x38;
	[tilespmem:$0x1F000] =	vst v63  }
0x50: {  	_ =	swait.ge [sflag:s29], $0x4000  }
0x51: {  	[sflag:s29] =	ssyncset.done $0x0  }
0x52: {  	s7 =	simm.s32 $0x80;
	[sflag:s29] =	ssyncadd.s32 $0xFFFFC000  }
0x53: {  	[spmem:s1] =	stream.indirect.scatter.add.f32 [tilespmem:s25], [sflag:$0x3], $0x80, s7, s28, $0xb8;
	[tilespmem:$0x1F000] =	vst v63  }
0x54: {  	s30 =	sadd.s32 $0x1000, s22;
	_ =	swait.ge [sflag:s24], $0x4000  }
0x55: {  	s3 =	simm.s32 $0x400;
	s4 =	simm.s32 $0x800;
	[sflag:s24] =	ssyncset.done $0x0  }
.LBB2_4:
0x56: {  	p2 =	sne.s32 s4, $0x9C00;
	s6 =	sadd.s32 $0xFFFFF800, s30;
	[sflag:s24] =	ssyncadd.s32 $0xFFFFC000  }
0x57: {  	[tilespmem:s25], [sflag:$0x2] =	stream.linear.gather [hbm4b:s6+s2], $0x4000, $0x38;
	[tilespmem:$0x1F000] =	vst v63  }
0x58: {  	s6 =	smov.u32 s4;
	s4 =	sadd.s32 $0x400, s4;
	_ =	swait.ge [sflag:s26], $0x4000  }
0x59: {  	[sflag:s26] =	ssyncset.done $0x0  }
0x5a: {  	s7 =	sshra.s32 s3, $0x2;
	s3 =	smov.u32 s6;
	[sflag:s26] =	ssyncadd.s32 $0xFFFFC000  }
0x5b: {  	[spmem:s1] =	stream.indirect.scatter.add.f32 [tilespmem:s23], [sflag:$0x3], $0x80, s7, s28, $0xb8;
	[tilespmem:$0x1F000] =	vst v63  }
0x5c: {  	_ =	swait.ge [sflag:s24], $0x4000  }
0x5d: {  	[sflag:s24] =	ssyncset.done $0x0  }
0x5e: {  	[sflag:s24] =	ssyncadd.s32 $0xFFFFC000  }
0x5f: {  	[tilespmem:s23], [sflag:$0x1] =	stream.linear.gather [hbm4b:s30+s2], $0x4000, $0x38;
	[tilespmem:$0x1F000] =	vst v63  }
0x60: {  	_ =	swait.ge [sflag:s29], $0x4000  }
.Ltmp1:
0x61: {  	[sflag:s29] =	ssyncset.done $0x0;
	(pc) =	sbr.rel @p2 .LBB2_4-.Ltmp1, $4  }
0x62: {  	s6 =	sadd.s32 $0x80, s7;
	[sflag:s29] =	ssyncadd.s32 $0xFFFFC000  }
0x63: {  	[spmem:s1] =	stream.indirect.scatter.add.f32 [tilespmem:s25], [sflag:$0x3], $0x80, s6, s28, $0xb8;
	[tilespmem:$0x1F000] =	vst v63  }
0x64: {  	_ =	swait.ge [sflag:s24], $0x4000  }
0x65: {  	s30 =	sadd.s32 $0x1000, s30;
	[sflag:s24] =	ssyncset.done $0x0  }
0x66: {  	s4 =	sadd.s32 $0xFFFFF800, s30;
	[sflag:s24] =	ssyncadd.s32 $0xFFFFC000  }
0x67: {  	[tilespmem:s25], [sflag:$0x2] =	stream.linear.gather [hbm4b:s4+s2], $0x4000, $0x38;
	[tilespmem:$0x1F000] =	vst v63  }
0x68: {  	_ =	swait.ge [sflag:s26], $0x4000  }
0x69: {  	[sflag:s26] =	ssyncset.done $0x0  }
0x6a: {  	s3 =	sshra.s32 s3, $0x2;
	[sflag:s26] =	ssyncadd.s32 $0xFFFFC000  }
0x6b: {  	[spmem:s1] =	stream.indirect.scatter.add.f32 [tilespmem:s23], [sflag:$0x3], $0x80, s3, s28, $0xb8;
	[tilespmem:$0x1F000] =	vst v63  }
0x6c: {  	_ =	swait.ge [sflag:s24], $0x4000  }
0x6d: {  	[sflag:s24] =	ssyncset.done $0x0  }
0x6e: {  	[sflag:s24] =	ssyncadd.s32 $0xFFFFC000  }
0x6f: {  	[tilespmem:s23], [sflag:$0x1] =	stream.linear.gather [hbm4b:s30+s2], $0x4000, $0x38;
	[tilespmem:$0x1F000] =	vst v63  }
0x70: {  	_ =	swait.ge [sflag:s29], $0x4000  }
0x71: {  	[sflag:s29] =	ssyncset.done $0x0  }
0x72: {  	s3 =	sadd.s32 $0x80, s3;
	[sflag:s29] =	ssyncadd.s32 $0xFFFFC000  }
0x73: {  	[spmem:s1] =	stream.indirect.scatter.add.f32 [tilespmem:s25], [sflag:$0x3], $0x80, s3, s28, $0xb8;
	[tilespmem:$0x1F000] =	vst v63  }
0x74: {  	_ =	swait.ge [sflag:s24], $0x4000  }
0x75: {  	[sflag:s24] =	ssyncset.done $0x0  }
0x76: {  	[sflag:s24] =	ssyncadd.s32 $0xFFFFC000  }
0x77: {  	_ =	swait.ge [sflag:s26], $0x4000  }
0x78: {  	[sflag:s26] =	ssyncset.done $0x0  }
0x79: {  	s7 =	simm.s32 $0x2800;
	[sflag:s26] =	ssyncadd.s32 $0xFFFFC000  }
0x7a: {  	[spmem:s1] =	stream.indirect.scatter.add.f32 [tilespmem:s23], [sflag:$0x3], $0x80, s7, s28, $0xb8;
	[tilespmem:$0x1F000] =	vst v63  }
0x7b: {  	_ =	swait.ge [sflag:s24], $0x4000  }
0x7c: {  	[sflag:s24] =	ssyncset.done $0x0  }
0x7d: {  	[sflag:s24] =	ssyncadd.s32 $0xFFFFC000  }
0x7e: {  	[bflag:$0x0] =	sbarrier.arrive $0xFFFF  }
0x7f: {  	[tilespmem:s23], [sflag:$0x4] =	stream.linear.gather [spmem:s5], $0x4000, $0x38;
	[tilespmem:$0x1F000] =	vst v63  }
0x80: {  	_ =	swait.ge [sflag:s31], $0x4000  }
0x81: {  	s3 =	simm.s32 $0x3;
	[sflag:s31] =	ssyncset.done $0x0  }
0x82: {  	s3 =	simm.s32 @!p0 $0x4;
	[sflag:s31] =	ssyncadd.s32 $0xFFFFC000  }
0x83: {  	[hbm4b:s12+s2] =	stream.linear.scatter [tilespmem:s23], [sflag:s3], $0x4000, $0x38;
	[tilespmem:$0x1F000] =	vst v63  }
0x84: {  	_ =	swait.ge [sflag:s3], $0x4000  }
0x85: {  	[sflag:s3] =	ssyncset.done $0x0  }
0x86: {  	[sflag:s3] =	ssyncadd.s32 $0xFFFFC000  }
0x87: {  	[tilespmem:s23], [sflag:$0x4] =	stream.linear.gather [spmem:s13], $0x4000, $0x38;
	[tilespmem:$0x1F000] =	vst v63  }
0x88: {  	_ =	swait.ge [sflag:s31], $0x4000  }
0x89: {  	[sflag:s31] =	ssyncset.done $0x0  }
0x8a: {  	[sflag:s31] =	ssyncadd.s32 $0xFFFFC000  }
0x8b: {  	[hbm4b:s14+s2] =	stream.linear.scatter [tilespmem:s23], [sflag:s3], $0x4000, $0x38;
	[tilespmem:$0x1F000] =	vst v63  }
0x8c: {  	_ =	swait.ge [sflag:s3], $0x4000  }
0x8d: {  	[sflag:s3] =	ssyncset.done $0x0  }
0x8e: {  	[sflag:s3] =	ssyncadd.s32 $0xFFFFC000  }
0x8f: {  	[tilespmem:s23], [sflag:$0x4] =	stream.linear.gather [spmem:s15], $0x4000, $0x38;
	[tilespmem:$0x1F000] =	vst v63  }
0x90: {  	_ =	swait.ge [sflag:s31], $0x4000  }
0x91: {  	[sflag:s31] =	ssyncset.done $0x0  }
0x92: {  	[sflag:s31] =	ssyncadd.s32 $0xFFFFC000  }
0x93: {  	[hbm4b:s16+s2] =	stream.linear.scatter [tilespmem:s23], [sflag:s3], $0x4000, $0x38;
	[tilespmem:$0x1F000] =	vst v63  }
0x94: {  	_ =	swait.ge [sflag:s3], $0x4000  }
0x95: {  	[sflag:s3] =	ssyncset.done $0x0  }
0x96: {  	[sflag:s3] =	ssyncadd.s32 $0xFFFFC000  }
0x97: {  	[tilespmem:s23], [sflag:$0x4] =	stream.linear.gather [spmem:s17], $0x4000, $0x38;
	[tilespmem:$0x1F000] =	vst v63  }
0x98: {  	_ =	swait.ge [sflag:s31], $0x4000  }
0x99: {  	[sflag:s31] =	ssyncset.done $0x0  }
0x9a: {  	[sflag:s31] =	ssyncadd.s32 $0xFFFFC000  }
0x9b: {  	[hbm4b:s18+s2] =	stream.linear.scatter [tilespmem:s23], [sflag:s3], $0x4000, $0x38;
	[tilespmem:$0x1F000] =	vst v63  }
0x9c: {  	_ =	swait.ge [sflag:s3], $0x4000  }
0x9d: {  	[sflag:s3] =	ssyncset.done $0x0  }
0x9e: {  	[sflag:s3] =	ssyncadd.s32 $0xFFFFC000  }
0x9f: {  	[tilespmem:s23], [sflag:$0x4] =	stream.linear.gather [spmem:s19], $0x4000, $0x38;
	[tilespmem:$0x1F000] =	vst v63  }
0xa0: {  	_ =	swait.ge [sflag:s31], $0x4000  }
0xa1: {  	[sflag:s31] =	ssyncset.done $0x0  }
0xa2: {  	[sflag:s31] =	ssyncadd.s32 $0xFFFFC000  }
0xa3: {  	[hbm4b:s20+s2] =	stream.linear.scatter [tilespmem:s23], [sflag:s3], $0x4000, $0x38;
	[tilespmem:$0x1F000] =	vst v63  }
0xa4: {  	_ =	swait.ge [sflag:s3], $0x4000  }
0xa5: {  	[sflag:s3] =	ssyncset.done $0x0  }
0xa6: {  	s6 =	simm.s32 @!p1 $0x4;
	s4 =	simm.s32 @!p1 $0x2C00;
	[sflag:s3] =	ssyncadd.s32 $0xFFFFC000  }
0xa7: {  	[tilespmem:s4], [sflag:$0x4] =	stream.linear.gather @!p1 [spmem:s11], $0x4000, $0x38;
	[tilespmem:$0x1F000] =	vst v63  }
0xa8: {  	_ =	swait.ge @!p1 [sflag:s6], $0x4000  }
0xa9: {  	[sflag:s6] =	ssyncset.done @!p1 $0x0  }
0xaa: {  	[sflag:s6] =	ssyncadd.s32 @!p1 $0xFFFFC000;
	s6 =	simm.s32 @!p1 $0x0  }
0xab: {  	[hbm4b:s21+s6] =	stream.linear.scatter @!p1 [tilespmem:s4], [sflag:s3], $0x4000, $0x38;
	[tilespmem:$0x1F000] =	vst v63  }
0xac: {  	_ =	swait.ge @!p1 [sflag:s3], $0x4000  }
0xad: {  	s0 =	sadd.s32 $0x1, s0;
	s30 =	rddreg [dreg:$0x6]  }
0xae: {  	p2 =	sne.s32 s0, s30  }
.Ltmp2:
0xaf: {  	_ = 	snop;
	(pc) =	sbr.rel @p2 .LBB2_1-.Ltmp2, $3  }
0xb0: {  	_ =	sdelay $0x1  }
0xb1: {  	[sflag:s3] =	ssyncset.done @!p1 $0x0  }
0xb2: {  	[sflag:s3] =	ssyncadd.s32 @!p1 $0xFFFFC000  }
0xb3: {  	_ =	sfence.sel $0x180000  }
0xb4: {  	[bflag:$0x0] =	sbarrier.arrive $0xFFFF  }
0xb5: {  	_ =	strace $0x9000004A  }
0xb6: {  	[bflag:$0x2] =	sbarrier.arrive $0xFFFF  }
0xb7: {  	s0 =	rddreg [dreg:$0x3]  }
0xb8: {  	s0 =	sadd.s32 @!p1 $0x100000, s0  }
0xb9: {  	[sflag:s0] =	ssyncadd.tile.s32 @!p1 $0x1;
	_ =	shalt  }
.Lfunc_end2:
_tile_overlayer_lowered:
.L_overlay_start_2:
0xba: {  	(tag) =	ssettag $0x2  }
0xbb: {  	s0 =	rddreg [dreg:$0x0];
	s2 =	stileid.u32  }
0xbc: {  	s1 =	rddreg [dreg:$0x1];
	p0 =	sne.s32 s2, $0x0  }
0xbd: {  	s3 =	rddreg [dreg:$0x2];
	[bflag:$0x3] =	sbarrier.arrive $0xFFFF;
	s2 =	simm.s32 @!p0 $0x1C03  }
0xbe: {  	[timem:s3], [sflag:s2] =	dma.local @!p0 [hbm:s0], s1  }
0xbf: {  	s0 =	simm.s32 @!p0 $0x3  }
0xc0: {  	_ =	swait.ge @!p0 [sflag:s0], s1  }
0xc1: {  	s1 =	ssub.s32 @!p0 $0x0, s1;
	[sflag:s0] =	ssyncset.done @!p0 $0x0  }
0xc2: {  	[sflag:s0] =	ssyncadd.s32 @!p0 s1  }
0xc3: {  	[bflag:$0x3] =	sbarrier.arrive $0xFFFF  }
0xc4: {  	_ =	shalt  }

// kernel: kernel.22.cloned.1.call-start
scs
__scs_entry_jumppad:
0x0: {  	(pc) =	sbr.rel $0x88, $3  }
0x1: {  	(tag) =	ssettag $0x0;
	lr =	simm.s32 $0x1  }
0x2: {  	[smem:$0x3F8E] =	sst lr;
	_ =	strace $0xD0000000  }
0x3: {  	_ = 	snop  }
0x4: {  	_ = 	snop  }
0x5: {  	_ = 	snop  }
0x6: {  	_ = 	snop  }
0x7: {  	_ = 	snop  }
__scs_overlays_trampoline_lowered:
0x8: {  	[smem:$0x3F9D] =	sst s0  }
0x9: {  	[smem:$0x3F9E] =	sst s1  }
0xa: {  	[smem:$0x3F9F] =	sst s2  }
0xb: {  	[smem:$0x3FA0] =	sst s3  }
0xc: {  	[smem:$0x3FA1] =	sst s4  }
0xd: {  	[smem:$0x3FA2] =	sst s5  }
0xe: {  	[smem:$0x3FA3] =	sst s6  }
0xf: {  	[smem:$0x3FA4] =	sst s7  }
0x10: {  	[smem:$0x3FA5] =	sst s8  }
0x11: {  	[smem:$0x3FA6] =	sst s9;
	s0 =	simm.s32 @!p0 $0x0  }
0x12: {  	s1 =	sld [smem:$0x3F8C];
	s0 =	simm.s32 @p0 $0x1  }
0x13: {  	[smem:$0x3FA7] =	sst s0;
	s0 =	simm.s32 @!p1 $0x0  }
0x14: {  	s2 =	sld [smem:$0x3F8B];
	s0 =	simm.s32 @p1 $0x1  }
0x15: {  	[smem:$0x3FA8] =	sst s0;
	s0 =	simm.s32 @!p2 $0x0  }
0x16: {  	s3 =	sld [smem:$0x3FDB];
	s0 =	simm.s32 @p2 $0x1  }
0x17: {  	s4 =	simm.s32 $0x1BF5;
	[smem:$0x3FAA] =	sst s0  }
0x18: {  	s0 =	sld [smem:$0x3F8D];
	_ =	swait.ge [sflag:s4], $0x0  }
0x19: {  	s7 =	sld [smem:$0x3F8E]  }
0x1a: {  	s8 =	sadd.s32 $0xFFFFE003, lr  }
0x1b: {  	s9 =	sadd.s32 $0xFFFFFEF7, lr;
	s5 =	simm.s32 $0xFFFFFFFF;
	p2 =	slt.u32 s8, $0xFFFFF086  }
0x1c: {  	p1 =	slt.u32 s9, $0xF7A;
	s5 =	simm.s32 @!p2 $0x0  }
0x1d: {  	s5 =	simm.s32 @p1 $0x1;
	p0 =	seq.s32 s7, s2  }
0x1e: {  	s7 =	smul.u32 @!p0 $0xF7A, s2;
	p2 =	seq.s32 @!p0 s5, $0x0  }
0x1f: {  	s9 =	smul.u32 $0xF7A, s1;
	s8 =	simm.s32 @!p0 $0x1BF5;
	p2 =	por !p2, p0  }
0x20: {  	[sflag:s8] =	ssyncset.s32 @!p0 $0xFFFFF086;
	s6 =	sadd.s32 @!p0 s3, s7;
	s7 =	simm.s32 @!p0 $0x108  }
0x21: {  	s3 =	sadd.s32 s3, s9;
	s6 =	sadd.s32 @!p0 $0x88, s6;
	s7 =	simm.s32 @p2 $0x1082  }
0x22: {  	[simem:s7], [sflag:s8] =	dma.local @!p0 [hbm:s6], $0xF7A  }
0x23: {  	s9 =	sor.u32 $0xD0000000, s2;
	s6 =	simm.s32 $0x108;
	_ =	swait.ge @!p0 [sflag:s8], $0x0  }
0x24: {  	s3 =	sadd.s32 $0x88, s3;
	s6 =	simm.s32 @!p1 $0x1082;
	[sflag:s4] =	ssyncset.s32 $0xFFFFF086  }
0x25: {  	[simem:s6], [sflag:s4] =	dma.local [hbm:s3], $0xF7A  }
0x26: {  	[smem:$0x3F8E] =	sst s1;
	(tag) =	ssettag s2;
	_ =	strace s9  }
0x27: {  	s1 =	sld [smem:$0x3F9E]  }
0x28: {  	s2 =	sld [smem:$0x3F9F]  }
0x29: {  	s4 =	sld [smem:$0x3FA1]  }
0x2a: {  	p0 =	seq.s32 s5, $0x0;
	s5 =	sld [smem:$0x3FA2]  }
0x2b: {  	s6 =	sld [smem:$0x3FA3]  }
0x2c: {  	s7 =	sld [smem:$0x3FA4]  }
0x2d: {  	s3 =	simm.s32 $0x108;
	s8 =	sld [smem:$0x3FA5]  }
0x2e: {  	s3 =	simm.s32 @!p0 $0x1082;
	s9 =	sld [smem:$0x3FA6]  }
0x2f: {  	lr =	sadd.s32 s0, s3;
	s0 =	sld [smem:$0x3F9D]  }
0x30: {  	s3 =	sld [smem:$0x3FA0]  }
0x31: {  	[smem:$0x3FA9] =	sst s10  }
0x32: {  	s10 =	sld [smem:$0x3FA7];
	_ =	sdelay $0x3  }
0x33: {  	p0 =	seq.s32 s10, $0x1;
	s10 =	sld [smem:$0x3FA9];
	_ =	sdelay $0x3  }
0x34: {  	[smem:$0x3FA9] =	sst s10  }
0x35: {  	s10 =	sld [smem:$0x3FA8];
	_ =	sdelay $0x3  }
0x36: {  	p1 =	seq.s32 s10, $0x1;
	s10 =	sld [smem:$0x3FA9];
	_ =	sdelay $0x3  }
0x37: {  	[smem:$0x3FA9] =	sst s10  }
0x38: {  	s10 =	sld [smem:$0x3FAA]  }
0x39: {  	_ = 	snop;
	(pc) =	sbr.ind lr, $3  }
0x3a: {  	_ = 	snop  }
0x3b: {  	_ = 	snop  }
0x3c: {  	p2 =	seq.s32 s10, $0x1;
	s10 =	sld [smem:$0x3FA9]  }
0x3d: {  	_ =	shalt  }
0x3e: {  	_ =	shalt  }
0x3f: {  	_ =	shalt  }
0x40: {  	_ =	shalt  }
0x41: {  	_ =	shalt  }
0x42: {  	_ =	shalt  }
0x43: {  	_ =	shalt  }
0x44: {  	_ =	shalt  }
0x45: {  	_ =	shalt  }
0x46: {  	_ =	shalt  }
0x47: {  	_ =	shalt  }
0x48: {  	_ =	shalt  }
0x49: {  	_ =	shalt  }
0x4a: {  	_ =	shalt  }
0x4b: {  	_ =	shalt  }
0x4c: {  	_ =	shalt  }
0x4d: {  	_ =	shalt  }
0x4e: {  	_ =	shalt  }
0x4f: {  	_ =	shalt  }
0x50: {  	_ =	shalt  }
0x51: {  	_ =	shalt  }
0x52: {  	_ =	shalt  }
0x53: {  	_ =	shalt  }
0x54: {  	_ =	shalt  }
0x55: {  	_ =	shalt  }
0x56: {  	_ =	shalt  }
0x57: {  	_ =	shalt  }
0x58: {  	_ =	shalt  }
0x59: {  	_ =	shalt  }
0x5a: {  	_ =	shalt  }
0x5b: {  	_ =	shalt  }
0x5c: {  	_ =	shalt  }
0x5d: {  	_ =	shalt  }
0x5e: {  	_ =	shalt  }
0x5f: {  	_ =	shalt  }
0x60: {  	_ =	shalt  }
0x61: {  	_ =	shalt  }
0x62: {  	_ =	shalt  }
0x63: {  	_ =	shalt  }
0x64: {  	_ =	shalt  }
0x65: {  	_ =	shalt  }
0x66: {  	_ =	shalt  }
0x67: {  	_ =	shalt  }
0x68: {  	_ =	shalt  }
0x69: {  	_ =	shalt  }
0x6a: {  	_ =	shalt  }
0x6b: {  	_ =	shalt  }
0x6c: {  	_ =	shalt  }
0x6d: {  	_ =	shalt  }
0x6e: {  	_ =	shalt  }
0x6f: {  	_ =	shalt  }
0x70: {  	_ =	shalt  }
0x71: {  	_ =	shalt  }
0x72: {  	_ =	shalt  }
0x73: {  	_ =	shalt  }
0x74: {  	_ =	shalt  }
0x75: {  	_ =	shalt  }
0x76: {  	_ =	shalt  }
0x77: {  	_ =	shalt  }
0x78: {  	_ =	shalt  }
0x79: {  	_ =	shalt  }
0x7a: {  	_ =	shalt  }
0x7b: {  	_ =	shalt  }
0x7c: {  	_ =	shalt  }
0x7d: {  	_ =	shalt  }
0x7e: {  	_ =	shalt  }
0x7f: {  	_ =	shalt  }
0x80: {  	_ =	shalt  }
0x81: {  	_ =	shalt  }
0x82: {  	_ =	shalt  }
0x83: {  	_ =	shalt  }
0x84: {  	_ =	shalt  }
0x85: {  	_ =	shalt  }
0x86: {  	_ =	shalt  }
0x87: {  	_ =	shalt  }
.Lfunc_end0:
.L_simem_size_0:
called_computation.2_lowered:
.L_overlay_start_0:
0x88: {  	s2 =	sld [smem:$0x3FD9]  }
0x89: {  	s3 =	sld [smem:$0x3FFE];
	_ =	sdelay $0x1  }
0x8a: {  	s1 =	srdreg.scid  }
0x8b: {  	s0 =	sand.u32 $0x1, s1  }
0x8c: {  	s17 =	sshll.u32 s0, $0xA;
	s2 =	sadd.s32 s3, s2  }
0x8d: {  	s2 =	sadd.s32 s2, s17  }
0x8e: {  	[smem:$0x3FB5] =	sst s2  }
0x8f: {  	_ = 	snop  }
0x90: {  	s2 =	sld [smem:$0x3FD0];
	(tm) =	ssettm $0x1  }
0x91: {  	s18 =	sld [smem:$0x3FFB];
	_ =	sdelay $0x3  }
0x92: {  	_ =	strace s18  }
0x93: {  	s3 =	sld [smem:$0x3FFC];
	_ =	sdelay $0x3  }
0x94: {  	_ =	strace s3  }
0x95: {  	s3 =	sld [smem:$0x3FFD];
	_ =	sdelay $0x3  }
0x96: {  	_ =	strace s3  }
0x97: {  	_ =	strace $0x8FFFFFFF  }
0x98: {  	s19 =	sld [smem:$0x3FDB];
	_ =	sdelay $0x1  }
0x99: {  	s4 =	simm.s32 $_scs_section_size  }
0x9a: {  	s5 =	simm.s32 $_size__tile_overlayer_lowered;
	s6 =	simm.s32 $_tile_overlayer_lowered  }
0x9b: {  	s22 =	simm.s32 $0x1BFF;
	s21 =	sshll.u32 s6, $0x1;
	s3 =	sadd.s32 s4, s19  }
0x9c: {  	s7 =	simm.s32 $0x0;
	s20 =	sshll.u32 s5, $0x1;
	s5 =	sadd.s32 s21, s3  }
0x9d: {  	[timem:s7], [sflag:s22] =	dma.local [hbm:s5], s20  }
0x9e: {  	_ =	swait.ge [sflag:s22], s20  }
0x9f: {  	s4 =	ssub.s32 $0x0, s20;
	[sflag:s22] =	ssyncset.done $0x0  }
0xa0: {  	[sflag:s22] =	ssyncadd.s32 s4;
	_ =	sdelay $0x1  }
0xa1: {  	s23 =	simm.s32 $0x1B8B  }
0xa2: {  	_ =	swait.ge [sflag:s23], $0x1  }
0xa3: {  	[sflag:s23] =	ssyncset.done $0x0  }
0xa4: {  	s25 =	simm.s32 $0x1B8E;
	s24 =	sld [smem:$0x3FFE];
	[sflag:s23] =	ssyncadd.s32 $0xFFFFFFFF  }
0xa5: {  	s26 =	simm.s32 $execute0_lowered;
	[smem:$0x3FD2] =	sst s25  }
0xa6: {  	s5 =	sshll.u32 s26, $0x1;
	_ =	strace $0x8000004C;
	[dreg:$0x1] =	wrdreg $0xFFFFFFFF  }
0xa7: {  	s28 =	simm.s32 $_size_execute0_lowered;
	s3 =	sadd.s32 s3, s5;
	[dreg:$0x0] =	wrdreg $0x0  }
0xa8: {  	s5 =	sshll.u32 s28, $0x1;
	[dreg:$0x2] =	wrdreg s3  }
0xa9: {  	[dreg:$0x3] =	wrdreg s5  }
0xaa: {  	[dreg:$0x4] =	wrdreg $0xC0  }
0xab: {  	_ =	task [dreg:s7], $0x5FFFF  }
0xac: {  	[dreg:$0x1] =	wrdreg $0xFFFFFFFF  }
0xad: {  	[dreg:$0x0] =	wrdreg $0x60  }
0xae: {  	[dreg:$0x2] =	wrdreg s24  }
0xaf: {  	[dreg:$0x3] =	wrdreg s2  }
0xb0: {  	[dreg:$0x4] =	wrdreg $0x9  }
0xb1: {  	_ =	task.clear_ibuf [dreg:s7], $0x5FFFF;
	_ =	strace $0x9000004C  }
0xb2: {  	s29 =	simm.s32 $0x9;
	_ =	strace $0x8000004E  }
0xb3: {  	_ =	swait.ge [sflag:s29], $0x1  }
0xb4: {  	[sflag:s29] =	ssyncadd.s32 $0xFFFFFFFF  }
0xb5: {  	_ =	strace $0x9000004E  }
0xb6: {  	_ =	sfence  }
0xb7: {  	s30 =	sld [smem:$0x0];
	_ =	sdelay $0x2  }
0xb8: {  	s31 =	sshll.u32 s1, $0xD;
	s1 =	sshrl.u32 s1, $0x2  }
0xb9: {  	s3 =	sand.u32 $0x4000, s31;
	s1 =	sadd.s32 s1, s30  }
0xba: {  	s0 =	sor.u32 s3, s0;
	s1 =	sshll.u32 s1, $0x11  }
0xbb: {  	s0 =	sor.u32 s1, s0  }
0xbc: {  	s0 =	sadd.s32 $0x8F2B, s0  }
0xbd: {  	[sflag:s0] =	ssyncadd.remote.s32 $0x1  }
0xbe: {  	_ =	sfence.sel $0xFFFF  }
0xbf: {  	[dreg:$0x0] =	wrdreg $0xFFFFFFFF;
	(pc) =	sbr.abs _section_cstart, $3  }
0xc0: {  	[dreg:$0x1] =	wrdreg $0xFFFFFFFF  }
0xc1: {  	_ =	task.clear_ibuf [dreg:s7], $0x2FFFF;
	_ =	strace $0x9FFFFFFF  }
0xc2: {  	(tm) =	ssettm $0x7FFFFFFF  }
0xc3: {  	_ =	shalt  }
tec
execute0_lowered:
.L_overlay_start_1:
0x0: {  	(tag) =	ssettag $0x1  }
0x1: {  	s4 =	rddreg [dreg:$0x0];
	s1 =	srdreg.scid  }
0x2: {  	s0 =	stileid.u32;
	s5 =	rddreg [dreg:$0x1];
	s2 =	simm.s32 $0x0  }
0x3: {  	s16 =	simm.s32 $0x9800;
	s17 =	simm.s32 $0x80;
	s18 =	simm.s32 $0xD800  }
0x4: {  	s19 =	simm.s32 $0x11800;
	s20 =	simm.s32 $0x1;
	s21 =	simm.s32 $0x2  }
0x5: {  	s22 =	simm.s32 $0x3;
	s23 =	simm.s32 $0x4;
	s24 =	simm.s32 $0x0  }
0x6: {  	s9 =	sand.u32 $0x1, s1;
	s1 =	rddreg [dreg:$0x2];
	s26 =	smul.u32 $0x288000, s0  }
0x7: {  	s3 =	sshll.u32 s0, $0x1;
	[smem:$0x7FF] =	sst s2;
	s14 =	smul.u32 $0x51000, s0  }
0x8: {  	s12 =	sadd.s32 $0x92800, s4;
	s13 =	sadd.s32 $0xA61200, s4;
	s29 =	smul.u32 $0x144000, s9  }
0x9: {  	s6 =	sor.u32 s9, s3;
	_ =	strace $0x8000004D;
	s30 =	smul.u32 $0x28800, s9  }
0xa: {  	s3 =	sadd.s32 $0x16A00, s4;
	s8 =	ssub.s32 $0x2, s9;
	s7 =	smul.u32 $0x580, s6  }
0xb: {  	s11 =	sshrl.u32 s8, $0x1;
	s6 =	smul.u32 $0x144000, s6;
	s15 =	sadd.s32 s14, s12  }
0xc: {  	s14 =	sadd.s32 s14, s13;
	s8 =	ssub.s32 s8, s11;
	s31 =	sadd.s32 s30, s15  }
0xd: {  	s14 =	sadd.s32 s30, s14;
	s15 =	simm.s32 $0x5800;
	s10 =	sadd.s32 s7, s4  }
0xe: {  	s4 =	sadd.s32 s5, s7;
	s6 =	sshrl.u32 s6, $0x3;
	s8 =	smax.u32 s8, $0x1  }
0xf: {  	s5 =	sadd.s32 $0xBA00, s10;
	s28 =	sadd.s32 $0x28000, s6;
	s10 =	sadd.s32 s29, s26  }
0x10: {  	s11 =	sadd.s32 $0x800, s31;
	s6 =	sadd.s32 s12, s28;
	s10 =	sshrl.u32 s10, $0x3  }
0x11: {  	s7 =	sadd.s32 s13, s28;
	s9 =	sadd.s32 s10, s13;
	s10 =	sadd.s32 s10, s12  }
0x12: {  	s12 =	sadd.s32 $0x800, s14;
	s13 =	simm.s32 $0x5;
	s14 =	simm.s32 $0x2C00  }
.LBB2_1:
0x13: {  	[tilespmem:s2], [sflag:$0x5] =	stream.linear.gather [hbm4b:s4+s2], $0x2880, $0x38;
	[tilespmem:$0x15800] =	vst v63  }
0x14: {  	_ =	swait.ge [sflag:s13], $0x2880  }
0x15: {  	[sflag:s13] =	ssyncset.done $0x0  }
0x16: {  	[sflag:s13] =	ssyncadd.s32 $0xFFFFD780  }
0x17: {  	[tilespmem:s14], [sflag:$0x5] =	stream.linear.gather [hbm4b:s5+s2], $0x2880, $0x38;
	[tilespmem:$0x15800] =	vst v63  }
0x18: {  	_ =	swait.ge [sflag:s13], $0x2880  }
0x19: {  	[sflag:s13] =	ssyncset.done $0x0  }
0x1a: {  	[sflag:s13] =	ssyncadd.s32 $0xFFFFD780  }
0x1b: {  	[tilespmem:s15], [sflag:$0x1] =	stream.indirect.gather [hbm4b:s3+s17], $0x80, s2, s17, $0xb8;
	[tilespmem:$0x15800] =	vst v63  }
0x1c: {  	_ = 	snop  }
0x1d: {  	[tilespmem:s16], [sflag:$0x2] =	stream.indirect.gather [hbm4b:s3+s17], $0x80, s14, s17, $0xb8;
	[tilespmem:$0x15800] =	vst v63  }
0x1e: {  	_ = 	snop  }
0x1f: {  	[tilespmem:s18], [sflag:$0x3] =	stream.indirect.gather [hbm4b:s3+s17], $0x80, s17, s17, $0xb8;
	[tilespmem:$0x15800] =	vst v63  }
0x20: {  	s25 =	simm.s32 $0x2C80  }
0x21: {  	[tilespmem:s19], [sflag:$0x4] =	stream.indirect.gather [hbm4b:s3+s17], $0x80, s25, s17, $0xb8;
	[tilespmem:$0x15800] =	vst v63  }
0x22: {  	_ =	swait.ge [sflag:s20], $0x4000  }
0x23: {  	[sflag:s20] =	ssyncset.done $0x0  }
0x24: {  	[sflag:s20] =	ssyncadd.s32 $0xFFFFC000  }
0x25: {  	_ =	swait.ge [sflag:s21], $0x4000  }
0x26: {  	[sflag:s21] =	ssyncset.done $0x0  }
0x27: {  	s26 =	sadd.s32 $0x0, s10;
	[sflag:s21] =	ssyncadd.s32 $0xFFFFC000  }
0x28: {  	[hbm4b:s26+s2] =	stream.linear.scatter [tilespmem:s15], [sflag:$0x5], $0x4000, $0x38;
	[tilespmem:$0x15800] =	vst v63  }
0x29: {  	_ =	swait.ge [sflag:s13], $0x4000  }
0x2a: {  	[sflag:s13] =	ssyncset.done $0x0  }
0x2b: {  	s30 =	sadd.s32 $0x0, s9;
	[sflag:s13] =	ssyncadd.s32 $0xFFFFC000  }
0x2c: {  	[hbm4b:s30+s2] =	stream.linear.scatter [tilespmem:s16], [sflag:$0x5], $0x4000, $0x38;
	[tilespmem:$0x15800] =	vst v63  }
0x2d: {  	_ =	swait.ge [sflag:s13], $0x4000  }
0x2e: {  	[sflag:s13] =	ssyncset.done $0x0  }
0x2f: {  	s31 =	simm.s32 $0x100;
	[sflag:s13] =	ssyncadd.s32 $0xFFFFC000  }
0x30: {  	[tilespmem:s15], [sflag:$0x1] =	stream.indirect.gather [hbm4b:s3+s17], $0x80, s31, s17, $0xb8;
	[tilespmem:$0x15800] =	vst v63  }
0x31: {  	s29 =	simm.s32 $0x2D00  }
0x32: {  	[tilespmem:s16], [sflag:$0x2] =	stream.indirect.gather [hbm4b:s3+s17], $0x80, s29, s17, $0xb8;
	[tilespmem:$0x15800] =	vst v63  }
0x33: {  	_ =	swait.ge [sflag:s22], $0x4000  }
0x34: {  	[sflag:s22] =	ssyncset.done $0x0  }
0x35: {  	[sflag:s22] =	ssyncadd.s32 $0xFFFFC000  }
0x36: {  	_ =	swait.ge [sflag:s23], $0x4000  }
0x37: {  	[sflag:s23] =	ssyncset.done $0x0  }
0x38: {  	s30 =	sadd.s32 $0x0, s11;
	[sflag:s23] =	ssyncadd.s32 $0xFFFFC000  }
0x39: {  	[hbm4b:s30+s2] =	stream.linear.scatter [tilespmem:s18], [sflag:$0x5], $0x4000, $0x38;
	[tilespmem:$0x15800] =	vst v63  }
0x3a: {  	_ =	swait.ge [sflag:s13], $0x4000  }
0x3b: {  	[sflag:s13] =	ssyncset.done $0x0  }
0x3c: {  	s31 =	sadd.s32 $0x0, s12;
	[sflag:s13] =	ssyncadd.s32 $0xFFFFC000  }
0x3d: {  	[hbm4b:s31+s2] =	stream.linear.scatter [tilespmem:s19], [sflag:$0x5], $0x4000, $0x38;
	[tilespmem:$0x15800] =	vst v63  }
0x3e: {  	_ =	swait.ge [sflag:s13], $0x4000  }
0x3f: {  	s28 =	simm.s32 $0x80;
	s26 =	simm.s32 $0x1000;
	[sflag:s13] =	ssyncset.done $0x0  }
.LBB2_2:
0x40: {  	[sflag:s13] =	ssyncadd.s32 $0xFFFFC000;
	s25 =	sadd.s32 $0x100, s25;
	s28 =	sadd.s32 $0x100, s28  }
0x41: {  	[tilespmem:s18], [sflag:$0x3] =	stream.indirect.gather [hbm4b:s3+s17], $0x80, s28, s17, $0xb8;
	[tilespmem:$0x15800] =	vst v63  }
0x42: {  	p0 =	sne.s32 s26, $0x27000;
	s29 =	smov.u32 s26;
	s26 =	sadd.s32 $0x1000, s26  }
0x43: {  	[tilespmem:s19], [sflag:$0x4] =	stream.indirect.gather [hbm4b:s3+s17], $0x80, s25, s17, $0xb8;
	[tilespmem:$0x15800] =	vst v63  }
0x44: {  	_ =	swait.ge [sflag:s20], $0x4000  }
0x45: {  	[sflag:s20] =	ssyncset.done $0x0  }
0x46: {  	[sflag:s20] =	ssyncadd.s32 $0xFFFFC000  }
0x47: {  	_ =	swait.ge [sflag:s21], $0x4000  }
0x48: {  	[sflag:s21] =	ssyncset.done $0x0  }
0x49: {  	s30 =	sadd.s32 s29, s10;
	[sflag:s21] =	ssyncadd.s32 $0xFFFFC000  }
0x4a: {  	[hbm4b:s30+s2] =	stream.linear.scatter [tilespmem:s15], [sflag:$0x5], $0x4000, $0x38;
	[tilespmem:$0x15800] =	vst v63  }
0x4b: {  	_ =	swait.ge [sflag:s13], $0x4000  }
0x4c: {  	[sflag:s13] =	ssyncset.done $0x0  }
0x4d: {  	s30 =	sadd.s32 s29, s9;
	[sflag:s13] =	ssyncadd.s32 $0xFFFFC000  }
0x4e: {  	[hbm4b:s30+s2] =	stream.linear.scatter [tilespmem:s16], [sflag:$0x5], $0x4000, $0x38;
	[tilespmem:$0x15800] =	vst v63  }
0x4f: {  	_ =	swait.ge [sflag:s13], $0x4000  }
0x50: {  	[sflag:s13] =	ssyncset.done $0x0  }
0x51: {  	s30 =	sadd.s32 $0x80, s28;
	[sflag:s13] =	ssyncadd.s32 $0xFFFFC000  }
0x52: {  	[tilespmem:s15], [sflag:$0x1] =	stream.indirect.gather [hbm4b:s3+s17], $0x80, s30, s17, $0xb8;
	[tilespmem:$0x15800] =	vst v63  }
0x53: {  	s30 =	sadd.s32 $0x80, s25  }
0x54: {  	[tilespmem:s16], [sflag:$0x2] =	stream.indirect.gather [hbm4b:s3+s17], $0x80, s30, s17, $0xb8;
	[tilespmem:$0x15800] =	vst v63  }
0x55: {  	_ =	swait.ge [sflag:s22], $0x4000  }
0x56: {  	[sflag:s22] =	ssyncset.done $0x0  }
0x57: {  	[sflag:s22] =	ssyncadd.s32 $0xFFFFC000  }
0x58: {  	_ =	swait.ge [sflag:s23], $0x4000  }
0x59: {  	[sflag:s23] =	ssyncset.done $0x0  }
0x5a: {  	s30 =	sadd.s32 s29, s11;
	[sflag:s23] =	ssyncadd.s32 $0xFFFFC000  }
0x5b: {  	[hbm4b:s30+s2] =	stream.linear.scatter [tilespmem:s18], [sflag:$0x5], $0x4000, $0x38;
	[tilespmem:$0x15800] =	vst v63  }
0x5c: {  	_ =	swait.ge [sflag:s13], $0x4000  }
.Ltmp0:
0x5d: {  	[sflag:s13] =	ssyncset.done $0x0;
	(pc) =	sbr.rel @p0 .LBB2_2-.Ltmp0, $4  }
0x5e: {  	s29 =	sadd.s32 s29, s12;
	[sflag:s13] =	ssyncadd.s32 $0xFFFFC000  }
0x5f: {  	[hbm4b:s29+s2] =	stream.linear.scatter [tilespmem:s19], [sflag:$0x5], $0x4000, $0x38;
	[tilespmem:$0x15800] =	vst v63  }
0x60: {  	_ =	swait.ge [sflag:s13], $0x4000  }
0x61: {  	[sflag:s13] =	ssyncset.done $0x0  }
0x62: {  	[sflag:s13] =	ssyncadd.s32 $0xFFFFC000  }
0x63: {  	_ =	swait.ge [sflag:s20], $0x4000  }
0x64: {  	[sflag:s20] =	ssyncset.done $0x0  }
0x65: {  	[sflag:s20] =	ssyncadd.s32 $0xFFFFC000  }
0x66: {  	_ =	swait.ge [sflag:s21], $0x4000  }
0x67: {  	[sflag:s21] =	ssyncset.done $0x0  }
0x68: {  	[sflag:s21] =	ssyncadd.s32 $0xFFFFC000  }
0x69: {  	[hbm4b:s6+s2] =	stream.linear.scatter [tilespmem:s15], [sflag:$0x5], $0x4000, $0x38;
	[tilespmem:$0x15800] =	vst v63  }
0x6a: {  	s24 =	sadd.s32 $0x1, s24;
	_ =	swait.ge [sflag:s13], $0x4000  }
0x6b: {  	p0 =	sne.s32 s24, s8;
	[sflag:s13] =	ssyncset.done $0x0  }
.Ltmp1:
0x6c: {  	[sflag:s13] =	ssyncadd.s32 $0xFFFFC000;
	(pc) =	sbr.rel @p0 .LBB2_1-.Ltmp1, $4  }
0x6d: {  	[hbm4b:s7+s2] =	stream.linear.scatter [tilespmem:s16], [sflag:$0x5], $0x4000, $0x38;
	[tilespmem:$0x15800] =	vst v63  }
0x6e: {  	_ =	swait.ge [sflag:s13], $0x4000  }
0x6f: {  	[sflag:s13] =	ssyncset.done $0x0  }
0x70: {  	[sflag:s13] =	ssyncadd.s32 $0xFFFFC000  }
0x71: {  	_ =	sfence.sel $0x180000  }
0x72: {  	[bflag:$0x0] =	sbarrier.arrive $0xFFFF  }
0x73: {  	p0 =	sne.s32 s0, $0x0;
	_ =	strace $0x9000004D  }
0x74: {  	s0 =	sadd.s32 @!p0 $0x100000, s1;
	[bflag:$0x2] =	sbarrier.arrive $0xFFFF  }
0x75: {  	[sflag:s0] =	ssyncadd.tile.s32 @!p0 $0x1;
	_ =	shalt  }
.Lfunc_end2:
_tile_overlayer_lowered:
.L_overlay_start_2:
0x76: {  	(tag) =	ssettag $0x2  }
0x77: {  	s0 =	rddreg [dreg:$0x0];
	s2 =	stileid.u32  }
0x78: {  	s1 =	rddreg [dreg:$0x1];
	p0 =	sne.s32 s2, $0x0  }
0x79: {  	s3 =	rddreg [dreg:$0x2];
	[bflag:$0x3] =	sbarrier.arrive $0xFFFF;
	s2 =	simm.s32 @!p0 $0x1C05  }
0x7a: {  	[timem:s3], [sflag:s2] =	dma.local @!p0 [hbm:s0], s1  }
0x7b: {  	s0 =	simm.s32 @!p0 $0x5  }
0x7c: {  	_ =	swait.ge @!p0 [sflag:s0], s1  }
0x7d: {  	s1 =	ssub.s32 @!p0 $0x0, s1;
	[sflag:s0] =	ssyncset.done @!p0 $0x0  }
0x7e: {  	[sflag:s0] =	ssyncadd.s32 @!p0 s1  }
0x7f: {  	[bflag:$0x3] =	sbarrier.arrive $0xFFFF  }
0x80: {  	_ =	shalt  }

// kernel: kernel.25.cloned.1.call-start
scs
__scs_entry_jumppad:
0x0: {  	(pc) =	sbr.rel $0x88, $3  }
0x1: {  	(tag) =	ssettag $0x0;
	lr =	simm.s32 $0x1  }
0x2: {  	[smem:$0x3F8E] =	sst lr;
	_ =	strace $0xD0000000  }
0x3: {  	_ = 	snop  }
0x4: {  	_ = 	snop  }
0x5: {  	_ = 	snop  }
0x6: {  	_ = 	snop  }
0x7: {  	_ = 	snop  }
__scs_overlays_trampoline_lowered:
0x8: {  	[smem:$0x3F9D] =	sst s0  }
0x9: {  	[smem:$0x3F9E] =	sst s1  }
0xa: {  	[smem:$0x3F9F] =	sst s2  }
0xb: {  	[smem:$0x3FA0] =	sst s3  }
0xc: {  	[smem:$0x3FA1] =	sst s4  }
0xd: {  	[smem:$0x3FA2] =	sst s5  }
0xe: {  	[smem:$0x3FA3] =	sst s6  }
0xf: {  	[smem:$0x3FA4] =	sst s7  }
0x10: {  	[smem:$0x3FA5] =	sst s8  }
0x11: {  	[smem:$0x3FA6] =	sst s9;
	s0 =	simm.s32 @!p0 $0x0  }
0x12: {  	s1 =	sld [smem:$0x3F8C];
	s0 =	simm.s32 @p0 $0x1  }
0x13: {  	[smem:$0x3FA7] =	sst s0;
	s0 =	simm.s32 @!p1 $0x0  }
0x14: {  	s2 =	sld [smem:$0x3F8B];
	s0 =	simm.s32 @p1 $0x1  }
0x15: {  	[smem:$0x3FA8] =	sst s0;
	s0 =	simm.s32 @!p2 $0x0  }
0x16: {  	s3 =	sld [smem:$0x3FDB];
	s0 =	simm.s32 @p2 $0x1  }
0x17: {  	s4 =	simm.s32 $0x1BF5;
	[smem:$0x3FAA] =	sst s0  }
0x18: {  	s0 =	sld [smem:$0x3F8D];
	_ =	swait.ge [sflag:s4], $0x0  }
0x19: {  	s7 =	sld [smem:$0x3F8E]  }
0x1a: {  	s8 =	sadd.s32 $0xFFFFE003, lr  }
0x1b: {  	s9 =	sadd.s32 $0xFFFFFEF7, lr;
	s5 =	simm.s32 $0xFFFFFFFF;
	p2 =	slt.u32 s8, $0xFFFFF086  }
0x1c: {  	p1 =	slt.u32 s9, $0xF7A;
	s5 =	simm.s32 @!p2 $0x0  }
0x1d: {  	s5 =	simm.s32 @p1 $0x1;
	p0 =	seq.s32 s7, s2  }
0x1e: {  	s7 =	smul.u32 @!p0 $0xF7A, s2;
	p2 =	seq.s32 @!p0 s5, $0x0  }
0x1f: {  	s9 =	smul.u32 $0xF7A, s1;
	s8 =	simm.s32 @!p0 $0x1BF5;
	p2 =	por !p2, p0  }
0x20: {  	[sflag:s8] =	ssyncset.s32 @!p0 $0xFFFFF086;
	s6 =	sadd.s32 @!p0 s3, s7;
	s7 =	simm.s32 @!p0 $0x108  }
0x21: {  	s3 =	sadd.s32 s3, s9;
	s6 =	sadd.s32 @!p0 $0x88, s6;
	s7 =	simm.s32 @p2 $0x1082  }
0x22: {  	[simem:s7], [sflag:s8] =	dma.local @!p0 [hbm:s6], $0xF7A  }
0x23: {  	s9 =	sor.u32 $0xD0000000, s2;
	s6 =	simm.s32 $0x108;
	_ =	swait.ge @!p0 [sflag:s8], $0x0  }
0x24: {  	s3 =	sadd.s32 $0x88, s3;
	s6 =	simm.s32 @!p1 $0x1082;
	[sflag:s4] =	ssyncset.s32 $0xFFFFF086  }
0x25: {  	[simem:s6], [sflag:s4] =	dma.local [hbm:s3], $0xF7A  }
0x26: {  	[smem:$0x3F8E] =	sst s1;
	(tag) =	ssettag s2;
	_ =	strace s9  }
0x27: {  	s1 =	sld [smem:$0x3F9E]  }
0x28: {  	s2 =	sld [smem:$0x3F9F]  }
0x29: {  	s4 =	sld [smem:$0x3FA1]  }
0x2a: {  	p0 =	seq.s32 s5, $0x0;
	s5 =	sld [smem:$0x3FA2]  }
0x2b: {  	s6 =	sld [smem:$0x3FA3]  }
0x2c: {  	s7 =	sld [smem:$0x3FA4]  }
0x2d: {  	s3 =	simm.s32 $0x108;
	s8 =	sld [smem:$0x3FA5]  }
0x2e: {  	s3 =	simm.s32 @!p0 $0x1082;
	s9 =	sld [smem:$0x3FA6]  }
0x2f: {  	lr =	sadd.s32 s0, s3;
	s0 =	sld [smem:$0x3F9D]  }
0x30: {  	s3 =	sld [smem:$0x3FA0]  }
0x31: {  	[smem:$0x3FA9] =	sst s10  }
0x32: {  	s10 =	sld [smem:$0x3FA7];
	_ =	sdelay $0x3  }
0x33: {  	p0 =	seq.s32 s10, $0x1;
	s10 =	sld [smem:$0x3FA9];
	_ =	sdelay $0x3  }
0x34: {  	[smem:$0x3FA9] =	sst s10  }
0x35: {  	s10 =	sld [smem:$0x3FA8];
	_ =	sdelay $0x3  }
0x36: {  	p1 =	seq.s32 s10, $0x1;
	s10 =	sld [smem:$0x3FA9];
	_ =	sdelay $0x3  }
0x37: {  	[smem:$0x3FA9] =	sst s10  }
0x38: {  	s10 =	sld [smem:$0x3FAA]  }
0x39: {  	_ = 	snop;
	(pc) =	sbr.ind lr, $3  }
0x3a: {  	_ = 	snop  }
0x3b: {  	_ = 	snop  }
0x3c: {  	p2 =	seq.s32 s10, $0x1;
	s10 =	sld [smem:$0x3FA9]  }
0x3d: {  	_ =	shalt  }
0x3e: {  	_ =	shalt  }
0x3f: {  	_ =	shalt  }
0x40: {  	_ =	shalt  }
0x41: {  	_ =	shalt  }
0x42: {  	_ =	shalt  }
0x43: {  	_ =	shalt  }
0x44: {  	_ =	shalt  }
0x45: {  	_ =	shalt  }
0x46: {  	_ =	shalt  }
0x47: {  	_ =	shalt  }
0x48: {  	_ =	shalt  }
0x49: {  	_ =	shalt  }
0x4a: {  	_ =	shalt  }
0x4b: {  	_ =	shalt  }
0x4c: {  	_ =	shalt  }
0x4d: {  	_ =	shalt  }
0x4e: {  	_ =	shalt  }
0x4f: {  	_ =	shalt  }
0x50: {  	_ =	shalt  }
0x51: {  	_ =	shalt  }
0x52: {  	_ =	shalt  }
0x53: {  	_ =	shalt  }
0x54: {  	_ =	shalt  }
0x55: {  	_ =	shalt  }
0x56: {  	_ =	shalt  }
0x57: {  	_ =	shalt  }
0x58: {  	_ =	shalt  }
0x59: {  	_ =	shalt  }
0x5a: {  	_ =	shalt  }
0x5b: {  	_ =	shalt  }
0x5c: {  	_ =	shalt  }
0x5d: {  	_ =	shalt  }
0x5e: {  	_ =	shalt  }
0x5f: {  	_ =	shalt  }
0x60: {  	_ =	shalt  }
0x61: {  	_ =	shalt  }
0x62: {  	_ =	shalt  }
0x63: {  	_ =	shalt  }
0x64: {  	_ =	shalt  }
0x65: {  	_ =	shalt  }
0x66: {  	_ =	shalt  }
0x67: {  	_ =	shalt  }
0x68: {  	_ =	shalt  }
0x69: {  	_ =	shalt  }
0x6a: {  	_ =	shalt  }
0x6b: {  	_ =	shalt  }
0x6c: {  	_ =	shalt  }
0x6d: {  	_ =	shalt  }
0x6e: {  	_ =	shalt  }
0x6f: {  	_ =	shalt  }
0x70: {  	_ =	shalt  }
0x71: {  	_ =	shalt  }
0x72: {  	_ =	shalt  }
0x73: {  	_ =	shalt  }
0x74: {  	_ =	shalt  }
0x75: {  	_ =	shalt  }
0x76: {  	_ =	shalt  }
0x77: {  	_ =	shalt  }
0x78: {  	_ =	shalt  }
0x79: {  	_ =	shalt  }
0x7a: {  	_ =	shalt  }
0x7b: {  	_ =	shalt  }
0x7c: {  	_ =	shalt  }
0x7d: {  	_ =	shalt  }
0x7e: {  	_ =	shalt  }
0x7f: {  	_ =	shalt  }
0x80: {  	_ =	shalt  }
0x81: {  	_ =	shalt  }
0x82: {  	_ =	shalt  }
0x83: {  	_ =	shalt  }
0x84: {  	_ =	shalt  }
0x85: {  	_ =	shalt  }
0x86: {  	_ =	shalt  }
0x87: {  	_ =	shalt  }
.Lfunc_end0:
.L_simem_size_0:
called_computation.3_lowered:
.L_overlay_start_0:
0x88: {  	s2 =	sld [smem:$0x3FD9]  }
0x89: {  	s3 =	sld [smem:$0x3FFE];
	_ =	sdelay $0x1  }
0x8a: {  	s1 =	srdreg.scid  }
0x8b: {  	s0 =	sand.u32 $0x1, s1  }
0x8c: {  	s17 =	sshll.u32 s0, $0xA;
	s2 =	sadd.s32 s3, s2  }
0x8d: {  	s2 =	sadd.s32 s2, s17  }
0x8e: {  	[smem:$0x3FB5] =	sst s2  }
0x8f: {  	_ = 	snop  }
0x90: {  	s2 =	sld [smem:$0x3FD0];
	(tm) =	ssettm $0x1  }
0x91: {  	s18 =	sld [smem:$0x3FFB];
	_ =	sdelay $0x3  }
0x92: {  	_ =	strace s18  }
0x93: {  	s3 =	sld [smem:$0x3FFC];
	_ =	sdelay $0x3  }
0x94: {  	_ =	strace s3  }
0x95: {  	s3 =	sld [smem:$0x3FFD];
	_ =	sdelay $0x3  }
0x96: {  	_ =	strace s3  }
0x97: {  	_ =	strace $0x8FFFFFFF  }
0x98: {  	s19 =	sld [smem:$0x3FDB];
	_ =	sdelay $0x1  }
0x99: {  	s4 =	simm.s32 $_scs_section_size  }
0x9a: {  	s5 =	simm.s32 $_size__tile_overlayer_lowered;
	s6 =	simm.s32 $_tile_overlayer_lowered  }
0x9b: {  	s22 =	simm.s32 $0x1BFF;
	s21 =	sshll.u32 s6, $0x1;
	s3 =	sadd.s32 s4, s19  }
0x9c: {  	s7 =	simm.s32 $0x0;
	s20 =	sshll.u32 s5, $0x1;
	s5 =	sadd.s32 s21, s3  }
0x9d: {  	[timem:s7], [sflag:s22] =	dma.local [hbm:s5], s20  }
0x9e: {  	_ =	swait.ge [sflag:s22], s20  }
0x9f: {  	s4 =	ssub.s32 $0x0, s20;
	[sflag:s22] =	ssyncset.done $0x0  }
0xa0: {  	[sflag:s22] =	ssyncadd.s32 s4;
	_ =	sdelay $0x1  }
0xa1: {  	s23 =	simm.s32 $0x1B8B  }
0xa2: {  	_ =	swait.ge [sflag:s23], $0x1  }
0xa3: {  	[sflag:s23] =	ssyncset.done $0x0  }
0xa4: {  	s25 =	simm.s32 $0x1B8E;
	s24 =	sld [smem:$0x3FFE];
	[sflag:s23] =	ssyncadd.s32 $0xFFFFFFFF  }
0xa5: {  	s26 =	simm.s32 $execute0_lowered;
	[smem:$0x3FD2] =	sst s25  }
0xa6: {  	s5 =	sshll.u32 s26, $0x1;
	_ =	strace $0x8000004F;
	[dreg:$0x1] =	wrdreg $0xFFFFFFFF  }
0xa7: {  	s28 =	simm.s32 $_size_execute0_lowered;
	s3 =	sadd.s32 s3, s5;
	[dreg:$0x0] =	wrdreg $0x0  }
0xa8: {  	s5 =	sshll.u32 s28, $0x1;
	[dreg:$0x2] =	wrdreg s3  }
0xa9: {  	[dreg:$0x3] =	wrdreg s5  }
0xaa: {  	[dreg:$0x4] =	wrdreg $0xC0  }
0xab: {  	_ =	task [dreg:s7], $0x5FFFF  }
0xac: {  	[dreg:$0x1] =	wrdreg $0xFFFFFFFF  }
0xad: {  	[dreg:$0x0] =	wrdreg $0x60  }
0xae: {  	[dreg:$0x2] =	wrdreg s24  }
0xaf: {  	[dreg:$0x3] =	wrdreg s2  }
0xb0: {  	[dreg:$0x4] =	wrdreg $0xAC000  }
0xb1: {  	[dreg:$0x5] =	wrdreg $0x9  }
0xb2: {  	_ =	task.clear_ibuf [dreg:s7], $0x6FFFF;
	_ =	strace $0x9000004F  }
0xb3: {  	s29 =	simm.s32 $0x9;
	_ =	strace $0x80000051  }
0xb4: {  	_ =	swait.ge [sflag:s29], $0x1  }
0xb5: {  	[sflag:s29] =	ssyncadd.s32 $0xFFFFFFFF  }
0xb6: {  	_ =	strace $0x90000051  }
0xb7: {  	_ =	sfence  }
0xb8: {  	s30 =	sld [smem:$0x0];
	_ =	sdelay $0x2  }
0xb9: {  	s31 =	sshll.u32 s1, $0xD;
	s1 =	sshrl.u32 s1, $0x2  }
0xba: {  	s3 =	sand.u32 $0x4000, s31;
	s1 =	sadd.s32 s1, s30  }
0xbb: {  	s0 =	sor.u32 s3, s0;
	s1 =	sshll.u32 s1, $0x11  }
0xbc: {  	s0 =	sor.u32 s1, s0  }
0xbd: {  	s0 =	sadd.s32 $0x8F2B, s0  }
0xbe: {  	[sflag:s0] =	ssyncadd.remote.s32 $0x1  }
0xbf: {  	_ =	sfence.sel $0xFFFF  }
0xc0: {  	[dreg:$0x0] =	wrdreg $0xFFFFFFFF;
	(pc) =	sbr.abs _section_cstart, $3  }
0xc1: {  	[dreg:$0x1] =	wrdreg $0xFFFFFFFF  }
0xc2: {  	_ =	task.clear_ibuf [dreg:s7], $0x2FFFF;
	_ =	strace $0x9FFFFFFF  }
0xc3: {  	(tm) =	ssettm $0x7FFFFFFF  }
tec
execute0_lowered:
.L_overlay_start_1:
0x0: {  	(tag) =	ssettag $0x1  }
0x1: {  	s0 =	rddreg [dreg:$0x0]  }
0x2: {  	s3 =	rddreg [dreg:$0x1]  }
0x3: {  	s1 =	rddreg [dreg:$0x2]  }
0x4: {  	s2 =	simm.s32 $0x0;
	s4 =	srdreg.scid;
	s23 =	stileid.u32  }
0x5: {  	s28 =	simm.s32 $0x80;
	s29 =	simm.s32 $0x2;
	s31 =	simm.s32 $0x4  }
0x6: {  	[smem:$0x7FF] =	sst s2;
	s4 =	sand.u32 $0x1, s4;
	s5 =	sshll.u32 s23, $0x1  }
0x7: {  	s19 =	sadd.s32 $0xF71200, s0;
	s21 =	sadd.s32 $0x3DC00, s0;
	s0 =	sadd.s32 $0x66400, s0  }
0x8: {  	s12 =	sshll.u32 s23, $0xE;
	s11 =	sadd.s32 $0x140000, s1;
	s15 =	sshll.u32 s23, $0xB  }
0x9: {  	s16 =	sor.u32 $0x10, s23;
	s18 =	sor.u32 $0x20, s23;
	s25 =	smul.u32 $0x51000, s23  }
0xa: {  	s26 =	sor.u32 $0x40, s23;
	p1 =	sne.s32 s23, $0x0;
	s5 =	sor.u32 s4, s5  }
0xb: {  	s6 =	ssub.s32 $0x2, s4;
	p0 =	seq.s32 s4, $0x1;
	s4 =	smul.u32 $0x28800, s4  }
0xc: {  	_ =	strace $0x80000050;
	s17 =	sshll.u32 s16, $0xE;
	s7 =	smul.u32 $0x580, s5  }
0xd: {  	s20 =	sshll.u32 s18, $0xE;
	s8 =	sshrl.u32 s6, $0x1;
	s5 =	smul.u32 $0x28800, s5  }
0xe: {  	s21 =	smov.u32 @p0 s0;
	s0 =	sshll.u32 s16, $0xB;
	s3 =	sadd.s32 s3, s7  }
0xf: {  	s6 =	ssub.s32 s6, s8;
	s5 =	sadd.s32 s19, s5;
	[dreg:$0x4] =	wrdreg s3  }
0x10: {  	s13 =	smax.u32 s6, $0x1;
	[dreg:$0x5] =	wrdreg s5;
	s5 =	sadd.s32 s12, s1  }
0x11: {  	[dreg:$0x6] =	wrdreg s13;
	s12 =	sadd.s32 s21, s15;
	s13 =	sadd.s32 s17, s1  }
0x12: {  	s15 =	sadd.s32 s20, s1;
	s20 =	sshll.u32 s26, $0xE;
	s3 =	sadd.s32 s25, s19  }
0x13: {  	s25 =	simm.s32 $0x6C00;
	s14 =	sadd.s32 $0x40000, s5;
	s8 =	sadd.s32 $0x80000, s5  }
0x14: {  	s9 =	sadd.s32 $0xC0000, s5;
	s10 =	sadd.s32 $0x100000, s5;
	s19 =	sadd.s32 s20, s1  }
0x15: {  	s30 =	sadd.s32 s4, s3;
	[dreg:$0x7] =	wrdreg s14;
	s14 =	sadd.s32 s21, s0  }
0x16: {  	s0 =	sshll.u32 s18, $0xB;
	s18 =	sor.u32 $0x30, s23;
	s23 =	simm.s32 $0x2C00  }
0x17: {  	s16 =	sadd.s32 s21, s0;
	s22 =	sshll.u32 s18, $0xE;
	s24 =	sshll.u32 s18, $0xB  }
0x18: {  	s0 =	sshll.u32 s26, $0xB;
	s26 =	simm.s32 $0x1;
	s17 =	sadd.s32 s22, s1  }
0x19: {  	s18 =	sadd.s32 s21, s24;
	s20 =	sadd.s32 s21, s0;
	s21 =	sadd.s32 $0x28000, s21  }
0x1a: {  	v0 =	vimm.f32 $0.0e+00;
	s22 =	sadd.s32 $0x1000, s30;
	s24 =	simm.s32 $0x3;
	s0 =	simm.s32 $0x0  }
.LBB2_1:
0x1b: {  	s3 =	sand.u32 $0xFE00, s2  }
0x1c: {  	s4 =	sand.u32 $0x70, s2;
	s30 =	sshrl.u32 s3, $0x2  }
0x1d: {  	s3 =	simm.s32 $0x40;
	s30 =	sor.u32 s4, s30;
	s4 =	simm.s32 $0x0  }
.LBB2_2:
0x1e: {  	p2 =	sne.s32 s3, $0xFFC0  }
0x1f: {  	[tilespmem:s30+$0x2C00] =	vst v0;
	s4 =	sadd.s32 $0x10, s4;
	s30 =	smov.u32 s3;
	s3 =	sadd.s32 $0x40, s3  }
.Ltmp0:
0x20: {  	(pc) =	sbr.rel @p2 .LBB2_2-.Ltmp0, $4  }
0x21: {  	_ = 	snop  }
0x22: {  	s30 =	sand.u32 $0xFE00, s30  }
0x23: {  	s6 =	sand.u32 $0x70, s4;
	s30 =	sshrl.u32 s30, $0x2  }
0x24: {  	s30 =	sor.u32 s6, s30  }
0x25: {  	[tilespmem:s30+$0x2C00] =	vst v0  }
0x26: {  	[spmem:s5] =	stream.linear.scatter [tilespmem:s23], [sflag:$0x3], $0x4000, $0x38;
	[tilespmem:$0x1F000] =	vst v63  }
0x27: {  	_ =	swait.ge [sflag:s24], $0x4000  }
0x28: {  	[sflag:s24] =	ssyncset.done $0x0  }
0x29: {  	s3 =	rddreg [dreg:$0x7];
	[sflag:s24] =	ssyncadd.s32 $0xFFFFC000  }
0x2a: {  	[spmem:s3] =	stream.linear.scatter [tilespmem:s23], [sflag:$0x3], $0x4000, $0x38;
	[tilespmem:$0x1F000] =	vst v63  }
0x2b: {  	_ =	swait.ge [sflag:s24], $0x4000  }
0x2c: {  	[sflag:s24] =	ssyncset.done $0x0  }
0x2d: {  	[sflag:s24] =	ssyncadd.s32 $0xFFFFC000  }
0x2e: {  	[spmem:s8] =	stream.linear.scatter [tilespmem:s23], [sflag:$0x3], $0x4000, $0x38;
	[tilespmem:$0x1F000] =	vst v63  }
0x2f: {  	_ =	swait.ge [sflag:s24], $0x4000  }
0x30: {  	[sflag:s24] =	ssyncset.done $0x0  }
0x31: {  	[sflag:s24] =	ssyncadd.s32 $0xFFFFC000  }
0x32: {  	[spmem:s9] =	stream.linear.scatter [tilespmem:s23], [sflag:$0x3], $0x4000, $0x38;
	[tilespmem:$0x1F000] =	vst v63  }
0x33: {  	_ =	swait.ge [sflag:s24], $0x4000  }
0x34: {  	[sflag:s24] =	ssyncset.done $0x0  }
0x35: {  	[sflag:s24] =	ssyncadd.s32 $0xFFFFC000  }
0x36: {  	[spmem:s10] =	stream.linear.scatter [tilespmem:s23], [sflag:$0x3], $0x4000, $0x38;
	[tilespmem:$0x1F000] =	vst v63  }
0x37: {  	_ =	swait.ge [sflag:s24], $0x4000  }
0x38: {  	[sflag:s24] =	ssyncset.done $0x0  }
0x39: {  	s3 =	simm.s32 @!p1 $0x2C00;
	[sflag:s24] =	ssyncadd.s32 $0xFFFFC000  }
0x3a: {  	[spmem:s11] =	stream.linear.scatter @!p1 [tilespmem:s3], [sflag:$0x3], $0x4000, $0x38;
	[tilespmem:$0x1F000] =	vst v63  }
0x3b: {  	s3 =	simm.s32 @!p1 $0x3  }
0x3c: {  	_ =	swait.ge @!p1 [sflag:s3], $0x4000  }
0x3d: {  	[sflag:s3] =	ssyncset.done @!p1 $0x0  }
0x3e: {  	[sflag:s3] =	ssyncadd.s32 @!p1 $0xFFFFC000  }
0x3f: {  	[bflag:$0x0] =	sbarrier.arrive $0xFFFF  }
0x40: {  	s6 =	simm.s32 $0x0;
	s4 =	rddreg [dreg:$0x4]  }
0x41: {  	[tilespmem:s6], [sflag:$0x3] =	stream.linear.gather [hbm4b:s4+s6], $0x2880, $0x38;
	[tilespmem:$0x1F000] =	vst v63  }
0x42: {  	_ =	swait.ge [sflag:s24], $0x2880  }
0x43: {  	[sflag:s24] =	ssyncset.done $0x0  }
0x44: {  	s7 =	rddreg [dreg:$0x5];
	[sflag:s24] =	ssyncadd.s32 $0xFFFFD780  }
0x45: {  	[tilespmem:s23], [sflag:$0x1] =	stream.linear.gather [hbm4b:s7+s6], $0x4000, $0x38;
	[tilespmem:$0x1F000] =	vst v63  }
0x46: {  	s4 =	sadd.s32 $0xFFFFF800, s22  }
0x47: {  	[tilespmem:s25], [sflag:$0x2] =	stream.linear.gather [hbm4b:s4+s2], $0x4000, $0x38;
	[tilespmem:$0x1F000] =	vst v63  }
0x48: {  	_ =	swait.ge [sflag:s26], $0x4000  }
0x49: {  	[sflag:s26] =	ssyncset.done $0x0  }
0x4a: {  	s6 =	simm.s32 $0x0;
	[sflag:s26] =	ssyncadd.s32 $0xFFFFC000  }
0x4b: {  	[spmem:s1] =	stream.indirect.scatter.add.f32 [tilespmem:s23], [sflag:$0x3], $0x80, s6, s28, $0xb8;
	[tilespmem:$0x1F000] =	vst v63  }
0x4c: {  	_ =	swait.ge [sflag:s24], $0x4000  }
0x4d: {  	[sflag:s24] =	ssyncset.done $0x0  }
0x4e: {  	[sflag:s24] =	ssyncadd.s32 $0xFFFFC000  }
0x4f: {  	[tilespmem:s23], [sflag:$0x1] =	stream.linear.gather [hbm4b:s22+s2], $0x4000, $0x38;
	[tilespmem:$0x1F000] =	vst v63  }
0x50: {  	_ =	swait.ge [sflag:s29], $0x4000  }
0x51: {  	[sflag:s29] =	ssyncset.done $0x0  }
0x52: {  	s7 =	simm.s32 $0x80;
	[sflag:s29] =	ssyncadd.s32 $0xFFFFC000  }
0x53: {  	[spmem:s1] =	stream.indirect.scatter.add.f32 [tilespmem:s25], [sflag:$0x3], $0x80, s7, s28, $0xb8;
	[tilespmem:$0x1F000] =	vst v63  }
0x54: {  	s30 =	sadd.s32 $0x1000, s22;
	_ =	swait.ge [sflag:s24], $0x4000  }
0x55: {  	s3 =	simm.s32 $0x400;
	s4 =	simm.s32 $0x800;
	[sflag:s24] =	ssyncset.done $0x0  }
.LBB2_4:
0x56: {  	p2 =	sne.s32 s4, $0x9C00;
	s6 =	sadd.s32 $0xFFFFF800, s30;
	[sflag:s24] =	ssyncadd.s32 $0xFFFFC000  }
0x57: {  	[tilespmem:s25], [sflag:$0x2] =	stream.linear.gather [hbm4b:s6+s2], $0x4000, $0x38;
	[tilespmem:$0x1F000] =	vst v63  }
0x58: {  	s6 =	smov.u32 s4;
	s4 =	sadd.s32 $0x400, s4;
	_ =	swait.ge [sflag:s26], $0x4000  }
0x59: {  	[sflag:s26] =	ssyncset.done $0x0  }
0x5a: {  	s7 =	sshra.s32 s3, $0x2;
	s3 =	smov.u32 s6;
	[sflag:s26] =	ssyncadd.s32 $0xFFFFC000  }
0x5b: {  	[spmem:s1] =	stream.indirect.scatter.add.f32 [tilespmem:s23], [sflag:$0x3], $0x80, s7, s28, $0xb8;
	[tilespmem:$0x1F000] =	vst v63  }
0x5c: {  	_ =	swait.ge [sflag:s24], $0x4000  }
0x5d: {  	[sflag:s24] =	ssyncset.done $0x0  }
0x5e: {  	[sflag:s24] =	ssyncadd.s32 $0xFFFFC000  }
0x5f: {  	[tilespmem:s23], [sflag:$0x1] =	stream.linear.gather [hbm4b:s30+s2], $0x4000, $0x38;
	[tilespmem:$0x1F000] =	vst v63  }
0x60: {  	_ =	swait.ge [sflag:s29], $0x4000  }
.Ltmp1:
0x61: {  	[sflag:s29] =	ssyncset.done $0x0;
	(pc) =	sbr.rel @p2 .LBB2_4-.Ltmp1, $4  }
0x62: {  	s6 =	sadd.s32 $0x80, s7;
	[sflag:s29] =	ssyncadd.s32 $0xFFFFC000  }
0x63: {  	[spmem:s1] =	stream.indirect.scatter.add.f32 [tilespmem:s25], [sflag:$0x3], $0x80, s6, s28, $0xb8;
	[tilespmem:$0x1F000] =	vst v63  }
0x64: {  	_ =	swait.ge [sflag:s24], $0x4000  }
0x65: {  	s30 =	sadd.s32 $0x1000, s30;
	[sflag:s24] =	ssyncset.done $0x0  }
0x66: {  	s4 =	sadd.s32 $0xFFFFF800, s30;
	[sflag:s24] =	ssyncadd.s32 $0xFFFFC000  }
0x67: {  	[tilespmem:s25], [sflag:$0x2] =	stream.linear.gather [hbm4b:s4+s2], $0x4000, $0x38;
	[tilespmem:$0x1F000] =	vst v63  }
0x68: {  	_ =	swait.ge [sflag:s26], $0x4000  }
0x69: {  	[sflag:s26] =	ssyncset.done $0x0  }
0x6a: {  	s3 =	sshra.s32 s3, $0x2;
	[sflag:s26] =	ssyncadd.s32 $0xFFFFC000  }
0x6b: {  	[spmem:s1] =	stream.indirect.scatter.add.f32 [tilespmem:s23], [sflag:$0x3], $0x80, s3, s28, $0xb8;
	[tilespmem:$0x1F000] =	vst v63  }
0x6c: {  	_ =	swait.ge [sflag:s24], $0x4000  }
0x6d: {  	[sflag:s24] =	ssyncset.done $0x0  }
0x6e: {  	[sflag:s24] =	ssyncadd.s32 $0xFFFFC000  }
0x6f: {  	[tilespmem:s23], [sflag:$0x1] =	stream.linear.gather [hbm4b:s30+s2], $0x4000, $0x38;
	[tilespmem:$0x1F000] =	vst v63  }
0x70: {  	_ =	swait.ge [sflag:s29], $0x4000  }
0x71: {  	[sflag:s29] =	ssyncset.done $0x0  }
0x72: {  	s3 =	sadd.s32 $0x80, s3;
	[sflag:s29] =	ssyncadd.s32 $0xFFFFC000  }
0x73: {  	[spmem:s1] =	stream.indirect.scatter.add.f32 [tilespmem:s25], [sflag:$0x3], $0x80, s3, s28, $0xb8;
	[tilespmem:$0x1F000] =	vst v63  }
0x74: {  	_ =	swait.ge [sflag:s24], $0x4000  }
0x75: {  	[sflag:s24] =	ssyncset.done $0x0  }
0x76: {  	[sflag:s24] =	ssyncadd.s32 $0xFFFFC000  }
0x77: {  	_ =	swait.ge [sflag:s26], $0x4000  }
0x78: {  	[sflag:s26] =	ssyncset.done $0x0  }
0x79: {  	s7 =	simm.s32 $0x2800;
	[sflag:s26] =	ssyncadd.s32 $0xFFFFC000  }
0x7a: {  	[spmem:s1] =	stream.indirect.scatter.add.f32 [tilespmem:s23], [sflag:$0x3], $0x80, s7, s28, $0xb8;
	[tilespmem:$0x1F000] =	vst v63  }
0x7b: {  	_ =	swait.ge [sflag:s24], $0x4000  }
0x7c: {  	[sflag:s24] =	ssyncset.done $0x0  }
0x7d: {  	[sflag:s24] =	ssyncadd.s32 $0xFFFFC000  }
0x7e: {  	[bflag:$0x0] =	sbarrier.arrive $0xFFFF  }
0x7f: {  	[tilespmem:s23], [sflag:$0x4] =	stream.linear.gather [spmem:s5], $0x4000, $0x38;
	[tilespmem:$0x1F000] =	vst v63  }
0x80: {  	_ =	swait.ge [sflag:s31], $0x4000  }
0x81: {  	s3 =	simm.s32 $0x3;
	[sflag:s31] =	ssyncset.done $0x0  }
0x82: {  	s3 =	simm.s32 @!p0 $0x4;
	[sflag:s31] =	ssyncadd.s32 $0xFFFFC000  }
0x83: {  	[hbm4b:s12+s2] =	stream.linear.scatter [tilespmem:s23], [sflag:s3], $0x4000, $0x38;
	[tilespmem:$0x1F000] =	vst v63  }
0x84: {  	_ =	swait.ge [sflag:s3], $0x4000  }
0x85: {  	[sflag:s3] =	ssyncset.done $0x0  }
0x86: {  	[sflag:s3] =	ssyncadd.s32 $0xFFFFC000  }
0x87: {  	[tilespmem:s23], [sflag:$0x4] =	stream.linear.gather [spmem:s13], $0x4000, $0x38;
	[tilespmem:$0x1F000] =	vst v63  }
0x88: {  	_ =	swait.ge [sflag:s31], $0x4000  }
0x89: {  	[sflag:s31] =	ssyncset.done $0x0  }
0x8a: {  	[sflag:s31] =	ssyncadd.s32 $0xFFFFC000  }
0x8b: {  	[hbm4b:s14+s2] =	stream.linear.scatter [tilespmem:s23], [sflag:s3], $0x4000, $0x38;
	[tilespmem:$0x1F000] =	vst v63  }
0x8c: {  	_ =	swait.ge [sflag:s3], $0x4000  }
0x8d: {  	[sflag:s3] =	ssyncset.done $0x0  }
0x8e: {  	[sflag:s3] =	ssyncadd.s32 $0xFFFFC000  }
0x8f: {  	[tilespmem:s23], [sflag:$0x4] =	stream.linear.gather [spmem:s15], $0x4000, $0x38;
	[tilespmem:$0x1F000] =	vst v63  }
0x90: {  	_ =	swait.ge [sflag:s31], $0x4000  }
0x91: {  	[sflag:s31] =	ssyncset.done $0x0  }
0x92: {  	[sflag:s31] =	ssyncadd.s32 $0xFFFFC000  }
0x93: {  	[hbm4b:s16+s2] =	stream.linear.scatter [tilespmem:s23], [sflag:s3], $0x4000, $0x38;
	[tilespmem:$0x1F000] =	vst v63  }
0x94: {  	_ =	swait.ge [sflag:s3], $0x4000  }
0x95: {  	[sflag:s3] =	ssyncset.done $0x0  }
0x96: {  	[sflag:s3] =	ssyncadd.s32 $0xFFFFC000  }
0x97: {  	[tilespmem:s23], [sflag:$0x4] =	stream.linear.gather [spmem:s17], $0x4000, $0x38;
	[tilespmem:$0x1F000] =	vst v63  }
0x98: {  	_ =	swait.ge [sflag:s31], $0x4000  }
0x99: {  	[sflag:s31] =	ssyncset.done $0x0  }
0x9a: {  	[sflag:s31] =	ssyncadd.s32 $0xFFFFC000  }
0x9b: {  	[hbm4b:s18+s2] =	stream.linear.scatter [tilespmem:s23], [sflag:s3], $0x4000, $0x38;
	[tilespmem:$0x1F000] =	vst v63  }
0x9c: {  	_ =	swait.ge [sflag:s3], $0x4000  }
0x9d: {  	[sflag:s3] =	ssyncset.done $0x0  }
0x9e: {  	[sflag:s3] =	ssyncadd.s32 $0xFFFFC000  }
0x9f: {  	[tilespmem:s23], [sflag:$0x4] =	stream.linear.gather [spmem:s19], $0x4000, $0x38;
	[tilespmem:$0x1F000] =	vst v63  }
0xa0: {  	_ =	swait.ge [sflag:s31], $0x4000  }
0xa1: {  	[sflag:s31] =	ssyncset.done $0x0  }
0xa2: {  	[sflag:s31] =	ssyncadd.s32 $0xFFFFC000  }
0xa3: {  	[hbm4b:s20+s2] =	stream.linear.scatter [tilespmem:s23], [sflag:s3], $0x4000, $0x38;
	[tilespmem:$0x1F000] =	vst v63  }
0xa4: {  	_ =	swait.ge [sflag:s3], $0x4000  }
0xa5: {  	[sflag:s3] =	ssyncset.done $0x0  }
0xa6: {  	s6 =	simm.s32 @!p1 $0x4;
	s4 =	simm.s32 @!p1 $0x2C00;
	[sflag:s3] =	ssyncadd.s32 $0xFFFFC000  }
0xa7: {  	[tilespmem:s4], [sflag:$0x4] =	stream.linear.gather @!p1 [spmem:s11], $0x4000, $0x38;
	[tilespmem:$0x1F000] =	vst v63  }
0xa8: {  	_ =	swait.ge @!p1 [sflag:s6], $0x4000  }
0xa9: {  	[sflag:s6] =	ssyncset.done @!p1 $0x0  }
0xaa: {  	[sflag:s6] =	ssyncadd.s32 @!p1 $0xFFFFC000;
	s6 =	simm.s32 @!p1 $0x0  }
0xab: {  	[hbm4b:s21+s6] =	stream.linear.scatter @!p1 [tilespmem:s4], [sflag:s3], $0x4000, $0x38;
	[tilespmem:$0x1F000] =	vst v63  }
0xac: {  	_ =	swait.ge @!p1 [sflag:s3], $0x4000  }
0xad: {  	s0 =	sadd.s32 $0x1, s0;
	s30 =	rddreg [dreg:$0x6]  }
0xae: {  	p2 =	sne.s32 s0, s30  }
.Ltmp2:
0xaf: {  	_ = 	snop;
	(pc) =	sbr.rel @p2 .LBB2_1-.Ltmp2, $3  }
0xb0: {  	_ =	sdelay $0x1  }
0xb1: {  	[sflag:s3] =	ssyncset.done @!p1 $0x0  }
0xb2: {  	[sflag:s3] =	ssyncadd.s32 @!p1 $0xFFFFC000  }
0xb3: {  	_ =	sfence.sel $0x180000  }
0xb4: {  	[bflag:$0x0] =	sbarrier.arrive $0xFFFF  }
0xb5: {  	_ =	strace $0x90000050  }
0xb6: {  	[bflag:$0x2] =	sbarrier.arrive $0xFFFF  }
0xb7: {  	s0 =	rddreg [dreg:$0x3]  }
0xb8: {  	s0 =	sadd.s32 @!p1 $0x100000, s0  }
0xb9: {  	[sflag:s0] =	ssyncadd.tile.s32 @!p1 $0x1;
	_ =	shalt  }
.Lfunc_end2:
_tile_overlayer_lowered:
.L_overlay_start_2:
0xba: {  	(tag) =	ssettag $0x2  }
0xbb: {  	s0 =	rddreg [dreg:$0x0];
	s2 =	stileid.u32  }
0xbc: {  	s1 =	rddreg [dreg:$0x1];
	p0 =	sne.s32 s2, $0x0  }
0xbd: {  	s3 =	rddreg [dreg:$0x2];
	[bflag:$0x3] =	sbarrier.arrive $0xFFFF;
	s2 =	simm.s32 @!p0 $0x1C03  }
0xbe: {  	[timem:s3], [sflag:s2] =	dma.local @!p0 [hbm:s0], s1  }
0xbf: {  	s0 =	simm.s32 @!p0 $0x3  }
0xc0: {  	_ =	swait.ge @!p0 [sflag:s0], s1  }
0xc1: {  	s1 =	ssub.s32 @!p0 $0x0, s1;
	[sflag:s0] =	ssyncset.done @!p0 $0x0  }
0xc2: {  	[sflag:s0] =	ssyncadd.s32 @!p0 s1  }
0xc3: {  	[bflag:$0x3] =	sbarrier.arrive $0xFFFF  }
0xc4: {  	_ =	shalt  }

// kernel: kernel.28.cloned.1.call-start
scs
__scs_entry_jumppad:
0x0: {  	(pc) =	sbr.rel $0x88, $3  }
0x1: {  	(tag) =	ssettag $0x0;
	lr =	simm.s32 $0x1  }
0x2: {  	[smem:$0x3F8E] =	sst lr;
	_ =	strace $0xD0000000  }
0x3: {  	_ = 	snop  }
0x4: {  	_ = 	snop  }
0x5: {  	_ = 	snop  }
0x6: {  	_ = 	snop  }
0x7: {  	_ = 	snop  }
__scs_overlays_trampoline_lowered:
0x8: {  	[smem:$0x3F9D] =	sst s0  }
0x9: {  	[smem:$0x3F9E] =	sst s1  }
0xa: {  	[smem:$0x3F9F] =	sst s2  }
0xb: {  	[smem:$0x3FA0] =	sst s3  }
0xc: {  	[smem:$0x3FA1] =	sst s4  }
0xd: {  	[smem:$0x3FA2] =	sst s5  }
0xe: {  	[smem:$0x3FA3] =	sst s6  }
0xf: {  	[smem:$0x3FA4] =	sst s7  }
0x10: {  	[smem:$0x3FA5] =	sst s8  }
0x11: {  	[smem:$0x3FA6] =	sst s9;
	s0 =	simm.s32 @!p0 $0x0  }
0x12: {  	s1 =	sld [smem:$0x3F8C];
	s0 =	simm.s32 @p0 $0x1  }
0x13: {  	[smem:$0x3FA7] =	sst s0;
	s0 =	simm.s32 @!p1 $0x0  }
0x14: {  	s2 =	sld [smem:$0x3F8B];
	s0 =	simm.s32 @p1 $0x1  }
0x15: {  	[smem:$0x3FA8] =	sst s0;
	s0 =	simm.s32 @!p2 $0x0  }
0x16: {  	s3 =	sld [smem:$0x3FDB];
	s0 =	simm.s32 @p2 $0x1  }
0x17: {  	s4 =	simm.s32 $0x1BF5;
	[smem:$0x3FAA] =	sst s0  }
0x18: {  	s0 =	sld [smem:$0x3F8D];
	_ =	swait.ge [sflag:s4], $0x0  }
0x19: {  	s7 =	sld [smem:$0x3F8E]  }
0x1a: {  	s8 =	sadd.s32 $0xFFFFE003, lr  }
0x1b: {  	s9 =	sadd.s32 $0xFFFFFEF7, lr;
	s5 =	simm.s32 $0xFFFFFFFF;
	p2 =	slt.u32 s8, $0xFFFFF086  }
0x1c: {  	p1 =	slt.u32 s9, $0xF7A;
	s5 =	simm.s32 @!p2 $0x0  }
0x1d: {  	s5 =	simm.s32 @p1 $0x1;
	p0 =	seq.s32 s7, s2  }
0x1e: {  	s7 =	smul.u32 @!p0 $0xF7A, s2;
	p2 =	seq.s32 @!p0 s5, $0x0  }
0x1f: {  	s9 =	smul.u32 $0xF7A, s1;
	s8 =	simm.s32 @!p0 $0x1BF5;
	p2 =	por !p2, p0  }
0x20: {  	[sflag:s8] =	ssyncset.s32 @!p0 $0xFFFFF086;
	s6 =	sadd.s32 @!p0 s3, s7;
	s7 =	simm.s32 @!p0 $0x108  }
0x21: {  	s3 =	sadd.s32 s3, s9;
	s6 =	sadd.s32 @!p0 $0x88, s6;
	s7 =	simm.s32 @p2 $0x1082  }
0x22: {  	[simem:s7], [sflag:s8] =	dma.local @!p0 [hbm:s6], $0xF7A  }
0x23: {  	s9 =	sor.u32 $0xD0000000, s2;
	s6 =	simm.s32 $0x108;
	_ =	swait.ge @!p0 [sflag:s8], $0x0  }
0x24: {  	s3 =	sadd.s32 $0x88, s3;
	s6 =	simm.s32 @!p1 $0x1082;
	[sflag:s4] =	ssyncset.s32 $0xFFFFF086  }
0x25: {  	[simem:s6], [sflag:s4] =	dma.local [hbm:s3], $0xF7A  }
0x26: {  	[smem:$0x3F8E] =	sst s1;
	(tag) =	ssettag s2;
	_ =	strace s9  }
0x27: {  	s1 =	sld [smem:$0x3F9E]  }
0x28: {  	s2 =	sld [smem:$0x3F9F]  }
0x29: {  	s4 =	sld [smem:$0x3FA1]  }
0x2a: {  	p0 =	seq.s32 s5, $0x0;
	s5 =	sld [smem:$0x3FA2]  }
0x2b: {  	s6 =	sld [smem:$0x3FA3]  }
0x2c: {  	s7 =	sld [smem:$0x3FA4]  }
0x2d: {  	s3 =	simm.s32 $0x108;
	s8 =	sld [smem:$0x3FA5]  }
0x2e: {  	s3 =	simm.s32 @!p0 $0x1082;
	s9 =	sld [smem:$0x3FA6]  }
0x2f: {  	lr =	sadd.s32 s0, s3;
	s0 =	sld [smem:$0x3F9D]  }
0x30: {  	s3 =	sld [smem:$0x3FA0]  }
0x31: {  	[smem:$0x3FA9] =	sst s10  }
0x32: {  	s10 =	sld [smem:$0x3FA7];
	_ =	sdelay $0x3  }
0x33: {  	p0 =	seq.s32 s10, $0x1;
	s10 =	sld [smem:$0x3FA9];
	_ =	sdelay $0x3  }
0x34: {  	[smem:$0x3FA9] =	sst s10  }
0x35: {  	s10 =	sld [smem:$0x3FA8];
	_ =	sdelay $0x3  }
0x36: {  	p1 =	seq.s32 s10, $0x1;
	s10 =	sld [smem:$0x3FA9];
	_ =	sdelay $0x3  }
0x37: {  	[smem:$0x3FA9] =	sst s10  }
0x38: {  	s10 =	sld [smem:$0x3FAA]  }
0x39: {  	_ = 	snop;
	(pc) =	sbr.ind lr, $3  }
0x3a: {  	_ = 	snop  }
0x3b: {  	_ = 	snop  }
0x3c: {  	p2 =	seq.s32 s10, $0x1;
	s10 =	sld [smem:$0x3FA9]  }
0x3d: {  	_ =	shalt  }
0x3e: {  	_ =	shalt  }
0x3f: {  	_ =	shalt  }
0x40: {  	_ =	shalt  }
0x41: {  	_ =	shalt  }
0x42: {  	_ =	shalt  }
0x43: {  	_ =	shalt  }
0x44: {  	_ =	shalt  }
0x45: {  	_ =	shalt  }
0x46: {  	_ =	shalt  }
0x47: {  	_ =	shalt  }
0x48: {  	_ =	shalt  }
0x49: {  	_ =	shalt  }
0x4a: {  	_ =	shalt  }
0x4b: {  	_ =	shalt  }
0x4c: {  	_ =	shalt  }
0x4d: {  	_ =	shalt  }
0x4e: {  	_ =	shalt  }
0x4f: {  	_ =	shalt  }
0x50: {  	_ =	shalt  }
0x51: {  	_ =	shalt  }
0x52: {  	_ =	shalt  }
0x53: {  	_ =	shalt  }
0x54: {  	_ =	shalt  }
0x55: {  	_ =	shalt  }
0x56: {  	_ =	shalt  }
0x57: {  	_ =	shalt  }
0x58: {  	_ =	shalt  }
0x59: {  	_ =	shalt  }
0x5a: {  	_ =	shalt  }
0x5b: {  	_ =	shalt  }
0x5c: {  	_ =	shalt  }
0x5d: {  	_ =	shalt  }
0x5e: {  	_ =	shalt  }
0x5f: {  	_ =	shalt  }
0x60: {  	_ =	shalt  }
0x61: {  	_ =	shalt  }
0x62: {  	_ =	shalt  }
0x63: {  	_ =	shalt  }
0x64: {  	_ =	shalt  }
0x65: {  	_ =	shalt  }
0x66: {  	_ =	shalt  }
0x67: {  	_ =	shalt  }
0x68: {  	_ =	shalt  }
0x69: {  	_ =	shalt  }
0x6a: {  	_ =	shalt  }
0x6b: {  	_ =	shalt  }
0x6c: {  	_ =	shalt  }
0x6d: {  	_ =	shalt  }
0x6e: {  	_ =	shalt  }
0x6f: {  	_ =	shalt  }
0x70: {  	_ =	shalt  }
0x71: {  	_ =	shalt  }
0x72: {  	_ =	shalt  }
0x73: {  	_ =	shalt  }
0x74: {  	_ =	shalt  }
0x75: {  	_ =	shalt  }
0x76: {  	_ =	shalt  }
0x77: {  	_ =	shalt  }
0x78: {  	_ =	shalt  }
0x79: {  	_ =	shalt  }
0x7a: {  	_ =	shalt  }
0x7b: {  	_ =	shalt  }
0x7c: {  	_ =	shalt  }
0x7d: {  	_ =	shalt  }
0x7e: {  	_ =	shalt  }
0x7f: {  	_ =	shalt  }
0x80: {  	_ =	shalt  }
0x81: {  	_ =	shalt  }
0x82: {  	_ =	shalt  }
0x83: {  	_ =	shalt  }
0x84: {  	_ =	shalt  }
0x85: {  	_ =	shalt  }
0x86: {  	_ =	shalt  }
0x87: {  	_ =	shalt  }
.Lfunc_end0:
.L_simem_size_0:
called_computation.4_lowered:
.L_overlay_start_0:
0x88: {  	s2 =	sld [smem:$0x3FD9]  }
0x89: {  	s3 =	sld [smem:$0x3FFE];
	_ =	sdelay $0x1  }
0x8a: {  	s1 =	srdreg.scid  }
0x8b: {  	s0 =	sand.u32 $0x1, s1  }
0x8c: {  	s17 =	sshll.u32 s0, $0xA;
	s2 =	sadd.s32 s3, s2  }
0x8d: {  	s2 =	sadd.s32 s2, s17  }
0x8e: {  	[smem:$0x3FB5] =	sst s2  }
0x8f: {  	_ = 	snop  }
0x90: {  	s2 =	sld [smem:$0x3FD0];
	(tm) =	ssettm $0x1  }
0x91: {  	s18 =	sld [smem:$0x3FFB];
	_ =	sdelay $0x3  }
0x92: {  	_ =	strace s18  }
0x93: {  	s3 =	sld [smem:$0x3FFC];
	_ =	sdelay $0x3  }
0x94: {  	_ =	strace s3  }
0x95: {  	s3 =	sld [smem:$0x3FFD];
	_ =	sdelay $0x3  }
0x96: {  	_ =	strace s3  }
0x97: {  	_ =	strace $0x8FFFFFFF  }
0x98: {  	s19 =	sld [smem:$0x3FDB];
	_ =	sdelay $0x1  }
0x99: {  	s4 =	simm.s32 $_scs_section_size  }
0x9a: {  	s5 =	simm.s32 $_size__tile_overlayer_lowered;
	s6 =	simm.s32 $_tile_overlayer_lowered  }
0x9b: {  	s22 =	simm.s32 $0x1BFF;
	s21 =	sshll.u32 s6, $0x1;
	s3 =	sadd.s32 s4, s19  }
0x9c: {  	s7 =	simm.s32 $0x0;
	s20 =	sshll.u32 s5, $0x1;
	s5 =	sadd.s32 s21, s3  }
0x9d: {  	[timem:s7], [sflag:s22] =	dma.local [hbm:s5], s20  }
0x9e: {  	_ =	swait.ge [sflag:s22], s20  }
0x9f: {  	s4 =	ssub.s32 $0x0, s20;
	[sflag:s22] =	ssyncset.done $0x0  }
0xa0: {  	[sflag:s22] =	ssyncadd.s32 s4;
	_ =	sdelay $0x1  }
0xa1: {  	s23 =	simm.s32 $0x1B8B  }
0xa2: {  	_ =	swait.ge [sflag:s23], $0x1  }
0xa3: {  	[sflag:s23] =	ssyncset.done $0x0  }
0xa4: {  	s25 =	simm.s32 $0x1B8E;
	s24 =	sld [smem:$0x3FFE];
	[sflag:s23] =	ssyncadd.s32 $0xFFFFFFFF  }
0xa5: {  	s26 =	simm.s32 $execute0_lowered;
	[smem:$0x3FD2] =	sst s25  }
0xa6: {  	s5 =	sshll.u32 s26, $0x1;
	_ =	strace $0x80000052;
	[dreg:$0x1] =	wrdreg $0xFFFFFFFF  }
0xa7: {  	s28 =	simm.s32 $_size_execute0_lowered;
	s3 =	sadd.s32 s3, s5;
	[dreg:$0x0] =	wrdreg $0x0  }
0xa8: {  	s5 =	sshll.u32 s28, $0x1;
	[dreg:$0x2] =	wrdreg s3  }
0xa9: {  	[dreg:$0x3] =	wrdreg s5  }
0xaa: {  	[dreg:$0x4] =	wrdreg $0xC0  }
0xab: {  	_ =	task [dreg:s7], $0x5FFFF  }
0xac: {  	[dreg:$0x1] =	wrdreg $0xFFFFFFFF  }
0xad: {  	[dreg:$0x0] =	wrdreg $0x60  }
0xae: {  	[dreg:$0x2] =	wrdreg s24  }
0xaf: {  	[dreg:$0x3] =	wrdreg s2  }
0xb0: {  	[dreg:$0x4] =	wrdreg $0x9  }
0xb1: {  	_ =	task.clear_ibuf [dreg:s7], $0x5FFFF;
	_ =	strace $0x90000052  }
0xb2: {  	s29 =	simm.s32 $0x9;
	_ =	strace $0x80000054  }
0xb3: {  	_ =	swait.ge [sflag:s29], $0x1  }
0xb4: {  	[sflag:s29] =	ssyncadd.s32 $0xFFFFFFFF  }
0xb5: {  	_ =	strace $0x90000054  }
0xb6: {  	_ =	sfence  }
0xb7: {  	s30 =	sld [smem:$0x0];
	_ =	sdelay $0x2  }
0xb8: {  	s31 =	sshll.u32 s1, $0xD;
	s1 =	sshrl.u32 s1, $0x2  }
0xb9: {  	s3 =	sand.u32 $0x4000, s31;
	s1 =	sadd.s32 s1, s30  }
0xba: {  	s0 =	sor.u32 s3, s0;
	s1 =	sshll.u32 s1, $0x11  }
0xbb: {  	s0 =	sor.u32 s1, s0  }
0xbc: {  	s0 =	sadd.s32 $0x8F2B, s0  }
0xbd: {  	[sflag:s0] =	ssyncadd.remote.s32 $0x1  }
0xbe: {  	_ =	sfence.sel $0xFFFF  }
0xbf: {  	[dreg:$0x0] =	wrdreg $0xFFFFFFFF;
	(pc) =	sbr.abs _section_cstart, $3  }
0xc0: {  	[dreg:$0x1] =	wrdreg $0xFFFFFFFF  }
0xc1: {  	_ =	task.clear_ibuf [dreg:s7], $0x2FFFF;
	_ =	strace $0x9FFFFFFF  }
0xc2: {  	(tm) =	ssettm $0x7FFFFFFF  }
0xc3: {  	_ =	shalt  }
tec
execute0_lowered:
.L_overlay_start_1:
0x0: {  	(tag) =	ssettag $0x1  }
0x1: {  	s4 =	rddreg [dreg:$0x0];
	s1 =	srdreg.scid  }
0x2: {  	s0 =	stileid.u32;
	s5 =	rddreg [dreg:$0x1];
	s2 =	simm.s32 $0x0  }
0x3: {  	s16 =	simm.s32 $0x9800;
	s17 =	simm.s32 $0x80;
	s18 =	simm.s32 $0xD800  }
0x4: {  	s19 =	simm.s32 $0x11800;
	s20 =	simm.s32 $0x1;
	s21 =	simm.s32 $0x2  }
0x5: {  	s22 =	simm.s32 $0x3;
	s23 =	simm.s32 $0x4;
	s24 =	simm.s32 $0x0  }
0x6: {  	s9 =	sand.u32 $0x1, s1;
	s1 =	rddreg [dreg:$0x2];
	s26 =	smul.u32 $0x288000, s0  }
0x7: {  	s3 =	sshll.u32 s0, $0x1;
	[smem:$0x7FF] =	sst s2;
	s14 =	smul.u32 $0x51000, s0  }
0x8: {  	s12 =	sadd.s32 $0x92800, s4;
	s13 =	sadd.s32 $0xA61200, s4;
	s29 =	smul.u32 $0x144000, s9  }
0x9: {  	s6 =	sor.u32 s9, s3;
	_ =	strace $0x80000053;
	s30 =	smul.u32 $0x28800, s9  }
0xa: {  	s3 =	sadd.s32 $0x16A00, s4;
	s8 =	ssub.s32 $0x2, s9;
	s7 =	smul.u32 $0x580, s6  }
0xb: {  	s11 =	sshrl.u32 s8, $0x1;
	s6 =	smul.u32 $0x144000, s6;
	s15 =	sadd.s32 s14, s12  }
0xc: {  	s14 =	sadd.s32 s14, s13;
	s8 =	ssub.s32 s8, s11;
	s31 =	sadd.s32 s30, s15  }
0xd: {  	s14 =	sadd.s32 s30, s14;
	s15 =	simm.s32 $0x5800;
	s10 =	sadd.s32 s7, s4  }
0xe: {  	s4 =	sadd.s32 s5, s7;
	s6 =	sshrl.u32 s6, $0x3;
	s8 =	smax.u32 s8, $0x1  }
0xf: {  	s5 =	sadd.s32 $0xBA00, s10;
	s28 =	sadd.s32 $0x28000, s6;
	s10 =	sadd.s32 s29, s26  }
0x10: {  	s11 =	sadd.s32 $0x800, s31;
	s6 =	sadd.s32 s12, s28;
	s10 =	sshrl.u32 s10, $0x3  }
0x11: {  	s7 =	sadd.s32 s13, s28;
	s9 =	sadd.s32 s10, s13;
	s10 =	sadd.s32 s10, s12  }
0x12: {  	s12 =	sadd.s32 $0x800, s14;
	s13 =	simm.s32 $0x5;
	s14 =	simm.s32 $0x2C00  }
.LBB2_1:
0x13: {  	[tilespmem:s2], [sflag:$0x5] =	stream.linear.gather [hbm4b:s4+s2], $0x2880, $0x38;
	[tilespmem:$0x15800] =	vst v63  }
0x14: {  	_ =	swait.ge [sflag:s13], $0x2880  }
0x15: {  	[sflag:s13] =	ssyncset.done $0x0  }
0x16: {  	[sflag:s13] =	ssyncadd.s32 $0xFFFFD780  }
0x17: {  	[tilespmem:s14], [sflag:$0x5] =	stream.linear.gather [hbm4b:s5+s2], $0x2880, $0x38;
	[tilespmem:$0x15800] =	vst v63  }
0x18: {  	_ =	swait.ge [sflag:s13], $0x2880  }
0x19: {  	[sflag:s13] =	ssyncset.done $0x0  }
0x1a: {  	[sflag:s13] =	ssyncadd.s32 $0xFFFFD780  }
0x1b: {  	[tilespmem:s15], [sflag:$0x1] =	stream.indirect.gather [hbm4b:s3+s17], $0x80, s2, s17, $0xb8;
	[tilespmem:$0x15800] =	vst v63  }
0x1c: {  	_ = 	snop  }
0x1d: {  	[tilespmem:s16], [sflag:$0x2] =	stream.indirect.gather [hbm4b:s3+s17], $0x80, s14, s17, $0xb8;
	[tilespmem:$0x15800] =	vst v63  }
0x1e: {  	_ = 	snop  }
0x1f: {  	[tilespmem:s18], [sflag:$0x3] =	stream.indirect.gather [hbm4b:s3+s17], $0x80, s17, s17, $0xb8;
	[tilespmem:$0x15800] =	vst v63  }
0x20: {  	s25 =	simm.s32 $0x2C80  }
0x21: {  	[tilespmem:s19], [sflag:$0x4] =	stream.indirect.gather [hbm4b:s3+s17], $0x80, s25, s17, $0xb8;
	[tilespmem:$0x15800] =	vst v63  }
0x22: {  	_ =	swait.ge [sflag:s20], $0x4000  }
0x23: {  	[sflag:s20] =	ssyncset.done $0x0  }
0x24: {  	[sflag:s20] =	ssyncadd.s32 $0xFFFFC000  }
0x25: {  	_ =	swait.ge [sflag:s21], $0x4000  }
0x26: {  	[sflag:s21] =	ssyncset.done $0x0  }
0x27: {  	s26 =	sadd.s32 $0x0, s10;
	[sflag:s21] =	ssyncadd.s32 $0xFFFFC000  }
0x28: {  	[hbm4b:s26+s2] =	stream.linear.scatter [tilespmem:s15], [sflag:$0x5], $0x4000, $0x38;
	[tilespmem:$0x15800] =	vst v63  }
0x29: {  	_ =	swait.ge [sflag:s13], $0x4000  }
0x2a: {  	[sflag:s13] =	ssyncset.done $0x0  }
0x2b: {  	s30 =	sadd.s32 $0x0, s9;
	[sflag:s13] =	ssyncadd.s32 $0xFFFFC000  }
0x2c: {  	[hbm4b:s30+s2] =	stream.linear.scatter [tilespmem:s16], [sflag:$0x5], $0x4000, $0x38;
	[tilespmem:$0x15800] =	vst v63  }
0x2d: {  	_ =	swait.ge [sflag:s13], $0x4000  }
0x2e: {  	[sflag:s13] =	ssyncset.done $0x0  }
0x2f: {  	s31 =	simm.s32 $0x100;
	[sflag:s13] =	ssyncadd.s32 $0xFFFFC000  }
0x30: {  	[tilespmem:s15], [sflag:$0x1] =	stream.indirect.gather [hbm4b:s3+s17], $0x80, s31, s17, $0xb8;
	[tilespmem:$0x15800] =	vst v63  }
0x31: {  	s29 =	simm.s32 $0x2D00  }
0x32: {  	[tilespmem:s16], [sflag:$0x2] =	stream.indirect.gather [hbm4b:s3+s17], $0x80, s29, s17, $0xb8;
	[tilespmem:$0x15800] =	vst v63  }
0x33: {  	_ =	swait.ge [sflag:s22], $0x4000  }
0x34: {  	[sflag:s22] =	ssyncset.done $0x0  }
0x35: {  	[sflag:s22] =	ssyncadd.s32 $0xFFFFC000  }
0x36: {  	_ =	swait.ge [sflag:s23], $0x4000  }
0x37: {  	[sflag:s23] =	ssyncset.done $0x0  }
0x38: {  	s30 =	sadd.s32 $0x0, s11;
	[sflag:s23] =	ssyncadd.s32 $0xFFFFC000  }
0x39: {  	[hbm4b:s30+s2] =	stream.linear.scatter [tilespmem:s18], [sflag:$0x5], $0x4000, $0x38;
	[tilespmem:$0x15800] =	vst v63  }
0x3a: {  	_ =	swait.ge [sflag:s13], $0x4000  }
0x3b: {  	[sflag:s13] =	ssyncset.done $0x0  }
0x3c: {  	s31 =	sadd.s32 $0x0, s12;
	[sflag:s13] =	ssyncadd.s32 $0xFFFFC000  }
0x3d: {  	[hbm4b:s31+s2] =	stream.linear.scatter [tilespmem:s19], [sflag:$0x5], $0x4000, $0x38;
	[tilespmem:$0x15800] =	vst v63  }
0x3e: {  	_ =	swait.ge [sflag:s13], $0x4000  }
0x3f: {  	s28 =	simm.s32 $0x80;
	s26 =	simm.s32 $0x1000;
	[sflag:s13] =	ssyncset.done $0x0  }
.LBB2_2:
0x40: {  	[sflag:s13] =	ssyncadd.s32 $0xFFFFC000;
	s25 =	sadd.s32 $0x100, s25;
	s28 =	sadd.s32 $0x100, s28  }
0x41: {  	[tilespmem:s18], [sflag:$0x3] =	stream.indirect.gather [hbm4b:s3+s17], $0x80, s28, s17, $0xb8;
	[tilespmem:$0x15800] =	vst v63  }
0x42: {  	p0 =	sne.s32 s26, $0x27000;
	s29 =	smov.u32 s26;
	s26 =	sadd.s32 $0x1000, s26  }
0x43: {  	[tilespmem:s19], [sflag:$0x4] =	stream.indirect.gather [hbm4b:s3+s17], $0x80, s25, s17, $0xb8;
	[tilespmem:$0x15800] =	vst v63  }
0x44: {  	_ =	swait.ge [sflag:s20], $0x4000  }
0x45: {  	[sflag:s20] =	ssyncset.done $0x0  }
0x46: {  	[sflag:s20] =	ssyncadd.s32 $0xFFFFC000  }
0x47: {  	_ =	swait.ge [sflag:s21], $0x4000  }
0x48: {  	[sflag:s21] =	ssyncset.done $0x0  }
0x49: {  	s30 =	sadd.s32 s29, s10;
	[sflag:s21] =	ssyncadd.s32 $0xFFFFC000  }
0x4a: {  	[hbm4b:s30+s2] =	stream.linear.scatter [tilespmem:s15], [sflag:$0x5], $0x4000, $0x38;
	[tilespmem:$0x15800] =	vst v63  }
0x4b: {  	_ =	swait.ge [sflag:s13], $0x4000  }
0x4c: {  	[sflag:s13] =	ssyncset.done $0x0  }
0x4d: {  	s30 =	sadd.s32 s29, s9;
	[sflag:s13] =	ssyncadd.s32 $0xFFFFC000  }
0x4e: {  	[hbm4b:s30+s2] =	stream.linear.scatter [tilespmem:s16], [sflag:$0x5], $0x4000, $0x38;
	[tilespmem:$0x15800] =	vst v63  }
0x4f: {  	_ =	swait.ge [sflag:s13], $0x4000  }
0x50: {  	[sflag:s13] =	ssyncset.done $0x0  }
0x51: {  	s30 =	sadd.s32 $0x80, s28;
	[sflag:s13] =	ssyncadd.s32 $0xFFFFC000  }
0x52: {  	[tilespmem:s15], [sflag:$0x1] =	stream.indirect.gather [hbm4b:s3+s17], $0x80, s30, s17, $0xb8;
	[tilespmem:$0x15800] =	vst v63  }
0x53: {  	s30 =	sadd.s32 $0x80, s25  }
0x54: {  	[tilespmem:s16], [sflag:$0x2] =	stream.indirect.gather [hbm4b:s3+s17], $0x80, s30, s17, $0xb8;
	[tilespmem:$0x15800] =	vst v63  }
0x55: {  	_ =	swait.ge [sflag:s22], $0x4000  }
0x56: {  	[sflag:s22] =	ssyncset.done $0x0  }
0x57: {  	[sflag:s22] =	ssyncadd.s32 $0xFFFFC000  }
0x58: {  	_ =	swait.ge [sflag:s23], $0x4000  }
0x59: {  	[sflag:s23] =	ssyncset.done $0x0  }
0x5a: {  	s30 =	sadd.s32 s29, s11;
	[sflag:s23] =	ssyncadd.s32 $0xFFFFC000  }
0x5b: {  	[hbm4b:s30+s2] =	stream.linear.scatter [tilespmem:s18], [sflag:$0x5], $0x4000, $0x38;
	[tilespmem:$0x15800] =	vst v63  }
0x5c: {  	_ =	swait.ge [sflag:s13], $0x4000  }
.Ltmp0:
0x5d: {  	[sflag:s13] =	ssyncset.done $0x0;
	(pc) =	sbr.rel @p0 .LBB2_2-.Ltmp0, $4  }
0x5e: {  	s29 =	sadd.s32 s29, s12;
	[sflag:s13] =	ssyncadd.s32 $0xFFFFC000  }
0x5f: {  	[hbm4b:s29+s2] =	stream.linear.scatter [tilespmem:s19], [sflag:$0x5], $0x4000, $0x38;
	[tilespmem:$0x15800] =	vst v63  }
0x60: {  	_ =	swait.ge [sflag:s13], $0x4000  }
0x61: {  	[sflag:s13] =	ssyncset.done $0x0  }
0x62: {  	[sflag:s13] =	ssyncadd.s32 $0xFFFFC000  }
0x63: {  	_ =	swait.ge [sflag:s20], $0x4000  }
0x64: {  	[sflag:s20] =	ssyncset.done $0x0  }
0x65: {  	[sflag:s20] =	ssyncadd.s32 $0xFFFFC000  }
0x66: {  	_ =	swait.ge [sflag:s21], $0x4000  }
0x67: {  	[sflag:s21] =	ssyncset.done $0x0  }
0x68: {  	[sflag:s21] =	ssyncadd.s32 $0xFFFFC000  }
0x69: {  	[hbm4b:s6+s2] =	stream.linear.scatter [tilespmem:s15], [sflag:$0x5], $0x4000, $0x38;
	[tilespmem:$0x15800] =	vst v63  }
0x6a: {  	s24 =	sadd.s32 $0x1, s24;
	_ =	swait.ge [sflag:s13], $0x4000  }
0x6b: {  	p0 =	sne.s32 s24, s8;
	[sflag:s13] =	ssyncset.done $0x0  }
.Ltmp1:
0x6c: {  	[sflag:s13] =	ssyncadd.s32 $0xFFFFC000;
	(pc) =	sbr.rel @p0 .LBB2_1-.Ltmp1, $4  }
0x6d: {  	[hbm4b:s7+s2] =	stream.linear.scatter [tilespmem:s16], [sflag:$0x5], $0x4000, $0x38;
	[tilespmem:$0x15800] =	vst v63  }
0x6e: {  	_ =	swait.ge [sflag:s13], $0x4000  }
0x6f: {  	[sflag:s13] =	ssyncset.done $0x0  }
0x70: {  	[sflag:s13] =	ssyncadd.s32 $0xFFFFC000  }
0x71: {  	_ =	sfence.sel $0x180000  }
0x72: {  	[bflag:$0x0] =	sbarrier.arrive $0xFFFF  }
0x73: {  	p0 =	sne.s32 s0, $0x0;
	_ =	strace $0x90000053  }
0x74: {  	s0 =	sadd.s32 @!p0 $0x100000, s1;
	[bflag:$0x2] =	sbarrier.arrive $0xFFFF  }
0x75: {  	[sflag:s0] =	ssyncadd.tile.s32 @!p0 $0x1;
	_ =	shalt  }
.Lfunc_end2:
_tile_overlayer_lowered:
.L_overlay_start_2:
0x76: {  	(tag) =	ssettag $0x2  }
0x77: {  	s0 =	rddreg [dreg:$0x0];
	s2 =	stileid.u32  }
0x78: {  	s1 =	rddreg [dreg:$0x1];
	p0 =	sne.s32 s2, $0x0  }
0x79: {  	s3 =	rddreg [dreg:$0x2];
	[bflag:$0x3] =	sbarrier.arrive $0xFFFF;
	s2 =	simm.s32 @!p0 $0x1C05  }
0x7a: {  	[timem:s3], [sflag:s2] =	dma.local @!p0 [hbm:s0], s1  }
0x7b: {  	s0 =	simm.s32 @!p0 $0x5  }
0x7c: {  	_ =	swait.ge @!p0 [sflag:s0], s1  }
0x7d: {  	s1 =	ssub.s32 @!p0 $0x0, s1;
	[sflag:s0] =	ssyncset.done @!p0 $0x0  }
0x7e: {  	[sflag:s0] =	ssyncadd.s32 @!p0 s1  }
0x7f: {  	[bflag:$0x3] =	sbarrier.arrive $0xFFFF  }
0x80: {  	_ =	shalt  }

// kernel: kernel.31.cloned.1.call-start
scs
__scs_entry_jumppad:
0x0: {  	(pc) =	sbr.rel $0x88, $3  }
0x1: {  	(tag) =	ssettag $0x0;
	lr =	simm.s32 $0x1  }
0x2: {  	[smem:$0x3F8E] =	sst lr;
	_ =	strace $0xD0000000  }
0x3: {  	_ = 	snop  }
0x4: {  	_ = 	snop  }
0x5: {  	_ = 	snop  }
0x6: {  	_ = 	snop  }
0x7: {  	_ = 	snop  }
__scs_overlays_trampoline_lowered:
0x8: {  	[smem:$0x3F9D] =	sst s0  }
0x9: {  	[smem:$0x3F9E] =	sst s1  }
0xa: {  	[smem:$0x3F9F] =	sst s2  }
0xb: {  	[smem:$0x3FA0] =	sst s3  }
0xc: {  	[smem:$0x3FA1] =	sst s4  }
0xd: {  	[smem:$0x3FA2] =	sst s5  }
0xe: {  	[smem:$0x3FA3] =	sst s6  }
0xf: {  	[smem:$0x3FA4] =	sst s7  }
0x10: {  	[smem:$0x3FA5] =	sst s8  }
0x11: {  	[smem:$0x3FA6] =	sst s9;
	s0 =	simm.s32 @!p0 $0x0  }
0x12: {  	s1 =	sld [smem:$0x3F8C];
	s0 =	simm.s32 @p0 $0x1  }
0x13: {  	[smem:$0x3FA7] =	sst s0;
	s0 =	simm.s32 @!p1 $0x0  }
0x14: {  	s2 =	sld [smem:$0x3F8B];
	s0 =	simm.s32 @p1 $0x1  }
0x15: {  	[smem:$0x3FA8] =	sst s0;
	s0 =	simm.s32 @!p2 $0x0  }
0x16: {  	s3 =	sld [smem:$0x3FDB];
	s0 =	simm.s32 @p2 $0x1  }
0x17: {  	s4 =	simm.s32 $0x1BF5;
	[smem:$0x3FAA] =	sst s0  }
0x18: {  	s0 =	sld [smem:$0x3F8D];
	_ =	swait.ge [sflag:s4], $0x0  }
0x19: {  	s7 =	sld [smem:$0x3F8E]  }
0x1a: {  	s8 =	sadd.s32 $0xFFFFE003, lr  }
0x1b: {  	s9 =	sadd.s32 $0xFFFFFEF7, lr;
	s5 =	simm.s32 $0xFFFFFFFF;
	p2 =	slt.u32 s8, $0xFFFFF086  }
0x1c: {  	p1 =	slt.u32 s9, $0xF7A;
	s5 =	simm.s32 @!p2 $0x0  }
0x1d: {  	s5 =	simm.s32 @p1 $0x1;
	p0 =	seq.s32 s7, s2  }
0x1e: {  	s7 =	smul.u32 @!p0 $0xF7A, s2;
	p2 =	seq.s32 @!p0 s5, $0x0  }
0x1f: {  	s9 =	smul.u32 $0xF7A, s1;
	s8 =	simm.s32 @!p0 $0x1BF5;
	p2 =	por !p2, p0  }
0x20: {  	[sflag:s8] =	ssyncset.s32 @!p0 $0xFFFFF086;
	s6 =	sadd.s32 @!p0 s3, s7;
	s7 =	simm.s32 @!p0 $0x108  }
0x21: {  	s3 =	sadd.s32 s3, s9;
	s6 =	sadd.s32 @!p0 $0x88, s6;
	s7 =	simm.s32 @p2 $0x1082  }
0x22: {  	[simem:s7], [sflag:s8] =	dma.local @!p0 [hbm:s6], $0xF7A  }
0x23: {  	s9 =	sor.u32 $0xD0000000, s2;
	s6 =	simm.s32 $0x108;
	_ =	swait.ge @!p0 [sflag:s8], $0x0  }
0x24: {  	s3 =	sadd.s32 $0x88, s3;
	s6 =	simm.s32 @!p1 $0x1082;
	[sflag:s4] =	ssyncset.s32 $0xFFFFF086  }
0x25: {  	[simem:s6], [sflag:s4] =	dma.local [hbm:s3], $0xF7A  }
0x26: {  	[smem:$0x3F8E] =	sst s1;
	(tag) =	ssettag s2;
	_ =	strace s9  }
0x27: {  	s1 =	sld [smem:$0x3F9E]  }
0x28: {  	s2 =	sld [smem:$0x3F9F]  }
0x29: {  	s4 =	sld [smem:$0x3FA1]  }
0x2a: {  	p0 =	seq.s32 s5, $0x0;
	s5 =	sld [smem:$0x3FA2]  }
0x2b: {  	s6 =	sld [smem:$0x3FA3]  }
0x2c: {  	s7 =	sld [smem:$0x3FA4]  }
0x2d: {  	s3 =	simm.s32 $0x108;
	s8 =	sld [smem:$0x3FA5]  }
0x2e: {  	s3 =	simm.s32 @!p0 $0x1082;
	s9 =	sld [smem:$0x3FA6]  }
0x2f: {  	lr =	sadd.s32 s0, s3;
	s0 =	sld [smem:$0x3F9D]  }
0x30: {  	s3 =	sld [smem:$0x3FA0]  }
0x31: {  	[smem:$0x3FA9] =	sst s10  }
0x32: {  	s10 =	sld [smem:$0x3FA7];
	_ =	sdelay $0x3  }
0x33: {  	p0 =	seq.s32 s10, $0x1;
	s10 =	sld [smem:$0x3FA9];
	_ =	sdelay $0x3  }
0x34: {  	[smem:$0x3FA9] =	sst s10  }
0x35: {  	s10 =	sld [smem:$0x3FA8];
	_ =	sdelay $0x3  }
0x36: {  	p1 =	seq.s32 s10, $0x1;
	s10 =	sld [smem:$0x3FA9];
	_ =	sdelay $0x3  }
0x37: {  	[smem:$0x3FA9] =	sst s10  }
0x38: {  	s10 =	sld [smem:$0x3FAA]  }
0x39: {  	_ = 	snop;
	(pc) =	sbr.ind lr, $3  }
0x3a: {  	_ = 	snop  }
0x3b: {  	_ = 	snop  }
0x3c: {  	p2 =	seq.s32 s10, $0x1;
	s10 =	sld [smem:$0x3FA9]  }
0x3d: {  	_ =	shalt  }
0x3e: {  	_ =	shalt  }
0x3f: {  	_ =	shalt  }
0x40: {  	_ =	shalt  }
0x41: {  	_ =	shalt  }
0x42: {  	_ =	shalt  }
0x43: {  	_ =	shalt  }
0x44: {  	_ =	shalt  }
0x45: {  	_ =	shalt  }
0x46: {  	_ =	shalt  }
0x47: {  	_ =	shalt  }
0x48: {  	_ =	shalt  }
0x49: {  	_ =	shalt  }
0x4a: {  	_ =	shalt  }
0x4b: {  	_ =	shalt  }
0x4c: {  	_ =	shalt  }
0x4d: {  	_ =	shalt  }
0x4e: {  	_ =	shalt  }
0x4f: {  	_ =	shalt  }
0x50: {  	_ =	shalt  }
0x51: {  	_ =	shalt  }
0x52: {  	_ =	shalt  }
0x53: {  	_ =	shalt  }
0x54: {  	_ =	shalt  }
0x55: {  	_ =	shalt  }
0x56: {  	_ =	shalt  }
0x57: {  	_ =	shalt  }
0x58: {  	_ =	shalt  }
0x59: {  	_ =	shalt  }
0x5a: {  	_ =	shalt  }
0x5b: {  	_ =	shalt  }
0x5c: {  	_ =	shalt  }
0x5d: {  	_ =	shalt  }
0x5e: {  	_ =	shalt  }
0x5f: {  	_ =	shalt  }
0x60: {  	_ =	shalt  }
0x61: {  	_ =	shalt  }
0x62: {  	_ =	shalt  }
0x63: {  	_ =	shalt  }
0x64: {  	_ =	shalt  }
0x65: {  	_ =	shalt  }
0x66: {  	_ =	shalt  }
0x67: {  	_ =	shalt  }
0x68: {  	_ =	shalt  }
0x69: {  	_ =	shalt  }
0x6a: {  	_ =	shalt  }
0x6b: {  	_ =	shalt  }
0x6c: {  	_ =	shalt  }
0x6d: {  	_ =	shalt  }
0x6e: {  	_ =	shalt  }
0x6f: {  	_ =	shalt  }
0x70: {  	_ =	shalt  }
0x71: {  	_ =	shalt  }
0x72: {  	_ =	shalt  }
0x73: {  	_ =	shalt  }
0x74: {  	_ =	shalt  }
0x75: {  	_ =	shalt  }
0x76: {  	_ =	shalt  }
0x77: {  	_ =	shalt  }
0x78: {  	_ =	shalt  }
0x79: {  	_ =	shalt  }
0x7a: {  	_ =	shalt  }
0x7b: {  	_ =	shalt  }
0x7c: {  	_ =	shalt  }
0x7d: {  	_ =	shalt  }
0x7e: {  	_ =	shalt  }
0x7f: {  	_ =	shalt  }
0x80: {  	_ =	shalt  }
0x81: {  	_ =	shalt  }
0x82: {  	_ =	shalt  }
0x83: {  	_ =	shalt  }
0x84: {  	_ =	shalt  }
0x85: {  	_ =	shalt  }
0x86: {  	_ =	shalt  }
0x87: {  	_ =	shalt  }
.Lfunc_end0:
.L_simem_size_0:
called_computation.5_lowered:
.L_overlay_start_0:
0x88: {  	s2 =	sld [smem:$0x3FD9]  }
0x89: {  	s3 =	sld [smem:$0x3FFE];
	_ =	sdelay $0x1  }
0x8a: {  	s1 =	srdreg.scid  }
0x8b: {  	s0 =	sand.u32 $0x1, s1  }
0x8c: {  	s17 =	sshll.u32 s0, $0xA;
	s2 =	sadd.s32 s3, s2  }
0x8d: {  	s2 =	sadd.s32 s2, s17  }
0x8e: {  	[smem:$0x3FB5] =	sst s2  }
0x8f: {  	_ = 	snop  }
0x90: {  	s2 =	sld [smem:$0x3FD0];
	(tm) =	ssettm $0x1  }
0x91: {  	s18 =	sld [smem:$0x3FFB];
	_ =	sdelay $0x3  }
0x92: {  	_ =	strace s18  }
0x93: {  	s3 =	sld [smem:$0x3FFC];
	_ =	sdelay $0x3  }
0x94: {  	_ =	strace s3  }
0x95: {  	s3 =	sld [smem:$0x3FFD];
	_ =	sdelay $0x3  }
0x96: {  	_ =	strace s3  }
0x97: {  	_ =	strace $0x8FFFFFFF  }
0x98: {  	s19 =	sld [smem:$0x3FDB];
	_ =	sdelay $0x1  }
0x99: {  	s4 =	simm.s32 $_scs_section_size  }
0x9a: {  	s5 =	simm.s32 $_size__tile_overlayer_lowered;
	s6 =	simm.s32 $_tile_overlayer_lowered  }
0x9b: {  	s22 =	simm.s32 $0x1BFF;
	s21 =	sshll.u32 s6, $0x1;
	s3 =	sadd.s32 s4, s19  }
0x9c: {  	s7 =	simm.s32 $0x0;
	s20 =	sshll.u32 s5, $0x1;
	s5 =	sadd.s32 s21, s3  }
0x9d: {  	[timem:s7], [sflag:s22] =	dma.local [hbm:s5], s20  }
0x9e: {  	_ =	swait.ge [sflag:s22], s20  }
0x9f: {  	s4 =	ssub.s32 $0x0, s20;
	[sflag:s22] =	ssyncset.done $0x0  }
0xa0: {  	[sflag:s22] =	ssyncadd.s32 s4;
	_ =	sdelay $0x1  }
0xa1: {  	s23 =	simm.s32 $0x1B8B  }
0xa2: {  	_ =	swait.ge [sflag:s23], $0x1  }
0xa3: {  	[sflag:s23] =	ssyncset.done $0x0  }
0xa4: {  	s25 =	simm.s32 $0x1B8E;
	s24 =	sld [smem:$0x3FFE];
	[sflag:s23] =	ssyncadd.s32 $0xFFFFFFFF  }
0xa5: {  	s26 =	simm.s32 $execute0_lowered;
	[smem:$0x3FD2] =	sst s25  }
0xa6: {  	s5 =	sshll.u32 s26, $0x1;
	_ =	strace $0x80000055;
	[dreg:$0x1] =	wrdreg $0xFFFFFFFF  }
0xa7: {  	s28 =	simm.s32 $_size_execute0_lowered;
	s3 =	sadd.s32 s3, s5;
	[dreg:$0x0] =	wrdreg $0x0  }
0xa8: {  	s5 =	sshll.u32 s28, $0x1;
	[dreg:$0x2] =	wrdreg s3  }
0xa9: {  	[dreg:$0x3] =	wrdreg s5  }
0xaa: {  	[dreg:$0x4] =	wrdreg $0xC0  }
0xab: {  	_ =	task [dreg:s7], $0x5FFFF  }
0xac: {  	[dreg:$0x1] =	wrdreg $0xFFFFFFFF  }
0xad: {  	[dreg:$0x0] =	wrdreg $0x60  }
0xae: {  	[dreg:$0x2] =	wrdreg s24  }
0xaf: {  	[dreg:$0x3] =	wrdreg s2  }
0xb0: {  	[dreg:$0x4] =	wrdreg $0xAC000  }
0xb1: {  	[dreg:$0x5] =	wrdreg $0x9  }
0xb2: {  	_ =	task.clear_ibuf [dreg:s7], $0x6FFFF;
	_ =	strace $0x90000055  }
0xb3: {  	s29 =	simm.s32 $0x9;
	_ =	strace $0x80000057  }
0xb4: {  	_ =	swait.ge [sflag:s29], $0x1  }
0xb5: {  	[sflag:s29] =	ssyncadd.s32 $0xFFFFFFFF  }
0xb6: {  	_ =	strace $0x90000057  }
0xb7: {  	_ =	sfence  }
0xb8: {  	s30 =	sld [smem:$0x0];
	_ =	sdelay $0x2  }
0xb9: {  	s31 =	sshll.u32 s1, $0xD;
	s1 =	sshrl.u32 s1, $0x2  }
0xba: {  	s3 =	sand.u32 $0x4000, s31;
	s1 =	sadd.s32 s1, s30  }
0xbb: {  	s0 =	sor.u32 s3, s0;
	s1 =	sshll.u32 s1, $0x11  }
0xbc: {  	s0 =	sor.u32 s1, s0  }
0xbd: {  	s0 =	sadd.s32 $0x8F2B, s0  }
0xbe: {  	[sflag:s0] =	ssyncadd.remote.s32 $0x1  }
0xbf: {  	_ =	sfence.sel $0xFFFF  }
0xc0: {  	[dreg:$0x0] =	wrdreg $0xFFFFFFFF;
	(pc) =	sbr.abs _section_cstart, $3  }
0xc1: {  	[dreg:$0x1] =	wrdreg $0xFFFFFFFF  }
0xc2: {  	_ =	task.clear_ibuf [dreg:s7], $0x2FFFF;
	_ =	strace $0x9FFFFFFF  }
0xc3: {  	(tm) =	ssettm $0x7FFFFFFF  }
tec
execute0_lowered:
.L_overlay_start_1:
0x0: {  	(tag) =	ssettag $0x1  }
0x1: {  	s0 =	rddreg [dreg:$0x0]  }
0x2: {  	s3 =	rddreg [dreg:$0x1]  }
0x3: {  	s1 =	rddreg [dreg:$0x2]  }
0x4: {  	s2 =	simm.s32 $0x0;
	s4 =	srdreg.scid;
	s23 =	stileid.u32  }
0x5: {  	s28 =	simm.s32 $0x80;
	s29 =	simm.s32 $0x2;
	s31 =	simm.s32 $0x4  }
0x6: {  	[smem:$0x7FF] =	sst s2;
	s4 =	sand.u32 $0x1, s4;
	s5 =	sshll.u32 s23, $0x1  }
0x7: {  	s19 =	sadd.s32 $0xF71200, s0;
	s21 =	sadd.s32 $0x3DC00, s0;
	s0 =	sadd.s32 $0x66400, s0  }
0x8: {  	s12 =	sshll.u32 s23, $0xE;
	s11 =	sadd.s32 $0x140000, s1;
	s15 =	sshll.u32 s23, $0xB  }
0x9: {  	s16 =	sor.u32 $0x10, s23;
	s18 =	sor.u32 $0x20, s23;
	s25 =	smul.u32 $0x51000, s23  }
0xa: {  	s26 =	sor.u32 $0x40, s23;
	p1 =	sne.s32 s23, $0x0;
	s5 =	sor.u32 s4, s5  }
0xb: {  	s6 =	ssub.s32 $0x2, s4;
	p0 =	seq.s32 s4, $0x1;
	s4 =	smul.u32 $0x28800, s4  }
0xc: {  	_ =	strace $0x80000056;
	s17 =	sshll.u32 s16, $0xE;
	s7 =	smul.u32 $0x580, s5  }
0xd: {  	s20 =	sshll.u32 s18, $0xE;
	s8 =	sshrl.u32 s6, $0x1;
	s5 =	smul.u32 $0x28800, s5  }
0xe: {  	s21 =	smov.u32 @p0 s0;
	s0 =	sshll.u32 s16, $0xB;
	s3 =	sadd.s32 s3, s7  }
0xf: {  	s6 =	ssub.s32 s6, s8;
	s5 =	sadd.s32 s19, s5;
	[dreg:$0x4] =	wrdreg s3  }
0x10: {  	s13 =	smax.u32 s6, $0x1;
	[dreg:$0x5] =	wrdreg s5;
	s5 =	sadd.s32 s12, s1  }
0x11: {  	[dreg:$0x6] =	wrdreg s13;
	s12 =	sadd.s32 s21, s15;
	s13 =	sadd.s32 s17, s1  }
0x12: {  	s15 =	sadd.s32 s20, s1;
	s20 =	sshll.u32 s26, $0xE;
	s3 =	sadd.s32 s25, s19  }
0x13: {  	s25 =	simm.s32 $0x6C00;
	s14 =	sadd.s32 $0x40000, s5;
	s8 =	sadd.s32 $0x80000, s5  }
0x14: {  	s9 =	sadd.s32 $0xC0000, s5;
	s10 =	sadd.s32 $0x100000, s5;
	s19 =	sadd.s32 s20, s1  }
0x15: {  	s30 =	sadd.s32 s4, s3;
	[dreg:$0x7] =	wrdreg s14;
	s14 =	sadd.s32 s21, s0  }
0x16: {  	s0 =	sshll.u32 s18, $0xB;
	s18 =	sor.u32 $0x30, s23;
	s23 =	simm.s32 $0x2C00  }
0x17: {  	s16 =	sadd.s32 s21, s0;
	s22 =	sshll.u32 s18, $0xE;
	s24 =	sshll.u32 s18, $0xB  }
0x18: {  	s0 =	sshll.u32 s26, $0xB;
	s26 =	simm.s32 $0x1;
	s17 =	sadd.s32 s22, s1  }
0x19: {  	s18 =	sadd.s32 s21, s24;
	s20 =	sadd.s32 s21, s0;
	s21 =	sadd.s32 $0x28000, s21  }
0x1a: {  	v0 =	vimm.f32 $0.0e+00;
	s22 =	sadd.s32 $0x1000, s30;
	s24 =	simm.s32 $0x3;
	s0 =	simm.s32 $0x0  }
.LBB2_1:
0x1b: {  	s3 =	sand.u32 $0xFE00, s2  }
0x1c: {  	s4 =	sand.u32 $0x70, s2;
	s30 =	sshrl.u32 s3, $0x2  }
0x1d: {  	s3 =	simm.s32 $0x40;
	s30 =	sor.u32 s4, s30;
	s4 =	simm.s32 $0x0  }
.LBB2_2:
0x1e: {  	p2 =	sne.s32 s3, $0xFFC0  }
0x1f: {  	[tilespmem:s30+$0x2C00] =	vst v0;
	s4 =	sadd.s32 $0x10, s4;
	s30 =	smov.u32 s3;
	s3 =	sadd.s32 $0x40, s3  }
.Ltmp0:
0x20: {  	(pc) =	sbr.rel @p2 .LBB2_2-.Ltmp0, $4  }
0x21: {  	_ = 	snop  }
0x22: {  	s30 =	sand.u32 $0xFE00, s30  }
0x23: {  	s6 =	sand.u32 $0x70, s4;
	s30 =	sshrl.u32 s30, $0x2  }
0x24: {  	s30 =	sor.u32 s6, s30  }
0x25: {  	[tilespmem:s30+$0x2C00] =	vst v0  }
0x26: {  	[spmem:s5] =	stream.linear.scatter [tilespmem:s23], [sflag:$0x3], $0x4000, $0x38;
	[tilespmem:$0x1F000] =	vst v63  }
0x27: {  	_ =	swait.ge [sflag:s24], $0x4000  }
0x28: {  	[sflag:s24] =	ssyncset.done $0x0  }
0x29: {  	s3 =	rddreg [dreg:$0x7];
	[sflag:s24] =	ssyncadd.s32 $0xFFFFC000  }
0x2a: {  	[spmem:s3] =	stream.linear.scatter [tilespmem:s23], [sflag:$0x3], $0x4000, $0x38;
	[tilespmem:$0x1F000] =	vst v63  }
0x2b: {  	_ =	swait.ge [sflag:s24], $0x4000  }
0x2c: {  	[sflag:s24] =	ssyncset.done $0x0  }
0x2d: {  	[sflag:s24] =	ssyncadd.s32 $0xFFFFC000  }
0x2e: {  	[spmem:s8] =	stream.linear.scatter [tilespmem:s23], [sflag:$0x3], $0x4000, $0x38;
	[tilespmem:$0x1F000] =	vst v63  }
0x2f: {  	_ =	swait.ge [sflag:s24], $0x4000  }
0x30: {  	[sflag:s24] =	ssyncset.done $0x0  }
0x31: {  	[sflag:s24] =	ssyncadd.s32 $0xFFFFC000  }
0x32: {  	[spmem:s9] =	stream.linear.scatter [tilespmem:s23], [sflag:$0x3], $0x4000, $0x38;
	[tilespmem:$0x1F000] =	vst v63  }
0x33: {  	_ =	swait.ge [sflag:s24], $0x4000  }
0x34: {  	[sflag:s24] =	ssyncset.done $0x0  }
0x35: {  	[sflag:s24] =	ssyncadd.s32 $0xFFFFC000  }
0x36: {  	[spmem:s10] =	stream.linear.scatter [tilespmem:s23], [sflag:$0x3], $0x4000, $0x38;
	[tilespmem:$0x1F000] =	vst v63  }
0x37: {  	_ =	swait.ge [sflag:s24], $0x4000  }
0x38: {  	[sflag:s24] =	ssyncset.done $0x0  }
0x39: {  	s3 =	simm.s32 @!p1 $0x2C00;
	[sflag:s24] =	ssyncadd.s32 $0xFFFFC000  }
0x3a: {  	[spmem:s11] =	stream.linear.scatter @!p1 [tilespmem:s3], [sflag:$0x3], $0x4000, $0x38;
	[tilespmem:$0x1F000] =	vst v63  }
0x3b: {  	s3 =	simm.s32 @!p1 $0x3  }
0x3c: {  	_ =	swait.ge @!p1 [sflag:s3], $0x4000  }
0x3d: {  	[sflag:s3] =	ssyncset.done @!p1 $0x0  }
0x3e: {  	[sflag:s3] =	ssyncadd.s32 @!p1 $0xFFFFC000  }
0x3f: {  	[bflag:$0x0] =	sbarrier.arrive $0xFFFF  }
0x40: {  	s6 =	simm.s32 $0x0;
	s4 =	rddreg [dreg:$0x4]  }
0x41: {  	[tilespmem:s6], [sflag:$0x3] =	stream.linear.gather [hbm4b:s4+s6], $0x2880, $0x38;
	[tilespmem:$0x1F000] =	vst v63  }
0x42: {  	_ =	swait.ge [sflag:s24], $0x2880  }
0x43: {  	[sflag:s24] =	ssyncset.done $0x0  }
0x44: {  	s7 =	rddreg [dreg:$0x5];
	[sflag:s24] =	ssyncadd.s32 $0xFFFFD780  }
0x45: {  	[tilespmem:s23], [sflag:$0x1] =	stream.linear.gather [hbm4b:s7+s6], $0x4000, $0x38;
	[tilespmem:$0x1F000] =	vst v63  }
0x46: {  	s4 =	sadd.s32 $0xFFFFF800, s22  }
0x47: {  	[tilespmem:s25], [sflag:$0x2] =	stream.linear.gather [hbm4b:s4+s2], $0x4000, $0x38;
	[tilespmem:$0x1F000] =	vst v63  }
0x48: {  	_ =	swait.ge [sflag:s26], $0x4000  }
0x49: {  	[sflag:s26] =	ssyncset.done $0x0  }
0x4a: {  	s6 =	simm.s32 $0x0;
	[sflag:s26] =	ssyncadd.s32 $0xFFFFC000  }
0x4b: {  	[spmem:s1] =	stream.indirect.scatter.add.f32 [tilespmem:s23], [sflag:$0x3], $0x80, s6, s28, $0xb8;
	[tilespmem:$0x1F000] =	vst v63  }
0x4c: {  	_ =	swait.ge [sflag:s24], $0x4000  }
0x4d: {  	[sflag:s24] =	ssyncset.done $0x0  }
0x4e: {  	[sflag:s24] =	ssyncadd.s32 $0xFFFFC000  }
0x4f: {  	[tilespmem:s23], [sflag:$0x1] =	stream.linear.gather [hbm4b:s22+s2], $0x4000, $0x38;
	[tilespmem:$0x1F000] =	vst v63  }
0x50: {  	_ =	swait.ge [sflag:s29], $0x4000  }
0x51: {  	[sflag:s29] =	ssyncset.done $0x0  }
0x52: {  	s7 =	simm.s32 $0x80;
	[sflag:s29] =	ssyncadd.s32 $0xFFFFC000  }
0x53: {  	[spmem:s1] =	stream.indirect.scatter.add.f32 [tilespmem:s25], [sflag:$0x3], $0x80, s7, s28, $0xb8;
	[tilespmem:$0x1F000] =	vst v63  }
0x54: {  	s30 =	sadd.s32 $0x1000, s22;
	_ =	swait.ge [sflag:s24], $0x4000  }
0x55: {  	s3 =	simm.s32 $0x400;
	s4 =	simm.s32 $0x800;
	[sflag:s24] =	ssyncset.done $0x0  }
.LBB2_4:
0x56: {  	p2 =	sne.s32 s4, $0x9C00;
	s6 =	sadd.s32 $0xFFFFF800, s30;
	[sflag:s24] =	ssyncadd.s32 $0xFFFFC000  }
0x57: {  	[tilespmem:s25], [sflag:$0x2] =	stream.linear.gather [hbm4b:s6+s2], $0x4000, $0x38;
	[tilespmem:$0x1F000] =	vst v63  }
0x58: {  	s6 =	smov.u32 s4;
	s4 =	sadd.s32 $0x400, s4;
	_ =	swait.ge [sflag:s26], $0x4000  }
0x59: {  	[sflag:s26] =	ssyncset.done $0x0  }
0x5a: {  	s7 =	sshra.s32 s3, $0x2;
	s3 =	smov.u32 s6;
	[sflag:s26] =	ssyncadd.s32 $0xFFFFC000  }
0x5b: {  	[spmem:s1] =	stream.indirect.scatter.add.f32 [tilespmem:s23], [sflag:$0x3], $0x80, s7, s28, $0xb8;
	[tilespmem:$0x1F000] =	vst v63  }
0x5c: {  	_ =	swait.ge [sflag:s24], $0x4000  }
0x5d: {  	[sflag:s24] =	ssyncset.done $0x0  }
0x5e: {  	[sflag:s24] =	ssyncadd.s32 $0xFFFFC000  }
0x5f: {  	[tilespmem:s23], [sflag:$0x1] =	stream.linear.gather [hbm4b:s30+s2], $0x4000, $0x38;
	[tilespmem:$0x1F000] =	vst v63  }
0x60: {  	_ =	swait.ge [sflag:s29], $0x4000  }
.Ltmp1:
0x61: {  	[sflag:s29] =	ssyncset.done $0x0;
	(pc) =	sbr.rel @p2 .LBB2_4-.Ltmp1, $4  }
0x62: {  	s6 =	sadd.s32 $0x80, s7;
	[sflag:s29] =	ssyncadd.s32 $0xFFFFC000  }
0x63: {  	[spmem:s1] =	stream.indirect.scatter.add.f32 [tilespmem:s25], [sflag:$0x3], $0x80, s6, s28, $0xb8;
	[tilespmem:$0x1F000] =	vst v63  }
0x64: {  	_ =	swait.ge [sflag:s24], $0x4000  }
0x65: {  	s30 =	sadd.s32 $0x1000, s30;
	[sflag:s24] =	ssyncset.done $0x0  }
0x66: {  	s4 =	sadd.s32 $0xFFFFF800, s30;
	[sflag:s24] =	ssyncadd.s32 $0xFFFFC000  }
0x67: {  	[tilespmem:s25], [sflag:$0x2] =	stream.linear.gather [hbm4b:s4+s2], $0x4000, $0x38;
	[tilespmem:$0x1F000] =	vst v63  }
0x68: {  	_ =	swait.ge [sflag:s26], $0x4000  }
0x69: {  	[sflag:s26] =	ssyncset.done $0x0  }
0x6a: {  	s3 =	sshra.s32 s3, $0x2;
	[sflag:s26] =	ssyncadd.s32 $0xFFFFC000  }
0x6b: {  	[spmem:s1] =	stream.indirect.scatter.add.f32 [tilespmem:s23], [sflag:$0x3], $0x80, s3, s28, $0xb8;
	[tilespmem:$0x1F000] =	vst v63  }
0x6c: {  	_ =	swait.ge [sflag:s24], $0x4000  }
0x6d: {  	[sflag:s24] =	ssyncset.done $0x0  }
0x6e: {  	[sflag:s24] =	ssyncadd.s32 $0xFFFFC000  }
0x6f: {  	[tilespmem:s23], [sflag:$0x1] =	stream.linear.gather [hbm4b:s30+s2], $0x4000, $0x38;
	[tilespmem:$0x1F000] =	vst v63  }
0x70: {  	_ =	swait.ge [sflag:s29], $0x4000  }
0x71: {  	[sflag:s29] =	ssyncset.done $0x0  }
0x72: {  	s3 =	sadd.s32 $0x80, s3;
	[sflag:s29] =	ssyncadd.s32 $0xFFFFC000  }
0x73: {  	[spmem:s1] =	stream.indirect.scatter.add.f32 [tilespmem:s25], [sflag:$0x3], $0x80, s3, s28, $0xb8;
	[tilespmem:$0x1F000] =	vst v63  }
0x74: {  	_ =	swait.ge [sflag:s24], $0x4000  }
0x75: {  	[sflag:s24] =	ssyncset.done $0x0  }
0x76: {  	[sflag:s24] =	ssyncadd.s32 $0xFFFFC000  }
0x77: {  	_ =	swait.ge [sflag:s26], $0x4000  }
0x78: {  	[sflag:s26] =	ssyncset.done $0x0  }
0x79: {  	s7 =	simm.s32 $0x2800;
	[sflag:s26] =	ssyncadd.s32 $0xFFFFC000  }
0x7a: {  	[spmem:s1] =	stream.indirect.scatter.add.f32 [tilespmem:s23], [sflag:$0x3], $0x80, s7, s28, $0xb8;
	[tilespmem:$0x1F000] =	vst v63  }
0x7b: {  	_ =	swait.ge [sflag:s24], $0x4000  }
0x7c: {  	[sflag:s24] =	ssyncset.done $0x0  }
0x7d: {  	[sflag:s24] =	ssyncadd.s32 $0xFFFFC000  }
0x7e: {  	[bflag:$0x0] =	sbarrier.arrive $0xFFFF  }
0x7f: {  	[tilespmem:s23], [sflag:$0x4] =	stream.linear.gather [spmem:s5], $0x4000, $0x38;
	[tilespmem:$0x1F000] =	vst v63  }
0x80: {  	_ =	swait.ge [sflag:s31], $0x4000  }
0x81: {  	s3 =	simm.s32 $0x3;
	[sflag:s31] =	ssyncset.done $0x0  }
0x82: {  	s3 =	simm.s32 @!p0 $0x4;
	[sflag:s31] =	ssyncadd.s32 $0xFFFFC000  }
0x83: {  	[hbm4b:s12+s2] =	stream.linear.scatter [tilespmem:s23], [sflag:s3], $0x4000, $0x38;
	[tilespmem:$0x1F000] =	vst v63  }
0x84: {  	_ =	swait.ge [sflag:s3], $0x4000  }
0x85: {  	[sflag:s3] =	ssyncset.done $0x0  }
0x86: {  	[sflag:s3] =	ssyncadd.s32 $0xFFFFC000  }
0x87: {  	[tilespmem:s23], [sflag:$0x4] =	stream.linear.gather [spmem:s13], $0x4000, $0x38;
	[tilespmem:$0x1F000] =	vst v63  }
0x88: {  	_ =	swait.ge [sflag:s31], $0x4000  }
0x89: {  	[sflag:s31] =	ssyncset.done $0x0  }
0x8a: {  	[sflag:s31] =	ssyncadd.s32 $0xFFFFC000  }
0x8b: {  	[hbm4b:s14+s2] =	stream.linear.scatter [tilespmem:s23], [sflag:s3], $0x4000, $0x38;
	[tilespmem:$0x1F000] =	vst v63  }
0x8c: {  	_ =	swait.ge [sflag:s3], $0x4000  }
0x8d: {  	[sflag:s3] =	ssyncset.done $0x0  }
0x8e: {  	[sflag:s3] =	ssyncadd.s32 $0xFFFFC000  }
0x8f: {  	[tilespmem:s23], [sflag:$0x4] =	stream.linear.gather [spmem:s15], $0x4000, $0x38;
	[tilespmem:$0x1F000] =	vst v63  }
0x90: {  	_ =	swait.ge [sflag:s31], $0x4000  }
0x91: {  	[sflag:s31] =	ssyncset.done $0x0  }
0x92: {  	[sflag:s31] =	ssyncadd.s32 $0xFFFFC000  }
0x93: {  	[hbm4b:s16+s2] =	stream.linear.scatter [tilespmem:s23], [sflag:s3], $0x4000, $0x38;
	[tilespmem:$0x1F000] =	vst v63  }
0x94: {  	_ =	swait.ge [sflag:s3], $0x4000  }
0x95: {  	[sflag:s3] =	ssyncset.done $0x0  }
0x96: {  	[sflag:s3] =	ssyncadd.s32 $0xFFFFC000  }
0x97: {  	[tilespmem:s23], [sflag:$0x4] =	stream.linear.gather [spmem:s17], $0x4000, $0x38;
	[tilespmem:$0x1F000] =	vst v63  }
0x98: {  	_ =	swait.ge [sflag:s31], $0x4000  }
0x99: {  	[sflag:s31] =	ssyncset.done $0x0  }
0x9a: {  	[sflag:s31] =	ssyncadd.s32 $0xFFFFC000  }
0x9b: {  	[hbm4b:s18+s2] =	stream.linear.scatter [tilespmem:s23], [sflag:s3], $0x4000, $0x38;
	[tilespmem:$0x1F000] =	vst v63  }
0x9c: {  	_ =	swait.ge [sflag:s3], $0x4000  }
0x9d: {  	[sflag:s3] =	ssyncset.done $0x0  }
0x9e: {  	[sflag:s3] =	ssyncadd.s32 $0xFFFFC000  }
0x9f: {  	[tilespmem:s23], [sflag:$0x4] =	stream.linear.gather [spmem:s19], $0x4000, $0x38;
	[tilespmem:$0x1F000] =	vst v63  }
0xa0: {  	_ =	swait.ge [sflag:s31], $0x4000  }
0xa1: {  	[sflag:s31] =	ssyncset.done $0x0  }
0xa2: {  	[sflag:s31] =	ssyncadd.s32 $0xFFFFC000  }
0xa3: {  	[hbm4b:s20+s2] =	stream.linear.scatter [tilespmem:s23], [sflag:s3], $0x4000, $0x38;
	[tilespmem:$0x1F000] =	vst v63  }
0xa4: {  	_ =	swait.ge [sflag:s3], $0x4000  }
0xa5: {  	[sflag:s3] =	ssyncset.done $0x0  }
0xa6: {  	s6 =	simm.s32 @!p1 $0x4;
	s4 =	simm.s32 @!p1 $0x2C00;
	[sflag:s3] =	ssyncadd.s32 $0xFFFFC000  }
0xa7: {  	[tilespmem:s4], [sflag:$0x4] =	stream.linear.gather @!p1 [spmem:s11], $0x4000, $0x38;
	[tilespmem:$0x1F000] =	vst v63  }
0xa8: {  	_ =	swait.ge @!p1 [sflag:s6], $0x4000  }
0xa9: {  	[sflag:s6] =	ssyncset.done @!p1 $0x0  }
0xaa: {  	[sflag:s6] =	ssyncadd.s32 @!p1 $0xFFFFC000;
	s6 =	simm.s32 @!p1 $0x0  }
0xab: {  	[hbm4b:s21+s6] =	stream.linear.scatter @!p1 [tilespmem:s4], [sflag:s3], $0x4000, $0x38;
	[tilespmem:$0x1F000] =	vst v63  }
0xac: {  	_ =	swait.ge @!p1 [sflag:s3], $0x4000  }
0xad: {  	s0 =	sadd.s32 $0x1, s0;
	s30 =	rddreg [dreg:$0x6]  }
0xae: {  	p2 =	sne.s32 s0, s30  }
.Ltmp2:
0xaf: {  	_ = 	snop;
	(pc) =	sbr.rel @p2 .LBB2_1-.Ltmp2, $3  }
0xb0: {  	_ =	sdelay $0x1  }
0xb1: {  	[sflag:s3] =	ssyncset.done @!p1 $0x0  }
0xb2: {  	[sflag:s3] =	ssyncadd.s32 @!p1 $0xFFFFC000  }
0xb3: {  	_ =	sfence.sel $0x180000  }
0xb4: {  	[bflag:$0x0] =	sbarrier.arrive $0xFFFF  }
0xb5: {  	_ =	strace $0x90000056  }
0xb6: {  	[bflag:$0x2] =	sbarrier.arrive $0xFFFF  }
0xb7: {  	s0 =	rddreg [dreg:$0x3]  }
0xb8: {  	s0 =	sadd.s32 @!p1 $0x100000, s0  }
0xb9: {  	[sflag:s0] =	ssyncadd.tile.s32 @!p1 $0x1;
	_ =	shalt  }
.Lfunc_end2:
_tile_overlayer_lowered:
.L_overlay_start_2:
0xba: {  	(tag) =	ssettag $0x2  }
0xbb: {  	s0 =	rddreg [dreg:$0x0];
	s2 =	stileid.u32  }
0xbc: {  	s1 =	rddreg [dreg:$0x1];
	p0 =	sne.s32 s2, $0x0  }
0xbd: {  	s3 =	rddreg [dreg:$0x2];
	[bflag:$0x3] =	sbarrier.arrive $0xFFFF;
	s2 =	simm.s32 @!p0 $0x1C03  }
0xbe: {  	[timem:s3], [sflag:s2] =	dma.local @!p0 [hbm:s0], s1  }
0xbf: {  	s0 =	simm.s32 @!p0 $0x3  }
0xc0: {  	_ =	swait.ge @!p0 [sflag:s0], s1  }
0xc1: {  	s1 =	ssub.s32 @!p0 $0x0, s1;
	[sflag:s0] =	ssyncset.done @!p0 $0x0  }
0xc2: {  	[sflag:s0] =	ssyncadd.s32 @!p0 s1  }
0xc3: {  	[bflag:$0x3] =	sbarrier.arrive $0xFFFF  }
0xc4: {  	_ =	shalt  }

</sc_bundles>
